<compile_context>
chip_gen: v7x
topology: tpu7x:2x2x1
jax: 0.10.2.dev20260603
libtpu: 0.0.44.dev20260713+nightly
codegen_flags: <defaults>
</compile_context>

<pallas_src>
import functools

import jax
import jax.numpy as jnp
from jax import lax
from jax.experimental import pallas as pl
from jax.experimental.pallas import tpu as pltpu
from jax.experimental.pallas import tpu_sc as plsc

N_NODES = 10000
N_EDGES = 320000
D_FEAT = 128
D_EDGE = 16
EMB = 128
LAYERS = 3
NUM_GRAPHS = 128
BN_EPS = 1e-5

NC = 2
NS = 16
NW = NC * NS
EDGES_PER_WORKER = N_EDGES // NW
CHUNK = 80
N_CHUNKS = EDGES_PER_WORKER // CHUNK
ROW_STRIDE = 624
ROW_COPY = 640


def _sc_edge_body(h_hbm, e_hbm, src_hbm, dst_hbm, zero_hbm, out_hbm,
                  srcv, dstv, ebuf, hbuf, aggr_sh,
                  srcsem, dsem, esem, gsem, ssem):
    c = lax.axis_index("c")
    s = lax.axis_index("s")
    wid = c * NS + s
    base = wid * EDGES_PER_WORKER
    row0 = s * ROW_STRIDE
    last = N_CHUNKS - 1

    def issue(k, b):
        off = base + k * CHUNK
        pltpu.async_copy(dst_hbm.at[pl.ds(off, CHUNK)], dstv.at[b],
                         dsem.at[b])
        pltpu.async_copy(e_hbm.at[pl.ds(off, CHUNK)], ebuf.at[b], esem.at[b])
        pltpu.async_copy(h_hbm.at[srcv.at[b]], hbuf.at[b], gsem.at[b])

    pltpu.sync_copy(src_hbm.at[pl.ds(base, CHUNK)], srcv.at[0])
    issue(0, 0)
    pltpu.async_copy(src_hbm.at[pl.ds(base + CHUNK, CHUNK)], srcv.at[1],
                     srcsem.at[1])
    pltpu.sync_copy(zero_hbm.at[pl.ds(row0, ROW_COPY)],
                    aggr_sh.at[pl.ds(row0, ROW_COPY)])
    plsc.subcore_barrier()

    def pair_body(i, carry):
        for b in range(2):
            k = i * 2 + b
            nb = 1 - b

            def sub_body():
                @pl.when(k >= 1)
                def _():
                    pltpu.make_async_copy(hbuf.at[nb],
                                          aggr_sh.at[pl.ds(0, CHUNK)],
                                          ssem.at[nb]).wait()

                @pl.when(k + 1 <= last)
                def _():
                    pltpu.make_async_copy(
                        src_hbm.at[pl.ds(base, CHUNK)], srcv.at[nb],
                        srcsem.at[nb]).wait()
                    issue(k + 1, nb)

                pltpu.make_async_copy(e_hbm.at[pl.ds(base, CHUNK)],
                                      ebuf.at[b], esem.at[b]).wait()
                pltpu.make_async_copy(e_hbm.at[pl.ds(base, CHUNK)],
                                      hbuf.at[b], gsem.at[b]).wait()

                @pl.when(k + 2 <= last)
                def _():
                    pltpu.async_copy(
                        src_hbm.at[pl.ds(base + (k + 2) * CHUNK, CHUNK)],
                        srcv.at[b], srcsem.at[b])

                def row_body(r, carry2):
                    for rr in range(2):
                        row = r * 2 + rr
                        for j in range(EMB // 16):
                            cs = pl.ds(16 * j, 16)
                            v = hbuf[b, row, cs] + ebuf[b, row, cs]
                            hbuf[b, row, cs] = jnp.maximum(v, 0.0)
                    return carry2

                lax.fori_loop(0, CHUNK // 2, row_body, 0)
                pltpu.make_async_copy(dst_hbm.at[pl.ds(base, CHUNK)],
                                      dstv.at[b], dsem.at[b]).wait()

                pltpu.async_copy(hbuf.at[b], aggr_sh.at[dstv.at[b]],
                                 ssem.at[b], add=True)

            if b == 0:
                sub_body()
            else:
                pl.when(k <= last)(sub_body)
        return carry

    lax.fori_loop(0, (N_CHUNKS + 1) // 2, pair_body, 0)
    pltpu.make_async_copy(hbuf.at[0], aggr_sh.at[pl.ds(0, CHUNK)],
                          ssem.at[0]).wait()
    plsc.subcore_barrier()
    pltpu.sync_copy(aggr_sh.at[pl.ds(row0, ROW_COPY)],
                    out_hbm.at[c, pl.ds(row0, ROW_COPY)])


@functools.lru_cache(maxsize=1)
def _sc_edge():
    return pl.kernel(
        _sc_edge_body,
        out_type=jax.ShapeDtypeStruct((NC, N_NODES, EMB), jnp.float32),
        mesh=plsc.VectorSubcoreMesh(core_axis_name="c", subcore_axis_name="s",
                                    num_cores=NC, num_subcores=NS),
        scratch_types=[
            pltpu.VMEM((2, CHUNK), jnp.int32),
            pltpu.VMEM((2, CHUNK), jnp.int32),
            pltpu.VMEM((2, CHUNK, EMB), jnp.float32),
            pltpu.VMEM((2, CHUNK, EMB), jnp.float32),
            pltpu.VMEM_SHARED((N_NODES, EMB), jnp.float32),
            pltpu.SemaphoreType.DMA((2,)),
            pltpu.SemaphoreType.DMA((2,)),
            pltpu.SemaphoreType.DMA((2,)),
            pltpu.SemaphoreType.DMA((2,)),
            pltpu.SemaphoreType.DMA((2,)),
        ],
    )


def _embed_body(x_ref, w_ref, b_ref, o_ref):
    o_ref[...] = jnp.dot(x_ref[...], w_ref[...],
                         preferred_element_type=jnp.float32) + b_ref[...]


def _embed(x, w, b):
    return pl.pallas_call(
        _embed_body,
        out_shape=jax.ShapeDtypeStruct((x.shape[0], EMB), jnp.float32),
    )(x, w, b.reshape(1, -1))


EDGE_BLK = 3200


def _edge_mlp_body(a_ref, w_ref, b_ref, o_ref):
    o_ref[...] = jnp.dot(a_ref[...], w_ref[...],
                         preferred_element_type=jnp.float32) + b_ref[...]


def _edge_mlp_one(edge_attr, w, b):
    nblk = N_EDGES // EDGE_BLK
    return pl.pallas_call(
        _edge_mlp_body,
        grid=(nblk,),
        in_specs=[
            pl.BlockSpec((EDGE_BLK, D_EDGE), lambda i: (i, 0)),
            pl.BlockSpec((D_EDGE, EMB), lambda i: (0, 0)),
            pl.BlockSpec((1, EMB), lambda i: (0, 0)),
        ],
        out_specs=pl.BlockSpec((EDGE_BLK, EMB), lambda i: (i, 0)),
        out_shape=jax.ShapeDtypeStruct((N_EDGES, EMB), jnp.float32),
    )(edge_attr, w, b.reshape(1, EMB))


def _bn_in_kernel(u, g, b):
    m = jnp.mean(u, axis=0, keepdims=True)
    v = jnp.mean((u - m) * (u - m), axis=0, keepdims=True)
    return g * (u - m) * lax.rsqrt(v + BN_EPS) + b


def _node_mlp_body(relu_last, h_ref, aggr_ref, sc_ref, w1_ref, b1_ref,
                   g1_ref, be1_ref, w2_ref, b2_ref, bg_ref, bb_ref, o_ref):
    z = sc_ref[0, 0] * h_ref[...] + aggr_ref[0] + aggr_ref[1]
    u = jnp.dot(z, w1_ref[...], preferred_element_type=jnp.float32) + b1_ref[...]
    u = jnp.maximum(_bn_in_kernel(u, g1_ref[...], be1_ref[...]), 0.0)
    w = jnp.dot(u, w2_ref[...], preferred_element_type=jnp.float32) + b2_ref[...]
    w = _bn_in_kernel(w, bg_ref[...], bb_ref[...])
    if relu_last:
        w = jnp.maximum(w, 0.0)
    o_ref[...] = w


def _node_mlp(h, aggr, scale, w1, b1, g1, be1, w2, b2, bg, bb, relu_last):
    return pl.pallas_call(
        functools.partial(_node_mlp_body, relu_last),
        out_shape=jax.ShapeDtypeStruct((N_NODES, EMB), jnp.float32),
    )(h, aggr, scale, w1, b1.reshape(1, -1), g1.reshape(1, -1),
      be1.reshape(1, -1), w2, b2.reshape(1, -1), bg.reshape(1, -1),
      bb.reshape(1, -1))


def _separator_body(h_ref, batch_ref, sw1_ref, sb1_ref, sg_ref, sbe_ref,
                    sw2_ref, sb2_ref, score_ref, pos_ref, neg_ref):
    s = jnp.dot(h_ref[...], sw1_ref[...],
                preferred_element_type=jnp.float32) + sb1_ref[...]
    s = jnp.maximum(_bn_in_kernel(s, sg_ref[...], sbe_ref[...]), 0.0)
    t = jnp.dot(s, sw2_ref[...], preferred_element_type=jnp.float32) + sb2_ref[...]
    score = jax.nn.sigmoid(t)
    score_ref[...] = score
    pos_node = jnp.mean(score, axis=1, keepdims=True)
    gids = lax.broadcasted_iota(jnp.int32, (1, NUM_GRAPHS), 1)
    onehot = (batch_ref[...] == gids).astype(jnp.float32)
    pos_b = jnp.sum(onehot * pos_node, axis=0, keepdims=True)
    cnt = jnp.sum(onehot, axis=0, keepdims=True)
    pos_ref[...] = pos_b + 1e-8
    neg_ref[...] = (cnt - pos_b) + 1e-8


def _separator(h, batch2d, p):
    return pl.pallas_call(
        _separator_body,
        out_shape=[
            jax.ShapeDtypeStruct((N_NODES, EMB), jnp.float32),
            jax.ShapeDtypeStruct((1, NUM_GRAPHS), jnp.float32),
            jax.ShapeDtypeStruct((1, NUM_GRAPHS), jnp.float32),
        ],
    )(h, batch2d, p['sw1'], p['sb1'].reshape(1, -1), p['sg'].reshape(1, -1),
      p['sbe'].reshape(1, -1), p['sw2'], p['sb2'].reshape(1, -1))


def kernel(x, edge_index, edge_attr, batch, params):
    p = params
    src = edge_index[0].astype(jnp.int32)
    dst = edge_index[1].astype(jnp.int32)
    batch2d = batch.astype(jnp.int32).reshape(N_NODES, 1)
    zeros = jnp.zeros((N_NODES, EMB), jnp.float32)

    h = _embed(x, p['atom_w'], p['atom_b'])
    e_layers = [_edge_mlp_one(edge_attr, p['bond_w'][l], p['bond_b'][l])
                for l in range(LAYERS)]

    for l in range(LAYERS):
        aggr = _sc_edge()(h, e_layers[l], src, dst, zeros)
        h = _node_mlp(
            h, aggr, (1.0 + p['eps'][l]).reshape(1, 1),
            p['w1'][l], p['b1'][l], p['g1'][l], p['be1'][l],
            p['w2'][l], p['b2'][l], p['bn_g'][l], p['bn_b'][l],
            relu_last=(l < LAYERS - 1))

    score, pos_b, neg_b = _separator(h, batch2d, p)
    return score, pos_b.reshape(NUM_GRAPHS), neg_b.reshape(NUM_GRAPHS)

# --- scband reference (transcript-rebuilt; emitter-appended) ---
"""Pipeline reference for scband-separator-45423574122533 (READ-ONLY COPY).

The authoritative reference and input builder live on the scoring server;
editing this copy changes nothing except your own understanding.
"""

import jax, jax.numpy as jnp
import numpy as np

N_NODES = 10000
N_EDGES = 320000
D_FEAT = 128
D_EDGE = 16
EMB = 128
LAYERS = 3
NUM_GRAPHS = 128
BN_EPS = 1e-5


def _bn(x, g, b):
    m = x.mean(0)
    v = x.var(0)
    return g * (x - m) / jnp.sqrt(v + BN_EPS) + b


def setup_inputs(seed: int = 0) -> dict:
    key = jax.random.key(seed)
    ks = jax.random.split(key, 64)
    x = jax.random.normal(ks[0], (N_NODES, D_FEAT), jnp.float32)
    edge_index = jax.random.randint(ks[1], (2, N_EDGES), 0, N_NODES).astype(jnp.int64)
    edge_attr = jax.random.normal(ks[2], (N_EDGES, D_EDGE), jnp.float32)
    batch = jnp.sort(jax.random.randint(ks[3], (N_NODES,), 0, NUM_GRAPHS)).astype(jnp.int64)

    def lin(k, i, o):
        return jax.random.normal(k, (i, o), jnp.float32) / np.sqrt(i)

    params = {}
    params['atom_w'] = lin(ks[4], D_FEAT, EMB)
    params['atom_b'] = jnp.zeros((EMB,), jnp.float32)
    params['bond_w'] = jnp.stack([lin(ks[5 + l], D_EDGE, EMB) for l in range(LAYERS)])
    params['bond_b'] = jnp.zeros((LAYERS, EMB), jnp.float32)
    params['eps'] = jnp.zeros((LAYERS,), jnp.float32)
    params['w1'] = jnp.stack([lin(ks[10 + l], EMB, 2 * EMB) for l in range(LAYERS)])
    params['b1'] = jnp.zeros((LAYERS, 2 * EMB), jnp.float32)
    params['g1'] = jnp.ones((LAYERS, 2 * EMB), jnp.float32)
    params['be1'] = jnp.zeros((LAYERS, 2 * EMB), jnp.float32)
    params['w2'] = jnp.stack([lin(ks[15 + l], 2 * EMB, EMB) for l in range(LAYERS)])
    params['b2'] = jnp.zeros((LAYERS, EMB), jnp.float32)
    params['bn_g'] = jnp.ones((LAYERS, EMB), jnp.float32)
    params['bn_b'] = jnp.zeros((LAYERS, EMB), jnp.float32)
    params['sw1'] = lin(ks[20], EMB, 2 * EMB)
    params['sb1'] = jnp.zeros((2 * EMB,), jnp.float32)
    params['sg'] = jnp.ones((2 * EMB,), jnp.float32)
    params['sbe'] = jnp.zeros((2 * EMB,), jnp.float32)
    params['sw2'] = lin(ks[21], 2 * EMB, EMB)
    params['sb2'] = jnp.zeros((EMB,), jnp.float32)
    return {'x': x, 'edge_index': edge_index, 'edge_attr': edge_attr, 'batch': batch, 'params': params}


def reference(x, edge_index, edge_attr, batch, params):
    # GNN_node: OGB-style GIN encoder (JK='last', no residual, dropout inactive at eval)
    h = x @ params['atom_w'] + params['atom_b']
    src = edge_index[0]
    dst = edge_index[1]
    for l in range(LAYERS):
        e = edge_attr @ params['bond_w'][l] + params['bond_b'][l]
        msg = jax.nn.relu(h[src] + e)
        aggr = jax.ops.segment_sum(msg, dst, num_segments=N_NODES)
        z = (1.0 + params['eps'][l]) * h + aggr
        z = z @ params['w1'][l] + params['b1'][l]
        z = jax.nn.relu(_bn(z, params['g1'][l], params['be1'][l]))
        z = z @ params['w2'][l] + params['b2'][l]
        z = _bn(z, params['bn_g'][l], params['bn_b'][l])
        if l < LAYERS - 1:
            z = jax.nn.relu(z)
        h = z
    # separator MLP: Linear -> BN -> ReLU -> Linear -> Sigmoid
    s = h @ params['sw1'] + params['sb1']
    s = jax.nn.relu(_bn(s, params['sg'], params['sbe']))
    score = jax.nn.sigmoid(s @ params['sw2'] + params['sb2'])
    pos_node = score.mean(1)
    pos_batch = jax.ops.segment_sum(pos_node, batch, num_segments=NUM_GRAPHS)
    neg_batch = jax.ops.segment_sum(1.0 - pos_node, batch, num_segments=NUM_GRAPHS)
    return (score, pos_batch + 1e-08, neg_batch + 1e-08)

if __name__ == "__main__":
    import jax
    _d = setup_inputs()
    print(jax.jit(kernel)(*tuple(_d.values())))

</pallas_src>

<mosaic_0001>
#map = affine_map<(d0, d1) -> (0, 0)>
#map1 = affine_map<(d0, d1) -> (0)>
#map2 = affine_map<(d0, d1) -> (0, 0, 0)>
module attributes {stable_mosaic.version = 14 : i64} {
  func.func @_sc_edge_body(%arg0: i32, %arg1: i32, %arg2: memref<10000x128xf32, #tpu.memory_space<hbm>>, %arg3: memref<320000x128xf32, #tpu.memory_space<hbm>>, %arg4: memref<320000xi32, #tpu.memory_space<hbm>>, %arg5: memref<320000xi32, #tpu.memory_space<hbm>>, %arg6: memref<10000x128xf32, #tpu.memory_space<hbm>>, %arg7: memref<2x10000x128xf32, #tpu.memory_space<hbm>>, %arg8: memref<2x80xi32, #tpu.memory_space<vmem>>, %arg9: memref<2x80xi32, #tpu.memory_space<vmem>>, %arg10: memref<2x80x128xf32, #tpu.memory_space<vmem>>, %arg11: memref<2x80x128xf32, #tpu.memory_space<vmem>>, %arg12: memref<10000x128xf32, #tpu.memory_space<vmem_shared>>, %arg13: memref<2x!tpu.dma_semaphore, #tpu.memory_space<semaphore_mem>>, %arg14: memref<2x!tpu.dma_semaphore, #tpu.memory_space<semaphore_mem>>, %arg15: memref<2x!tpu.dma_semaphore, #tpu.memory_space<semaphore_mem>>, %arg16: memref<2x!tpu.dma_semaphore, #tpu.memory_space<semaphore_mem>>, %arg17: memref<2x!tpu.dma_semaphore, #tpu.memory_space<semaphore_mem>>) attributes {dimension_semantics = [#tpu.dimension_semantics<core_parallel>, #tpu.dimension_semantics<subcore_parallel>], iteration_bounds = array<i64: 2, 16>, scalar_prefetch = 0 : i64, scratch_operands = 10 : i64, tpu.core_type = #tpu.core_type<sc_vector_subcore>, window_params = [{transform_indices = #map}, {transform_indices = #map}, {transform_indices = #map1}, {transform_indices = #map1}, {transform_indices = #map}, {transform_indices = #map2}]} {
    %mul3A = arith.constant 16 : i32
    %mul3A_0 = arith.muli %arg0, %mul3A : i32
    %add3A = arith.addi %mul3A_0, %arg1 : i32
    %mul3A_1 = arith.constant 10000 : i32
    %mul3A_2 = arith.muli %add3A, %mul3A_1 : i32
    %mul3A_3 = arith.constant 624 : i32
    %mul3A_4 = arith.muli %arg1, %mul3A_3 : i32
    %run_scoped3A = arith.constant 0 : i32
    "tpu.region"() ({
      %run_scoped3A_86 = tpu.sem_alloc : memref<!tpu.dma_semaphore, #tpu.memory_space<semaphore_mem>>
      %dma_start3A_87 = arith.constant 0 : i32
      %dma_start3A_88 = tpu.memref_slice %arg8[%run_scoped3A, %dma_start3A_87] : memref<2x80xi32, #tpu.memory_space<vmem>> -> memref<1x80xi32, #tpu.memory_space<vmem>>
      %dma_start3A_89 = tpu.memref_squeeze %dma_start3A_88 : memref<1x80xi32, #tpu.memory_space<vmem>> -> memref<80xi32, #tpu.memory_space<vmem>>
      %dma_start3A_90 = tpu.memref_slice %arg4[%mul3A_2] : memref<320000xi32, #tpu.memory_space<hbm>> -> memref<80xi32, #tpu.memory_space<hbm>>
      %dma_start3A_91 = arith.constant 0 : i32
      %dma_start3A_92 = tpu.memref_slice %arg8[%run_scoped3A, %dma_start3A_91] : memref<2x80xi32, #tpu.memory_space<vmem>> -> memref<1x80xi32, #tpu.memory_space<vmem>>
      %dma_start3A_93 = tpu.memref_squeeze %dma_start3A_92 : memref<1x80xi32, #tpu.memory_space<vmem>> -> memref<80xi32, #tpu.memory_space<vmem>>
      %dma_start3A_94 = tpu.memref_slice %arg4[%mul3A_2] : memref<320000xi32, #tpu.memory_space<hbm>> -> memref<80xi32, #tpu.memory_space<hbm>>
      tpu.enqueue_dma source(%dma_start3A_94 : memref<80xi32, #tpu.memory_space<hbm>>) target(%dma_start3A_93 : memref<80xi32, #tpu.memory_space<vmem>>) target_semaphore(%run_scoped3A_86 : memref<!tpu.dma_semaphore, #tpu.memory_space<semaphore_mem>>)
      %dma_wait3A_95 = arith.constant 0 : i32
      %dma_wait3A_96 = tpu.memref_slice %arg8[%run_scoped3A, %dma_wait3A_95] : memref<2x80xi32, #tpu.memory_space<vmem>> -> memref<1x80xi32, #tpu.memory_space<vmem>>
      %dma_wait3A_97 = tpu.memref_squeeze %dma_wait3A_96 : memref<1x80xi32, #tpu.memory_space<vmem>> -> memref<80xi32, #tpu.memory_space<vmem>>
      %dma_wait3A_98 = tpu.memref_slice %arg4[%mul3A_2] : memref<320000xi32, #tpu.memory_space<hbm>> -> memref<80xi32, #tpu.memory_space<hbm>>
      %dma_wait3A_99 = arith.constant 0 : i32
      %dma_wait3A_100 = tpu.memref_slice %arg8[%run_scoped3A, %dma_wait3A_99] : memref<2x80xi32, #tpu.memory_space<vmem>> -> memref<1x80xi32, #tpu.memory_space<vmem>>
      %dma_wait3A_101 = tpu.memref_squeeze %dma_wait3A_100 : memref<1x80xi32, #tpu.memory_space<vmem>> -> memref<80xi32, #tpu.memory_space<vmem>>
      %dma_wait3A_102 = tpu.memref_slice %arg4[%mul3A_2] : memref<320000xi32, #tpu.memory_space<hbm>> -> memref<80xi32, #tpu.memory_space<hbm>>
      tpu.wait_dma2 semaphore(%run_scoped3A_86 : memref<!tpu.dma_semaphore, #tpu.memory_space<semaphore_mem>>) src(%dma_wait3A_102 : memref<80xi32, #tpu.memory_space<hbm>>) dst(%dma_wait3A_101 : memref<80xi32, #tpu.memory_space<vmem>>)
      tpu.yield
    }) : () -> ()
    %add3A_5 = arith.constant 0 : i32
    %add3A_6 = arith.addi %mul3A_2, %add3A_5 : i32
    %dma_start3A = arith.constant 0 : i32
    %dma_start3A_7 = arith.constant 0 : i32
    %dma_start3A_8 = arith.constant 0 : i32
    %dma_start3A_9 = tpu.memref_slice %arg9[%dma_start3A, %dma_start3A_8] : memref<2x80xi32, #tpu.memory_space<vmem>> -> memref<1x80xi32, #tpu.memory_space<vmem>>
    %dma_start3A_10 = tpu.memref_squeeze %dma_start3A_9 : memref<1x80xi32, #tpu.memory_space<vmem>> -> memref<80xi32, #tpu.memory_space<vmem>>
    %dma_start3A_11 = tpu.memref_slice %arg5[%add3A_6] : memref<320000xi32, #tpu.memory_space<hbm>> -> memref<80xi32, #tpu.memory_space<hbm>>
    %dma_start3A_12 = tpu.memref_slice %arg14[%dma_start3A_7] : memref<2x!tpu.dma_semaphore, #tpu.memory_space<semaphore_mem>> -> memref<1x!tpu.dma_semaphore, #tpu.memory_space<semaphore_mem>>
    %dma_start3A_13 = tpu.memref_squeeze %dma_start3A_12 : memref<1x!tpu.dma_semaphore, #tpu.memory_space<semaphore_mem>> -> memref<!tpu.dma_semaphore, #tpu.memory_space<semaphore_mem>>
    %dma_start3A_14 = arith.constant 0 : i32
    %dma_start3A_15 = tpu.memref_slice %arg9[%dma_start3A, %dma_start3A_14] : memref<2x80xi32, #tpu.memory_space<vmem>> -> memref<1x80xi32, #tpu.memory_space<vmem>>
    %dma_start3A_16 = tpu.memref_squeeze %dma_start3A_15 : memref<1x80xi32, #tpu.memory_space<vmem>> -> memref<80xi32, #tpu.memory_space<vmem>>
    %dma_start3A_17 = tpu.memref_slice %arg5[%add3A_6] : memref<320000xi32, #tpu.memory_space<hbm>> -> memref<80xi32, #tpu.memory_space<hbm>>
    tpu.enqueue_dma source(%dma_start3A_17 : memref<80xi32, #tpu.memory_space<hbm>>) target(%dma_start3A_16 : memref<80xi32, #tpu.memory_space<vmem>>) target_semaphore(%dma_start3A_13 : memref<!tpu.dma_semaphore, #tpu.memory_space<semaphore_mem>>)
    %dma_start3A_18 = arith.constant 0 : i32
    %dma_start3A_19 = arith.constant 0 : i32
    %dma_start3A_20 = arith.constant 0 : i32
    %dma_start3A_21 = arith.constant 0 : i32
    %dma_start3A_22 = tpu.memref_slice %arg10[%dma_start3A_18, %dma_start3A_20, %dma_start3A_21] : memref<2x80x128xf32, #tpu.memory_space<vmem>> -> memref<1x80x128xf32, #tpu.memory_space<vmem>>
    %dma_start3A_23 = tpu.memref_squeeze %dma_start3A_22 : memref<1x80x128xf32, #tpu.memory_space<vmem>> -> memref<80x128xf32, #tpu.memory_space<vmem>>
    %dma_start3A_24 = arith.constant 0 : i32
    %dma_start3A_25 = tpu.memref_slice %arg3[%add3A_6, %dma_start3A_24] : memref<320000x128xf32, #tpu.memory_space<hbm>> -> memref<80x128xf32, #tpu.memory_space<hbm>>
    %dma_start3A_26 = tpu.memref_slice %arg15[%dma_start3A_19] : memref<2x!tpu.dma_semaphore, #tpu.memory_space<semaphore_mem>> -> memref<1x!tpu.dma_semaphore, #tpu.memory_space<semaphore_mem>>
    %dma_start3A_27 = tpu.memref_squeeze %dma_start3A_26 : memref<1x!tpu.dma_semaphore, #tpu.memory_space<semaphore_mem>> -> memref<!tpu.dma_semaphore, #tpu.memory_space<semaphore_mem>>
    %dma_start3A_28 = arith.constant 0 : i32
    %dma_start3A_29 = arith.constant 0 : i32
    %dma_start3A_30 = tpu.memref_slice %arg10[%dma_start3A_18, %dma_start3A_28, %dma_start3A_29] : memref<2x80x128xf32, #tpu.memory_space<vmem>> -> memref<1x80x128xf32, #tpu.memory_space<vmem>>
    %dma_start3A_31 = tpu.memref_squeeze %dma_start3A_30 : memref<1x80x128xf32, #tpu.memory_space<vmem>> -> memref<80x128xf32, #tpu.memory_space<vmem>>
    %dma_start3A_32 = arith.constant 0 : i32
    %dma_start3A_33 = tpu.memref_slice %arg3[%add3A_6, %dma_start3A_32] : memref<320000x128xf32, #tpu.memory_space<hbm>> -> memref<80x128xf32, #tpu.memory_space<hbm>>
    tpu.enqueue_dma source(%dma_start3A_33 : memref<80x128xf32, #tpu.memory_space<hbm>>) target(%dma_start3A_31 : memref<80x128xf32, #tpu.memory_space<vmem>>) target_semaphore(%dma_start3A_27 : memref<!tpu.dma_semaphore, #tpu.memory_space<semaphore_mem>>)
    %dma_start3A_34 = arith.constant 0 : i32
    %dma_start3A_35 = arith.constant 0 : i32
    %dma_start3A_36 = arith.constant 0 : i32
    %dma_start3A_37 = arith.constant 0 : i32
    %dma_start3A_38 = arith.constant 0 : i32
    %dma_start3A_39 = tpu.memref_slice %arg11[%dma_start3A_35, %dma_start3A_37, %dma_start3A_38] : memref<2x80x128xf32, #tpu.memory_space<vmem>> -> memref<1x80x128xf32, #tpu.memory_space<vmem>>
    %dma_start3A_40 = tpu.memref_squeeze %dma_start3A_39 : memref<1x80x128xf32, #tpu.memory_space<vmem>> -> memref<80x128xf32, #tpu.memory_space<vmem>>
    %dma_start3A_41 = arith.constant 0 : i32
    %dma_start3A_42 = tpu.memref_slice %arg8[%dma_start3A_34, %dma_start3A_41] : memref<2x80xi32, #tpu.memory_space<vmem>> -> memref<1x80xi32, #tpu.memory_space<vmem>>
    %dma_start3A_43 = tpu.memref_squeeze %dma_start3A_42 : memref<1x80xi32, #tpu.memory_space<vmem>> -> memref<80xi32, #tpu.memory_space<vmem>>
    %dma_start3A_44 = arith.constant 0 : i32
    %dma_start3A_45 = arith.constant 0 : i32
    %dma_start3A_46 = tpu.memref_slice %arg2[%dma_start3A_44, %dma_start3A_45] : memref<10000x128xf32, #tpu.memory_space<hbm>> -> memref<10000x128xf32, #tpu.memory_space<hbm>>
    %dma_start3A_47 = tpu.memref_slice %arg16[%dma_start3A_36] : memref<2x!tpu.dma_semaphore, #tpu.memory_space<semaphore_mem>> -> memref<1x!tpu.dma_semaphore, #tpu.memory_space<semaphore_mem>>
    %dma_start3A_48 = tpu.memref_squeeze %dma_start3A_47 : memref<1x!tpu.dma_semaphore, #tpu.memory_space<semaphore_mem>> -> memref<!tpu.dma_semaphore, #tpu.memory_space<semaphore_mem>>
    tpu.enqueue_indirect_dma source(%dma_start3A_46 : memref<10000x128xf32, #tpu.memory_space<hbm>>) target(%dma_start3A_40 : memref<80x128xf32, #tpu.memory_space<vmem>>) offsets(%dma_start3A_43 : memref<80xi32, #tpu.memory_space<vmem>>) semaphore(%dma_start3A_48 : memref<!tpu.dma_semaphore, #tpu.memory_space<semaphore_mem>>)
    %add3A_49 = arith.constant 80 : i32
    %add3A_50 = arith.addi %mul3A_2, %add3A_49 : i32
    %dma_start3A_51 = arith.constant 1 : i32
    %dma_start3A_52 = arith.constant 1 : i32
    %dma_start3A_53 = arith.constant 0 : i32
    %dma_start3A_54 = tpu.memref_slice %arg8[%dma_start3A_51, %dma_start3A_53] : memref<2x80xi32, #tpu.memory_space<vmem>> -> memref<1x80xi32, #tpu.memory_space<vmem>>
    %dma_start3A_55 = tpu.memref_squeeze %dma_start3A_54 : memref<1x80xi32, #tpu.memory_space<vmem>> -> memref<80xi32, #tpu.memory_space<vmem>>
    %dma_start3A_56 = tpu.memref_slice %arg4[%add3A_50] : memref<320000xi32, #tpu.memory_space<hbm>> -> memref<80xi32, #tpu.memory_space<hbm>>
    %dma_start3A_57 = tpu.memref_slice %arg13[%dma_start3A_52] : memref<2x!tpu.dma_semaphore, #tpu.memory_space<semaphore_mem>> -> memref<1x!tpu.dma_semaphore, #tpu.memory_space<semaphore_mem>>
    %dma_start3A_58 = tpu.memref_squeeze %dma_start3A_57 : memref<1x!tpu.dma_semaphore, #tpu.memory_space<semaphore_mem>> -> memref<!tpu.dma_semaphore, #tpu.memory_space<semaphore_mem>>
    %dma_start3A_59 = arith.constant 0 : i32
    %dma_start3A_60 = tpu.memref_slice %arg8[%dma_start3A_51, %dma_start3A_59] : memref<2x80xi32, #tpu.memory_space<vmem>> -> memref<1x80xi32, #tpu.memory_space<vmem>>
    %dma_start3A_61 = tpu.memref_squeeze %dma_start3A_60 : memref<1x80xi32, #tpu.memory_space<vmem>> -> memref<80xi32, #tpu.memory_space<vmem>>
    %dma_start3A_62 = tpu.memref_slice %arg4[%add3A_50] : memref<320000xi32, #tpu.memory_space<hbm>> -> memref<80xi32, #tpu.memory_space<hbm>>
    tpu.enqueue_dma source(%dma_start3A_62 : memref<80xi32, #tpu.memory_space<hbm>>) target(%dma_start3A_61 : memref<80xi32, #tpu.memory_space<vmem>>) target_semaphore(%dma_start3A_58 : memref<!tpu.dma_semaphore, #tpu.memory_space<semaphore_mem>>)
    "tpu.region"() ({
      %run_scoped3A_86 = tpu.sem_alloc : memref<!tpu.dma_semaphore, #tpu.memory_space<semaphore_mem>>
      %dma_start3A_87 = arith.constant 0 : i32
      %dma_start3A_88 = tpu.memref_slice %arg12[%mul3A_4, %dma_start3A_87] : memref<10000x128xf32, #tpu.memory_space<vmem_shared>> -> memref<640x128xf32, #tpu.memory_space<vmem_shared>>
      %dma_start3A_89 = arith.constant 0 : i32
      %dma_start3A_90 = tpu.memref_slice %arg6[%mul3A_4, %dma_start3A_89] : memref<10000x128xf32, #tpu.memory_space<hbm>> -> memref<640x128xf32, #tpu.memory_space<hbm>>
      tpu.enqueue_dma source(%dma_start3A_90 : memref<640x128xf32, #tpu.memory_space<hbm>>) target(%dma_start3A_88 : memref<640x128xf32, #tpu.memory_space<vmem_shared>>) target_semaphore(%run_scoped3A_86 : memref<!tpu.dma_semaphore, #tpu.memory_space<semaphore_mem>>)
      %dma_wait3A_91 = arith.constant 0 : i32
      %dma_wait3A_92 = tpu.memref_slice %arg12[%mul3A_4, %dma_wait3A_91] : memref<10000x128xf32, #tpu.memory_space<vmem_shared>> -> memref<640x128xf32, #tpu.memory_space<vmem_shared>>
      %dma_wait3A_93 = arith.constant 0 : i32
      %dma_wait3A_94 = tpu.memref_slice %arg6[%mul3A_4, %dma_wait3A_93] : memref<10000x128xf32, #tpu.memory_space<hbm>> -> memref<640x128xf32, #tpu.memory_space<hbm>>
      tpu.wait_dma2 semaphore(%run_scoped3A_86 : memref<!tpu.dma_semaphore, #tpu.memory_space<semaphore_mem>>) src(%dma_wait3A_94 : memref<640x128xf32, #tpu.memory_space<hbm>>) dst(%dma_wait3A_92 : memref<640x128xf32, #tpu.memory_space<vmem_shared>>)
      tpu.yield
    }) : () -> ()
    %barrier3A = arith.constant 0 : index
    tpu.barrier barrier_id(%barrier3A)
    %scan3A = arith.constant 0 : i32
    %scan3A_63 = arith.constant 0 : i32
    %scan3A_64 = arith.constant 63 : i32
    %scan3A_65 = arith.addi %scan3A_63, %scan3A_64 : i32
    %scan3A_66 = arith.constant 1 : i32
    scf.for %scan3A_86 = %scan3A_63 to %scan3A_65 step %scan3A_66  : i32 {
      %mul3A_87 = arith.constant 2 : i32
      %mul3A_88 = arith.muli %scan3A_86, %mul3A_87 : i32
      %add3A_89 = arith.constant 0 : i32
      %add3A_90 = arith.addi %mul3A_88, %add3A_89 : i32
      %ge3A = arith.constant 1 : i32
      %ge3A_91 = arith.cmpi sge, %add3A_90, %ge3A : i32
      %convert_element_type3A = arith.extui %ge3A_91 : i1 to i32
      %cond3A = arith.constant 0 : i32
      %cond3A_92 = arith.cmpi ne, %convert_element_type3A, %cond3A : i32
      scf.if %cond3A_92 {
        %dma_wait3A_180 = arith.constant 1 : i32
        %dma_wait3A_181 = arith.constant 1 : i32
        %dma_wait3A_182 = arith.constant 0 : i32
        %dma_wait3A_183 = arith.constant 0 : i32
        %dma_wait3A_184 = tpu.memref_slice %arg11[%dma_wait3A_180, %dma_wait3A_182, %dma_wait3A_183] : memref<2x80x128xf32, #tpu.memory_space<vmem>> -> memref<1x80x128xf32, #tpu.memory_space<vmem>>
        %dma_wait3A_185 = tpu.memref_squeeze %dma_wait3A_184 : memref<1x80x128xf32, #tpu.memory_space<vmem>> -> memref<80x128xf32, #tpu.memory_space<vmem>>
        %dma_wait3A_186 = arith.constant 0 : i32
        %dma_wait3A_187 = arith.constant 0 : i32
        %dma_wait3A_188 = tpu.memref_slice %arg12[%dma_wait3A_186, %dma_wait3A_187] : memref<10000x128xf32, #tpu.memory_space<vmem_shared>> -> memref<80x128xf32, #tpu.memory_space<vmem_shared>>
        %dma_wait3A_189 = tpu.memref_slice %arg17[%dma_wait3A_181] : memref<2x!tpu.dma_semaphore, #tpu.memory_space<semaphore_mem>> -> memref<1x!tpu.dma_semaphore, #tpu.memory_space<semaphore_mem>>
        %dma_wait3A_190 = tpu.memref_squeeze %dma_wait3A_189 : memref<1x!tpu.dma_semaphore, #tpu.memory_space<semaphore_mem>> -> memref<!tpu.dma_semaphore, #tpu.memory_space<semaphore_mem>>
        %dma_wait3A_191 = arith.constant 0 : i32
        %dma_wait3A_192 = arith.constant 0 : i32
        %dma_wait3A_193 = tpu.memref_slice %arg12[%dma_wait3A_191, %dma_wait3A_192] : memref<10000x128xf32, #tpu.memory_space<vmem_shared>> -> memref<80x128xf32, #tpu.memory_space<vmem_shared>>
        %dma_wait3A_194 = arith.constant 0 : i32
        %dma_wait3A_195 = arith.constant 0 : i32
        %dma_wait3A_196 = tpu.memref_slice %arg11[%dma_wait3A_180, %dma_wait3A_194, %dma_wait3A_195] : memref<2x80x128xf32, #tpu.memory_space<vmem>> -> memref<1x80x128xf32, #tpu.memory_space<vmem>>
        %dma_wait3A_197 = tpu.memref_squeeze %dma_wait3A_196 : memref<1x80x128xf32, #tpu.memory_space<vmem>> -> memref<80x128xf32, #tpu.memory_space<vmem>>
        tpu.wait_dma2 semaphore(%dma_wait3A_190 : memref<!tpu.dma_semaphore, #tpu.memory_space<semaphore_mem>>) src(%dma_wait3A_197 : memref<80x128xf32, #tpu.memory_space<vmem>>) dst(%dma_wait3A_193 : memref<80x128xf32, #tpu.memory_space<vmem_shared>>)
      } else {
      }
      %add3A_93 = arith.constant 1 : i32
      %add3A_94 = arith.addi %add3A_90, %add3A_93 : i32
      %le3A = arith.constant 124 : i32
      %le3A_95 = arith.cmpi sle, %add3A_94, %le3A : i32
      %convert_element_type3A_96 = arith.extui %le3A_95 : i1 to i32
      %cond3A_97 = arith.constant 0 : i32
      %cond3A_98 = arith.cmpi ne, %convert_element_type3A_96, %cond3A_97 : i32
      scf.if %cond3A_98 {
        %dma_wait3A_180 = arith.constant 1 : i32
        %dma_wait3A_181 = arith.constant 1 : i32
        %dma_wait3A_182 = arith.constant 0 : i32
        %dma_wait3A_183 = tpu.memref_slice %arg8[%dma_wait3A_180, %dma_wait3A_182] : memref<2x80xi32, #tpu.memory_space<vmem>> -> memref<1x80xi32, #tpu.memory_space<vmem>>
        %dma_wait3A_184 = tpu.memref_squeeze %dma_wait3A_183 : memref<1x80xi32, #tpu.memory_space<vmem>> -> memref<80xi32, #tpu.memory_space<vmem>>
        %dma_wait3A_185 = tpu.memref_slice %arg4[%mul3A_2] : memref<320000xi32, #tpu.memory_space<hbm>> -> memref<80xi32, #tpu.memory_space<hbm>>
        %dma_wait3A_186 = tpu.memref_slice %arg13[%dma_wait3A_181] : memref<2x!tpu.dma_semaphore, #tpu.memory_space<semaphore_mem>> -> memref<1x!tpu.dma_semaphore, #tpu.memory_space<semaphore_mem>>
        %dma_wait3A_187 = tpu.memref_squeeze %dma_wait3A_186 : memref<1x!tpu.dma_semaphore, #tpu.memory_space<semaphore_mem>> -> memref<!tpu.dma_semaphore, #tpu.memory_space<semaphore_mem>>
        %dma_wait3A_188 = arith.constant 0 : i32
        %dma_wait3A_189 = tpu.memref_slice %arg8[%dma_wait3A_180, %dma_wait3A_188] : memref<2x80xi32, #tpu.memory_space<vmem>> -> memref<1x80xi32, #tpu.memory_space<vmem>>
        %dma_wait3A_190 = tpu.memref_squeeze %dma_wait3A_189 : memref<1x80xi32, #tpu.memory_space<vmem>> -> memref<80xi32, #tpu.memory_space<vmem>>
        %dma_wait3A_191 = tpu.memref_slice %arg4[%mul3A_2] : memref<320000xi32, #tpu.memory_space<hbm>> -> memref<80xi32, #tpu.memory_space<hbm>>
        tpu.wait_dma2 semaphore(%dma_wait3A_187 : memref<!tpu.dma_semaphore, #tpu.memory_space<semaphore_mem>>) src(%dma_wait3A_191 : memref<80xi32, #tpu.memory_space<hbm>>) dst(%dma_wait3A_190 : memref<80xi32, #tpu.memory_space<vmem>>)
        %add3A_192 = arith.constant 1 : i32
        %add3A_193 = arith.addi %add3A_90, %add3A_192 : i32
        %mul3A_194 = arith.constant 80 : i32
        %mul3A_195 = arith.muli %add3A_193, %mul3A_194 : i32
        %add3A_196 = arith.addi %mul3A_2, %mul3A_195 : i32
        %dma_start3A_197 = arith.constant 1 : i32
        %dma_start3A_198 = arith.constant 1 : i32
        %dma_start3A_199 = arith.constant 0 : i32
        %dma_start3A_200 = tpu.memref_slice %arg9[%dma_start3A_197, %dma_start3A_199] : memref<2x80xi32, #tpu.memory_space<vmem>> -> memref<1x80xi32, #tpu.memory_space<vmem>>
        %dma_start3A_201 = tpu.memref_squeeze %dma_start3A_200 : memref<1x80xi32, #tpu.memory_space<vmem>> -> memref<80xi32, #tpu.memory_space<vmem>>
        %dma_start3A_202 = tpu.memref_slice %arg5[%add3A_196] : memref<320000xi32, #tpu.memory_space<hbm>> -> memref<80xi32, #tpu.memory_space<hbm>>
        %dma_start3A_203 = tpu.memref_slice %arg14[%dma_start3A_198] : memref<2x!tpu.dma_semaphore, #tpu.memory_space<semaphore_mem>> -> memref<1x!tpu.dma_semaphore, #tpu.memory_space<semaphore_mem>>
        %dma_start3A_204 = tpu.memref_squeeze %dma_start3A_203 : memref<1x!tpu.dma_semaphore, #tpu.memory_space<semaphore_mem>> -> memref<!tpu.dma_semaphore, #tpu.memory_space<semaphore_mem>>
        %dma_start3A_205 = arith.constant 0 : i32
        %dma_start3A_206 = tpu.memref_slice %arg9[%dma_start3A_197, %dma_start3A_205] : memref<2x80xi32, #tpu.memory_space<vmem>> -> memref<1x80xi32, #tpu.memory_space<vmem>>
        %dma_start3A_207 = tpu.memref_squeeze %dma_start3A_206 : memref<1x80xi32, #tpu.memory_space<vmem>> -> memref<80xi32, #tpu.memory_space<vmem>>
        %dma_start3A_208 = tpu.memref_slice %arg5[%add3A_196] : memref<320000xi32, #tpu.memory_space<hbm>> -> memref<80xi32, #tpu.memory_space<hbm>>
        tpu.enqueue_dma source(%dma_start3A_208 : memref<80xi32, #tpu.memory_space<hbm>>) target(%dma_start3A_207 : memref<80xi32, #tpu.memory_space<vmem>>) target_semaphore(%dma_start3A_204 : memref<!tpu.dma_semaphore, #tpu.memory_space<semaphore_mem>>)
        %dma_start3A_209 = arith.constant 1 : i32
        %dma_start3A_210 = arith.constant 1 : i32
        %dma_start3A_211 = arith.constant 0 : i32
        %dma_start3A_212 = arith.constant 0 : i32
        %dma_start3A_213 = tpu.memref_slice %arg10[%dma_start3A_209, %dma_start3A_211, %dma_start3A_212] : memref<2x80x128xf32, #tpu.memory_space<vmem>> -> memref<1x80x128xf32, #tpu.memory_space<vmem>>
        %dma_start3A_214 = tpu.memref_squeeze %dma_start3A_213 : memref<1x80x128xf32, #tpu.memory_space<vmem>> -> memref<80x128xf32, #tpu.memory_space<vmem>>
        %dma_start3A_215 = arith.constant 0 : i32
        %dma_start3A_216 = tpu.memref_slice %arg3[%add3A_196, %dma_start3A_215] : memref<320000x128xf32, #tpu.memory_space<hbm>> -> memref<80x128xf32, #tpu.memory_space<hbm>>
        %dma_start3A_217 = tpu.memref_slice %arg15[%dma_start3A_210] : memref<2x!tpu.dma_semaphore, #tpu.memory_space<semaphore_mem>> -> memref<1x!tpu.dma_semaphore, #tpu.memory_space<semaphore_mem>>
        %dma_start3A_218 = tpu.memref_squeeze %dma_start3A_217 : memref<1x!tpu.dma_semaphore, #tpu.memory_space<semaphore_mem>> -> memref<!tpu.dma_semaphore, #tpu.memory_space<semaphore_mem>>
        %dma_start3A_219 = arith.constant 0 : i32
        %dma_start3A_220 = arith.constant 0 : i32
        %dma_start3A_221 = tpu.memref_slice %arg10[%dma_start3A_209, %dma_start3A_219, %dma_start3A_220] : memref<2x80x128xf32, #tpu.memory_space<vmem>> -> memref<1x80x128xf32, #tpu.memory_space<vmem>>
        %dma_start3A_222 = tpu.memref_squeeze %dma_start3A_221 : memref<1x80x128xf32, #tpu.memory_space<vmem>> -> memref<80x128xf32, #tpu.memory_space<vmem>>
        %dma_start3A_223 = arith.constant 0 : i32
        %dma_start3A_224 = tpu.memref_slice %arg3[%add3A_196, %dma_start3A_223] : memref<320000x128xf32, #tpu.memory_space<hbm>> -> memref<80x128xf32, #tpu.memory_space<hbm>>
        tpu.enqueue_dma source(%dma_start3A_224 : memref<80x128xf32, #tpu.memory_space<hbm>>) target(%dma_start3A_222 : memref<80x128xf32, #tpu.memory_space<vmem>>) target_semaphore(%dma_start3A_218 : memref<!tpu.dma_semaphore, #tpu.memory_space<semaphore_mem>>)
        %dma_start3A_225 = arith.constant 1 : i32
        %dma_start3A_226 = arith.constant 1 : i32
        %dma_start3A_227 = arith.constant 1 : i32
        %dma_start3A_228 = arith.constant 0 : i32
        %dma_start3A_229 = arith.constant 0 : i32
        %dma_start3A_230 = tpu.memref_slice %arg11[%dma_start3A_226, %dma_start3A_228, %dma_start3A_229] : memref<2x80x128xf32, #tpu.memory_space<vmem>> -> memref<1x80x128xf32, #tpu.memory_space<vmem>>
        %dma_start3A_231 = tpu.memref_squeeze %dma_start3A_230 : memref<1x80x128xf32, #tpu.memory_space<vmem>> -> memref<80x128xf32, #tpu.memory_space<vmem>>
        %dma_start3A_232 = arith.constant 0 : i32
        %dma_start3A_233 = tpu.memref_slice %arg8[%dma_start3A_225, %dma_start3A_232] : memref<2x80xi32, #tpu.memory_space<vmem>> -> memref<1x80xi32, #tpu.memory_space<vmem>>
        %dma_start3A_234 = tpu.memref_squeeze %dma_start3A_233 : memref<1x80xi32, #tpu.memory_space<vmem>> -> memref<80xi32, #tpu.memory_space<vmem>>
        %dma_start3A_235 = arith.constant 0 : i32
        %dma_start3A_236 = arith.constant 0 : i32
        %dma_start3A_237 = tpu.memref_slice %arg2[%dma_start3A_235, %dma_start3A_236] : memref<10000x128xf32, #tpu.memory_space<hbm>> -> memref<10000x128xf32, #tpu.memory_space<hbm>>
        %dma_start3A_238 = tpu.memref_slice %arg16[%dma_start3A_227] : memref<2x!tpu.dma_semaphore, #tpu.memory_space<semaphore_mem>> -> memref<1x!tpu.dma_semaphore, #tpu.memory_space<semaphore_mem>>
        %dma_start3A_239 = tpu.memref_squeeze %dma_start3A_238 : memref<1x!tpu.dma_semaphore, #tpu.memory_space<semaphore_mem>> -> memref<!tpu.dma_semaphore, #tpu.memory_space<semaphore_mem>>
        tpu.enqueue_indirect_dma source(%dma_start3A_237 : memref<10000x128xf32, #tpu.memory_space<hbm>>) target(%dma_start3A_231 : memref<80x128xf32, #tpu.memory_space<vmem>>) offsets(%dma_start3A_234 : memref<80xi32, #tpu.memory_space<vmem>>) semaphore(%dma_start3A_239 : memref<!tpu.dma_semaphore, #tpu.memory_space<semaphore_mem>>)
      } else {
      }
      %dma_wait3A_99 = arith.constant 0 : i32
      %dma_wait3A_100 = arith.constant 0 : i32
      %dma_wait3A_101 = arith.constant 0 : i32
      %dma_wait3A_102 = arith.constant 0 : i32
      %dma_wait3A_103 = tpu.memref_slice %arg10[%dma_wait3A_99, %dma_wait3A_101, %dma_wait3A_102] : memref<2x80x128xf32, #tpu.memory_space<vmem>> -> memref<1x80x128xf32, #tpu.memory_space<vmem>>
      %dma_wait3A_104 = tpu.memref_squeeze %dma_wait3A_103 : memref<1x80x128xf32, #tpu.memory_space<vmem>> -> memref<80x128xf32, #tpu.memory_space<vmem>>
      %dma_wait3A_105 = arith.constant 0 : i32
      %dma_wait3A_106 = tpu.memref_slice %arg3[%mul3A_2, %dma_wait3A_105] : memref<320000x128xf32, #tpu.memory_space<hbm>> -> memref<80x128xf32, #tpu.memory_space<hbm>>
      %dma_wait3A_107 = tpu.memref_slice %arg15[%dma_wait3A_100] : memref<2x!tpu.dma_semaphore, #tpu.memory_space<semaphore_mem>> -> memref<1x!tpu.dma_semaphore, #tpu.memory_space<semaphore_mem>>
      %dma_wait3A_108 = tpu.memref_squeeze %dma_wait3A_107 : memref<1x!tpu.dma_semaphore, #tpu.memory_space<semaphore_mem>> -> memref<!tpu.dma_semaphore, #tpu.memory_space<semaphore_mem>>
      %dma_wait3A_109 = arith.constant 0 : i32
      %dma_wait3A_110 = arith.constant 0 : i32
      %dma_wait3A_111 = tpu.memref_slice %arg10[%dma_wait3A_99, %dma_wait3A_109, %dma_wait3A_110] : memref<2x80x128xf32, #tpu.memory_space<vmem>> -> memref<1x80x128xf32, #tpu.memory_space<vmem>>
      %dma_wait3A_112 = tpu.memref_squeeze %dma_wait3A_111 : memref<1x80x128xf32, #tpu.memory_space<vmem>> -> memref<80x128xf32, #tpu.memory_space<vmem>>
      %dma_wait3A_113 = arith.constant 0 : i32
      %dma_wait3A_114 = tpu.memref_slice %arg3[%mul3A_2, %dma_wait3A_113] : memref<320000x128xf32, #tpu.memory_space<hbm>> -> memref<80x128xf32, #tpu.memory_space<hbm>>
      tpu.wait_dma2 semaphore(%dma_wait3A_108 : memref<!tpu.dma_semaphore, #tpu.memory_space<semaphore_mem>>) src(%dma_wait3A_114 : memref<80x128xf32, #tpu.memory_space<hbm>>) dst(%dma_wait3A_112 : memref<80x128xf32, #tpu.memory_space<vmem>>)
      %dma_wait3A_115 = arith.constant 0 : i32
      %dma_wait3A_116 = arith.constant 0 : i32
      %dma_wait3A_117 = arith.constant 0 : i32
      %dma_wait3A_118 = arith.constant 0 : i32
      %dma_wait3A_119 = tpu.memref_slice %arg11[%dma_wait3A_115, %dma_wait3A_117, %dma_wait3A_118] : memref<2x80x128xf32, #tpu.memory_space<vmem>> -> memref<1x80x128xf32, #tpu.memory_space<vmem>>
      %dma_wait3A_120 = tpu.memref_squeeze %dma_wait3A_119 : memref<1x80x128xf32, #tpu.memory_space<vmem>> -> memref<80x128xf32, #tpu.memory_space<vmem>>
      %dma_wait3A_121 = arith.constant 0 : i32
      %dma_wait3A_122 = tpu.memref_slice %arg3[%mul3A_2, %dma_wait3A_121] : memref<320000x128xf32, #tpu.memory_space<hbm>> -> memref<80x128xf32, #tpu.memory_space<hbm>>
      %dma_wait3A_123 = tpu.memref_slice %arg16[%dma_wait3A_116] : memref<2x!tpu.dma_semaphore, #tpu.memory_space<semaphore_mem>> -> memref<1x!tpu.dma_semaphore, #tpu.memory_space<semaphore_mem>>
      %dma_wait3A_124 = tpu.memref_squeeze %dma_wait3A_123 : memref<1x!tpu.dma_semaphore, #tpu.memory_space<semaphore_mem>> -> memref<!tpu.dma_semaphore, #tpu.memory_space<semaphore_mem>>
      %dma_wait3A_125 = arith.constant 0 : i32
      %dma_wait3A_126 = arith.constant 0 : i32
      %dma_wait3A_127 = tpu.memref_slice %arg11[%dma_wait3A_115, %dma_wait3A_125, %dma_wait3A_126] : memref<2x80x128xf32, #tpu.memory_space<vmem>> -> memref<1x80x128xf32, #tpu.memory_space<vmem>>
      %dma_wait3A_128 = tpu.memref_squeeze %dma_wait3A_127 : memref<1x80x128xf32, #tpu.memory_space<vmem>> -> memref<80x128xf32, #tpu.memory_space<vmem>>
      %dma_wait3A_129 = arith.constant 0 : i32
      %dma_wait3A_130 = tpu.memref_slice %arg3[%mul3A_2, %dma_wait3A_129] : memref<320000x128xf32, #tpu.memory_space<hbm>> -> memref<80x128xf32, #tpu.memory_space<hbm>>
      tpu.wait_dma2 semaphore(%dma_wait3A_124 : memref<!tpu.dma_semaphore, #tpu.memory_space<semaphore_mem>>) src(%dma_wait3A_130 : memref<80x128xf32, #tpu.memory_space<hbm>>) dst(%dma_wait3A_128 : memref<80x128xf32, #tpu.memory_space<vmem>>)
      %add3A_131 = arith.constant 2 : i32
      %add3A_132 = arith.addi %add3A_90, %add3A_131 : i32
      %le3A_133 = arith.constant 124 : i32
      %le3A_134 = arith.cmpi sle, %add3A_132, %le3A_133 : i32
      %convert_element_type3A_135 = arith.extui %le3A_134 : i1 to i32
      %cond3A_136 = arith.constant 0 : i32
      %cond3A_137 = arith.cmpi ne, %convert_element_type3A_135, %cond3A_136 : i32
      scf.if %cond3A_137 {
        %add3A_180 = arith.constant 2 : i32
        %add3A_181 = arith.addi %add3A_90, %add3A_180 : i32
        %mul3A_182 = arith.constant 80 : i32
        %mul3A_183 = arith.muli %add3A_181, %mul3A_182 : i32
        %add3A_184 = arith.addi %mul3A_2, %mul3A_183 : i32
        %dma_start3A_185 = arith.constant 0 : i32
        %dma_start3A_186 = arith.constant 0 : i32
        %dma_start3A_187 = arith.constant 0 : i32
        %dma_start3A_188 = tpu.memref_slice %arg8[%dma_start3A_185, %dma_start3A_187] : memref<2x80xi32, #tpu.memory_space<vmem>> -> memref<1x80xi32, #tpu.memory_space<vmem>>
        %dma_start3A_189 = tpu.memref_squeeze %dma_start3A_188 : memref<1x80xi32, #tpu.memory_space<vmem>> -> memref<80xi32, #tpu.memory_space<vmem>>
        %dma_start3A_190 = tpu.memref_slice %arg4[%add3A_184] : memref<320000xi32, #tpu.memory_space<hbm>> -> memref<80xi32, #tpu.memory_space<hbm>>
        %dma_start3A_191 = tpu.memref_slice %arg13[%dma_start3A_186] : memref<2x!tpu.dma_semaphore, #tpu.memory_space<semaphore_mem>> -> memref<1x!tpu.dma_semaphore, #tpu.memory_space<semaphore_mem>>
        %dma_start3A_192 = tpu.memref_squeeze %dma_start3A_191 : memref<1x!tpu.dma_semaphore, #tpu.memory_space<semaphore_mem>> -> memref<!tpu.dma_semaphore, #tpu.memory_space<semaphore_mem>>
        %dma_start3A_193 = arith.constant 0 : i32
        %dma_start3A_194 = tpu.memref_slice %arg8[%dma_start3A_185, %dma_start3A_193] : memref<2x80xi32, #tpu.memory_space<vmem>> -> memref<1x80xi32, #tpu.memory_space<vmem>>
        %dma_start3A_195 = tpu.memref_squeeze %dma_start3A_194 : memref<1x80xi32, #tpu.memory_space<vmem>> -> memref<80xi32, #tpu.memory_space<vmem>>
        %dma_start3A_196 = tpu.memref_slice %arg4[%add3A_184] : memref<320000xi32, #tpu.memory_space<hbm>> -> memref<80xi32, #tpu.memory_space<hbm>>
        tpu.enqueue_dma source(%dma_start3A_196 : memref<80xi32, #tpu.memory_space<hbm>>) target(%dma_start3A_195 : memref<80xi32, #tpu.memory_space<vmem>>) target_semaphore(%dma_start3A_192 : memref<!tpu.dma_semaphore, #tpu.memory_space<semaphore_mem>>)
      } else {
      }
      %scan3A_138 = arith.constant 0 : i32
      %scan3A_139 = arith.constant 0 : i32
      %scan3A_140 = arith.constant 40 : i32
      %scan3A_141 = arith.addi %scan3A_139, %scan3A_140 : i32
      %scan3A_142 = arith.constant 1 : i32
      scf.for %scan3A_180 = %scan3A_139 to %scan3A_141 step %scan3A_142  : i32 {
        %mul3A_181 = arith.constant 2 : i32
        %mul3A_182 = arith.muli %scan3A_180, %mul3A_181 : i32
        %add3A_183 = arith.constant 0 : i32
        %add3A_184 = arith.addi %mul3A_182, %add3A_183 : i32
        %get3A = arith.constant 0 : i32
        %get3A_185 = arith.index_cast %get3A : i32 to index
        %get3A_186 = arith.index_cast %add3A_184 : i32 to index
        %get3A_187 = arith.constant 0 : index
        %get3A_188 = tpu.vector_load %arg11[%get3A_185, %get3A_186, %get3A_187] {strides = array<i32>} : memref<2x80x128xf32, #tpu.memory_space<vmem>>, vector<1x1x16xf32>,
        %get3A_189 = vector.shape_cast %get3A_188 : vector<1x1x16xf32> to vector<16xf32>
        %get3A_190 = arith.constant 0 : i32
        %get3A_191 = arith.index_cast %get3A_190 : i32 to index
        %get3A_192 = arith.index_cast %add3A_184 : i32 to index
        %get3A_193 = arith.constant 0 : index
        %get3A_194 = tpu.vector_load %arg10[%get3A_191, %get3A_192, %get3A_193] {strides = array<i32>} : memref<2x80x128xf32, #tpu.memory_space<vmem>>, vector<1x1x16xf32>,
        %get3A_195 = vector.shape_cast %get3A_194 : vector<1x1x16xf32> to vector<16xf32>
        %add3A_196 = arith.addf %get3A_189, %get3A_195 : vector<16xf32>
        %max3A = arith.constant 0.000000e+00 : f32
        %max3A_197 = vector.broadcast %max3A : f32 to vector<16xf32>
        %max3A_198 = arith.maximumf %add3A_196, %max3A_197 : vector<16xf32>
        %swap3A = arith.constant 0 : i32
        %swap3A_199 = arith.index_cast %swap3A : i32 to index
        %swap3A_200 = arith.index_cast %add3A_184 : i32 to index
        %swap3A_201 = arith.constant 0 : index
        %swap3A_202 = tpu.vector_load %arg11[%swap3A_199, %swap3A_200, %swap3A_201] {strides = array<i32>} : memref<2x80x128xf32, #tpu.memory_space<vmem>>, vector<1x1x16xf32>,
        %swap3A_203 = vector.shape_cast %swap3A_202 : vector<1x1x16xf32> to vector<16xf32>
        %swap3A_204 = vector.shape_cast %max3A_198 : vector<16xf32> to vector<1x1x16xf32>
        tpu.vector_store %arg11[%swap3A_199, %swap3A_200, %swap3A_201], %swap3A_204 {strides = array<i32>} : memref<2x80x128xf32, #tpu.memory_space<vmem>>, vector<1x1x16xf32>,
        %get3A_205 = arith.constant 0 : i32
        %get3A_206 = arith.index_cast %get3A_205 : i32 to index
        %get3A_207 = arith.index_cast %add3A_184 : i32 to index
        %get3A_208 = arith.constant 16 : index
        %get3A_209 = tpu.vector_load %arg11[%get3A_206, %get3A_207, %get3A_208] {strides = array<i32>} : memref<2x80x128xf32, #tpu.memory_space<vmem>>, vector<1x1x16xf32>,
        %get3A_210 = vector.shape_cast %get3A_209 : vector<1x1x16xf32> to vector<16xf32>
        %get3A_211 = arith.constant 0 : i32
        %get3A_212 = arith.index_cast %get3A_211 : i32 to index
        %get3A_213 = arith.index_cast %add3A_184 : i32 to index
        %get3A_214 = arith.constant 16 : index
        %get3A_215 = tpu.vector_load %arg10[%get3A_212, %get3A_213, %get3A_214] {strides = array<i32>} : memref<2x80x128xf32, #tpu.memory_space<vmem>>, vector<1x1x16xf32>,
        %get3A_216 = vector.shape_cast %get3A_215 : vector<1x1x16xf32> to vector<16xf32>
        %add3A_217 = arith.addf %get3A_210, %get3A_216 : vector<16xf32>
        %max3A_218 = arith.constant 0.000000e+00 : f32
        %max3A_219 = vector.broadcast %max3A_218 : f32 to vector<16xf32>
        %max3A_220 = arith.maximumf %add3A_217, %max3A_219 : vector<16xf32>
        %swap3A_221 = arith.constant 0 : i32
        %swap3A_222 = arith.index_cast %swap3A_221 : i32 to index
        %swap3A_223 = arith.index_cast %add3A_184 : i32 to index
        %swap3A_224 = arith.constant 16 : index
        %swap3A_225 = tpu.vector_load %arg11[%swap3A_222, %swap3A_223, %swap3A_224] {strides = array<i32>} : memref<2x80x128xf32, #tpu.memory_space<vmem>>, vector<1x1x16xf32>,
        %swap3A_226 = vector.shape_cast %swap3A_225 : vector<1x1x16xf32> to vector<16xf32>
        %swap3A_227 = vector.shape_cast %max3A_220 : vector<16xf32> to vector<1x1x16xf32>
        tpu.vector_store %arg11[%swap3A_222, %swap3A_223, %swap3A_224], %swap3A_227 {strides = array<i32>} : memref<2x80x128xf32, #tpu.memory_space<vmem>>, vector<1x1x16xf32>,
        %get3A_228 = arith.constant 0 : i32
        %get3A_229 = arith.index_cast %get3A_228 : i32 to index
        %get3A_230 = arith.index_cast %add3A_184 : i32 to index
        %get3A_231 = arith.constant 32 : index
        %get3A_232 = tpu.vector_load %arg11[%get3A_229, %get3A_230, %get3A_231] {strides = array<i32>} : memref<2x80x128xf32, #tpu.memory_space<vmem>>, vector<1x1x16xf32>,
        %get3A_233 = vector.shape_cast %get3A_232 : vector<1x1x16xf32> to vector<16xf32>
        %get3A_234 = arith.constant 0 : i32
        %get3A_235 = arith.index_cast %get3A_234 : i32 to index
        %get3A_236 = arith.index_cast %add3A_184 : i32 to index
        %get3A_237 = arith.constant 32 : index
        %get3A_238 = tpu.vector_load %arg10[%get3A_235, %get3A_236, %get3A_237] {strides = array<i32>} : memref<2x80x128xf32, #tpu.memory_space<vmem>>, vector<1x1x16xf32>,
        %get3A_239 = vector.shape_cast %get3A_238 : vector<1x1x16xf32> to vector<16xf32>
        %add3A_240 = arith.addf %get3A_233, %get3A_239 : vector<16xf32>
        %max3A_241 = arith.constant 0.000000e+00 : f32
        %max3A_242 = vector.broadcast %max3A_241 : f32 to vector<16xf32>
        %max3A_243 = arith.maximumf %add3A_240, %max3A_242 : vector<16xf32>
        %swap3A_244 = arith.constant 0 : i32
        %swap3A_245 = arith.index_cast %swap3A_244 : i32 to index
        %swap3A_246 = arith.index_cast %add3A_184 : i32 to index
        %swap3A_247 = arith.constant 32 : index
        %swap3A_248 = tpu.vector_load %arg11[%swap3A_245, %swap3A_246, %swap3A_247] {strides = array<i32>} : memref<2x80x128xf32, #tpu.memory_space<vmem>>, vector<1x1x16xf32>,
        %swap3A_249 = vector.shape_cast %swap3A_248 : vector<1x1x16xf32> to vector<16xf32>
        %swap3A_250 = vector.shape_cast %max3A_243 : vector<16xf32> to vector<1x1x16xf32>
        tpu.vector_store %arg11[%swap3A_245, %swap3A_246, %swap3A_247], %swap3A_250 {strides = array<i32>} : memref<2x80x128xf32, #tpu.memory_space<vmem>>, vector<1x1x16xf32>,
        %get3A_251 = arith.constant 0 : i32
        %get3A_252 = arith.index_cast %get3A_251 : i32 to index
        %get3A_253 = arith.index_cast %add3A_184 : i32 to index
        %get3A_254 = arith.constant 48 : index
        %get3A_255 = tpu.vector_load %arg11[%get3A_252, %get3A_253, %get3A_254] {strides = array<i32>} : memref<2x80x128xf32, #tpu.memory_space<vmem>>, vector<1x1x16xf32>,
        %get3A_256 = vector.shape_cast %get3A_255 : vector<1x1x16xf32> to vector<16xf32>
        %get3A_257 = arith.constant 0 : i32
        %get3A_258 = arith.index_cast %get3A_257 : i32 to index
        %get3A_259 = arith.index_cast %add3A_184 : i32 to index
        %get3A_260 = arith.constant 48 : index
        %get3A_261 = tpu.vector_load %arg10[%get3A_258, %get3A_259, %get3A_260] {strides = array<i32>} : memref<2x80x128xf32, #tpu.memory_space<vmem>>, vector<1x1x16xf32>,
        %get3A_262 = vector.shape_cast %get3A_261 : vector<1x1x16xf32> to vector<16xf32>
        %add3A_263 = arith.addf %get3A_256, %get3A_262 : vector<16xf32>
        %max3A_264 = arith.constant 0.000000e+00 : f32
        %max3A_265 = vector.broadcast %max3A_264 : f32 to vector<16xf32>
        %max3A_266 = arith.maximumf %add3A_263, %max3A_265 : vector<16xf32>
        %swap3A_267 = arith.constant 0 : i32
        %swap3A_268 = arith.index_cast %swap3A_267 : i32 to index
        %swap3A_269 = arith.index_cast %add3A_184 : i32 to index
        %swap3A_270 = arith.constant 48 : index
        %swap3A_271 = tpu.vector_load %arg11[%swap3A_268, %swap3A_269, %swap3A_270] {strides = array<i32>} : memref<2x80x128xf32, #tpu.memory_space<vmem>>, vector<1x1x16xf32>,
        %swap3A_272 = vector.shape_cast %swap3A_271 : vector<1x1x16xf32> to vector<16xf32>
        %swap3A_273 = vector.shape_cast %max3A_266 : vector<16xf32> to vector<1x1x16xf32>
        tpu.vector_store %arg11[%swap3A_268, %swap3A_269, %swap3A_270], %swap3A_273 {strides = array<i32>} : memref<2x80x128xf32, #tpu.memory_space<vmem>>, vector<1x1x16xf32>,
        %get3A_274 = arith.constant 0 : i32
        %get3A_275 = arith.index_cast %get3A_274 : i32 to index
        %get3A_276 = arith.index_cast %add3A_184 : i32 to index
        %get3A_277 = arith.constant 64 : index
        %get3A_278 = tpu.vector_load %arg11[%get3A_275, %get3A_276, %get3A_277] {strides = array<i32>} : memref<2x80x128xf32, #tpu.memory_space<vmem>>, vector<1x1x16xf32>,
        %get3A_279 = vector.shape_cast %get3A_278 : vector<1x1x16xf32> to vector<16xf32>
        %get3A_280 = arith.constant 0 : i32
        %get3A_281 = arith.index_cast %get3A_280 : i32 to index
        %get3A_282 = arith.index_cast %add3A_184 : i32 to index
        %get3A_283 = arith.constant 64 : index
        %get3A_284 = tpu.vector_load %arg10[%get3A_281, %get3A_282, %get3A_283] {strides = array<i32>} : memref<2x80x128xf32, #tpu.memory_space<vmem>>, vector<1x1x16xf32>,
        %get3A_285 = vector.shape_cast %get3A_284 : vector<1x1x16xf32> to vector<16xf32>
        %add3A_286 = arith.addf %get3A_279, %get3A_285 : vector<16xf32>
        %max3A_287 = arith.constant 0.000000e+00 : f32
        %max3A_288 = vector.broadcast %max3A_287 : f32 to vector<16xf32>
        %max3A_289 = arith.maximumf %add3A_286, %max3A_288 : vector<16xf32>
        %swap3A_290 = arith.constant 0 : i32
        %swap3A_291 = arith.index_cast %swap3A_290 : i32 to index
        %swap3A_292 = arith.index_cast %add3A_184 : i32 to index
        %swap3A_293 = arith.constant 64 : index
        %swap3A_294 = tpu.vector_load %arg11[%swap3A_291, %swap3A_292, %swap3A_293] {strides = array<i32>} : memref<2x80x128xf32, #tpu.memory_space<vmem>>, vector<1x1x16xf32>,
        %swap3A_295 = vector.shape_cast %swap3A_294 : vector<1x1x16xf32> to vector<16xf32>
        %swap3A_296 = vector.shape_cast %max3A_289 : vector<16xf32> to vector<1x1x16xf32>
        tpu.vector_store %arg11[%swap3A_291, %swap3A_292, %swap3A_293], %swap3A_296 {strides = array<i32>} : memref<2x80x128xf32, #tpu.memory_space<vmem>>, vector<1x1x16xf32>,
        %get3A_297 = arith.constant 0 : i32
        %get3A_298 = arith.index_cast %get3A_297 : i32 to index
        %get3A_299 = arith.index_cast %add3A_184 : i32 to index
        %get3A_300 = arith.constant 80 : index
        %get3A_301 = tpu.vector_load %arg11[%get3A_298, %get3A_299, %get3A_300] {strides = array<i32>} : memref<2x80x128xf32, #tpu.memory_space<vmem>>, vector<1x1x16xf32>,
        %get3A_302 = vector.shape_cast %get3A_301 : vector<1x1x16xf32> to vector<16xf32>
        %get3A_303 = arith.constant 0 : i32
        %get3A_304 = arith.index_cast %get3A_303 : i32 to index
        %get3A_305 = arith.index_cast %add3A_184 : i32 to index
        %get3A_306 = arith.constant 80 : index
        %get3A_307 = tpu.vector_load %arg10[%get3A_304, %get3A_305, %get3A_306] {strides = array<i32>} : memref<2x80x128xf32, #tpu.memory_space<vmem>>, vector<1x1x16xf32>,
        %get3A_308 = vector.shape_cast %get3A_307 : vector<1x1x16xf32> to vector<16xf32>
        %add3A_309 = arith.addf %get3A_302, %get3A_308 : vector<16xf32>
        %max3A_310 = arith.constant 0.000000e+00 : f32
        %max3A_311 = vector.broadcast %max3A_310 : f32 to vector<16xf32>
        %max3A_312 = arith.maximumf %add3A_309, %max3A_311 : vector<16xf32>
        %swap3A_313 = arith.constant 0 : i32
        %swap3A_314 = arith.index_cast %swap3A_313 : i32 to index
        %swap3A_315 = arith.index_cast %add3A_184 : i32 to index
        %swap3A_316 = arith.constant 80 : index
        %swap3A_317 = tpu.vector_load %arg11[%swap3A_314, %swap3A_315, %swap3A_316] {strides = array<i32>} : memref<2x80x128xf32, #tpu.memory_space<vmem>>, vector<1x1x16xf32>,
        %swap3A_318 = vector.shape_cast %swap3A_317 : vector<1x1x16xf32> to vector<16xf32>
        %swap3A_319 = vector.shape_cast %max3A_312 : vector<16xf32> to vector<1x1x16xf32>
        tpu.vector_store %arg11[%swap3A_314, %swap3A_315, %swap3A_316], %swap3A_319 {strides = array<i32>} : memref<2x80x128xf32, #tpu.memory_space<vmem>>, vector<1x1x16xf32>,
        %get3A_320 = arith.constant 0 : i32
        %get3A_321 = arith.index_cast %get3A_320 : i32 to index
        %get3A_322 = arith.index_cast %add3A_184 : i32 to index
        %get3A_323 = arith.constant 96 : index
        %get3A_324 = tpu.vector_load %arg11[%get3A_321, %get3A_322, %get3A_323] {strides = array<i32>} : memref<2x80x128xf32, #tpu.memory_space<vmem>>, vector<1x1x16xf32>,
        %get3A_325 = vector.shape_cast %get3A_324 : vector<1x1x16xf32> to vector<16xf32>
        %get3A_326 = arith.constant 0 : i32
        %get3A_327 = arith.index_cast %get3A_326 : i32 to index
        %get3A_328 = arith.index_cast %add3A_184 : i32 to index
        %get3A_329 = arith.constant 96 : index
        %get3A_330 = tpu.vector_load %arg10[%get3A_327, %get3A_328, %get3A_329] {strides = array<i32>} : memref<2x80x128xf32, #tpu.memory_space<vmem>>, vector<1x1x16xf32>,
        %get3A_331 = vector.shape_cast %get3A_330 : vector<1x1x16xf32> to vector<16xf32>
        %add3A_332 = arith.addf %get3A_325, %get3A_331 : vector<16xf32>
        %max3A_333 = arith.constant 0.000000e+00 : f32
        %max3A_334 = vector.broadcast %max3A_333 : f32 to vector<16xf32>
        %max3A_335 = arith.maximumf %add3A_332, %max3A_334 : vector<16xf32>
        %swap3A_336 = arith.constant 0 : i32
        %swap3A_337 = arith.index_cast %swap3A_336 : i32 to index
        %swap3A_338 = arith.index_cast %add3A_184 : i32 to index
        %swap3A_339 = arith.constant 96 : index
        %swap3A_340 = tpu.vector_load %arg11[%swap3A_337, %swap3A_338, %swap3A_339] {strides = array<i32>} : memref<2x80x128xf32, #tpu.memory_space<vmem>>, vector<1x1x16xf32>,
        %swap3A_341 = vector.shape_cast %swap3A_340 : vector<1x1x16xf32> to vector<16xf32>
        %swap3A_342 = vector.shape_cast %max3A_335 : vector<16xf32> to vector<1x1x16xf32>
        tpu.vector_store %arg11[%swap3A_337, %swap3A_338, %swap3A_339], %swap3A_342 {strides = array<i32>} : memref<2x80x128xf32, #tpu.memory_space<vmem>>, vector<1x1x16xf32>,
        %get3A_343 = arith.constant 0 : i32
        %get3A_344 = arith.index_cast %get3A_343 : i32 to index
        %get3A_345 = arith.index_cast %add3A_184 : i32 to index
        %get3A_346 = arith.constant 112 : index
        %get3A_347 = tpu.vector_load %arg11[%get3A_344, %get3A_345, %get3A_346] {strides = array<i32>} : memref<2x80x128xf32, #tpu.memory_space<vmem>>, vector<1x1x16xf32>,
        %get3A_348 = vector.shape_cast %get3A_347 : vector<1x1x16xf32> to vector<16xf32>
        %get3A_349 = arith.constant 0 : i32
        %get3A_350 = arith.index_cast %get3A_349 : i32 to index
        %get3A_351 = arith.index_cast %add3A_184 : i32 to index
        %get3A_352 = arith.constant 112 : index
        %get3A_353 = tpu.vector_load %arg10[%get3A_350, %get3A_351, %get3A_352] {strides = array<i32>} : memref<2x80x128xf32, #tpu.memory_space<vmem>>, vector<1x1x16xf32>,
        %get3A_354 = vector.shape_cast %get3A_353 : vector<1x1x16xf32> to vector<16xf32>
        %add3A_355 = arith.addf %get3A_348, %get3A_354 : vector<16xf32>
        %max3A_356 = arith.constant 0.000000e+00 : f32
        %max3A_357 = vector.broadcast %max3A_356 : f32 to vector<16xf32>
        %max3A_358 = arith.maximumf %add3A_355, %max3A_357 : vector<16xf32>
        %swap3A_359 = arith.constant 0 : i32
        %swap3A_360 = arith.index_cast %swap3A_359 : i32 to index
        %swap3A_361 = arith.index_cast %add3A_184 : i32 to index
        %swap3A_362 = arith.constant 112 : index
        %swap3A_363 = tpu.vector_load %arg11[%swap3A_360, %swap3A_361, %swap3A_362] {strides = array<i32>} : memref<2x80x128xf32, #tpu.memory_space<vmem>>, vector<1x1x16xf32>,
        %swap3A_364 = vector.shape_cast %swap3A_363 : vector<1x1x16xf32> to vector<16xf32>
        %swap3A_365 = vector.shape_cast %max3A_358 : vector<16xf32> to vector<1x1x16xf32>
        tpu.vector_store %arg11[%swap3A_360, %swap3A_361, %swap3A_362], %swap3A_365 {strides = array<i32>} : memref<2x80x128xf32, #tpu.memory_space<vmem>>, vector<1x1x16xf32>,
        %mul3A_366 = arith.constant 2 : i32
        %mul3A_367 = arith.muli %scan3A_180, %mul3A_366 : i32
        %add3A_368 = arith.constant 1 : i32
        %add3A_369 = arith.addi %mul3A_367, %add3A_368 : i32
        %get3A_370 = arith.constant 0 : i32
        %get3A_371 = arith.index_cast %get3A_370 : i32 to index
        %get3A_372 = arith.index_cast %add3A_369 : i32 to index
        %get3A_373 = arith.constant 0 : index
        %get3A_374 = tpu.vector_load %arg11[%get3A_371, %get3A_372, %get3A_373] {strides = array<i32>} : memref<2x80x128xf32, #tpu.memory_space<vmem>>, vector<1x1x16xf32>,
        %get3A_375 = vector.shape_cast %get3A_374 : vector<1x1x16xf32> to vector<16xf32>
        %get3A_376 = arith.constant 0 : i32
        %get3A_377 = arith.index_cast %get3A_376 : i32 to index
        %get3A_378 = arith.index_cast %add3A_369 : i32 to index
        %get3A_379 = arith.constant 0 : index
        %get3A_380 = tpu.vector_load %arg10[%get3A_377, %get3A_378, %get3A_379] {strides = array<i32>} : memref<2x80x128xf32, #tpu.memory_space<vmem>>, vector<1x1x16xf32>,
        %get3A_381 = vector.shape_cast %get3A_380 : vector<1x1x16xf32> to vector<16xf32>
        %add3A_382 = arith.addf %get3A_375, %get3A_381 : vector<16xf32>
        %max3A_383 = arith.constant 0.000000e+00 : f32
        %max3A_384 = vector.broadcast %max3A_383 : f32 to vector<16xf32>
        %max3A_385 = arith.maximumf %add3A_382, %max3A_384 : vector<16xf32>
        %swap3A_386 = arith.constant 0 : i32
        %swap3A_387 = arith.index_cast %swap3A_386 : i32 to index
        %swap3A_388 = arith.index_cast %add3A_369 : i32 to index
        %swap3A_389 = arith.constant 0 : index
        %swap3A_390 = tpu.vector_load %arg11[%swap3A_387, %swap3A_388, %swap3A_389] {strides = array<i32>} : memref<2x80x128xf32, #tpu.memory_space<vmem>>, vector<1x1x16xf32>,
        %swap3A_391 = vector.shape_cast %swap3A_390 : vector<1x1x16xf32> to vector<16xf32>
        %swap3A_392 = vector.shape_cast %max3A_385 : vector<16xf32> to vector<1x1x16xf32>
        tpu.vector_store %arg11[%swap3A_387, %swap3A_388, %swap3A_389], %swap3A_392 {strides = array<i32>} : memref<2x80x128xf32, #tpu.memory_space<vmem>>, vector<1x1x16xf32>,
        %get3A_393 = arith.constant 0 : i32
        %get3A_394 = arith.index_cast %get3A_393 : i32 to index
        %get3A_395 = arith.index_cast %add3A_369 : i32 to index
        %get3A_396 = arith.constant 16 : index
        %get3A_397 = tpu.vector_load %arg11[%get3A_394, %get3A_395, %get3A_396] {strides = array<i32>} : memref<2x80x128xf32, #tpu.memory_space<vmem>>, vector<1x1x16xf32>,
        %get3A_398 = vector.shape_cast %get3A_397 : vector<1x1x16xf32> to vector<16xf32>
        %get3A_399 = arith.constant 0 : i32
        %get3A_400 = arith.index_cast %get3A_399 : i32 to index
        %get3A_401 = arith.index_cast %add3A_369 : i32 to index
        %get3A_402 = arith.constant 16 : index
        %get3A_403 = tpu.vector_load %arg10[%get3A_400, %get3A_401, %get3A_402] {strides = array<i32>} : memref<2x80x128xf32, #tpu.memory_space<vmem>>, vector<1x1x16xf32>,
        %get3A_404 = vector.shape_cast %get3A_403 : vector<1x1x16xf32> to vector<16xf32>
        %add3A_405 = arith.addf %get3A_398, %get3A_404 : vector<16xf32>
        %max3A_406 = arith.constant 0.000000e+00 : f32
        %max3A_407 = vector.broadcast %max3A_406 : f32 to vector<16xf32>
        %max3A_408 = arith.maximumf %add3A_405, %max3A_407 : vector<16xf32>
        %swap3A_409 = arith.constant 0 : i32
        %swap3A_410 = arith.index_cast %swap3A_409 : i32 to index
        %swap3A_411 = arith.index_cast %add3A_369 : i32 to index
        %swap3A_412 = arith.constant 16 : index
        %swap3A_413 = tpu.vector_load %arg11[%swap3A_410, %swap3A_411, %swap3A_412] {strides = array<i32>} : memref<2x80x128xf32, #tpu.memory_space<vmem>>, vector<1x1x16xf32>,
        %swap3A_414 = vector.shape_cast %swap3A_413 : vector<1x1x16xf32> to vector<16xf32>
        %swap3A_415 = vector.shape_cast %max3A_408 : vector<16xf32> to vector<1x1x16xf32>
        tpu.vector_store %arg11[%swap3A_410, %swap3A_411, %swap3A_412], %swap3A_415 {strides = array<i32>} : memref<2x80x128xf32, #tpu.memory_space<vmem>>, vector<1x1x16xf32>,
        %get3A_416 = arith.constant 0 : i32
        %get3A_417 = arith.index_cast %get3A_416 : i32 to index
        %get3A_418 = arith.index_cast %add3A_369 : i32 to index
        %get3A_419 = arith.constant 32 : index
        %get3A_420 = tpu.vector_load %arg11[%get3A_417, %get3A_418, %get3A_419] {strides = array<i32>} : memref<2x80x128xf32, #tpu.memory_space<vmem>>, vector<1x1x16xf32>,
        %get3A_421 = vector.shape_cast %get3A_420 : vector<1x1x16xf32> to vector<16xf32>
        %get3A_422 = arith.constant 0 : i32
        %get3A_423 = arith.index_cast %get3A_422 : i32 to index
        %get3A_424 = arith.index_cast %add3A_369 : i32 to index
        %get3A_425 = arith.constant 32 : index
        %get3A_426 = tpu.vector_load %arg10[%get3A_423, %get3A_424, %get3A_425] {strides = array<i32>} : memref<2x80x128xf32, #tpu.memory_space<vmem>>, vector<1x1x16xf32>,
        %get3A_427 = vector.shape_cast %get3A_426 : vector<1x1x16xf32> to vector<16xf32>
        %add3A_428 = arith.addf %get3A_421, %get3A_427 : vector<16xf32>
        %max3A_429 = arith.constant 0.000000e+00 : f32
        %max3A_430 = vector.broadcast %max3A_429 : f32 to vector<16xf32>
        %max3A_431 = arith.maximumf %add3A_428, %max3A_430 : vector<16xf32>
        %swap3A_432 = arith.constant 0 : i32
        %swap3A_433 = arith.index_cast %swap3A_432 : i32 to index
        %swap3A_434 = arith.index_cast %add3A_369 : i32 to index
        %swap3A_435 = arith.constant 32 : index
        %swap3A_436 = tpu.vector_load %arg11[%swap3A_433, %swap3A_434, %swap3A_435] {strides = array<i32>} : memref<2x80x128xf32, #tpu.memory_space<vmem>>, vector<1x1x16xf32>,
        %swap3A_437 = vector.shape_cast %swap3A_436 : vector<1x1x16xf32> to vector<16xf32>
        %swap3A_438 = vector.shape_cast %max3A_431 : vector<16xf32> to vector<1x1x16xf32>
        tpu.vector_store %arg11[%swap3A_433, %swap3A_434, %swap3A_435], %swap3A_438 {strides = array<i32>} : memref<2x80x128xf32, #tpu.memory_space<vmem>>, vector<1x1x16xf32>,
        %get3A_439 = arith.constant 0 : i32
        %get3A_440 = arith.index_cast %get3A_439 : i32 to index
        %get3A_441 = arith.index_cast %add3A_369 : i32 to index
        %get3A_442 = arith.constant 48 : index
        %get3A_443 = tpu.vector_load %arg11[%get3A_440, %get3A_441, %get3A_442] {strides = array<i32>} : memref<2x80x128xf32, #tpu.memory_space<vmem>>, vector<1x1x16xf32>,
        %get3A_444 = vector.shape_cast %get3A_443 : vector<1x1x16xf32> to vector<16xf32>
        %get3A_445 = arith.constant 0 : i32
        %get3A_446 = arith.index_cast %get3A_445 : i32 to index
        %get3A_447 = arith.index_cast %add3A_369 : i32 to index
        %get3A_448 = arith.constant 48 : index
        %get3A_449 = tpu.vector_load %arg10[%get3A_446, %get3A_447, %get3A_448] {strides = array<i32>} : memref<2x80x128xf32, #tpu.memory_space<vmem>>, vector<1x1x16xf32>,
        %get3A_450 = vector.shape_cast %get3A_449 : vector<1x1x16xf32> to vector<16xf32>
        %add3A_451 = arith.addf %get3A_444, %get3A_450 : vector<16xf32>
        %max3A_452 = arith.constant 0.000000e+00 : f32
        %max3A_453 = vector.broadcast %max3A_452 : f32 to vector<16xf32>
        %max3A_454 = arith.maximumf %add3A_451, %max3A_453 : vector<16xf32>
        %swap3A_455 = arith.constant 0 : i32
        %swap3A_456 = arith.index_cast %swap3A_455 : i32 to index
        %swap3A_457 = arith.index_cast %add3A_369 : i32 to index
        %swap3A_458 = arith.constant 48 : index
        %swap3A_459 = tpu.vector_load %arg11[%swap3A_456, %swap3A_457, %swap3A_458] {strides = array<i32>} : memref<2x80x128xf32, #tpu.memory_space<vmem>>, vector<1x1x16xf32>,
        %swap3A_460 = vector.shape_cast %swap3A_459 : vector<1x1x16xf32> to vector<16xf32>
        %swap3A_461 = vector.shape_cast %max3A_454 : vector<16xf32> to vector<1x1x16xf32>
        tpu.vector_store %arg11[%swap3A_456, %swap3A_457, %swap3A_458], %swap3A_461 {strides = array<i32>} : memref<2x80x128xf32, #tpu.memory_space<vmem>>, vector<1x1x16xf32>,
        %get3A_462 = arith.constant 0 : i32
        %get3A_463 = arith.index_cast %get3A_462 : i32 to index
        %get3A_464 = arith.index_cast %add3A_369 : i32 to index
        %get3A_465 = arith.constant 64 : index
        %get3A_466 = tpu.vector_load %arg11[%get3A_463, %get3A_464, %get3A_465] {strides = array<i32>} : memref<2x80x128xf32, #tpu.memory_space<vmem>>, vector<1x1x16xf32>,
        %get3A_467 = vector.shape_cast %get3A_466 : vector<1x1x16xf32> to vector<16xf32>
        %get3A_468 = arith.constant 0 : i32
        %get3A_469 = arith.index_cast %get3A_468 : i32 to index
        %get3A_470 = arith.index_cast %add3A_369 : i32 to index
        %get3A_471 = arith.constant 64 : index
        %get3A_472 = tpu.vector_load %arg10[%get3A_469, %get3A_470, %get3A_471] {strides = array<i32>} : memref<2x80x128xf32, #tpu.memory_space<vmem>>, vector<1x1x16xf32>,
        %get3A_473 = vector.shape_cast %get3A_472 : vector<1x1x16xf32> to vector<16xf32>
        %add3A_474 = arith.addf %get3A_467, %get3A_473 : vector<16xf32>
        %max3A_475 = arith.constant 0.000000e+00 : f32
        %max3A_476 = vector.broadcast %max3A_475 : f32 to vector<16xf32>
        %max3A_477 = arith.maximumf %add3A_474, %max3A_476 : vector<16xf32>
        %swap3A_478 = arith.constant 0 : i32
        %swap3A_479 = arith.index_cast %swap3A_478 : i32 to index
        %swap3A_480 = arith.index_cast %add3A_369 : i32 to index
        %swap3A_481 = arith.constant 64 : index
        %swap3A_482 = tpu.vector_load %arg11[%swap3A_479, %swap3A_480, %swap3A_481] {strides = array<i32>} : memref<2x80x128xf32, #tpu.memory_space<vmem>>, vector<1x1x16xf32>,
        %swap3A_483 = vector.shape_cast %swap3A_482 : vector<1x1x16xf32> to vector<16xf32>
        %swap3A_484 = vector.shape_cast %max3A_477 : vector<16xf32> to vector<1x1x16xf32>
        tpu.vector_store %arg11[%swap3A_479, %swap3A_480, %swap3A_481], %swap3A_484 {strides = array<i32>} : memref<2x80x128xf32, #tpu.memory_space<vmem>>, vector<1x1x16xf32>,
        %get3A_485 = arith.constant 0 : i32
        %get3A_486 = arith.index_cast %get3A_485 : i32 to index
        %get3A_487 = arith.index_cast %add3A_369 : i32 to index
        %get3A_488 = arith.constant 80 : index
        %get3A_489 = tpu.vector_load %arg11[%get3A_486, %get3A_487, %get3A_488] {strides = array<i32>} : memref<2x80x128xf32, #tpu.memory_space<vmem>>, vector<1x1x16xf32>,
        %get3A_490 = vector.shape_cast %get3A_489 : vector<1x1x16xf32> to vector<16xf32>
        %get3A_491 = arith.constant 0 : i32
        %get3A_492 = arith.index_cast %get3A_491 : i32 to index
        %get3A_493 = arith.index_cast %add3A_369 : i32 to index
        %get3A_494 = arith.constant 80 : index
        %get3A_495 = tpu.vector_load %arg10[%get3A_492, %get3A_493, %get3A_494] {strides = array<i32>} : memref<2x80x128xf32, #tpu.memory_space<vmem>>, vector<1x1x16xf32>,
        %get3A_496 = vector.shape_cast %get3A_495 : vector<1x1x16xf32> to vector<16xf32>
        %add3A_497 = arith.addf %get3A_490, %get3A_496 : vector<16xf32>
        %max3A_498 = arith.constant 0.000000e+00 : f32
        %max3A_499 = vector.broadcast %max3A_498 : f32 to vector<16xf32>
        %max3A_500 = arith.maximumf %add3A_497, %max3A_499 : vector<16xf32>
        %swap3A_501 = arith.constant 0 : i32
        %swap3A_502 = arith.index_cast %swap3A_501 : i32 to index
        %swap3A_503 = arith.index_cast %add3A_369 : i32 to index
        %swap3A_504 = arith.constant 80 : index
        %swap3A_505 = tpu.vector_load %arg11[%swap3A_502, %swap3A_503, %swap3A_504] {strides = array<i32>} : memref<2x80x128xf32, #tpu.memory_space<vmem>>, vector<1x1x16xf32>,
        %swap3A_506 = vector.shape_cast %swap3A_505 : vector<1x1x16xf32> to vector<16xf32>
        %swap3A_507 = vector.shape_cast %max3A_500 : vector<16xf32> to vector<1x1x16xf32>
        tpu.vector_store %arg11[%swap3A_502, %swap3A_503, %swap3A_504], %swap3A_507 {strides = array<i32>} : memref<2x80x128xf32, #tpu.memory_space<vmem>>, vector<1x1x16xf32>,
        %get3A_508 = arith.constant 0 : i32
        %get3A_509 = arith.index_cast %get3A_508 : i32 to index
        %get3A_510 = arith.index_cast %add3A_369 : i32 to index
        %get3A_511 = arith.constant 96 : index
        %get3A_512 = tpu.vector_load %arg11[%get3A_509, %get3A_510, %get3A_511] {strides = array<i32>} : memref<2x80x128xf32, #tpu.memory_space<vmem>>, vector<1x1x16xf32>,
        %get3A_513 = vector.shape_cast %get3A_512 : vector<1x1x16xf32> to vector<16xf32>
        %get3A_514 = arith.constant 0 : i32
        %get3A_515 = arith.index_cast %get3A_514 : i32 to index
        %get3A_516 = arith.index_cast %add3A_369 : i32 to index
        %get3A_517 = arith.constant 96 : index
        %get3A_518 = tpu.vector_load %arg10[%get3A_515, %get3A_516, %get3A_517] {strides = array<i32>} : memref<2x80x128xf32, #tpu.memory_space<vmem>>, vector<1x1x16xf32>,
        %get3A_519 = vector.shape_cast %get3A_518 : vector<1x1x16xf32> to vector<16xf32>
        %add3A_520 = arith.addf %get3A_513, %get3A_519 : vector<16xf32>
        %max3A_521 = arith.constant 0.000000e+00 : f32
        %max3A_522 = vector.broadcast %max3A_521 : f32 to vector<16xf32>
        %max3A_523 = arith.maximumf %add3A_520, %max3A_522 : vector<16xf32>
        %swap3A_524 = arith.constant 0 : i32
        %swap3A_525 = arith.index_cast %swap3A_524 : i32 to index
        %swap3A_526 = arith.index_cast %add3A_369 : i32 to index
        %swap3A_527 = arith.constant 96 : index
        %swap3A_528 = tpu.vector_load %arg11[%swap3A_525, %swap3A_526, %swap3A_527] {strides = array<i32>} : memref<2x80x128xf32, #tpu.memory_space<vmem>>, vector<1x1x16xf32>,
        %swap3A_529 = vector.shape_cast %swap3A_528 : vector<1x1x16xf32> to vector<16xf32>
        %swap3A_530 = vector.shape_cast %max3A_523 : vector<16xf32> to vector<1x1x16xf32>
        tpu.vector_store %arg11[%swap3A_525, %swap3A_526, %swap3A_527], %swap3A_530 {strides = array<i32>} : memref<2x80x128xf32, #tpu.memory_space<vmem>>, vector<1x1x16xf32>,
        %get3A_531 = arith.constant 0 : i32
        %get3A_532 = arith.index_cast %get3A_531 : i32 to index
        %get3A_533 = arith.index_cast %add3A_369 : i32 to index
        %get3A_534 = arith.constant 112 : index
        %get3A_535 = tpu.vector_load %arg11[%get3A_532, %get3A_533, %get3A_534] {strides = array<i32>} : memref<2x80x128xf32, #tpu.memory_space<vmem>>, vector<1x1x16xf32>,
        %get3A_536 = vector.shape_cast %get3A_535 : vector<1x1x16xf32> to vector<16xf32>
        %get3A_537 = arith.constant 0 : i32
        %get3A_538 = arith.index_cast %get3A_537 : i32 to index
        %get3A_539 = arith.index_cast %add3A_369 : i32 to index
        %get3A_540 = arith.constant 112 : index
        %get3A_541 = tpu.vector_load %arg10[%get3A_538, %get3A_539, %get3A_540] {strides = array<i32>} : memref<2x80x128xf32, #tpu.memory_space<vmem>>, vector<1x1x16xf32>,
        %get3A_542 = vector.shape_cast %get3A_541 : vector<1x1x16xf32> to vector<16xf32>
        %add3A_543 = arith.addf %get3A_536, %get3A_542 : vector<16xf32>
        %max3A_544 = arith.constant 0.000000e+00 : f32
        %max3A_545 = vector.broadcast %max3A_544 : f32 to vector<16xf32>
        %max3A_546 = arith.maximumf %add3A_543, %max3A_545 : vector<16xf32>
        %swap3A_547 = arith.constant 0 : i32
        %swap3A_548 = arith.index_cast %swap3A_547 : i32 to index
        %swap3A_549 = arith.index_cast %add3A_369 : i32 to index
        %swap3A_550 = arith.constant 112 : index
        %swap3A_551 = tpu.vector_load %arg11[%swap3A_548, %swap3A_549, %swap3A_550] {strides = array<i32>} : memref<2x80x128xf32, #tpu.memory_space<vmem>>, vector<1x1x16xf32>,
        %swap3A_552 = vector.shape_cast %swap3A_551 : vector<1x1x16xf32> to vector<16xf32>
        %swap3A_553 = vector.shape_cast %max3A_546 : vector<16xf32> to vector<1x1x16xf32>
        tpu.vector_store %arg11[%swap3A_548, %swap3A_549, %swap3A_550], %swap3A_553 {strides = array<i32>} : memref<2x80x128xf32, #tpu.memory_space<vmem>>, vector<1x1x16xf32>,
      }
      %scan3A_143 = arith.constant 40 : i32
      %dma_wait3A_144 = arith.constant 0 : i32
      %dma_wait3A_145 = arith.constant 0 : i32
      %dma_wait3A_146 = arith.constant 0 : i32
      %dma_wait3A_147 = tpu.memref_slice %arg9[%dma_wait3A_144, %dma_wait3A_146] : memref<2x80xi32, #tpu.memory_space<vmem>> -> memref<1x80xi32, #tpu.memory_space<vmem>>
      %dma_wait3A_148 = tpu.memref_squeeze %dma_wait3A_147 : memref<1x80xi32, #tpu.memory_space<vmem>> -> memref<80xi32, #tpu.memory_space<vmem>>
      %dma_wait3A_149 = tpu.memref_slice %arg5[%mul3A_2] : memref<320000xi32, #tpu.memory_space<hbm>> -> memref<80xi32, #tpu.memory_space<hbm>>
      %dma_wait3A_150 = tpu.memref_slice %arg14[%dma_wait3A_145] : memref<2x!tpu.dma_semaphore, #tpu.memory_space<semaphore_mem>> -> memref<1x!tpu.dma_semaphore, #tpu.memory_space<semaphore_mem>>
      %dma_wait3A_151 = tpu.memref_squeeze %dma_wait3A_150 : memref<1x!tpu.dma_semaphore, #tpu.memory_space<semaphore_mem>> -> memref<!tpu.dma_semaphore, #tpu.memory_space<semaphore_mem>>
      %dma_wait3A_152 = arith.constant 0 : i32
      %dma_wait3A_153 = tpu.memref_slice %arg9[%dma_wait3A_144, %dma_wait3A_152] : memref<2x80xi32, #tpu.memory_space<vmem>> -> memref<1x80xi32, #tpu.memory_space<vmem>>
      %dma_wait3A_154 = tpu.memref_squeeze %dma_wait3A_153 : memref<1x80xi32, #tpu.memory_space<vmem>> -> memref<80xi32, #tpu.memory_space<vmem>>
      %dma_wait3A_155 = tpu.memref_slice %arg5[%mul3A_2] : memref<320000xi32, #tpu.memory_space<hbm>> -> memref<80xi32, #tpu.memory_space<hbm>>
      tpu.wait_dma2 semaphore(%dma_wait3A_151 : memref<!tpu.dma_semaphore, #tpu.memory_space<semaphore_mem>>) src(%dma_wait3A_155 : memref<80xi32, #tpu.memory_space<hbm>>) dst(%dma_wait3A_154 : memref<80xi32, #tpu.memory_space<vmem>>)
      %dma_start3A_156 = arith.constant 0 : i32
      %dma_start3A_157 = arith.constant 0 : i32
      %dma_start3A_158 = arith.constant 0 : i32
      %dma_start3A_159 = arith.constant 0 : i32
      %dma_start3A_160 = arith.constant 0 : i32
      %dma_start3A_161 = tpu.memref_slice %arg11[%dma_start3A_156, %dma_start3A_159, %dma_start3A_160] : memref<2x80x128xf32, #tpu.memory_space<vmem>> -> memref<1x80x128xf32, #tpu.memory_space<vmem>>
      %dma_start3A_162 = tpu.memref_squeeze %dma_start3A_161 : memref<1x80x128xf32, #tpu.memory_space<vmem>> -> memref<80x128xf32, #tpu.memory_space<vmem>>
      %dma_start3A_163 = arith.constant 0 : i32
      %dma_start3A_164 = tpu.memref_slice %arg9[%dma_start3A_157, %dma_start3A_163] : memref<2x80xi32, #tpu.memory_space<vmem>> -> memref<1x80xi32, #tpu.memory_space<vmem>>
      %dma_start3A_165 = tpu.memref_squeeze %dma_start3A_164 : memref<1x80xi32, #tpu.memory_space<vmem>> -> memref<80xi32, #tpu.memory_space<vmem>>
      %dma_start3A_166 = arith.constant 0 : i32
      %dma_start3A_167 = arith.constant 0 : i32
      %dma_start3A_168 = tpu.memref_slice %arg12[%dma_start3A_166, %dma_start3A_167] : memref<10000x128xf32, #tpu.memory_space<vmem_shared>> -> memref<10000x128xf32, #tpu.memory_space<vmem_shared>>
      %dma_start3A_169 = tpu.memref_slice %arg17[%dma_start3A_158] : memref<2x!tpu.dma_semaphore, #tpu.memory_space<semaphore_mem>> -> memref<1x!tpu.dma_semaphore, #tpu.memory_space<semaphore_mem>>
      %dma_start3A_170 = tpu.memref_squeeze %dma_start3A_169 : memref<1x!tpu.dma_semaphore, #tpu.memory_space<semaphore_mem>> -> memref<!tpu.dma_semaphore, #tpu.memory_space<semaphore_mem>>
      tpu.enqueue_indirect_dma source(%dma_start3A_162 : memref<80x128xf32, #tpu.memory_space<vmem>>) target(%dma_start3A_168 : memref<10000x128xf32, #tpu.memory_space<vmem_shared>>) offsets(%dma_start3A_165 : memref<80xi32, #tpu.memory_space<vmem>>) semaphore(%dma_start3A_170 : memref<!tpu.dma_semaphore, #tpu.memory_space<semaphore_mem>>) {add = true}
      %mul3A_171 = arith.constant 2 : i32
      %mul3A_172 = arith.muli %scan3A_86, %mul3A_171 : i32
      %add3A_173 = arith.constant 1 : i32
      %add3A_174 = arith.addi %mul3A_172, %add3A_173 : i32
      %le3A_175 = arith.constant 124 : i32
      %le3A_176 = arith.cmpi sle, %add3A_174, %le3A_175 : i32
      %convert_element_type3A_177 = arith.extui %le3A_176 : i1 to i32
      %cond3A_178 = arith.constant 0 : i32
      %cond3A_179 = arith.cmpi ne, %convert_element_type3A_177, %cond3A_178 : i32
      scf.if %cond3A_179 {
        %ge3A_180 = arith.constant 1 : i32
        %ge3A_181 = arith.cmpi sge, %add3A_174, %ge3A_180 : i32
        %convert_element_type3A_182 = arith.extui %ge3A_181 : i1 to i32
        %cond3A_183 = arith.constant 0 : i32
        %cond3A_184 = arith.cmpi ne, %convert_element_type3A_182, %cond3A_183 : i32
        scf.if %cond3A_184 {
          %dma_wait3A_264 = arith.constant 0 : i32
          %dma_wait3A_265 = arith.constant 0 : i32
          %dma_wait3A_266 = arith.constant 0 : i32
          %dma_wait3A_267 = arith.constant 0 : i32
          %dma_wait3A_268 = tpu.memref_slice %arg11[%dma_wait3A_264, %dma_wait3A_266, %dma_wait3A_267] : memref<2x80x128xf32, #tpu.memory_space<vmem>> -> memref<1x80x128xf32, #tpu.memory_space<vmem>>
          %dma_wait3A_269 = tpu.memref_squeeze %dma_wait3A_268 : memref<1x80x128xf32, #tpu.memory_space<vmem>> -> memref<80x128xf32, #tpu.memory_space<vmem>>
          %dma_wait3A_270 = arith.constant 0 : i32
          %dma_wait3A_271 = arith.constant 0 : i32
          %dma_wait3A_272 = tpu.memref_slice %arg12[%dma_wait3A_270, %dma_wait3A_271] : memref<10000x128xf32, #tpu.memory_space<vmem_shared>> -> memref<80x128xf32, #tpu.memory_space<vmem_shared>>
          %dma_wait3A_273 = tpu.memref_slice %arg17[%dma_wait3A_265] : memref<2x!tpu.dma_semaphore, #tpu.memory_space<semaphore_mem>> -> memref<1x!tpu.dma_semaphore, #tpu.memory_space<semaphore_mem>>
          %dma_wait3A_274 = tpu.memref_squeeze %dma_wait3A_273 : memref<1x!tpu.dma_semaphore, #tpu.memory_space<semaphore_mem>> -> memref<!tpu.dma_semaphore, #tpu.memory_space<semaphore_mem>>
          %dma_wait3A_275 = arith.constant 0 : i32
          %dma_wait3A_276 = arith.constant 0 : i32
          %dma_wait3A_277 = tpu.memref_slice %arg12[%dma_wait3A_275, %dma_wait3A_276] : memref<10000x128xf32, #tpu.memory_space<vmem_shared>> -> memref<80x128xf32, #tpu.memory_space<vmem_shared>>
          %dma_wait3A_278 = arith.constant 0 : i32
          %dma_wait3A_279 = arith.constant 0 : i32
          %dma_wait3A_280 = tpu.memref_slice %arg11[%dma_wait3A_264, %dma_wait3A_278, %dma_wait3A_279] : memref<2x80x128xf32, #tpu.memory_space<vmem>> -> memref<1x80x128xf32, #tpu.memory_space<vmem>>
          %dma_wait3A_281 = tpu.memref_squeeze %dma_wait3A_280 : memref<1x80x128xf32, #tpu.memory_space<vmem>> -> memref<80x128xf32, #tpu.memory_space<vmem>>
          tpu.wait_dma2 semaphore(%dma_wait3A_274 : memref<!tpu.dma_semaphore, #tpu.memory_space<semaphore_mem>>) src(%dma_wait3A_281 : memref<80x128xf32, #tpu.memory_space<vmem>>) dst(%dma_wait3A_277 : memref<80x128xf32, #tpu.memory_space<vmem_shared>>)
        } else {
        }
        %add3A_185 = arith.constant 1 : i32
        %add3A_186 = arith.addi %add3A_174, %add3A_185 : i32
        %le3A_187 = arith.constant 124 : i32
        %le3A_188 = arith.cmpi sle, %add3A_186, %le3A_187 : i32
        %convert_element_type3A_189 = arith.extui %le3A_188 : i1 to i32
        %cond3A_190 = arith.constant 0 : i32
        %cond3A_191 = arith.cmpi ne, %convert_element_type3A_189, %cond3A_190 : i32
        scf.if %cond3A_191 {
          %dma_wait3A_264 = arith.constant 0 : i32
          %dma_wait3A_265 = arith.constant 0 : i32
          %dma_wait3A_266 = arith.constant 0 : i32
          %dma_wait3A_267 = tpu.memref_slice %arg8[%dma_wait3A_264, %dma_wait3A_266] : memref<2x80xi32, #tpu.memory_space<vmem>> -> memref<1x80xi32, #tpu.memory_space<vmem>>
          %dma_wait3A_268 = tpu.memref_squeeze %dma_wait3A_267 : memref<1x80xi32, #tpu.memory_space<vmem>> -> memref<80xi32, #tpu.memory_space<vmem>>
          %dma_wait3A_269 = tpu.memref_slice %arg4[%mul3A_2] : memref<320000xi32, #tpu.memory_space<hbm>> -> memref<80xi32, #tpu.memory_space<hbm>>
          %dma_wait3A_270 = tpu.memref_slice %arg13[%dma_wait3A_265] : memref<2x!tpu.dma_semaphore, #tpu.memory_space<semaphore_mem>> -> memref<1x!tpu.dma_semaphore, #tpu.memory_space<semaphore_mem>>
          %dma_wait3A_271 = tpu.memref_squeeze %dma_wait3A_270 : memref<1x!tpu.dma_semaphore, #tpu.memory_space<semaphore_mem>> -> memref<!tpu.dma_semaphore, #tpu.memory_space<semaphore_mem>>
          %dma_wait3A_272 = arith.constant 0 : i32
          %dma_wait3A_273 = tpu.memref_slice %arg8[%dma_wait3A_264, %dma_wait3A_272] : memref<2x80xi32, #tpu.memory_space<vmem>> -> memref<1x80xi32, #tpu.memory_space<vmem>>
          %dma_wait3A_274 = tpu.memref_squeeze %dma_wait3A_273 : memref<1x80xi32, #tpu.memory_space<vmem>> -> memref<80xi32, #tpu.memory_space<vmem>>
          %dma_wait3A_275 = tpu.memref_slice %arg4[%mul3A_2] : memref<320000xi32, #tpu.memory_space<hbm>> -> memref<80xi32, #tpu.memory_space<hbm>>
          tpu.wait_dma2 semaphore(%dma_wait3A_271 : memref<!tpu.dma_semaphore, #tpu.memory_space<semaphore_mem>>) src(%dma_wait3A_275 : memref<80xi32, #tpu.memory_space<hbm>>) dst(%dma_wait3A_274 : memref<80xi32, #tpu.memory_space<vmem>>)
          %add3A_276 = arith.constant 1 : i32
          %add3A_277 = arith.addi %add3A_174, %add3A_276 : i32
          %mul3A_278 = arith.constant 80 : i32
          %mul3A_279 = arith.muli %add3A_277, %mul3A_278 : i32
          %add3A_280 = arith.addi %mul3A_2, %mul3A_279 : i32
          %dma_start3A_281 = arith.constant 0 : i32
          %dma_start3A_282 = arith.constant 0 : i32
          %dma_start3A_283 = arith.constant 0 : i32
          %dma_start3A_284 = tpu.memref_slice %arg9[%dma_start3A_281, %dma_start3A_283] : memref<2x80xi32, #tpu.memory_space<vmem>> -> memref<1x80xi32, #tpu.memory_space<vmem>>
          %dma_start3A_285 = tpu.memref_squeeze %dma_start3A_284 : memref<1x80xi32, #tpu.memory_space<vmem>> -> memref<80xi32, #tpu.memory_space<vmem>>
          %dma_start3A_286 = tpu.memref_slice %arg5[%add3A_280] : memref<320000xi32, #tpu.memory_space<hbm>> -> memref<80xi32, #tpu.memory_space<hbm>>
          %dma_start3A_287 = tpu.memref_slice %arg14[%dma_start3A_282] : memref<2x!tpu.dma_semaphore, #tpu.memory_space<semaphore_mem>> -> memref<1x!tpu.dma_semaphore, #tpu.memory_space<semaphore_mem>>
          %dma_start3A_288 = tpu.memref_squeeze %dma_start3A_287 : memref<1x!tpu.dma_semaphore, #tpu.memory_space<semaphore_mem>> -> memref<!tpu.dma_semaphore, #tpu.memory_space<semaphore_mem>>
          %dma_start3A_289 = arith.constant 0 : i32
          %dma_start3A_290 = tpu.memref_slice %arg9[%dma_start3A_281, %dma_start3A_289] : memref<2x80xi32, #tpu.memory_space<vmem>> -> memref<1x80xi32, #tpu.memory_space<vmem>>
          %dma_start3A_291 = tpu.memref_squeeze %dma_start3A_290 : memref<1x80xi32, #tpu.memory_space<vmem>> -> memref<80xi32, #tpu.memory_space<vmem>>
          %dma_start3A_292 = tpu.memref_slice %arg5[%add3A_280] : memref<320000xi32, #tpu.memory_space<hbm>> -> memref<80xi32, #tpu.memory_space<hbm>>
          tpu.enqueue_dma source(%dma_start3A_292 : memref<80xi32, #tpu.memory_space<hbm>>) target(%dma_start3A_291 : memref<80xi32, #tpu.memory_space<vmem>>) target_semaphore(%dma_start3A_288 : memref<!tpu.dma_semaphore, #tpu.memory_space<semaphore_mem>>)
          %dma_start3A_293 = arith.constant 0 : i32
          %dma_start3A_294 = arith.constant 0 : i32
          %dma_start3A_295 = arith.constant 0 : i32
          %dma_start3A_296 = arith.constant 0 : i32
          %dma_start3A_297 = tpu.memref_slice %arg10[%dma_start3A_293, %dma_start3A_295, %dma_start3A_296] : memref<2x80x128xf32, #tpu.memory_space<vmem>> -> memref<1x80x128xf32, #tpu.memory_space<vmem>>
          %dma_start3A_298 = tpu.memref_squeeze %dma_start3A_297 : memref<1x80x128xf32, #tpu.memory_space<vmem>> -> memref<80x128xf32, #tpu.memory_space<vmem>>
          %dma_start3A_299 = arith.constant 0 : i32
          %dma_start3A_300 = tpu.memref_slice %arg3[%add3A_280, %dma_start3A_299] : memref<320000x128xf32, #tpu.memory_space<hbm>> -> memref<80x128xf32, #tpu.memory_space<hbm>>
          %dma_start3A_301 = tpu.memref_slice %arg15[%dma_start3A_294] : memref<2x!tpu.dma_semaphore, #tpu.memory_space<semaphore_mem>> -> memref<1x!tpu.dma_semaphore, #tpu.memory_space<semaphore_mem>>
          %dma_start3A_302 = tpu.memref_squeeze %dma_start3A_301 : memref<1x!tpu.dma_semaphore, #tpu.memory_space<semaphore_mem>> -> memref<!tpu.dma_semaphore, #tpu.memory_space<semaphore_mem>>
          %dma_start3A_303 = arith.constant 0 : i32
          %dma_start3A_304 = arith.constant 0 : i32
          %dma_start3A_305 = tpu.memref_slice %arg10[%dma_start3A_293, %dma_start3A_303, %dma_start3A_304] : memref<2x80x128xf32, #tpu.memory_space<vmem>> -> memref<1x80x128xf32, #tpu.memory_space<vmem>>
          %dma_start3A_306 = tpu.memref_squeeze %dma_start3A_305 : memref<1x80x128xf32, #tpu.memory_space<vmem>> -> memref<80x128xf32, #tpu.memory_space<vmem>>
          %dma_start3A_307 = arith.constant 0 : i32
          %dma_start3A_308 = tpu.memref_slice %arg3[%add3A_280, %dma_start3A_307] : memref<320000x128xf32, #tpu.memory_space<hbm>> -> memref<80x128xf32, #tpu.memory_space<hbm>>
          tpu.enqueue_dma source(%dma_start3A_308 : memref<80x128xf32, #tpu.memory_space<hbm>>) target(%dma_start3A_306 : memref<80x128xf32, #tpu.memory_space<vmem>>) target_semaphore(%dma_start3A_302 : memref<!tpu.dma_semaphore, #tpu.memory_space<semaphore_mem>>)
          %dma_start3A_309 = arith.constant 0 : i32
          %dma_start3A_310 = arith.constant 0 : i32
          %dma_start3A_311 = arith.constant 0 : i32
          %dma_start3A_312 = arith.constant 0 : i32
          %dma_start3A_313 = arith.constant 0 : i32
          %dma_start3A_314 = tpu.memref_slice %arg11[%dma_start3A_310, %dma_start3A_312, %dma_start3A_313] : memref<2x80x128xf32, #tpu.memory_space<vmem>> -> memref<1x80x128xf32, #tpu.memory_space<vmem>>
          %dma_start3A_315 = tpu.memref_squeeze %dma_start3A_314 : memref<1x80x128xf32, #tpu.memory_space<vmem>> -> memref<80x128xf32, #tpu.memory_space<vmem>>
          %dma_start3A_316 = arith.constant 0 : i32
          %dma_start3A_317 = tpu.memref_slice %arg8[%dma_start3A_309, %dma_start3A_316] : memref<2x80xi32, #tpu.memory_space<vmem>> -> memref<1x80xi32, #tpu.memory_space<vmem>>
          %dma_start3A_318 = tpu.memref_squeeze %dma_start3A_317 : memref<1x80xi32, #tpu.memory_space<vmem>> -> memref<80xi32, #tpu.memory_space<vmem>>
          %dma_start3A_319 = arith.constant 0 : i32
          %dma_start3A_320 = arith.constant 0 : i32
          %dma_start3A_321 = tpu.memref_slice %arg2[%dma_start3A_319, %dma_start3A_320] : memref<10000x128xf32, #tpu.memory_space<hbm>> -> memref<10000x128xf32, #tpu.memory_space<hbm>>
          %dma_start3A_322 = tpu.memref_slice %arg16[%dma_start3A_311] : memref<2x!tpu.dma_semaphore, #tpu.memory_space<semaphore_mem>> -> memref<1x!tpu.dma_semaphore, #tpu.memory_space<semaphore_mem>>
          %dma_start3A_323 = tpu.memref_squeeze %dma_start3A_322 : memref<1x!tpu.dma_semaphore, #tpu.memory_space<semaphore_mem>> -> memref<!tpu.dma_semaphore, #tpu.memory_space<semaphore_mem>>
          tpu.enqueue_indirect_dma source(%dma_start3A_321 : memref<10000x128xf32, #tpu.memory_space<hbm>>) target(%dma_start3A_315 : memref<80x128xf32, #tpu.memory_space<vmem>>) offsets(%dma_start3A_318 : memref<80xi32, #tpu.memory_space<vmem>>) semaphore(%dma_start3A_323 : memref<!tpu.dma_semaphore, #tpu.memory_space<semaphore_mem>>)
        } else {
        }
        %dma_wait3A_192 = arith.constant 1 : i32
        %dma_wait3A_193 = arith.constant 1 : i32
        %dma_wait3A_194 = arith.constant 0 : i32
        %dma_wait3A_195 = arith.constant 0 : i32
        %dma_wait3A_196 = tpu.memref_slice %arg10[%dma_wait3A_192, %dma_wait3A_194, %dma_wait3A_195] : memref<2x80x128xf32, #tpu.memory_space<vmem>> -> memref<1x80x128xf32, #tpu.memory_space<vmem>>
        %dma_wait3A_197 = tpu.memref_squeeze %dma_wait3A_196 : memref<1x80x128xf32, #tpu.memory_space<vmem>> -> memref<80x128xf32, #tpu.memory_space<vmem>>
        %dma_wait3A_198 = arith.constant 0 : i32
        %dma_wait3A_199 = tpu.memref_slice %arg3[%mul3A_2, %dma_wait3A_198] : memref<320000x128xf32, #tpu.memory_space<hbm>> -> memref<80x128xf32, #tpu.memory_space<hbm>>
        %dma_wait3A_200 = tpu.memref_slice %arg15[%dma_wait3A_193] : memref<2x!tpu.dma_semaphore, #tpu.memory_space<semaphore_mem>> -> memref<1x!tpu.dma_semaphore, #tpu.memory_space<semaphore_mem>>
        %dma_wait3A_201 = tpu.memref_squeeze %dma_wait3A_200 : memref<1x!tpu.dma_semaphore, #tpu.memory_space<semaphore_mem>> -> memref<!tpu.dma_semaphore, #tpu.memory_space<semaphore_mem>>
        %dma_wait3A_202 = arith.constant 0 : i32
        %dma_wait3A_203 = arith.constant 0 : i32
        %dma_wait3A_204 = tpu.memref_slice %arg10[%dma_wait3A_192, %dma_wait3A_202, %dma_wait3A_203] : memref<2x80x128xf32, #tpu.memory_space<vmem>> -> memref<1x80x128xf32, #tpu.memory_space<vmem>>
        %dma_wait3A_205 = tpu.memref_squeeze %dma_wait3A_204 : memref<1x80x128xf32, #tpu.memory_space<vmem>> -> memref<80x128xf32, #tpu.memory_space<vmem>>
        %dma_wait3A_206 = arith.constant 0 : i32
        %dma_wait3A_207 = tpu.memref_slice %arg3[%mul3A_2, %dma_wait3A_206] : memref<320000x128xf32, #tpu.memory_space<hbm>> -> memref<80x128xf32, #tpu.memory_space<hbm>>
        tpu.wait_dma2 semaphore(%dma_wait3A_201 : memref<!tpu.dma_semaphore, #tpu.memory_space<semaphore_mem>>) src(%dma_wait3A_207 : memref<80x128xf32, #tpu.memory_space<hbm>>) dst(%dma_wait3A_205 : memref<80x128xf32, #tpu.memory_space<vmem>>)
        %dma_wait3A_208 = arith.constant 1 : i32
        %dma_wait3A_209 = arith.constant 1 : i32
        %dma_wait3A_210 = arith.constant 0 : i32
        %dma_wait3A_211 = arith.constant 0 : i32
        %dma_wait3A_212 = tpu.memref_slice %arg11[%dma_wait3A_208, %dma_wait3A_210, %dma_wait3A_211] : memref<2x80x128xf32, #tpu.memory_space<vmem>> -> memref<1x80x128xf32, #tpu.memory_space<vmem>>
        %dma_wait3A_213 = tpu.memref_squeeze %dma_wait3A_212 : memref<1x80x128xf32, #tpu.memory_space<vmem>> -> memref<80x128xf32, #tpu.memory_space<vmem>>
        %dma_wait3A_214 = arith.constant 0 : i32
        %dma_wait3A_215 = tpu.memref_slice %arg3[%mul3A_2, %dma_wait3A_214] : memref<320000x128xf32, #tpu.memory_space<hbm>> -> memref<80x128xf32, #tpu.memory_space<hbm>>
        %dma_wait3A_216 = tpu.memref_slice %arg16[%dma_wait3A_209] : memref<2x!tpu.dma_semaphore, #tpu.memory_space<semaphore_mem>> -> memref<1x!tpu.dma_semaphore, #tpu.memory_space<semaphore_mem>>
        %dma_wait3A_217 = tpu.memref_squeeze %dma_wait3A_216 : memref<1x!tpu.dma_semaphore, #tpu.memory_space<semaphore_mem>> -> memref<!tpu.dma_semaphore, #tpu.memory_space<semaphore_mem>>
        %dma_wait3A_218 = arith.constant 0 : i32
        %dma_wait3A_219 = arith.constant 0 : i32
        %dma_wait3A_220 = tpu.memref_slice %arg11[%dma_wait3A_208, %dma_wait3A_218, %dma_wait3A_219] : memref<2x80x128xf32, #tpu.memory_space<vmem>> -> memref<1x80x128xf32, #tpu.memory_space<vmem>>
        %dma_wait3A_221 = tpu.memref_squeeze %dma_wait3A_220 : memref<1x80x128xf32, #tpu.memory_space<vmem>> -> memref<80x128xf32, #tpu.memory_space<vmem>>
        %dma_wait3A_222 = arith.constant 0 : i32
        %dma_wait3A_223 = tpu.memref_slice %arg3[%mul3A_2, %dma_wait3A_222] : memref<320000x128xf32, #tpu.memory_space<hbm>> -> memref<80x128xf32, #tpu.memory_space<hbm>>
        tpu.wait_dma2 semaphore(%dma_wait3A_217 : memref<!tpu.dma_semaphore, #tpu.memory_space<semaphore_mem>>) src(%dma_wait3A_223 : memref<80x128xf32, #tpu.memory_space<hbm>>) dst(%dma_wait3A_221 : memref<80x128xf32, #tpu.memory_space<vmem>>)
        %add3A_224 = arith.constant 2 : i32
        %add3A_225 = arith.addi %add3A_174, %add3A_224 : i32
        %le3A_226 = arith.constant 124 : i32
        %le3A_227 = arith.cmpi sle, %add3A_225, %le3A_226 : i32
        %convert_element_type3A_228 = arith.extui %le3A_227 : i1 to i32
        %cond3A_229 = arith.constant 0 : i32
        %cond3A_230 = arith.cmpi ne, %convert_element_type3A_228, %cond3A_229 : i32
        scf.if %cond3A_230 {
          %add3A_264 = arith.constant 2 : i32
          %add3A_265 = arith.addi %add3A_174, %add3A_264 : i32
          %mul3A_266 = arith.constant 80 : i32
          %mul3A_267 = arith.muli %add3A_265, %mul3A_266 : i32
          %add3A_268 = arith.addi %mul3A_2, %mul3A_267 : i32
          %dma_start3A_269 = arith.constant 1 : i32
          %dma_start3A_270 = arith.constant 1 : i32
          %dma_start3A_271 = arith.constant 0 : i32
          %dma_start3A_272 = tpu.memref_slice %arg8[%dma_start3A_269, %dma_start3A_271] : memref<2x80xi32, #tpu.memory_space<vmem>> -> memref<1x80xi32, #tpu.memory_space<vmem>>
          %dma_start3A_273 = tpu.memref_squeeze %dma_start3A_272 : memref<1x80xi32, #tpu.memory_space<vmem>> -> memref<80xi32, #tpu.memory_space<vmem>>
          %dma_start3A_274 = tpu.memref_slice %arg4[%add3A_268] : memref<320000xi32, #tpu.memory_space<hbm>> -> memref<80xi32, #tpu.memory_space<hbm>>
          %dma_start3A_275 = tpu.memref_slice %arg13[%dma_start3A_270] : memref<2x!tpu.dma_semaphore, #tpu.memory_space<semaphore_mem>> -> memref<1x!tpu.dma_semaphore, #tpu.memory_space<semaphore_mem>>
          %dma_start3A_276 = tpu.memref_squeeze %dma_start3A_275 : memref<1x!tpu.dma_semaphore, #tpu.memory_space<semaphore_mem>> -> memref<!tpu.dma_semaphore, #tpu.memory_space<semaphore_mem>>
          %dma_start3A_277 = arith.constant 0 : i32
          %dma_start3A_278 = tpu.memref_slice %arg8[%dma_start3A_269, %dma_start3A_277] : memref<2x80xi32, #tpu.memory_space<vmem>> -> memref<1x80xi32, #tpu.memory_space<vmem>>
          %dma_start3A_279 = tpu.memref_squeeze %dma_start3A_278 : memref<1x80xi32, #tpu.memory_space<vmem>> -> memref<80xi32, #tpu.memory_space<vmem>>
          %dma_start3A_280 = tpu.memref_slice %arg4[%add3A_268] : memref<320000xi32, #tpu.memory_space<hbm>> -> memref<80xi32, #tpu.memory_space<hbm>>
          tpu.enqueue_dma source(%dma_start3A_280 : memref<80xi32, #tpu.memory_space<hbm>>) target(%dma_start3A_279 : memref<80xi32, #tpu.memory_space<vmem>>) target_semaphore(%dma_start3A_276 : memref<!tpu.dma_semaphore, #tpu.memory_space<semaphore_mem>>)
        } else {
        }
        %scan3A_231 = arith.constant 0 : i32
        %scan3A_232 = arith.constant 0 : i32
        %scan3A_233 = arith.constant 40 : i32
        %scan3A_234 = arith.addi %scan3A_232, %scan3A_233 : i32
        %scan3A_235 = arith.constant 1 : i32
        scf.for %scan3A_264 = %scan3A_232 to %scan3A_234 step %scan3A_235  : i32 {
          %mul3A_265 = arith.constant 2 : i32
          %mul3A_266 = arith.muli %scan3A_264, %mul3A_265 : i32
          %add3A_267 = arith.constant 0 : i32
          %add3A_268 = arith.addi %mul3A_266, %add3A_267 : i32
          %get3A = arith.constant 1 : i32
          %get3A_269 = arith.index_cast %get3A : i32 to index
          %get3A_270 = arith.index_cast %add3A_268 : i32 to index
          %get3A_271 = arith.constant 0 : index
          %get3A_272 = tpu.vector_load %arg11[%get3A_269, %get3A_270, %get3A_271] {strides = array<i32>} : memref<2x80x128xf32, #tpu.memory_space<vmem>>, vector<1x1x16xf32>,
          %get3A_273 = vector.shape_cast %get3A_272 : vector<1x1x16xf32> to vector<16xf32>
          %get3A_274 = arith.constant 1 : i32
          %get3A_275 = arith.index_cast %get3A_274 : i32 to index
          %get3A_276 = arith.index_cast %add3A_268 : i32 to index
          %get3A_277 = arith.constant 0 : index
          %get3A_278 = tpu.vector_load %arg10[%get3A_275, %get3A_276, %get3A_277] {strides = array<i32>} : memref<2x80x128xf32, #tpu.memory_space<vmem>>, vector<1x1x16xf32>,
          %get3A_279 = vector.shape_cast %get3A_278 : vector<1x1x16xf32> to vector<16xf32>
          %add3A_280 = arith.addf %get3A_273, %get3A_279 : vector<16xf32>
          %max3A = arith.constant 0.000000e+00 : f32
          %max3A_281 = vector.broadcast %max3A : f32 to vector<16xf32>
          %max3A_282 = arith.maximumf %add3A_280, %max3A_281 : vector<16xf32>
          %swap3A = arith.constant 1 : i32
          %swap3A_283 = arith.index_cast %swap3A : i32 to index
          %swap3A_284 = arith.index_cast %add3A_268 : i32 to index
          %swap3A_285 = arith.constant 0 : index
          %swap3A_286 = tpu.vector_load %arg11[%swap3A_283, %swap3A_284, %swap3A_285] {strides = array<i32>} : memref<2x80x128xf32, #tpu.memory_space<vmem>>, vector<1x1x16xf32>,
          %swap3A_287 = vector.shape_cast %swap3A_286 : vector<1x1x16xf32> to vector<16xf32>
          %swap3A_288 = vector.shape_cast %max3A_282 : vector<16xf32> to vector<1x1x16xf32>
          tpu.vector_store %arg11[%swap3A_283, %swap3A_284, %swap3A_285], %swap3A_288 {strides = array<i32>} : memref<2x80x128xf32, #tpu.memory_space<vmem>>, vector<1x1x16xf32>,
          %get3A_289 = arith.constant 1 : i32
          %get3A_290 = arith.index_cast %get3A_289 : i32 to index
          %get3A_291 = arith.index_cast %add3A_268 : i32 to index
          %get3A_292 = arith.constant 16 : index
          %get3A_293 = tpu.vector_load %arg11[%get3A_290, %get3A_291, %get3A_292] {strides = array<i32>} : memref<2x80x128xf32, #tpu.memory_space<vmem>>, vector<1x1x16xf32>,
          %get3A_294 = vector.shape_cast %get3A_293 : vector<1x1x16xf32> to vector<16xf32>
          %get3A_295 = arith.constant 1 : i32
          %get3A_296 = arith.index_cast %get3A_295 : i32 to index
          %get3A_297 = arith.index_cast %add3A_268 : i32 to index
          %get3A_298 = arith.constant 16 : index
          %get3A_299 = tpu.vector_load %arg10[%get3A_296, %get3A_297, %get3A_298] {strides = array<i32>} : memref<2x80x128xf32, #tpu.memory_space<vmem>>, vector<1x1x16xf32>,
          %get3A_300 = vector.shape_cast %get3A_299 : vector<1x1x16xf32> to vector<16xf32>
          %add3A_301 = arith.addf %get3A_294, %get3A_300 : vector<16xf32>
          %max3A_302 = arith.constant 0.000000e+00 : f32
          %max3A_303 = vector.broadcast %max3A_302 : f32 to vector<16xf32>
          %max3A_304 = arith.maximumf %add3A_301, %max3A_303 : vector<16xf32>
          %swap3A_305 = arith.constant 1 : i32
          %swap3A_306 = arith.index_cast %swap3A_305 : i32 to index
          %swap3A_307 = arith.index_cast %add3A_268 : i32 to index
          %swap3A_308 = arith.constant 16 : index
          %swap3A_309 = tpu.vector_load %arg11[%swap3A_306, %swap3A_307, %swap3A_308] {strides = array<i32>} : memref<2x80x128xf32, #tpu.memory_space<vmem>>, vector<1x1x16xf32>,
          %swap3A_310 = vector.shape_cast %swap3A_309 : vector<1x1x16xf32> to vector<16xf32>
          %swap3A_311 = vector.shape_cast %max3A_304 : vector<16xf32> to vector<1x1x16xf32>
          tpu.vector_store %arg11[%swap3A_306, %swap3A_307, %swap3A_308], %swap3A_311 {strides = array<i32>} : memref<2x80x128xf32, #tpu.memory_space<vmem>>, vector<1x1x16xf32>,
          %get3A_312 = arith.constant 1 : i32
          %get3A_313 = arith.index_cast %get3A_312 : i32 to index
          %get3A_314 = arith.index_cast %add3A_268 : i32 to index
          %get3A_315 = arith.constant 32 : index
          %get3A_316 = tpu.vector_load %arg11[%get3A_313, %get3A_314, %get3A_315] {strides = array<i32>} : memref<2x80x128xf32, #tpu.memory_space<vmem>>, vector<1x1x16xf32>,
          %get3A_317 = vector.shape_cast %get3A_316 : vector<1x1x16xf32> to vector<16xf32>
          %get3A_318 = arith.constant 1 : i32
          %get3A_319 = arith.index_cast %get3A_318 : i32 to index
          %get3A_320 = arith.index_cast %add3A_268 : i32 to index
          %get3A_321 = arith.constant 32 : index
          %get3A_322 = tpu.vector_load %arg10[%get3A_319, %get3A_320, %get3A_321] {strides = array<i32>} : memref<2x80x128xf32, #tpu.memory_space<vmem>>, vector<1x1x16xf32>,
          %get3A_323 = vector.shape_cast %get3A_322 : vector<1x1x16xf32> to vector<16xf32>
          %add3A_324 = arith.addf %get3A_317, %get3A_323 : vector<16xf32>
          %max3A_325 = arith.constant 0.000000e+00 : f32
          %max3A_326 = vector.broadcast %max3A_325 : f32 to vector<16xf32>
          %max3A_327 = arith.maximumf %add3A_324, %max3A_326 : vector<16xf32>
          %swap3A_328 = arith.constant 1 : i32
          %swap3A_329 = arith.index_cast %swap3A_328 : i32 to index
          %swap3A_330 = arith.index_cast %add3A_268 : i32 to index
          %swap3A_331 = arith.constant 32 : index
          %swap3A_332 = tpu.vector_load %arg11[%swap3A_329, %swap3A_330, %swap3A_331] {strides = array<i32>} : memref<2x80x128xf32, #tpu.memory_space<vmem>>, vector<1x1x16xf32>,
          %swap3A_333 = vector.shape_cast %swap3A_332 : vector<1x1x16xf32> to vector<16xf32>
          %swap3A_334 = vector.shape_cast %max3A_327 : vector<16xf32> to vector<1x1x16xf32>
          tpu.vector_store %arg11[%swap3A_329, %swap3A_330, %swap3A_331], %swap3A_334 {strides = array<i32>} : memref<2x80x128xf32, #tpu.memory_space<vmem>>, vector<1x1x16xf32>,
          %get3A_335 = arith.constant 1 : i32
          %get3A_336 = arith.index_cast %get3A_335 : i32 to index
          %get3A_337 = arith.index_cast %add3A_268 : i32 to index
          %get3A_338 = arith.constant 48 : index
          %get3A_339 = tpu.vector_load %arg11[%get3A_336, %get3A_337, %get3A_338] {strides = array<i32>} : memref<2x80x128xf32, #tpu.memory_space<vmem>>, vector<1x1x16xf32>,
          %get3A_340 = vector.shape_cast %get3A_339 : vector<1x1x16xf32> to vector<16xf32>
          %get3A_341 = arith.constant 1 : i32
          %get3A_342 = arith.index_cast %get3A_341 : i32 to index
          %get3A_343 = arith.index_cast %add3A_268 : i32 to index
          %get3A_344 = arith.constant 48 : index
          %get3A_345 = tpu.vector_load %arg10[%get3A_342, %get3A_343, %get3A_344] {strides = array<i32>} : memref<2x80x128xf32, #tpu.memory_space<vmem>>, vector<1x1x16xf32>,
          %get3A_346 = vector.shape_cast %get3A_345 : vector<1x1x16xf32> to vector<16xf32>
          %add3A_347 = arith.addf %get3A_340, %get3A_346 : vector<16xf32>
          %max3A_348 = arith.constant 0.000000e+00 : f32
          %max3A_349 = vector.broadcast %max3A_348 : f32 to vector<16xf32>
          %max3A_350 = arith.maximumf %add3A_347, %max3A_349 : vector<16xf32>
          %swap3A_351 = arith.constant 1 : i32
          %swap3A_352 = arith.index_cast %swap3A_351 : i32 to index
          %swap3A_353 = arith.index_cast %add3A_268 : i32 to index
          %swap3A_354 = arith.constant 48 : index
          %swap3A_355 = tpu.vector_load %arg11[%swap3A_352, %swap3A_353, %swap3A_354] {strides = array<i32>} : memref<2x80x128xf32, #tpu.memory_space<vmem>>, vector<1x1x16xf32>,
          %swap3A_356 = vector.shape_cast %swap3A_355 : vector<1x1x16xf32> to vector<16xf32>
          %swap3A_357 = vector.shape_cast %max3A_350 : vector<16xf32> to vector<1x1x16xf32>
          tpu.vector_store %arg11[%swap3A_352, %swap3A_353, %swap3A_354], %swap3A_357 {strides = array<i32>} : memref<2x80x128xf32, #tpu.memory_space<vmem>>, vector<1x1x16xf32>,
          %get3A_358 = arith.constant 1 : i32
          %get3A_359 = arith.index_cast %get3A_358 : i32 to index
          %get3A_360 = arith.index_cast %add3A_268 : i32 to index
          %get3A_361 = arith.constant 64 : index
          %get3A_362 = tpu.vector_load %arg11[%get3A_359, %get3A_360, %get3A_361] {strides = array<i32>} : memref<2x80x128xf32, #tpu.memory_space<vmem>>, vector<1x1x16xf32>,
          %get3A_363 = vector.shape_cast %get3A_362 : vector<1x1x16xf32> to vector<16xf32>
          %get3A_364 = arith.constant 1 : i32
          %get3A_365 = arith.index_cast %get3A_364 : i32 to index
          %get3A_366 = arith.index_cast %add3A_268 : i32 to index
          %get3A_367 = arith.constant 64 : index
          %get3A_368 = tpu.vector_load %arg10[%get3A_365, %get3A_366, %get3A_367] {strides = array<i32>} : memref<2x80x128xf32, #tpu.memory_space<vmem>>, vector<1x1x16xf32>,
          %get3A_369 = vector.shape_cast %get3A_368 : vector<1x1x16xf32> to vector<16xf32>
          %add3A_370 = arith.addf %get3A_363, %get3A_369 : vector<16xf32>
          %max3A_371 = arith.constant 0.000000e+00 : f32
          %max3A_372 = vector.broadcast %max3A_371 : f32 to vector<16xf32>
          %max3A_373 = arith.maximumf %add3A_370, %max3A_372 : vector<16xf32>
          %swap3A_374 = arith.constant 1 : i32
          %swap3A_375 = arith.index_cast %swap3A_374 : i32 to index
          %swap3A_376 = arith.index_cast %add3A_268 : i32 to index
          %swap3A_377 = arith.constant 64 : index
          %swap3A_378 = tpu.vector_load %arg11[%swap3A_375, %swap3A_376, %swap3A_377] {strides = array<i32>} : memref<2x80x128xf32, #tpu.memory_space<vmem>>, vector<1x1x16xf32>,
          %swap3A_379 = vector.shape_cast %swap3A_378 : vector<1x1x16xf32> to vector<16xf32>
          %swap3A_380 = vector.shape_cast %max3A_373 : vector<16xf32> to vector<1x1x16xf32>
          tpu.vector_store %arg11[%swap3A_375, %swap3A_376, %swap3A_377], %swap3A_380 {strides = array<i32>} : memref<2x80x128xf32, #tpu.memory_space<vmem>>, vector<1x1x16xf32>,
          %get3A_381 = arith.constant 1 : i32
          %get3A_382 = arith.index_cast %get3A_381 : i32 to index
          %get3A_383 = arith.index_cast %add3A_268 : i32 to index
          %get3A_384 = arith.constant 80 : index
          %get3A_385 = tpu.vector_load %arg11[%get3A_382, %get3A_383, %get3A_384] {strides = array<i32>} : memref<2x80x128xf32, #tpu.memory_space<vmem>>, vector<1x1x16xf32>,
          %get3A_386 = vector.shape_cast %get3A_385 : vector<1x1x16xf32> to vector<16xf32>
          %get3A_387 = arith.constant 1 : i32
          %get3A_388 = arith.index_cast %get3A_387 : i32 to index
          %get3A_389 = arith.index_cast %add3A_268 : i32 to index
          %get3A_390 = arith.constant 80 : index
          %get3A_391 = tpu.vector_load %arg10[%get3A_388, %get3A_389, %get3A_390] {strides = array<i32>} : memref<2x80x128xf32, #tpu.memory_space<vmem>>, vector<1x1x16xf32>,
          %get3A_392 = vector.shape_cast %get3A_391 : vector<1x1x16xf32> to vector<16xf32>
          %add3A_393 = arith.addf %get3A_386, %get3A_392 : vector<16xf32>
          %max3A_394 = arith.constant 0.000000e+00 : f32
          %max3A_395 = vector.broadcast %max3A_394 : f32 to vector<16xf32>
          %max3A_396 = arith.maximumf %add3A_393, %max3A_395 : vector<16xf32>
          %swap3A_397 = arith.constant 1 : i32
          %swap3A_398 = arith.index_cast %swap3A_397 : i32 to index
          %swap3A_399 = arith.index_cast %add3A_268 : i32 to index
          %swap3A_400 = arith.constant 80 : index
          %swap3A_401 = tpu.vector_load %arg11[%swap3A_398, %swap3A_399, %swap3A_400] {strides = array<i32>} : memref<2x80x128xf32, #tpu.memory_space<vmem>>, vector<1x1x16xf32>,
          %swap3A_402 = vector.shape_cast %swap3A_401 : vector<1x1x16xf32> to vector<16xf32>
          %swap3A_403 = vector.shape_cast %max3A_396 : vector<16xf32> to vector<1x1x16xf32>
          tpu.vector_store %arg11[%swap3A_398, %swap3A_399, %swap3A_400], %swap3A_403 {strides = array<i32>} : memref<2x80x128xf32, #tpu.memory_space<vmem>>, vector<1x1x16xf32>,
          %get3A_404 = arith.constant 1 : i32
          %get3A_405 = arith.index_cast %get3A_404 : i32 to index
          %get3A_406 = arith.index_cast %add3A_268 : i32 to index
          %get3A_407 = arith.constant 96 : index
          %get3A_408 = tpu.vector_load %arg11[%get3A_405, %get3A_406, %get3A_407] {strides = array<i32>} : memref<2x80x128xf32, #tpu.memory_space<vmem>>, vector<1x1x16xf32>,
          %get3A_409 = vector.shape_cast %get3A_408 : vector<1x1x16xf32> to vector<16xf32>
          %get3A_410 = arith.constant 1 : i32
          %get3A_411 = arith.index_cast %get3A_410 : i32 to index
          %get3A_412 = arith.index_cast %add3A_268 : i32 to index
          %get3A_413 = arith.constant 96 : index
          %get3A_414 = tpu.vector_load %arg10[%get3A_411, %get3A_412, %get3A_413] {strides = array<i32>} : memref<2x80x128xf32, #tpu.memory_space<vmem>>, vector<1x1x16xf32>,
          %get3A_415 = vector.shape_cast %get3A_414 : vector<1x1x16xf32> to vector<16xf32>
          %add3A_416 = arith.addf %get3A_409, %get3A_415 : vector<16xf32>
          %max3A_417 = arith.constant 0.000000e+00 : f32
          %max3A_418 = vector.broadcast %max3A_417 : f32 to vector<16xf32>
          %max3A_419 = arith.maximumf %add3A_416, %max3A_418 : vector<16xf32>
          %swap3A_420 = arith.constant 1 : i32
          %swap3A_421 = arith.index_cast %swap3A_420 : i32 to index
          %swap3A_422 = arith.index_cast %add3A_268 : i32 to index
          %swap3A_423 = arith.constant 96 : index
          %swap3A_424 = tpu.vector_load %arg11[%swap3A_421, %swap3A_422, %swap3A_423] {strides = array<i32>} : memref<2x80x128xf32, #tpu.memory_space<vmem>>, vector<1x1x16xf32>,
          %swap3A_425 = vector.shape_cast %swap3A_424 : vector<1x1x16xf32> to vector<16xf32>
          %swap3A_426 = vector.shape_cast %max3A_419 : vector<16xf32> to vector<1x1x16xf32>
          tpu.vector_store %arg11[%swap3A_421, %swap3A_422, %swap3A_423], %swap3A_426 {strides = array<i32>} : memref<2x80x128xf32, #tpu.memory_space<vmem>>, vector<1x1x16xf32>,
          %get3A_427 = arith.constant 1 : i32
          %get3A_428 = arith.index_cast %get3A_427 : i32 to index
          %get3A_429 = arith.index_cast %add3A_268 : i32 to index
          %get3A_430 = arith.constant 112 : index
          %get3A_431 = tpu.vector_load %arg11[%get3A_428, %get3A_429, %get3A_430] {strides = array<i32>} : memref<2x80x128xf32, #tpu.memory_space<vmem>>, vector<1x1x16xf32>,
          %get3A_432 = vector.shape_cast %get3A_431 : vector<1x1x16xf32> to vector<16xf32>
          %get3A_433 = arith.constant 1 : i32
          %get3A_434 = arith.index_cast %get3A_433 : i32 to index
          %get3A_435 = arith.index_cast %add3A_268 : i32 to index
          %get3A_436 = arith.constant 112 : index
          %get3A_437 = tpu.vector_load %arg10[%get3A_434, %get3A_435, %get3A_436] {strides = array<i32>} : memref<2x80x128xf32, #tpu.memory_space<vmem>>, vector<1x1x16xf32>,
          %get3A_438 = vector.shape_cast %get3A_437 : vector<1x1x16xf32> to vector<16xf32>
          %add3A_439 = arith.addf %get3A_432, %get3A_438 : vector<16xf32>
          %max3A_440 = arith.constant 0.000000e+00 : f32
          %max3A_441 = vector.broadcast %max3A_440 : f32 to vector<16xf32>
          %max3A_442 = arith.maximumf %add3A_439, %max3A_441 : vector<16xf32>
          %swap3A_443 = arith.constant 1 : i32
          %swap3A_444 = arith.index_cast %swap3A_443 : i32 to index
          %swap3A_445 = arith.index_cast %add3A_268 : i32 to index
          %swap3A_446 = arith.constant 112 : index
          %swap3A_447 = tpu.vector_load %arg11[%swap3A_444, %swap3A_445, %swap3A_446] {strides = array<i32>} : memref<2x80x128xf32, #tpu.memory_space<vmem>>, vector<1x1x16xf32>,
          %swap3A_448 = vector.shape_cast %swap3A_447 : vector<1x1x16xf32> to vector<16xf32>
          %swap3A_449 = vector.shape_cast %max3A_442 : vector<16xf32> to vector<1x1x16xf32>
          tpu.vector_store %arg11[%swap3A_444, %swap3A_445, %swap3A_446], %swap3A_449 {strides = array<i32>} : memref<2x80x128xf32, #tpu.memory_space<vmem>>, vector<1x1x16xf32>,
          %mul3A_450 = arith.constant 2 : i32
          %mul3A_451 = arith.muli %scan3A_264, %mul3A_450 : i32
          %add3A_452 = arith.constant 1 : i32
          %add3A_453 = arith.addi %mul3A_451, %add3A_452 : i32
          %get3A_454 = arith.constant 1 : i32
          %get3A_455 = arith.index_cast %get3A_454 : i32 to index
          %get3A_456 = arith.index_cast %add3A_453 : i32 to index
          %get3A_457 = arith.constant 0 : index
          %get3A_458 = tpu.vector_load %arg11[%get3A_455, %get3A_456, %get3A_457] {strides = array<i32>} : memref<2x80x128xf32, #tpu.memory_space<vmem>>, vector<1x1x16xf32>,
          %get3A_459 = vector.shape_cast %get3A_458 : vector<1x1x16xf32> to vector<16xf32>
          %get3A_460 = arith.constant 1 : i32
          %get3A_461 = arith.index_cast %get3A_460 : i32 to index
          %get3A_462 = arith.index_cast %add3A_453 : i32 to index
          %get3A_463 = arith.constant 0 : index
          %get3A_464 = tpu.vector_load %arg10[%get3A_461, %get3A_462, %get3A_463] {strides = array<i32>} : memref<2x80x128xf32, #tpu.memory_space<vmem>>, vector<1x1x16xf32>,
          %get3A_465 = vector.shape_cast %get3A_464 : vector<1x1x16xf32> to vector<16xf32>
          %add3A_466 = arith.addf %get3A_459, %get3A_465 : vector<16xf32>
          %max3A_467 = arith.constant 0.000000e+00 : f32
          %max3A_468 = vector.broadcast %max3A_467 : f32 to vector<16xf32>
          %max3A_469 = arith.maximumf %add3A_466, %max3A_468 : vector<16xf32>
          %swap3A_470 = arith.constant 1 : i32
          %swap3A_471 = arith.index_cast %swap3A_470 : i32 to index
          %swap3A_472 = arith.index_cast %add3A_453 : i32 to index
          %swap3A_473 = arith.constant 0 : index
          %swap3A_474 = tpu.vector_load %arg11[%swap3A_471, %swap3A_472, %swap3A_473] {strides = array<i32>} : memref<2x80x128xf32, #tpu.memory_space<vmem>>, vector<1x1x16xf32>,
          %swap3A_475 = vector.shape_cast %swap3A_474 : vector<1x1x16xf32> to vector<16xf32>
          %swap3A_476 = vector.shape_cast %max3A_469 : vector<16xf32> to vector<1x1x16xf32>
          tpu.vector_store %arg11[%swap3A_471, %swap3A_472, %swap3A_473], %swap3A_476 {strides = array<i32>} : memref<2x80x128xf32, #tpu.memory_space<vmem>>, vector<1x1x16xf32>,
          %get3A_477 = arith.constant 1 : i32
          %get3A_478 = arith.index_cast %get3A_477 : i32 to index
          %get3A_479 = arith.index_cast %add3A_453 : i32 to index
          %get3A_480 = arith.constant 16 : index
          %get3A_481 = tpu.vector_load %arg11[%get3A_478, %get3A_479, %get3A_480] {strides = array<i32>} : memref<2x80x128xf32, #tpu.memory_space<vmem>>, vector<1x1x16xf32>,
          %get3A_482 = vector.shape_cast %get3A_481 : vector<1x1x16xf32> to vector<16xf32>
          %get3A_483 = arith.constant 1 : i32
          %get3A_484 = arith.index_cast %get3A_483 : i32 to index
          %get3A_485 = arith.index_cast %add3A_453 : i32 to index
          %get3A_486 = arith.constant 16 : index
          %get3A_487 = tpu.vector_load %arg10[%get3A_484, %get3A_485, %get3A_486] {strides = array<i32>} : memref<2x80x128xf32, #tpu.memory_space<vmem>>, vector<1x1x16xf32>,
          %get3A_488 = vector.shape_cast %get3A_487 : vector<1x1x16xf32> to vector<16xf32>
          %add3A_489 = arith.addf %get3A_482, %get3A_488 : vector<16xf32>
          %max3A_490 = arith.constant 0.000000e+00 : f32
          %max3A_491 = vector.broadcast %max3A_490 : f32 to vector<16xf32>
          %max3A_492 = arith.maximumf %add3A_489, %max3A_491 : vector<16xf32>
          %swap3A_493 = arith.constant 1 : i32
          %swap3A_494 = arith.index_cast %swap3A_493 : i32 to index
          %swap3A_495 = arith.index_cast %add3A_453 : i32 to index
          %swap3A_496 = arith.constant 16 : index
          %swap3A_497 = tpu.vector_load %arg11[%swap3A_494, %swap3A_495, %swap3A_496] {strides = array<i32>} : memref<2x80x128xf32, #tpu.memory_space<vmem>>, vector<1x1x16xf32>,
          %swap3A_498 = vector.shape_cast %swap3A_497 : vector<1x1x16xf32> to vector<16xf32>
          %swap3A_499 = vector.shape_cast %max3A_492 : vector<16xf32> to vector<1x1x16xf32>
          tpu.vector_store %arg11[%swap3A_494, %swap3A_495, %swap3A_496], %swap3A_499 {strides = array<i32>} : memref<2x80x128xf32, #tpu.memory_space<vmem>>, vector<1x1x16xf32>,
          %get3A_500 = arith.constant 1 : i32
          %get3A_501 = arith.index_cast %get3A_500 : i32 to index
          %get3A_502 = arith.index_cast %add3A_453 : i32 to index
          %get3A_503 = arith.constant 32 : index
          %get3A_504 = tpu.vector_load %arg11[%get3A_501, %get3A_502, %get3A_503] {strides = array<i32>} : memref<2x80x128xf32, #tpu.memory_space<vmem>>, vector<1x1x16xf32>,
          %get3A_505 = vector.shape_cast %get3A_504 : vector<1x1x16xf32> to vector<16xf32>
          %get3A_506 = arith.constant 1 : i32
          %get3A_507 = arith.index_cast %get3A_506 : i32 to index
          %get3A_508 = arith.index_cast %add3A_453 : i32 to index
          %get3A_509 = arith.constant 32 : index
          %get3A_510 = tpu.vector_load %arg10[%get3A_507, %get3A_508, %get3A_509] {strides = array<i32>} : memref<2x80x128xf32, #tpu.memory_space<vmem>>, vector<1x1x16xf32>,
          %get3A_511 = vector.shape_cast %get3A_510 : vector<1x1x16xf32> to vector<16xf32>
          %add3A_512 = arith.addf %get3A_505, %get3A_511 : vector<16xf32>
          %max3A_513 = arith.constant 0.000000e+00 : f32
          %max3A_514 = vector.broadcast %max3A_513 : f32 to vector<16xf32>
          %max3A_515 = arith.maximumf %add3A_512, %max3A_514 : vector<16xf32>
          %swap3A_516 = arith.constant 1 : i32
          %swap3A_517 = arith.index_cast %swap3A_516 : i32 to index
          %swap3A_518 = arith.index_cast %add3A_453 : i32 to index
          %swap3A_519 = arith.constant 32 : index
          %swap3A_520 = tpu.vector_load %arg11[%swap3A_517, %swap3A_518, %swap3A_519] {strides = array<i32>} : memref<2x80x128xf32, #tpu.memory_space<vmem>>, vector<1x1x16xf32>,
          %swap3A_521 = vector.shape_cast %swap3A_520 : vector<1x1x16xf32> to vector<16xf32>
          %swap3A_522 = vector.shape_cast %max3A_515 : vector<16xf32> to vector<1x1x16xf32>
          tpu.vector_store %arg11[%swap3A_517, %swap3A_518, %swap3A_519], %swap3A_522 {strides = array<i32>} : memref<2x80x128xf32, #tpu.memory_space<vmem>>, vector<1x1x16xf32>,
          %get3A_523 = arith.constant 1 : i32
          %get3A_524 = arith.index_cast %get3A_523 : i32 to index
          %get3A_525 = arith.index_cast %add3A_453 : i32 to index
          %get3A_526 = arith.constant 48 : index
          %get3A_527 = tpu.vector_load %arg11[%get3A_524, %get3A_525, %get3A_526] {strides = array<i32>} : memref<2x80x128xf32, #tpu.memory_space<vmem>>, vector<1x1x16xf32>,
          %get3A_528 = vector.shape_cast %get3A_527 : vector<1x1x16xf32> to vector<16xf32>
          %get3A_529 = arith.constant 1 : i32
          %get3A_530 = arith.index_cast %get3A_529 : i32 to index
          %get3A_531 = arith.index_cast %add3A_453 : i32 to index
          %get3A_532 = arith.constant 48 : index
          %get3A_533 = tpu.vector_load %arg10[%get3A_530, %get3A_531, %get3A_532] {strides = array<i32>} : memref<2x80x128xf32, #tpu.memory_space<vmem>>, vector<1x1x16xf32>,
          %get3A_534 = vector.shape_cast %get3A_533 : vector<1x1x16xf32> to vector<16xf32>
          %add3A_535 = arith.addf %get3A_528, %get3A_534 : vector<16xf32>
          %max3A_536 = arith.constant 0.000000e+00 : f32
          %max3A_537 = vector.broadcast %max3A_536 : f32 to vector<16xf32>
          %max3A_538 = arith.maximumf %add3A_535, %max3A_537 : vector<16xf32>
          %swap3A_539 = arith.constant 1 : i32
          %swap3A_540 = arith.index_cast %swap3A_539 : i32 to index
          %swap3A_541 = arith.index_cast %add3A_453 : i32 to index
          %swap3A_542 = arith.constant 48 : index
          %swap3A_543 = tpu.vector_load %arg11[%swap3A_540, %swap3A_541, %swap3A_542] {strides = array<i32>} : memref<2x80x128xf32, #tpu.memory_space<vmem>>, vector<1x1x16xf32>,
          %swap3A_544 = vector.shape_cast %swap3A_543 : vector<1x1x16xf32> to vector<16xf32>
          %swap3A_545 = vector.shape_cast %max3A_538 : vector<16xf32> to vector<1x1x16xf32>
          tpu.vector_store %arg11[%swap3A_540, %swap3A_541, %swap3A_542], %swap3A_545 {strides = array<i32>} : memref<2x80x128xf32, #tpu.memory_space<vmem>>, vector<1x1x16xf32>,
          %get3A_546 = arith.constant 1 : i32
          %get3A_547 = arith.index_cast %get3A_546 : i32 to index
          %get3A_548 = arith.index_cast %add3A_453 : i32 to index
          %get3A_549 = arith.constant 64 : index
          %get3A_550 = tpu.vector_load %arg11[%get3A_547, %get3A_548, %get3A_549] {strides = array<i32>} : memref<2x80x128xf32, #tpu.memory_space<vmem>>, vector<1x1x16xf32>,
          %get3A_551 = vector.shape_cast %get3A_550 : vector<1x1x16xf32> to vector<16xf32>
          %get3A_552 = arith.constant 1 : i32
          %get3A_553 = arith.index_cast %get3A_552 : i32 to index
          %get3A_554 = arith.index_cast %add3A_453 : i32 to index
          %get3A_555 = arith.constant 64 : index
          %get3A_556 = tpu.vector_load %arg10[%get3A_553, %get3A_554, %get3A_555] {strides = array<i32>} : memref<2x80x128xf32, #tpu.memory_space<vmem>>, vector<1x1x16xf32>,
          %get3A_557 = vector.shape_cast %get3A_556 : vector<1x1x16xf32> to vector<16xf32>
          %add3A_558 = arith.addf %get3A_551, %get3A_557 : vector<16xf32>
          %max3A_559 = arith.constant 0.000000e+00 : f32
          %max3A_560 = vector.broadcast %max3A_559 : f32 to vector<16xf32>
          %max3A_561 = arith.maximumf %add3A_558, %max3A_560 : vector<16xf32>
          %swap3A_562 = arith.constant 1 : i32
          %swap3A_563 = arith.index_cast %swap3A_562 : i32 to index
          %swap3A_564 = arith.index_cast %add3A_453 : i32 to index
          %swap3A_565 = arith.constant 64 : index
          %swap3A_566 = tpu.vector_load %arg11[%swap3A_563, %swap3A_564, %swap3A_565] {strides = array<i32>} : memref<2x80x128xf32, #tpu.memory_space<vmem>>, vector<1x1x16xf32>,
          %swap3A_567 = vector.shape_cast %swap3A_566 : vector<1x1x16xf32> to vector<16xf32>
          %swap3A_568 = vector.shape_cast %max3A_561 : vector<16xf32> to vector<1x1x16xf32>
          tpu.vector_store %arg11[%swap3A_563, %swap3A_564, %swap3A_565], %swap3A_568 {strides = array<i32>} : memref<2x80x128xf32, #tpu.memory_space<vmem>>, vector<1x1x16xf32>,
          %get3A_569 = arith.constant 1 : i32
          %get3A_570 = arith.index_cast %get3A_569 : i32 to index
          %get3A_571 = arith.index_cast %add3A_453 : i32 to index
          %get3A_572 = arith.constant 80 : index
          %get3A_573 = tpu.vector_load %arg11[%get3A_570, %get3A_571, %get3A_572] {strides = array<i32>} : memref<2x80x128xf32, #tpu.memory_space<vmem>>, vector<1x1x16xf32>,
          %get3A_574 = vector.shape_cast %get3A_573 : vector<1x1x16xf32> to vector<16xf32>
          %get3A_575 = arith.constant 1 : i32
          %get3A_576 = arith.index_cast %get3A_575 : i32 to index
          %get3A_577 = arith.index_cast %add3A_453 : i32 to index
          %get3A_578 = arith.constant 80 : index
          %get3A_579 = tpu.vector_load %arg10[%get3A_576, %get3A_577, %get3A_578] {strides = array<i32>} : memref<2x80x128xf32, #tpu.memory_space<vmem>>, vector<1x1x16xf32>,
          %get3A_580 = vector.shape_cast %get3A_579 : vector<1x1x16xf32> to vector<16xf32>
          %add3A_581 = arith.addf %get3A_574, %get3A_580 : vector<16xf32>
          %max3A_582 = arith.constant 0.000000e+00 : f32
          %max3A_583 = vector.broadcast %max3A_582 : f32 to vector<16xf32>
          %max3A_584 = arith.maximumf %add3A_581, %max3A_583 : vector<16xf32>
          %swap3A_585 = arith.constant 1 : i32
          %swap3A_586 = arith.index_cast %swap3A_585 : i32 to index
          %swap3A_587 = arith.index_cast %add3A_453 : i32 to index
          %swap3A_588 = arith.constant 80 : index
          %swap3A_589 = tpu.vector_load %arg11[%swap3A_586, %swap3A_587, %swap3A_588] {strides = array<i32>} : memref<2x80x128xf32, #tpu.memory_space<vmem>>, vector<1x1x16xf32>,
          %swap3A_590 = vector.shape_cast %swap3A_589 : vector<1x1x16xf32> to vector<16xf32>
          %swap3A_591 = vector.shape_cast %max3A_584 : vector<16xf32> to vector<1x1x16xf32>
          tpu.vector_store %arg11[%swap3A_586, %swap3A_587, %swap3A_588], %swap3A_591 {strides = array<i32>} : memref<2x80x128xf32, #tpu.memory_space<vmem>>, vector<1x1x16xf32>,
          %get3A_592 = arith.constant 1 : i32
          %get3A_593 = arith.index_cast %get3A_592 : i32 to index
          %get3A_594 = arith.index_cast %add3A_453 : i32 to index
          %get3A_595 = arith.constant 96 : index
          %get3A_596 = tpu.vector_load %arg11[%get3A_593, %get3A_594, %get3A_595] {strides = array<i32>} : memref<2x80x128xf32, #tpu.memory_space<vmem>>, vector<1x1x16xf32>,
          %get3A_597 = vector.shape_cast %get3A_596 : vector<1x1x16xf32> to vector<16xf32>
          %get3A_598 = arith.constant 1 : i32
          %get3A_599 = arith.index_cast %get3A_598 : i32 to index
          %get3A_600 = arith.index_cast %add3A_453 : i32 to index
          %get3A_601 = arith.constant 96 : index
          %get3A_602 = tpu.vector_load %arg10[%get3A_599, %get3A_600, %get3A_601] {strides = array<i32>} : memref<2x80x128xf32, #tpu.memory_space<vmem>>, vector<1x1x16xf32>,
          %get3A_603 = vector.shape_cast %get3A_602 : vector<1x1x16xf32> to vector<16xf32>
          %add3A_604 = arith.addf %get3A_597, %get3A_603 : vector<16xf32>
          %max3A_605 = arith.constant 0.000000e+00 : f32
          %max3A_606 = vector.broadcast %max3A_605 : f32 to vector<16xf32>
          %max3A_607 = arith.maximumf %add3A_604, %max3A_606 : vector<16xf32>
          %swap3A_608 = arith.constant 1 : i32
          %swap3A_609 = arith.index_cast %swap3A_608 : i32 to index
          %swap3A_610 = arith.index_cast %add3A_453 : i32 to index
          %swap3A_611 = arith.constant 96 : index
          %swap3A_612 = tpu.vector_load %arg11[%swap3A_609, %swap3A_610, %swap3A_611] {strides = array<i32>} : memref<2x80x128xf32, #tpu.memory_space<vmem>>, vector<1x1x16xf32>,
          %swap3A_613 = vector.shape_cast %swap3A_612 : vector<1x1x16xf32> to vector<16xf32>
          %swap3A_614 = vector.shape_cast %max3A_607 : vector<16xf32> to vector<1x1x16xf32>
          tpu.vector_store %arg11[%swap3A_609, %swap3A_610, %swap3A_611], %swap3A_614 {strides = array<i32>} : memref<2x80x128xf32, #tpu.memory_space<vmem>>, vector<1x1x16xf32>,
          %get3A_615 = arith.constant 1 : i32
          %get3A_616 = arith.index_cast %get3A_615 : i32 to index
          %get3A_617 = arith.index_cast %add3A_453 : i32 to index
          %get3A_618 = arith.constant 112 : index
          %get3A_619 = tpu.vector_load %arg11[%get3A_616, %get3A_617, %get3A_618] {strides = array<i32>} : memref<2x80x128xf32, #tpu.memory_space<vmem>>, vector<1x1x16xf32>,
          %get3A_620 = vector.shape_cast %get3A_619 : vector<1x1x16xf32> to vector<16xf32>
          %get3A_621 = arith.constant 1 : i32
          %get3A_622 = arith.index_cast %get3A_621 : i32 to index
          %get3A_623 = arith.index_cast %add3A_453 : i32 to index
          %get3A_624 = arith.constant 112 : index
          %get3A_625 = tpu.vector_load %arg10[%get3A_622, %get3A_623, %get3A_624] {strides = array<i32>} : memref<2x80x128xf32, #tpu.memory_space<vmem>>, vector<1x1x16xf32>,
          %get3A_626 = vector.shape_cast %get3A_625 : vector<1x1x16xf32> to vector<16xf32>
          %add3A_627 = arith.addf %get3A_620, %get3A_626 : vector<16xf32>
          %max3A_628 = arith.constant 0.000000e+00 : f32
          %max3A_629 = vector.broadcast %max3A_628 : f32 to vector<16xf32>
          %max3A_630 = arith.maximumf %add3A_627, %max3A_629 : vector<16xf32>
          %swap3A_631 = arith.constant 1 : i32
          %swap3A_632 = arith.index_cast %swap3A_631 : i32 to index
          %swap3A_633 = arith.index_cast %add3A_453 : i32 to index
          %swap3A_634 = arith.constant 112 : index
          %swap3A_635 = tpu.vector_load %arg11[%swap3A_632, %swap3A_633, %swap3A_634] {strides = array<i32>} : memref<2x80x128xf32, #tpu.memory_space<vmem>>, vector<1x1x16xf32>,
          %swap3A_636 = vector.shape_cast %swap3A_635 : vector<1x1x16xf32> to vector<16xf32>
          %swap3A_637 = vector.shape_cast %max3A_630 : vector<16xf32> to vector<1x1x16xf32>
          tpu.vector_store %arg11[%swap3A_632, %swap3A_633, %swap3A_634], %swap3A_637 {strides = array<i32>} : memref<2x80x128xf32, #tpu.memory_space<vmem>>, vector<1x1x16xf32>,
        }
        %scan3A_236 = arith.constant 40 : i32
        %dma_wait3A_237 = arith.constant 1 : i32
        %dma_wait3A_238 = arith.constant 1 : i32
        %dma_wait3A_239 = arith.constant 0 : i32
        %dma_wait3A_240 = tpu.memref_slice %arg9[%dma_wait3A_237, %dma_wait3A_239] : memref<2x80xi32, #tpu.memory_space<vmem>> -> memref<1x80xi32, #tpu.memory_space<vmem>>
        %dma_wait3A_241 = tpu.memref_squeeze %dma_wait3A_240 : memref<1x80xi32, #tpu.memory_space<vmem>> -> memref<80xi32, #tpu.memory_space<vmem>>
        %dma_wait3A_242 = tpu.memref_slice %arg5[%mul3A_2] : memref<320000xi32, #tpu.memory_space<hbm>> -> memref<80xi32, #tpu.memory_space<hbm>>
        %dma_wait3A_243 = tpu.memref_slice %arg14[%dma_wait3A_238] : memref<2x!tpu.dma_semaphore, #tpu.memory_space<semaphore_mem>> -> memref<1x!tpu.dma_semaphore, #tpu.memory_space<semaphore_mem>>
        %dma_wait3A_244 = tpu.memref_squeeze %dma_wait3A_243 : memref<1x!tpu.dma_semaphore, #tpu.memory_space<semaphore_mem>> -> memref<!tpu.dma_semaphore, #tpu.memory_space<semaphore_mem>>
        %dma_wait3A_245 = arith.constant 0 : i32
        %dma_wait3A_246 = tpu.memref_slice %arg9[%dma_wait3A_237, %dma_wait3A_245] : memref<2x80xi32, #tpu.memory_space<vmem>> -> memref<1x80xi32, #tpu.memory_space<vmem>>
        %dma_wait3A_247 = tpu.memref_squeeze %dma_wait3A_246 : memref<1x80xi32, #tpu.memory_space<vmem>> -> memref<80xi32, #tpu.memory_space<vmem>>
        %dma_wait3A_248 = tpu.memref_slice %arg5[%mul3A_2] : memref<320000xi32, #tpu.memory_space<hbm>> -> memref<80xi32, #tpu.memory_space<hbm>>
        tpu.wait_dma2 semaphore(%dma_wait3A_244 : memref<!tpu.dma_semaphore, #tpu.memory_space<semaphore_mem>>) src(%dma_wait3A_248 : memref<80xi32, #tpu.memory_space<hbm>>) dst(%dma_wait3A_247 : memref<80xi32, #tpu.memory_space<vmem>>)
        %dma_start3A_249 = arith.constant 1 : i32
        %dma_start3A_250 = arith.constant 1 : i32
        %dma_start3A_251 = arith.constant 1 : i32
        %dma_start3A_252 = arith.constant 0 : i32
        %dma_start3A_253 = arith.constant 0 : i32
        %dma_start3A_254 = tpu.memref_slice %arg11[%dma_start3A_249, %dma_start3A_252, %dma_start3A_253] : memref<2x80x128xf32, #tpu.memory_space<vmem>> -> memref<1x80x128xf32, #tpu.memory_space<vmem>>
        %dma_start3A_255 = tpu.memref_squeeze %dma_start3A_254 : memref<1x80x128xf32, #tpu.memory_space<vmem>> -> memref<80x128xf32, #tpu.memory_space<vmem>>
        %dma_start3A_256 = arith.constant 0 : i32
        %dma_start3A_257 = tpu.memref_slice %arg9[%dma_start3A_250, %dma_start3A_256] : memref<2x80xi32, #tpu.memory_space<vmem>> -> memref<1x80xi32, #tpu.memory_space<vmem>>
        %dma_start3A_258 = tpu.memref_squeeze %dma_start3A_257 : memref<1x80xi32, #tpu.memory_space<vmem>> -> memref<80xi32, #tpu.memory_space<vmem>>
        %dma_start3A_259 = arith.constant 0 : i32
        %dma_start3A_260 = arith.constant 0 : i32
        %dma_start3A_261 = tpu.memref_slice %arg12[%dma_start3A_259, %dma_start3A_260] : memref<10000x128xf32, #tpu.memory_space<vmem_shared>> -> memref<10000x128xf32, #tpu.memory_space<vmem_shared>>
        %dma_start3A_262 = tpu.memref_slice %arg17[%dma_start3A_251] : memref<2x!tpu.dma_semaphore, #tpu.memory_space<semaphore_mem>> -> memref<1x!tpu.dma_semaphore, #tpu.memory_space<semaphore_mem>>
        %dma_start3A_263 = tpu.memref_squeeze %dma_start3A_262 : memref<1x!tpu.dma_semaphore, #tpu.memory_space<semaphore_mem>> -> memref<!tpu.dma_semaphore, #tpu.memory_space<semaphore_mem>>
        tpu.enqueue_indirect_dma source(%dma_start3A_255 : memref<80x128xf32, #tpu.memory_space<vmem>>) target(%dma_start3A_261 : memref<10000x128xf32, #tpu.memory_space<vmem_shared>>) offsets(%dma_start3A_258 : memref<80xi32, #tpu.memory_space<vmem>>) semaphore(%dma_start3A_263 : memref<!tpu.dma_semaphore, #tpu.memory_space<semaphore_mem>>) {add = true}
      } else {
      }
    }
    %scan3A_67 = arith.constant 63 : i32
    %dma_wait3A = arith.constant 0 : i32
    %dma_wait3A_68 = arith.constant 0 : i32
    %dma_wait3A_69 = arith.constant 0 : i32
    %dma_wait3A_70 = arith.constant 0 : i32
    %dma_wait3A_71 = tpu.memref_slice %arg11[%dma_wait3A, %dma_wait3A_69, %dma_wait3A_70] : memref<2x80x128xf32, #tpu.memory_space<vmem>> -> memref<1x80x128xf32, #tpu.memory_space<vmem>>
    %dma_wait3A_72 = tpu.memref_squeeze %dma_wait3A_71 : memref<1x80x128xf32, #tpu.memory_space<vmem>> -> memref<80x128xf32, #tpu.memory_space<vmem>>
    %dma_wait3A_73 = arith.constant 0 : i32
    %dma_wait3A_74 = arith.constant 0 : i32
    %dma_wait3A_75 = tpu.memref_slice %arg12[%dma_wait3A_73, %dma_wait3A_74] : memref<10000x128xf32, #tpu.memory_space<vmem_shared>> -> memref<80x128xf32, #tpu.memory_space<vmem_shared>>
    %dma_wait3A_76 = tpu.memref_slice %arg17[%dma_wait3A_68] : memref<2x!tpu.dma_semaphore, #tpu.memory_space<semaphore_mem>> -> memref<1x!tpu.dma_semaphore, #tpu.memory_space<semaphore_mem>>
    %dma_wait3A_77 = tpu.memref_squeeze %dma_wait3A_76 : memref<1x!tpu.dma_semaphore, #tpu.memory_space<semaphore_mem>> -> memref<!tpu.dma_semaphore, #tpu.memory_space<semaphore_mem>>
    %dma_wait3A_78 = arith.constant 0 : i32
    %dma_wait3A_79 = arith.constant 0 : i32
    %dma_wait3A_80 = tpu.memref_slice %arg12[%dma_wait3A_78, %dma_wait3A_79] : memref<10000x128xf32, #tpu.memory_space<vmem_shared>> -> memref<80x128xf32, #tpu.memory_space<vmem_shared>>
    %dma_wait3A_81 = arith.constant 0 : i32
    %dma_wait3A_82 = arith.constant 0 : i32
    %dma_wait3A_83 = tpu.memref_slice %arg11[%dma_wait3A, %dma_wait3A_81, %dma_wait3A_82] : memref<2x80x128xf32, #tpu.memory_space<vmem>> -> memref<1x80x128xf32, #tpu.memory_space<vmem>>
    %dma_wait3A_84 = tpu.memref_squeeze %dma_wait3A_83 : memref<1x80x128xf32, #tpu.memory_space<vmem>> -> memref<80x128xf32, #tpu.memory_space<vmem>>
    tpu.wait_dma2 semaphore(%dma_wait3A_77 : memref<!tpu.dma_semaphore, #tpu.memory_space<semaphore_mem>>) src(%dma_wait3A_84 : memref<80x128xf32, #tpu.memory_space<vmem>>) dst(%dma_wait3A_80 : memref<80x128xf32, #tpu.memory_space<vmem_shared>>)
    %barrier3A_85 = arith.constant 0 : index
    tpu.barrier barrier_id(%barrier3A_85)
    "tpu.region"() ({
      %run_scoped3A_86 = tpu.sem_alloc : memref<!tpu.dma_semaphore, #tpu.memory_space<semaphore_mem>>
      %dma_start3A_87 = arith.constant 0 : i32
      %dma_start3A_88 = tpu.memref_slice %arg7[%arg0, %mul3A_4, %dma_start3A_87] : memref<2x10000x128xf32, #tpu.memory_space<hbm>> -> memref<1x640x128xf32, #tpu.memory_space<hbm>>
      %dma_start3A_89 = tpu.memref_squeeze %dma_start3A_88 : memref<1x640x128xf32, #tpu.memory_space<hbm>> -> memref<640x128xf32, #tpu.memory_space<hbm>>
      %dma_start3A_90 = arith.constant 0 : i32
      %dma_start3A_91 = tpu.memref_slice %arg12[%mul3A_4, %dma_start3A_90] : memref<10000x128xf32, #tpu.memory_space<vmem_shared>> -> memref<640x128xf32, #tpu.memory_space<vmem_shared>>
      tpu.enqueue_dma source(%dma_start3A_91 : memref<640x128xf32, #tpu.memory_space<vmem_shared>>) target(%dma_start3A_89 : memref<640x128xf32, #tpu.memory_space<hbm>>) target_semaphore(%run_scoped3A_86 : memref<!tpu.dma_semaphore, #tpu.memory_space<semaphore_mem>>)
      %dma_wait3A_92 = arith.constant 0 : i32
      %dma_wait3A_93 = tpu.memref_slice %arg7[%arg0, %mul3A_4, %dma_wait3A_92] : memref<2x10000x128xf32, #tpu.memory_space<hbm>> -> memref<1x640x128xf32, #tpu.memory_space<hbm>>
      %dma_wait3A_94 = tpu.memref_squeeze %dma_wait3A_93 : memref<1x640x128xf32, #tpu.memory_space<hbm>> -> memref<640x128xf32, #tpu.memory_space<hbm>>
      %dma_wait3A_95 = arith.constant 0 : i32
      %dma_wait3A_96 = tpu.memref_slice %arg12[%mul3A_4, %dma_wait3A_95] : memref<10000x128xf32, #tpu.memory_space<vmem_shared>> -> memref<640x128xf32, #tpu.memory_space<vmem_shared>>
      tpu.wait_dma2 semaphore(%run_scoped3A_86 : memref<!tpu.dma_semaphore, #tpu.memory_space<semaphore_mem>>) src(%dma_wait3A_96 : memref<640x128xf32, #tpu.memory_space<vmem_shared>>) dst(%dma_wait3A_94 : memref<640x128xf32, #tpu.memory_space<hbm>>)
      tpu.yield
    }) : () -> ()
    return
  }
}

#map = affine_map<(d0, d1) -> (0, 0)>
#map1 = affine_map<(d0, d1) -> (0)>
#map2 = affine_map<(d0, d1) -> (0, 0, 0)>
module attributes {stable_mosaic.version = 14 : i64} {
  func.func @_sc_edge_body(%arg0: i32, %arg1: i32, %arg2: memref<10000x128xf32, #tpu.memory_space<hbm>>, %arg3: memref<320000x128xf32, #tpu.memory_space<hbm>>, %arg4: memref<320000xi32, #tpu.memory_space<hbm>>, %arg5: memref<320000xi32, #tpu.memory_space<hbm>>, %arg6: memref<10000x128xf32, #tpu.memory_space<hbm>>, %arg7: memref<2x10000x128xf32, #tpu.memory_space<hbm>>, %arg8: memref<2x80xi32, #tpu.memory_space<vmem>>, %arg9: memref<2x80xi32, #tpu.memory_space<vmem>>, %arg10: memref<2x80x128xf32, #tpu.memory_space<vmem>>, %arg11: memref<2x80x128xf32, #tpu.memory_space<vmem>>, %arg12: memref<10000x128xf32, #tpu.memory_space<vmem_shared>>, %arg13: memref<2x!tpu.dma_semaphore, #tpu.memory_space<semaphore_mem>>, %arg14: memref<2x!tpu.dma_semaphore, #tpu.memory_space<semaphore_mem>>, %arg15: memref<2x!tpu.dma_semaphore, #tpu.memory_space<semaphore_mem>>, %arg16: memref<2x!tpu.dma_semaphore, #tpu.memory_space<semaphore_mem>>, %arg17: memref<2x!tpu.dma_semaphore, #tpu.memory_space<semaphore_mem>>) attributes {dimension_semantics = [#tpu.dimension_semantics<core_parallel>, #tpu.dimension_semantics<subcore_parallel>], iteration_bounds = array<i64: 2, 16>, scalar_prefetch = 0 : i64, scratch_operands = 10 : i64, tpu.core_type = #tpu.core_type<sc_vector_subcore>, window_params = [{transform_indices = #map}, {transform_indices = #map}, {transform_indices = #map1}, {transform_indices = #map1}, {transform_indices = #map}, {transform_indices = #map2}]} {
    %mul3A = arith.constant 16 : i32
    %mul3A_0 = arith.muli %arg0, %mul3A : i32
    %add3A = arith.addi %mul3A_0, %arg1 : i32
    %mul3A_1 = arith.constant 10000 : i32
    %mul3A_2 = arith.muli %add3A, %mul3A_1 : i32
    %mul3A_3 = arith.constant 624 : i32
    %mul3A_4 = arith.muli %arg1, %mul3A_3 : i32
    %run_scoped3A = arith.constant 0 : i32
    "tpu.region"() ({
      %run_scoped3A_86 = tpu.sem_alloc : memref<!tpu.dma_semaphore, #tpu.memory_space<semaphore_mem>>
      %dma_start3A_87 = arith.constant 0 : i32
      %dma_start3A_88 = tpu.memref_slice %arg8[%run_scoped3A, %dma_start3A_87] : memref<2x80xi32, #tpu.memory_space<vmem>> -> memref<1x80xi32, #tpu.memory_space<vmem>>
      %dma_start3A_89 = tpu.memref_squeeze %dma_start3A_88 : memref<1x80xi32, #tpu.memory_space<vmem>> -> memref<80xi32, #tpu.memory_space<vmem>>
      %dma_start3A_90 = tpu.memref_slice %arg4[%mul3A_2] : memref<320000xi32, #tpu.memory_space<hbm>> -> memref<80xi32, #tpu.memory_space<hbm>>
      %dma_start3A_91 = arith.constant 0 : i32
      %dma_start3A_92 = tpu.memref_slice %arg8[%run_scoped3A, %dma_start3A_91] : memref<2x80xi32, #tpu.memory_space<vmem>> -> memref<1x80xi32, #tpu.memory_space<vmem>>
      %dma_start3A_93 = tpu.memref_squeeze %dma_start3A_92 : memref<1x80xi32, #tpu.memory_space<vmem>> -> memref<80xi32, #tpu.memory_space<vmem>>
      %dma_start3A_94 = tpu.memref_slice %arg4[%mul3A_2] : memref<320000xi32, #tpu.memory_space<hbm>> -> memref<80xi32, #tpu.memory_space<hbm>>
      tpu.enqueue_dma source(%dma_start3A_94 : memref<80xi32, #tpu.memory_space<hbm>>) target(%dma_start3A_93 : memref<80xi32, #tpu.memory_space<vmem>>) target_semaphore(%run_scoped3A_86 : memref<!tpu.dma_semaphore, #tpu.memory_space<semaphore_mem>>)
      %dma_wait3A_95 = arith.constant 0 : i32
      %dma_wait3A_96 = tpu.memref_slice %arg8[%run_scoped3A, %dma_wait3A_95] : memref<2x80xi32, #tpu.memory_space<vmem>> -> memref<1x80xi32, #tpu.memory_space<vmem>>
      %dma_wait3A_97 = tpu.memref_squeeze %dma_wait3A_96 : memref<1x80xi32, #tpu.memory_space<vmem>> -> memref<80xi32, #tpu.memory_space<vmem>>
      %dma_wait3A_98 = tpu.memref_slice %arg4[%mul3A_2] : memref<320000xi32, #tpu.memory_space<hbm>> -> memref<80xi32, #tpu.memory_space<hbm>>
      %dma_wait3A_99 = arith.constant 0 : i32
      %dma_wait3A_100 = tpu.memref_slice %arg8[%run_scoped3A, %dma_wait3A_99] : memref<2x80xi32, #tpu.memory_space<vmem>> -> memref<1x80xi32, #tpu.memory_space<vmem>>
      %dma_wait3A_101 = tpu.memref_squeeze %dma_wait3A_100 : memref<1x80xi32, #tpu.memory_space<vmem>> -> memref<80xi32, #tpu.memory_space<vmem>>
      %dma_wait3A_102 = tpu.memref_slice %arg4[%mul3A_2] : memref<320000xi32, #tpu.memory_space<hbm>> -> memref<80xi32, #tpu.memory_space<hbm>>
      tpu.wait_dma2 semaphore(%run_scoped3A_86 : memref<!tpu.dma_semaphore, #tpu.memory_space<semaphore_mem>>) src(%dma_wait3A_102 : memref<80xi32, #tpu.memory_space<hbm>>) dst(%dma_wait3A_101 : memref<80xi32, #tpu.memory_space<vmem>>)
      tpu.yield
    }) : () -> ()
    %add3A_5 = arith.constant 0 : i32
    %add3A_6 = arith.addi %mul3A_2, %add3A_5 : i32
    %dma_start3A = arith.constant 0 : i32
    %dma_start3A_7 = arith.constant 0 : i32
    %dma_start3A_8 = arith.constant 0 : i32
    %dma_start3A_9 = tpu.memref_slice %arg9[%dma_start3A, %dma_start3A_8] : memref<2x80xi32, #tpu.memory_space<vmem>> -> memref<1x80xi32, #tpu.memory_space<vmem>>
    %dma_start3A_10 = tpu.memref_squeeze %dma_start3A_9 : memref<1x80xi32, #tpu.memory_space<vmem>> -> memref<80xi32, #tpu.memory_space<vmem>>
    %dma_start3A_11 = tpu.memref_slice %arg5[%add3A_6] : memref<320000xi32, #tpu.memory_space<hbm>> -> memref<80xi32, #tpu.memory_space<hbm>>
    %dma_start3A_12 = tpu.memref_slice %arg14[%dma_start3A_7] : memref<2x!tpu.dma_semaphore, #tpu.memory_space<semaphore_mem>> -> memref<1x!tpu.dma_semaphore, #tpu.memory_space<semaphore_mem>>
    %dma_start3A_13 = tpu.memref_squeeze %dma_start3A_12 : memref<1x!tpu.dma_semaphore, #tpu.memory_space<semaphore_mem>> -> memref<!tpu.dma_semaphore, #tpu.memory_space<semaphore_mem>>
    %dma_start3A_14 = arith.constant 0 : i32
    %dma_start3A_15 = tpu.memref_slice %arg9[%dma_start3A, %dma_start3A_14] : memref<2x80xi32, #tpu.memory_space<vmem>> -> memref<1x80xi32, #tpu.memory_space<vmem>>
    %dma_start3A_16 = tpu.memref_squeeze %dma_start3A_15 : memref<1x80xi32, #tpu.memory_space<vmem>> -> memref<80xi32, #tpu.memory_space<vmem>>
    %dma_start3A_17 = tpu.memref_slice %arg5[%add3A_6] : memref<320000xi32, #tpu.memory_space<hbm>> -> memref<80xi32, #tpu.memory_space<hbm>>
    tpu.enqueue_dma source(%dma_start3A_17 : memref<80xi32, #tpu.memory_space<hbm>>) target(%dma_start3A_16 : memref<80xi32, #tpu.memory_space<vmem>>) target_semaphore(%dma_start3A_13 : memref<!tpu.dma_semaphore, #tpu.memory_space<semaphore_mem>>)
    %dma_start3A_18 = arith.constant 0 : i32
    %dma_start3A_19 = arith.constant 0 : i32
    %dma_start3A_20 = arith.constant 0 : i32
    %dma_start3A_21 = arith.constant 0 : i32
    %dma_start3A_22 = tpu.memref_slice %arg10[%dma_start3A_18, %dma_start3A_20, %dma_start3A_21] : memref<2x80x128xf32, #tpu.memory_space<vmem>> -> memref<1x80x128xf32, #tpu.memory_space<vmem>>
    %dma_start3A_23 = tpu.memref_squeeze %dma_start3A_22 : memref<1x80x128xf32, #tpu.memory_space<vmem>> -> memref<80x128xf32, #tpu.memory_space<vmem>>
    %dma_start3A_24 = arith.constant 0 : i32
    %dma_start3A_25 = tpu.memref_slice %arg3[%add3A_6, %dma_start3A_24] : memref<320000x128xf32, #tpu.memory_space<hbm>> -> memref<80x128xf32, #tpu.memory_space<hbm>>
    %dma_start3A_26 = tpu.memref_slice %arg15[%dma_start3A_19] : memref<2x!tpu.dma_semaphore, #tpu.memory_space<semaphore_mem>> -> memref<1x!tpu.dma_semaphore, #tpu.memory_space<semaphore_mem>>
    %dma_start3A_27 = tpu.memref_squeeze %dma_start3A_26 : memref<1x!tpu.dma_semaphore, #tpu.memory_space<semaphore_mem>> -> memref<!tpu.dma_semaphore, #tpu.memory_space<semaphore_mem>>
    %dma_start3A_28 = arith.constant 0 : i32
    %dma_start3A_29 = arith.constant 0 : i32
    %dma_start3A_30 = tpu.memref_slice %arg10[%dma_start3A_18, %dma_start3A_28, %dma_start3A_29] : memref<2x80x128xf32, #tpu.memory_space<vmem>> -> memref<1x80x128xf32, #tpu.memory_space<vmem>>
    %dma_start3A_31 = tpu.memref_squeeze %dma_start3A_30 : memref<1x80x128xf32, #tpu.memory_space<vmem>> -> memref<80x128xf32, #tpu.memory_space<vmem>>
    %dma_start3A_32 = arith.constant 0 : i32
    %dma_start3A_33 = tpu.memref_slice %arg3[%add3A_6, %dma_start3A_32] : memref<320000x128xf32, #tpu.memory_space<hbm>> -> memref<80x128xf32, #tpu.memory_space<hbm>>
    tpu.enqueue_dma source(%dma_start3A_33 : memref<80x128xf32, #tpu.memory_space<hbm>>) target(%dma_start3A_31 : memref<80x128xf32, #tpu.memory_space<vmem>>) target_semaphore(%dma_start3A_27 : memref<!tpu.dma_semaphore, #tpu.memory_space<semaphore_mem>>)
    %dma_start3A_34 = arith.constant 0 : i32
    %dma_start3A_35 = arith.constant 0 : i32
    %dma_start3A_36 = arith.constant 0 : i32
    %dma_start3A_37 = arith.constant 0 : i32
    %dma_start3A_38 = arith.constant 0 : i32
    %dma_start3A_39 = tpu.memref_slice %arg11[%dma_start3A_35, %dma_start3A_37, %dma_start3A_38] : memref<2x80x128xf32, #tpu.memory_space<vmem>> -> memref<1x80x128xf32, #tpu.memory_space<vmem>>
    %dma_start3A_40 = tpu.memref_squeeze %dma_start3A_39 : memref<1x80x128xf32, #tpu.memory_space<vmem>> -> memref<80x128xf32, #tpu.memory_space<vmem>>
    %dma_start3A_41 = arith.constant 0 : i32
    %dma_start3A_42 = tpu.memref_slice %arg8[%dma_start3A_34, %dma_start3A_41] : memref<2x80xi32, #tpu.memory_space<vmem>> -> memref<1x80xi32, #tpu.memory_space<vmem>>
    %dma_start3A_43 = tpu.memref_squeeze %dma_start3A_42 : memref<1x80xi32, #tpu.memory_space<vmem>> -> memref<80xi32, #tpu.memory_space<vmem>>
    %dma_start3A_44 = arith.constant 0 : i32
    %dma_start3A_45 = arith.constant 0 : i32
    %dma_start3A_46 = tpu.memref_slice %arg2[%dma_start3A_44, %dma_start3A_45] : memref<10000x128xf32, #tpu.memory_space<hbm>> -> memref<10000x128xf32, #tpu.memory_space<hbm>>
    %dma_start3A_47 = tpu.memref_slice %arg16[%dma_start3A_36] : memref<2x!tpu.dma_semaphore, #tpu.memory_space<semaphore_mem>> -> memref<1x!tpu.dma_semaphore, #tpu.memory_space<semaphore_mem>>
    %dma_start3A_48 = tpu.memref_squeeze %dma_start3A_47 : memref<1x!tpu.dma_semaphore, #tpu.memory_space<semaphore_mem>> -> memref<!tpu.dma_semaphore, #tpu.memory_space<semaphore_mem>>
    tpu.enqueue_indirect_dma source(%dma_start3A_46 : memref<10000x128xf32, #tpu.memory_space<hbm>>) target(%dma_start3A_40 : memref<80x128xf32, #tpu.memory_space<vmem>>) offsets(%dma_start3A_43 : memref<80xi32, #tpu.memory_space<vmem>>) semaphore(%dma_start3A_48 : memref<!tpu.dma_semaphore, #tpu.memory_space<semaphore_mem>>)
    %add3A_49 = arith.constant 80 : i32
    %add3A_50 = arith.addi %mul3A_2, %add3A_49 : i32
    %dma_start3A_51 = arith.constant 1 : i32
    %dma_start3A_52 = arith.constant 1 : i32
    %dma_start3A_53 = arith.constant 0 : i32
    %dma_start3A_54 = tpu.memref_slice %arg8[%dma_start3A_51, %dma_start3A_53] : memref<2x80xi32, #tpu.memory_space<vmem>> -> memref<1x80xi32, #tpu.memory_space<vmem>>
    %dma_start3A_55 = tpu.memref_squeeze %dma_start3A_54 : memref<1x80xi32, #tpu.memory_space<vmem>> -> memref<80xi32, #tpu.memory_space<vmem>>
    %dma_start3A_56 = tpu.memref_slice %arg4[%add3A_50] : memref<320000xi32, #tpu.memory_space<hbm>> -> memref<80xi32, #tpu.memory_space<hbm>>
    %dma_start3A_57 = tpu.memref_slice %arg13[%dma_start3A_52] : memref<2x!tpu.dma_semaphore, #tpu.memory_space<semaphore_mem>> -> memref<1x!tpu.dma_semaphore, #tpu.memory_space<semaphore_mem>>
    %dma_start3A_58 = tpu.memref_squeeze %dma_start3A_57 : memref<1x!tpu.dma_semaphore, #tpu.memory_space<semaphore_mem>> -> memref<!tpu.dma_semaphore, #tpu.memory_space<semaphore_mem>>
    %dma_start3A_59 = arith.constant 0 : i32
    %dma_start3A_60 = tpu.memref_slice %arg8[%dma_start3A_51, %dma_start3A_59] : memref<2x80xi32, #tpu.memory_space<vmem>> -> memref<1x80xi32, #tpu.memory_space<vmem>>
    %dma_start3A_61 = tpu.memref_squeeze %dma_start3A_60 : memref<1x80xi32, #tpu.memory_space<vmem>> -> memref<80xi32, #tpu.memory_space<vmem>>
    %dma_start3A_62 = tpu.memref_slice %arg4[%add3A_50] : memref<320000xi32, #tpu.memory_space<hbm>> -> memref<80xi32, #tpu.memory_space<hbm>>
    tpu.enqueue_dma source(%dma_start3A_62 : memref<80xi32, #tpu.memory_space<hbm>>) target(%dma_start3A_61 : memref<80xi32, #tpu.memory_space<vmem>>) target_semaphore(%dma_start3A_58 : memref<!tpu.dma_semaphore, #tpu.memory_space<semaphore_mem>>)
    "tpu.region"() ({
      %run_scoped3A_86 = tpu.sem_alloc : memref<!tpu.dma_semaphore, #tpu.memory_space<semaphore_mem>>
      %dma_start3A_87 = arith.constant 0 : i32
      %dma_start3A_88 = tpu.memref_slice %arg12[%mul3A_4, %dma_start3A_87] : memref<10000x128xf32, #tpu.memory_space<vmem_shared>> -> memref<640x128xf32, #tpu.memory_space<vmem_shared>>
      %dma_start3A_89 = arith.constant 0 : i32
      %dma_start3A_90 = tpu.memref_slice %arg6[%mul3A_4, %dma_start3A_89] : memref<10000x128xf32, #tpu.memory_space<hbm>> -> memref<640x128xf32, #tpu.memory_space<hbm>>
      tpu.enqueue_dma source(%dma_start3A_90 : memref<640x128xf32, #tpu.memory_space<hbm>>) target(%dma_start3A_88 : memref<640x128xf32, #tpu.memory_space<vmem_shared>>) target_semaphore(%run_scoped3A_86 : memref<!tpu.dma_semaphore, #tpu.memory_space<semaphore_mem>>)
      %dma_wait3A_91 = arith.constant 0 : i32
      %dma_wait3A_92 = tpu.memref_slice %arg12[%mul3A_4, %dma_wait3A_91] : memref<10000x128xf32, #tpu.memory_space<vmem_shared>> -> memref<640x128xf32, #tpu.memory_space<vmem_shared>>
      %dma_wait3A_93 = arith.constant 0 : i32
      %dma_wait3A_94 = tpu.memref_slice %arg6[%mul3A_4, %dma_wait3A_93] : memref<10000x128xf32, #tpu.memory_space<hbm>> -> memref<640x128xf32, #tpu.memory_space<hbm>>
      tpu.wait_dma2 semaphore(%run_scoped3A_86 : memref<!tpu.dma_semaphore, #tpu.memory_space<semaphore_mem>>) src(%dma_wait3A_94 : memref<640x128xf32, #tpu.memory_space<hbm>>) dst(%dma_wait3A_92 : memref<640x128xf32, #tpu.memory_space<vmem_shared>>)
      tpu.yield
    }) : () -> ()
    %barrier3A = arith.constant 0 : index
    tpu.barrier barrier_id(%barrier3A)
    %scan3A = arith.constant 0 : i32
    %scan3A_63 = arith.constant 0 : i32
    %scan3A_64 = arith.constant 63 : i32
    %scan3A_65 = arith.addi %scan3A_63, %scan3A_64 : i32
    %scan3A_66 = arith.constant 1 : i32
    scf.for %scan3A_86 = %scan3A_63 to %scan3A_65 step %scan3A_66  : i32 {
      %mul3A_87 = arith.constant 2 : i32
      %mul3A_88 = arith.muli %scan3A_86, %mul3A_87 : i32
      %add3A_89 = arith.constant 0 : i32
      %add3A_90 = arith.addi %mul3A_88, %add3A_89 : i32
      %ge3A = arith.constant 1 : i32
      %ge3A_91 = arith.cmpi sge, %add3A_90, %ge3A : i32
      %convert_element_type3A = arith.extui %ge3A_91 : i1 to i32
      %cond3A = arith.constant 0 : i32
      %cond3A_92 = arith.cmpi ne, %convert_element_type3A, %cond3A : i32
      scf.if %cond3A_92 {
        %dma_wait3A_180 = arith.constant 1 : i32
        %dma_wait3A_181 = arith.constant 1 : i32
        %dma_wait3A_182 = arith.constant 0 : i32
        %dma_wait3A_183 = arith.constant 0 : i32
        %dma_wait3A_184 = tpu.memref_slice %arg11[%dma_wait3A_180, %dma_wait3A_182, %dma_wait3A_183] : memref<2x80x128xf32, #tpu.memory_space<vmem>> -> memref<1x80x128xf32, #tpu.memory_space<vmem>>
        %dma_wait3A_185 = tpu.memref_squeeze %dma_wait3A_184 : memref<1x80x128xf32, #tpu.memory_space<vmem>> -> memref<80x128xf32, #tpu.memory_space<vmem>>
        %dma_wait3A_186 = arith.constant 0 : i32
        %dma_wait3A_187 = arith.constant 0 : i32
        %dma_wait3A_188 = tpu.memref_slice %arg12[%dma_wait3A_186, %dma_wait3A_187] : memref<10000x128xf32, #tpu.memory_space<vmem_shared>> -> memref<80x128xf32, #tpu.memory_space<vmem_shared>>
        %dma_wait3A_189 = tpu.memref_slice %arg17[%dma_wait3A_181] : memref<2x!tpu.dma_semaphore, #tpu.memory_space<semaphore_mem>> -> memref<1x!tpu.dma_semaphore, #tpu.memory_space<semaphore_mem>>
        %dma_wait3A_190 = tpu.memref_squeeze %dma_wait3A_189 : memref<1x!tpu.dma_semaphore, #tpu.memory_space<semaphore_mem>> -> memref<!tpu.dma_semaphore, #tpu.memory_space<semaphore_mem>>
        %dma_wait3A_191 = arith.constant 0 : i32
        %dma_wait3A_192 = arith.constant 0 : i32
        %dma_wait3A_193 = tpu.memref_slice %arg12[%dma_wait3A_191, %dma_wait3A_192] : memref<10000x128xf32, #tpu.memory_space<vmem_shared>> -> memref<80x128xf32, #tpu.memory_space<vmem_shared>>
        %dma_wait3A_194 = arith.constant 0 : i32
        %dma_wait3A_195 = arith.constant 0 : i32
        %dma_wait3A_196 = tpu.memref_slice %arg11[%dma_wait3A_180, %dma_wait3A_194, %dma_wait3A_195] : memref<2x80x128xf32, #tpu.memory_space<vmem>> -> memref<1x80x128xf32, #tpu.memory_space<vmem>>
        %dma_wait3A_197 = tpu.memref_squeeze %dma_wait3A_196 : memref<1x80x128xf32, #tpu.memory_space<vmem>> -> memref<80x128xf32, #tpu.memory_space<vmem>>
        tpu.wait_dma2 semaphore(%dma_wait3A_190 : memref<!tpu.dma_semaphore, #tpu.memory_space<semaphore_mem>>) src(%dma_wait3A_197 : memref<80x128xf32, #tpu.memory_space<vmem>>) dst(%dma_wait3A_193 : memref<80x128xf32, #tpu.memory_space<vmem_shared>>)
      } else {
      }
      %add3A_93 = arith.constant 1 : i32
      %add3A_94 = arith.addi %add3A_90, %add3A_93 : i32
      %le3A = arith.constant 124 : i32
      %le3A_95 = arith.cmpi sle, %add3A_94, %le3A : i32
      %convert_element_type3A_96 = arith.extui %le3A_95 : i1 to i32
      %cond3A_97 = arith.constant 0 : i32
      %cond3A_98 = arith.cmpi ne, %convert_element_type3A_96, %cond3A_97 : i32
      scf.if %cond3A_98 {
        %dma_wait3A_180 = arith.constant 1 : i32
        %dma_wait3A_181 = arith.constant 1 : i32
        %dma_wait3A_182 = arith.constant 0 : i32
        %dma_wait3A_183 = tpu.memref_slice %arg8[%dma_wait3A_180, %dma_wait3A_182] : memref<2x80xi32, #tpu.memory_space<vmem>> -> memref<1x80xi32, #tpu.memory_space<vmem>>
        %dma_wait3A_184 = tpu.memref_squeeze %dma_wait3A_183 : memref<1x80xi32, #tpu.memory_space<vmem>> -> memref<80xi32, #tpu.memory_space<vmem>>
        %dma_wait3A_185 = tpu.memref_slice %arg4[%mul3A_2] : memref<320000xi32, #tpu.memory_space<hbm>> -> memref<80xi32, #tpu.memory_space<hbm>>
        %dma_wait3A_186 = tpu.memref_slice %arg13[%dma_wait3A_181] : memref<2x!tpu.dma_semaphore, #tpu.memory_space<semaphore_mem>> -> memref<1x!tpu.dma_semaphore, #tpu.memory_space<semaphore_mem>>
        %dma_wait3A_187 = tpu.memref_squeeze %dma_wait3A_186 : memref<1x!tpu.dma_semaphore, #tpu.memory_space<semaphore_mem>> -> memref<!tpu.dma_semaphore, #tpu.memory_space<semaphore_mem>>
        %dma_wait3A_188 = arith.constant 0 : i32
        %dma_wait3A_189 = tpu.memref_slice %arg8[%dma_wait3A_180, %dma_wait3A_188] : memref<2x80xi32, #tpu.memory_space<vmem>> -> memref<1x80xi32, #tpu.memory_space<vmem>>
        %dma_wait3A_190 = tpu.memref_squeeze %dma_wait3A_189 : memref<1x80xi32, #tpu.memory_space<vmem>> -> memref<80xi32, #tpu.memory_space<vmem>>
        %dma_wait3A_191 = tpu.memref_slice %arg4[%mul3A_2] : memref<320000xi32, #tpu.memory_space<hbm>> -> memref<80xi32, #tpu.memory_space<hbm>>
        tpu.wait_dma2 semaphore(%dma_wait3A_187 : memref<!tpu.dma_semaphore, #tpu.memory_space<semaphore_mem>>) src(%dma_wait3A_191 : memref<80xi32, #tpu.memory_space<hbm>>) dst(%dma_wait3A_190 : memref<80xi32, #tpu.memory_space<vmem>>)
        %add3A_192 = arith.constant 1 : i32
        %add3A_193 = arith.addi %add3A_90, %add3A_192 : i32
        %mul3A_194 = arith.constant 80 : i32
        %mul3A_195 = arith.muli %add3A_193, %mul3A_194 : i32
        %add3A_196 = arith.addi %mul3A_2, %mul3A_195 : i32
        %dma_start3A_197 = arith.constant 1 : i32
        %dma_start3A_198 = arith.constant 1 : i32
        %dma_start3A_199 = arith.constant 0 : i32
        %dma_start3A_200 = tpu.memref_slice %arg9[%dma_start3A_197, %dma_start3A_199] : memref<2x80xi32, #tpu.memory_space<vmem>> -> memref<1x80xi32, #tpu.memory_space<vmem>>
        %dma_start3A_201 = tpu.memref_squeeze %dma_start3A_200 : memref<1x80xi32, #tpu.memory_space<vmem>> -> memref<80xi32, #tpu.memory_space<vmem>>
        %dma_start3A_202 = tpu.memref_slice %arg5[%add3A_196] : memref<320000xi32, #tpu.memory_space<hbm>> -> memref<80xi32, #tpu.memory_space<hbm>>
        %dma_start3A_203 = tpu.memref_slice %arg14[%dma_start3A_198] : memref<2x!tpu.dma_semaphore, #tpu.memory_space<semaphore_mem>> -> memref<1x!tpu.dma_semaphore, #tpu.memory_space<semaphore_mem>>
        %dma_start3A_204 = tpu.memref_squeeze %dma_start3A_203 : memref<1x!tpu.dma_semaphore, #tpu.memory_space<semaphore_mem>> -> memref<!tpu.dma_semaphore, #tpu.memory_space<semaphore_mem>>
        %dma_start3A_205 = arith.constant 0 : i32
        %dma_start3A_206 = tpu.memref_slice %arg9[%dma_start3A_197, %dma_start3A_205] : memref<2x80xi32, #tpu.memory_space<vmem>> -> memref<1x80xi32, #tpu.memory_space<vmem>>
        %dma_start3A_207 = tpu.memref_squeeze %dma_start3A_206 : memref<1x80xi32, #tpu.memory_space<vmem>> -> memref<80xi32, #tpu.memory_space<vmem>>
        %dma_start3A_208 = tpu.memref_slice %arg5[%add3A_196] : memref<320000xi32, #tpu.memory_space<hbm>> -> memref<80xi32, #tpu.memory_space<hbm>>
        tpu.enqueue_dma source(%dma_start3A_208 : memref<80xi32, #tpu.memory_space<hbm>>) target(%dma_start3A_207 : memref<80xi32, #tpu.memory_space<vmem>>) target_semaphore(%dma_start3A_204 : memref<!tpu.dma_semaphore, #tpu.memory_space<semaphore_mem>>)
        %dma_start3A_209 = arith.constant 1 : i32
        %dma_start3A_210 = arith.constant 1 : i32
        %dma_start3A_211 = arith.constant 0 : i32
        %dma_start3A_212 = arith.constant 0 : i32
        %dma_start3A_213 = tpu.memref_slice %arg10[%dma_start3A_209, %dma_start3A_211, %dma_start3A_212] : memref<2x80x128xf32, #tpu.memory_space<vmem>> -> memref<1x80x128xf32, #tpu.memory_space<vmem>>
        %dma_start3A_214 = tpu.memref_squeeze %dma_start3A_213 : memref<1x80x128xf32, #tpu.memory_space<vmem>> -> memref<80x128xf32, #tpu.memory_space<vmem>>
        %dma_start3A_215 = arith.constant 0 : i32
        %dma_start3A_216 = tpu.memref_slice %arg3[%add3A_196, %dma_start3A_215] : memref<320000x128xf32, #tpu.memory_space<hbm>> -> memref<80x128xf32, #tpu.memory_space<hbm>>
        %dma_start3A_217 = tpu.memref_slice %arg15[%dma_start3A_210] : memref<2x!tpu.dma_semaphore, #tpu.memory_space<semaphore_mem>> -> memref<1x!tpu.dma_semaphore, #tpu.memory_space<semaphore_mem>>
        %dma_start3A_218 = tpu.memref_squeeze %dma_start3A_217 : memref<1x!tpu.dma_semaphore, #tpu.memory_space<semaphore_mem>> -> memref<!tpu.dma_semaphore, #tpu.memory_space<semaphore_mem>>
        %dma_start3A_219 = arith.constant 0 : i32
        %dma_start3A_220 = arith.constant 0 : i32
        %dma_start3A_221 = tpu.memref_slice %arg10[%dma_start3A_209, %dma_start3A_219, %dma_start3A_220] : memref<2x80x128xf32, #tpu.memory_space<vmem>> -> memref<1x80x128xf32, #tpu.memory_space<vmem>>
        %dma_start3A_222 = tpu.memref_squeeze %dma_start3A_221 : memref<1x80x128xf32, #tpu.memory_space<vmem>> -> memref<80x128xf32, #tpu.memory_space<vmem>>
        %dma_start3A_223 = arith.constant 0 : i32
        %dma_start3A_224 = tpu.memref_slice %arg3[%add3A_196, %dma_start3A_223] : memref<320000x128xf32, #tpu.memory_space<hbm>> -> memref<80x128xf32, #tpu.memory_space<hbm>>
        tpu.enqueue_dma source(%dma_start3A_224 : memref<80x128xf32, #tpu.memory_space<hbm>>) target(%dma_start3A_222 : memref<80x128xf32, #tpu.memory_space<vmem>>) target_semaphore(%dma_start3A_218 : memref<!tpu.dma_semaphore, #tpu.memory_space<semaphore_mem>>)
        %dma_start3A_225 = arith.constant 1 : i32
        %dma_start3A_226 = arith.constant 1 : i32
        %dma_start3A_227 = arith.constant 1 : i32
        %dma_start3A_228 = arith.constant 0 : i32
        %dma_start3A_229 = arith.constant 0 : i32
        %dma_start3A_230 = tpu.memref_slice %arg11[%dma_start3A_226, %dma_start3A_228, %dma_start3A_229] : memref<2x80x128xf32, #tpu.memory_space<vmem>> -> memref<1x80x128xf32, #tpu.memory_space<vmem>>
        %dma_start3A_231 = tpu.memref_squeeze %dma_start3A_230 : memref<1x80x128xf32, #tpu.memory_space<vmem>> -> memref<80x128xf32, #tpu.memory_space<vmem>>
        %dma_start3A_232 = arith.constant 0 : i32
        %dma_start3A_233 = tpu.memref_slice %arg8[%dma_start3A_225, %dma_start3A_232] : memref<2x80xi32, #tpu.memory_space<vmem>> -> memref<1x80xi32, #tpu.memory_space<vmem>>
        %dma_start3A_234 = tpu.memref_squeeze %dma_start3A_233 : memref<1x80xi32, #tpu.memory_space<vmem>> -> memref<80xi32, #tpu.memory_space<vmem>>
        %dma_start3A_235 = arith.constant 0 : i32
        %dma_start3A_236 = arith.constant 0 : i32
        %dma_start3A_237 = tpu.memref_slice %arg2[%dma_start3A_235, %dma_start3A_236] : memref<10000x128xf32, #tpu.memory_space<hbm>> -> memref<10000x128xf32, #tpu.memory_space<hbm>>
        %dma_start3A_238 = tpu.memref_slice %arg16[%dma_start3A_227] : memref<2x!tpu.dma_semaphore, #tpu.memory_space<semaphore_mem>> -> memref<1x!tpu.dma_semaphore, #tpu.memory_space<semaphore_mem>>
        %dma_start3A_239 = tpu.memref_squeeze %dma_start3A_238 : memref<1x!tpu.dma_semaphore, #tpu.memory_space<semaphore_mem>> -> memref<!tpu.dma_semaphore, #tpu.memory_space<semaphore_mem>>
        tpu.enqueue_indirect_dma source(%dma_start3A_237 : memref<10000x128xf32, #tpu.memory_space<hbm>>) target(%dma_start3A_231 : memref<80x128xf32, #tpu.memory_space<vmem>>) offsets(%dma_start3A_234 : memref<80xi32, #tpu.memory_space<vmem>>) semaphore(%dma_start3A_239 : memref<!tpu.dma_semaphore, #tpu.memory_space<semaphore_mem>>)
      } else {
      }
      %dma_wait3A_99 = arith.constant 0 : i32
      %dma_wait3A_100 = arith.constant 0 : i32
      %dma_wait3A_101 = arith.constant 0 : i32
      %dma_wait3A_102 = arith.constant 0 : i32
      %dma_wait3A_103 = tpu.memref_slice %arg10[%dma_wait3A_99, %dma_wait3A_101, %dma_wait3A_102] : memref<2x80x128xf32, #tpu.memory_space<vmem>> -> memref<1x80x128xf32, #tpu.memory_space<vmem>>
      %dma_wait3A_104 = tpu.memref_squeeze %dma_wait3A_103 : memref<1x80x128xf32, #tpu.memory_space<vmem>> -> memref<80x128xf32, #tpu.memory_space<vmem>>
      %dma_wait3A_105 = arith.constant 0 : i32
      %dma_wait3A_106 = tpu.memref_slice %arg3[%mul3A_2, %dma_wait3A_105] : memref<320000x128xf32, #tpu.memory_space<hbm>> -> memref<80x128xf32, #tpu.memory_space<hbm>>
      %dma_wait3A_107 = tpu.memref_slice %arg15[%dma_wait3A_100] : memref<2x!tpu.dma_semaphore, #tpu.memory_space<semaphore_mem>> -> memref<1x!tpu.dma_semaphore, #tpu.memory_space<semaphore_mem>>
      %dma_wait3A_108 = tpu.memref_squeeze %dma_wait3A_107 : memref<1x!tpu.dma_semaphore, #tpu.memory_space<semaphore_mem>> -> memref<!tpu.dma_semaphore, #tpu.memory_space<semaphore_mem>>
      %dma_wait3A_109 = arith.constant 0 : i32
      %dma_wait3A_110 = arith.constant 0 : i32
      %dma_wait3A_111 = tpu.memref_slice %arg10[%dma_wait3A_99, %dma_wait3A_109, %dma_wait3A_110] : memref<2x80x128xf32, #tpu.memory_space<vmem>> -> memref<1x80x128xf32, #tpu.memory_space<vmem>>
      %dma_wait3A_112 = tpu.memref_squeeze %dma_wait3A_111 : memref<1x80x128xf32, #tpu.memory_space<vmem>> -> memref<80x128xf32, #tpu.memory_space<vmem>>
      %dma_wait3A_113 = arith.constant 0 : i32
      %dma_wait3A_114 = tpu.memref_slice %arg3[%mul3A_2, %dma_wait3A_113] : memref<320000x128xf32, #tpu.memory_space<hbm>> -> memref<80x128xf32, #tpu.memory_space<hbm>>
      tpu.wait_dma2 semaphore(%dma_wait3A_108 : memref<!tpu.dma_semaphore, #tpu.memory_space<semaphore_mem>>) src(%dma_wait3A_114 : memref<80x128xf32, #tpu.memory_space<hbm>>) dst(%dma_wait3A_112 : memref<80x128xf32, #tpu.memory_space<vmem>>)
      %dma_wait3A_115 = arith.constant 0 : i32
      %dma_wait3A_116 = arith.constant 0 : i32
      %dma_wait3A_117 = arith.constant 0 : i32
      %dma_wait3A_118 = arith.constant 0 : i32
      %dma_wait3A_119 = tpu.memref_slice %arg11[%dma_wait3A_115, %dma_wait3A_117, %dma_wait3A_118] : memref<2x80x128xf32, #tpu.memory_space<vmem>> -> memref<1x80x128xf32, #tpu.memory_space<vmem>>
      %dma_wait3A_120 = tpu.memref_squeeze %dma_wait3A_119 : memref<1x80x128xf32, #tpu.memory_space<vmem>> -> memref<80x128xf32, #tpu.memory_space<vmem>>
      %dma_wait3A_121 = arith.constant 0 : i32
      %dma_wait3A_122 = tpu.memref_slice %arg3[%mul3A_2, %dma_wait3A_121] : memref<320000x128xf32, #tpu.memory_space<hbm>> -> memref<80x128xf32, #tpu.memory_space<hbm>>
      %dma_wait3A_123 = tpu.memref_slice %arg16[%dma_wait3A_116] : memref<2x!tpu.dma_semaphore, #tpu.memory_space<semaphore_mem>> -> memref<1x!tpu.dma_semaphore, #tpu.memory_space<semaphore_mem>>
      %dma_wait3A_124 = tpu.memref_squeeze %dma_wait3A_123 : memref<1x!tpu.dma_semaphore, #tpu.memory_space<semaphore_mem>> -> memref<!tpu.dma_semaphore, #tpu.memory_space<semaphore_mem>>
      %dma_wait3A_125 = arith.constant 0 : i32
      %dma_wait3A_126 = arith.constant 0 : i32
      %dma_wait3A_127 = tpu.memref_slice %arg11[%dma_wait3A_115, %dma_wait3A_125, %dma_wait3A_126] : memref<2x80x128xf32, #tpu.memory_space<vmem>> -> memref<1x80x128xf32, #tpu.memory_space<vmem>>
      %dma_wait3A_128 = tpu.memref_squeeze %dma_wait3A_127 : memref<1x80x128xf32, #tpu.memory_space<vmem>> -> memref<80x128xf32, #tpu.memory_space<vmem>>
      %dma_wait3A_129 = arith.constant 0 : i32
      %dma_wait3A_130 = tpu.memref_slice %arg3[%mul3A_2, %dma_wait3A_129] : memref<320000x128xf32, #tpu.memory_space<hbm>> -> memref<80x128xf32, #tpu.memory_space<hbm>>
      tpu.wait_dma2 semaphore(%dma_wait3A_124 : memref<!tpu.dma_semaphore, #tpu.memory_space<semaphore_mem>>) src(%dma_wait3A_130 : memref<80x128xf32, #tpu.memory_space<hbm>>) dst(%dma_wait3A_128 : memref<80x128xf32, #tpu.memory_space<vmem>>)
      %add3A_131 = arith.constant 2 : i32
      %add3A_132 = arith.addi %add3A_90, %add3A_131 : i32
      %le3A_133 = arith.constant 124 : i32
      %le3A_134 = arith.cmpi sle, %add3A_132, %le3A_133 : i32
      %convert_element_type3A_135 = arith.extui %le3A_134 : i1 to i32
      %cond3A_136 = arith.constant 0 : i32
      %cond3A_137 = arith.cmpi ne, %convert_element_type3A_135, %cond3A_136 : i32
      scf.if %cond3A_137 {
        %add3A_180 = arith.constant 2 : i32
        %add3A_181 = arith.addi %add3A_90, %add3A_180 : i32
        %mul3A_182 = arith.constant 80 : i32
        %mul3A_183 = arith.muli %add3A_181, %mul3A_182 : i32
        %add3A_184 = arith.addi %mul3A_2, %mul3A_183 : i32
        %dma_start3A_185 = arith.constant 0 : i32
        %dma_start3A_186 = arith.constant 0 : i32
        %dma_start3A_187 = arith.constant 0 : i32
        %dma_start3A_188 = tpu.memref_slice %arg8[%dma_start3A_185, %dma_start3A_187] : memref<2x80xi32, #tpu.memory_space<vmem>> -> memref<1x80xi32, #tpu.memory_space<vmem>>
        %dma_start3A_189 = tpu.memref_squeeze %dma_start3A_188 : memref<1x80xi32, #tpu.memory_space<vmem>> -> memref<80xi32, #tpu.memory_space<vmem>>
        %dma_start3A_190 = tpu.memref_slice %arg4[%add3A_184] : memref<320000xi32, #tpu.memory_space<hbm>> -> memref<80xi32, #tpu.memory_space<hbm>>
        %dma_start3A_191 = tpu.memref_slice %arg13[%dma_start3A_186] : memref<2x!tpu.dma_semaphore, #tpu.memory_space<semaphore_mem>> -> memref<1x!tpu.dma_semaphore, #tpu.memory_space<semaphore_mem>>
        %dma_start3A_192 = tpu.memref_squeeze %dma_start3A_191 : memref<1x!tpu.dma_semaphore, #tpu.memory_space<semaphore_mem>> -> memref<!tpu.dma_semaphore, #tpu.memory_space<semaphore_mem>>
        %dma_start3A_193 = arith.constant 0 : i32
        %dma_start3A_194 = tpu.memref_slice %arg8[%dma_start3A_185, %dma_start3A_193] : memref<2x80xi32, #tpu.memory_space<vmem>> -> memref<1x80xi32, #tpu.memory_space<vmem>>
        %dma_start3A_195 = tpu.memref_squeeze %dma_start3A_194 : memref<1x80xi32, #tpu.memory_space<vmem>> -> memref<80xi32, #tpu.memory_space<vmem>>
        %dma_start3A_196 = tpu.memref_slice %arg4[%add3A_184] : memref<320000xi32, #tpu.memory_space<hbm>> -> memref<80xi32, #tpu.memory_space<hbm>>
        tpu.enqueue_dma source(%dma_start3A_196 : memref<80xi32, #tpu.memory_space<hbm>>) target(%dma_start3A_195 : memref<80xi32, #tpu.memory_space<vmem>>) target_semaphore(%dma_start3A_192 : memref<!tpu.dma_semaphore, #tpu.memory_space<semaphore_mem>>)
      } else {
      }
      %scan3A_138 = arith.constant 0 : i32
      %scan3A_139 = arith.constant 0 : i32
      %scan3A_140 = arith.constant 40 : i32
      %scan3A_141 = arith.addi %scan3A_139, %scan3A_140 : i32
      %scan3A_142 = arith.constant 1 : i32
      scf.for %scan3A_180 = %scan3A_139 to %scan3A_141 step %scan3A_142  : i32 {
        %mul3A_181 = arith.constant 2 : i32
        %mul3A_182 = arith.muli %scan3A_180, %mul3A_181 : i32
        %add3A_183 = arith.constant 0 : i32
        %add3A_184 = arith.addi %mul3A_182, %add3A_183 : i32
        %get3A = arith.constant 0 : i32
        %get3A_185 = arith.index_cast %get3A : i32 to index
        %get3A_186 = arith.index_cast %add3A_184 : i32 to index
        %get3A_187 = arith.constant 0 : index
        %get3A_188 = tpu.vector_load %arg11[%get3A_185, %get3A_186, %get3A_187] {strides = array<i32>} : memref<2x80x128xf32, #tpu.memory_space<vmem>>, vector<1x1x16xf32>,
        %get3A_189 = vector.shape_cast %get3A_188 : vector<1x1x16xf32> to vector<16xf32>
        %get3A_190 = arith.constant 0 : i32
        %get3A_191 = arith.index_cast %get3A_190 : i32 to index
        %get3A_192 = arith.index_cast %add3A_184 : i32 to index
        %get3A_193 = arith.constant 0 : index
        %get3A_194 = tpu.vector_load %arg10[%get3A_191, %get3A_192, %get3A_193] {strides = array<i32>} : memref<2x80x128xf32, #tpu.memory_space<vmem>>, vector<1x1x16xf32>,
        %get3A_195 = vector.shape_cast %get3A_194 : vector<1x1x16xf32> to vector<16xf32>
        %add3A_196 = arith.addf %get3A_189, %get3A_195 : vector<16xf32>
        %max3A = arith.constant 0.000000e+00 : f32
        %max3A_197 = vector.broadcast %max3A : f32 to vector<16xf32>
        %max3A_198 = arith.maximumf %add3A_196, %max3A_197 : vector<16xf32>
        %swap3A = arith.constant 0 : i32
        %swap3A_199 = arith.index_cast %swap3A : i32 to index
        %swap3A_200 = arith.index_cast %add3A_184 : i32 to index
        %swap3A_201 = arith.constant 0 : index
        %swap3A_202 = tpu.vector_load %arg11[%swap3A_199, %swap3A_200, %swap3A_201] {strides = array<i32>} : memref<2x80x128xf32, #tpu.memory_space<vmem>>, vector<1x1x16xf32>,
        %swap3A_203 = vector.shape_cast %swap3A_202 : vector<1x1x16xf32> to vector<16xf32>
        %swap3A_204 = vector.shape_cast %max3A_198 : vector<16xf32> to vector<1x1x16xf32>
        tpu.vector_store %arg11[%swap3A_199, %swap3A_200, %swap3A_201], %swap3A_204 {strides = array<i32>} : memref<2x80x128xf32, #tpu.memory_space<vmem>>, vector<1x1x16xf32>,
        %get3A_205 = arith.constant 0 : i32
        %get3A_206 = arith.index_cast %get3A_205 : i32 to index
        %get3A_207 = arith.index_cast %add3A_184 : i32 to index
        %get3A_208 = arith.constant 16 : index
        %get3A_209 = tpu.vector_load %arg11[%get3A_206, %get3A_207, %get3A_208] {strides = array<i32>} : memref<2x80x128xf32, #tpu.memory_space<vmem>>, vector<1x1x16xf32>,
        %get3A_210 = vector.shape_cast %get3A_209 : vector<1x1x16xf32> to vector<16xf32>
        %get3A_211 = arith.constant 0 : i32
        %get3A_212 = arith.index_cast %get3A_211 : i32 to index
        %get3A_213 = arith.index_cast %add3A_184 : i32 to index
        %get3A_214 = arith.constant 16 : index
        %get3A_215 = tpu.vector_load %arg10[%get3A_212, %get3A_213, %get3A_214] {strides = array<i32>} : memref<2x80x128xf32, #tpu.memory_space<vmem>>, vector<1x1x16xf32>,
        %get3A_216 = vector.shape_cast %get3A_215 : vector<1x1x16xf32> to vector<16xf32>
        %add3A_217 = arith.addf %get3A_210, %get3A_216 : vector<16xf32>
        %max3A_218 = arith.constant 0.000000e+00 : f32
        %max3A_219 = vector.broadcast %max3A_218 : f32 to vector<16xf32>
        %max3A_220 = arith.maximumf %add3A_217, %max3A_219 : vector<16xf32>
        %swap3A_221 = arith.constant 0 : i32
        %swap3A_222 = arith.index_cast %swap3A_221 : i32 to index
        %swap3A_223 = arith.index_cast %add3A_184 : i32 to index
        %swap3A_224 = arith.constant 16 : index
        %swap3A_225 = tpu.vector_load %arg11[%swap3A_222, %swap3A_223, %swap3A_224] {strides = array<i32>} : memref<2x80x128xf32, #tpu.memory_space<vmem>>, vector<1x1x16xf32>,
        %swap3A_226 = vector.shape_cast %swap3A_225 : vector<1x1x16xf32> to vector<16xf32>
        %swap3A_227 = vector.shape_cast %max3A_220 : vector<16xf32> to vector<1x1x16xf32>
        tpu.vector_store %arg11[%swap3A_222, %swap3A_223, %swap3A_224], %swap3A_227 {strides = array<i32>} : memref<2x80x128xf32, #tpu.memory_space<vmem>>, vector<1x1x16xf32>,
        %get3A_228 = arith.constant 0 : i32
        %get3A_229 = arith.index_cast %get3A_228 : i32 to index
        %get3A_230 = arith.index_cast %add3A_184 : i32 to index
        %get3A_231 = arith.constant 32 : index
        %get3A_232 = tpu.vector_load %arg11[%get3A_229, %get3A_230, %get3A_231] {strides = array<i32>} : memref<2x80x128xf32, #tpu.memory_space<vmem>>, vector<1x1x16xf32>,
        %get3A_233 = vector.shape_cast %get3A_232 : vector<1x1x16xf32> to vector<16xf32>
        %get3A_234 = arith.constant 0 : i32
        %get3A_235 = arith.index_cast %get3A_234 : i32 to index
        %get3A_236 = arith.index_cast %add3A_184 : i32 to index
        %get3A_237 = arith.constant 32 : index
        %get3A_238 = tpu.vector_load %arg10[%get3A_235, %get3A_236, %get3A_237] {strides = array<i32>} : memref<2x80x128xf32, #tpu.memory_space<vmem>>, vector<1x1x16xf32>,
        %get3A_239 = vector.shape_cast %get3A_238 : vector<1x1x16xf32> to vector<16xf32>
        %add3A_240 = arith.addf %get3A_233, %get3A_239 : vector<16xf32>
        %max3A_241 = arith.constant 0.000000e+00 : f32
        %max3A_242 = vector.broadcast %max3A_241 : f32 to vector<16xf32>
        %max3A_243 = arith.maximumf %add3A_240, %max3A_242 : vector<16xf32>
        %swap3A_244 = arith.constant 0 : i32
        %swap3A_245 = arith.index_cast %swap3A_244 : i32 to index
        %swap3A_246 = arith.index_cast %add3A_184 : i32 to index
        %swap3A_247 = arith.constant 32 : index
        %swap3A_248 = tpu.vector_load %arg11[%swap3A_245, %swap3A_246, %swap3A_247] {strides = array<i32>} : memref<2x80x128xf32, #tpu.memory_space<vmem>>, vector<1x1x16xf32>,
        %swap3A_249 = vector.shape_cast %swap3A_248 : vector<1x1x16xf32> to vector<16xf32>
        %swap3A_250 = vector.shape_cast %max3A_243 : vector<16xf32> to vector<1x1x16xf32>
        tpu.vector_store %arg11[%swap3A_245, %swap3A_246, %swap3A_247], %swap3A_250 {strides = array<i32>} : memref<2x80x128xf32, #tpu.memory_space<vmem>>, vector<1x1x16xf32>,
        %get3A_251 = arith.constant 0 : i32
        %get3A_252 = arith.index_cast %get3A_251 : i32 to index
        %get3A_253 = arith.index_cast %add3A_184 : i32 to index
        %get3A_254 = arith.constant 48 : index
        %get3A_255 = tpu.vector_load %arg11[%get3A_252, %get3A_253, %get3A_254] {strides = array<i32>} : memref<2x80x128xf32, #tpu.memory_space<vmem>>, vector<1x1x16xf32>,
        %get3A_256 = vector.shape_cast %get3A_255 : vector<1x1x16xf32> to vector<16xf32>
        %get3A_257 = arith.constant 0 : i32
        %get3A_258 = arith.index_cast %get3A_257 : i32 to index
        %get3A_259 = arith.index_cast %add3A_184 : i32 to index
        %get3A_260 = arith.constant 48 : index
        %get3A_261 = tpu.vector_load %arg10[%get3A_258, %get3A_259, %get3A_260] {strides = array<i32>} : memref<2x80x128xf32, #tpu.memory_space<vmem>>, vector<1x1x16xf32>,
        %get3A_262 = vector.shape_cast %get3A_261 : vector<1x1x16xf32> to vector<16xf32>
        %add3A_263 = arith.addf %get3A_256, %get3A_262 : vector<16xf32>
        %max3A_264 = arith.constant 0.000000e+00 : f32
        %max3A_265 = vector.broadcast %max3A_264 : f32 to vector<16xf32>
        %max3A_266 = arith.maximumf %add3A_263, %max3A_265 : vector<16xf32>
        %swap3A_267 = arith.constant 0 : i32
        %swap3A_268 = arith.index_cast %swap3A_267 : i32 to index
        %swap3A_269 = arith.index_cast %add3A_184 : i32 to index
        %swap3A_270 = arith.constant 48 : index
        %swap3A_271 = tpu.vector_load %arg11[%swap3A_268, %swap3A_269, %swap3A_270] {strides = array<i32>} : memref<2x80x128xf32, #tpu.memory_space<vmem>>, vector<1x1x16xf32>,
        %swap3A_272 = vector.shape_cast %swap3A_271 : vector<1x1x16xf32> to vector<16xf32>
        %swap3A_273 = vector.shape_cast %max3A_266 : vector<16xf32> to vector<1x1x16xf32>
        tpu.vector_store %arg11[%swap3A_268, %swap3A_269, %swap3A_270], %swap3A_273 {strides = array<i32>} : memref<2x80x128xf32, #tpu.memory_space<vmem>>, vector<1x1x16xf32>,
        %get3A_274 = arith.constant 0 : i32
        %get3A_275 = arith.index_cast %get3A_274 : i32 to index
        %get3A_276 = arith.index_cast %add3A_184 : i32 to index
        %get3A_277 = arith.constant 64 : index
        %get3A_278 = tpu.vector_load %arg11[%get3A_275, %get3A_276, %get3A_277] {strides = array<i32>} : memref<2x80x128xf32, #tpu.memory_space<vmem>>, vector<1x1x16xf32>,
        %get3A_279 = vector.shape_cast %get3A_278 : vector<1x1x16xf32> to vector<16xf32>
        %get3A_280 = arith.constant 0 : i32
        %get3A_281 = arith.index_cast %get3A_280 : i32 to index
        %get3A_282 = arith.index_cast %add3A_184 : i32 to index
        %get3A_283 = arith.constant 64 : index
        %get3A_284 = tpu.vector_load %arg10[%get3A_281, %get3A_282, %get3A_283] {strides = array<i32>} : memref<2x80x128xf32, #tpu.memory_space<vmem>>, vector<1x1x16xf32>,
        %get3A_285 = vector.shape_cast %get3A_284 : vector<1x1x16xf32> to vector<16xf32>
        %add3A_286 = arith.addf %get3A_279, %get3A_285 : vector<16xf32>
        %max3A_287 = arith.constant 0.000000e+00 : f32
        %max3A_288 = vector.broadcast %max3A_287 : f32 to vector<16xf32>
        %max3A_289 = arith.maximumf %add3A_286, %max3A_288 : vector<16xf32>
        %swap3A_290 = arith.constant 0 : i32
        %swap3A_291 = arith.index_cast %swap3A_290 : i32 to index
        %swap3A_292 = arith.index_cast %add3A_184 : i32 to index
        %swap3A_293 = arith.constant 64 : index
        %swap3A_294 = tpu.vector_load %arg11[%swap3A_291, %swap3A_292, %swap3A_293] {strides = array<i32>} : memref<2x80x128xf32, #tpu.memory_space<vmem>>, vector<1x1x16xf32>,
        %swap3A_295 = vector.shape_cast %swap3A_294 : vector<1x1x16xf32> to vector<16xf32>
        %swap3A_296 = vector.shape_cast %max3A_289 : vector<16xf32> to vector<1x1x16xf32>
        tpu.vector_store %arg11[%swap3A_291, %swap3A_292, %swap3A_293], %swap3A_296 {strides = array<i32>} : memref<2x80x128xf32, #tpu.memory_space<vmem>>, vector<1x1x16xf32>,
        %get3A_297 = arith.constant 0 : i32
        %get3A_298 = arith.index_cast %get3A_297 : i32 to index
        %get3A_299 = arith.index_cast %add3A_184 : i32 to index
        %get3A_300 = arith.constant 80 : index
        %get3A_301 = tpu.vector_load %arg11[%get3A_298, %get3A_299, %get3A_300] {strides = array<i32>} : memref<2x80x128xf32, #tpu.memory_space<vmem>>, vector<1x1x16xf32>,
        %get3A_302 = vector.shape_cast %get3A_301 : vector<1x1x16xf32> to vector<16xf32>
        %get3A_303 = arith.constant 0 : i32
        %get3A_304 = arith.index_cast %get3A_303 : i32 to index
        %get3A_305 = arith.index_cast %add3A_184 : i32 to index
        %get3A_306 = arith.constant 80 : index
        %get3A_307 = tpu.vector_load %arg10[%get3A_304, %get3A_305, %get3A_306] {strides = array<i32>} : memref<2x80x128xf32, #tpu.memory_space<vmem>>, vector<1x1x16xf32>,
        %get3A_308 = vector.shape_cast %get3A_307 : vector<1x1x16xf32> to vector<16xf32>
        %add3A_309 = arith.addf %get3A_302, %get3A_308 : vector<16xf32>
        %max3A_310 = arith.constant 0.000000e+00 : f32
        %max3A_311 = vector.broadcast %max3A_310 : f32 to vector<16xf32>
        %max3A_312 = arith.maximumf %add3A_309, %max3A_311 : vector<16xf32>
        %swap3A_313 = arith.constant 0 : i32
        %swap3A_314 = arith.index_cast %swap3A_313 : i32 to index
        %swap3A_315 = arith.index_cast %add3A_184 : i32 to index
        %swap3A_316 = arith.constant 80 : index
        %swap3A_317 = tpu.vector_load %arg11[%swap3A_314, %swap3A_315, %swap3A_316] {strides = array<i32>} : memref<2x80x128xf32, #tpu.memory_space<vmem>>, vector<1x1x16xf32>,
        %swap3A_318 = vector.shape_cast %swap3A_317 : vector<1x1x16xf32> to vector<16xf32>
        %swap3A_319 = vector.shape_cast %max3A_312 : vector<16xf32> to vector<1x1x16xf32>
        tpu.vector_store %arg11[%swap3A_314, %swap3A_315, %swap3A_316], %swap3A_319 {strides = array<i32>} : memref<2x80x128xf32, #tpu.memory_space<vmem>>, vector<1x1x16xf32>,
        %get3A_320 = arith.constant 0 : i32
        %get3A_321 = arith.index_cast %get3A_320 : i32 to index
        %get3A_322 = arith.index_cast %add3A_184 : i32 to index
        %get3A_323 = arith.constant 96 : index
        %get3A_324 = tpu.vector_load %arg11[%get3A_321, %get3A_322, %get3A_323] {strides = array<i32>} : memref<2x80x128xf32, #tpu.memory_space<vmem>>, vector<1x1x16xf32>,
        %get3A_325 = vector.shape_cast %get3A_324 : vector<1x1x16xf32> to vector<16xf32>
        %get3A_326 = arith.constant 0 : i32
        %get3A_327 = arith.index_cast %get3A_326 : i32 to index
        %get3A_328 = arith.index_cast %add3A_184 : i32 to index
        %get3A_329 = arith.constant 96 : index
        %get3A_330 = tpu.vector_load %arg10[%get3A_327, %get3A_328, %get3A_329] {strides = array<i32>} : memref<2x80x128xf32, #tpu.memory_space<vmem>>, vector<1x1x16xf32>,
        %get3A_331 = vector.shape_cast %get3A_330 : vector<1x1x16xf32> to vector<16xf32>
        %add3A_332 = arith.addf %get3A_325, %get3A_331 : vector<16xf32>
        %max3A_333 = arith.constant 0.000000e+00 : f32
        %max3A_334 = vector.broadcast %max3A_333 : f32 to vector<16xf32>
        %max3A_335 = arith.maximumf %add3A_332, %max3A_334 : vector<16xf32>
        %swap3A_336 = arith.constant 0 : i32
        %swap3A_337 = arith.index_cast %swap3A_336 : i32 to index
        %swap3A_338 = arith.index_cast %add3A_184 : i32 to index
        %swap3A_339 = arith.constant 96 : index
        %swap3A_340 = tpu.vector_load %arg11[%swap3A_337, %swap3A_338, %swap3A_339] {strides = array<i32>} : memref<2x80x128xf32, #tpu.memory_space<vmem>>, vector<1x1x16xf32>,
        %swap3A_341 = vector.shape_cast %swap3A_340 : vector<1x1x16xf32> to vector<16xf32>
        %swap3A_342 = vector.shape_cast %max3A_335 : vector<16xf32> to vector<1x1x16xf32>
        tpu.vector_store %arg11[%swap3A_337, %swap3A_338, %swap3A_339], %swap3A_342 {strides = array<i32>} : memref<2x80x128xf32, #tpu.memory_space<vmem>>, vector<1x1x16xf32>,
        %get3A_343 = arith.constant 0 : i32
        %get3A_344 = arith.index_cast %get3A_343 : i32 to index
        %get3A_345 = arith.index_cast %add3A_184 : i32 to index
        %get3A_346 = arith.constant 112 : index
        %get3A_347 = tpu.vector_load %arg11[%get3A_344, %get3A_345, %get3A_346] {strides = array<i32>} : memref<2x80x128xf32, #tpu.memory_space<vmem>>, vector<1x1x16xf32>,
        %get3A_348 = vector.shape_cast %get3A_347 : vector<1x1x16xf32> to vector<16xf32>
        %get3A_349 = arith.constant 0 : i32
        %get3A_350 = arith.index_cast %get3A_349 : i32 to index
        %get3A_351 = arith.index_cast %add3A_184 : i32 to index
        %get3A_352 = arith.constant 112 : index
        %get3A_353 = tpu.vector_load %arg10[%get3A_350, %get3A_351, %get3A_352] {strides = array<i32>} : memref<2x80x128xf32, #tpu.memory_space<vmem>>, vector<1x1x16xf32>,
        %get3A_354 = vector.shape_cast %get3A_353 : vector<1x1x16xf32> to vector<16xf32>
        %add3A_355 = arith.addf %get3A_348, %get3A_354 : vector<16xf32>
        %max3A_356 = arith.constant 0.000000e+00 : f32
        %max3A_357 = vector.broadcast %max3A_356 : f32 to vector<16xf32>
        %max3A_358 = arith.maximumf %add3A_355, %max3A_357 : vector<16xf32>
        %swap3A_359 = arith.constant 0 : i32
        %swap3A_360 = arith.index_cast %swap3A_359 : i32 to index
        %swap3A_361 = arith.index_cast %add3A_184 : i32 to index
        %swap3A_362 = arith.constant 112 : index
        %swap3A_363 = tpu.vector_load %arg11[%swap3A_360, %swap3A_361, %swap3A_362] {strides = array<i32>} : memref<2x80x128xf32, #tpu.memory_space<vmem>>, vector<1x1x16xf32>,
        %swap3A_364 = vector.shape_cast %swap3A_363 : vector<1x1x16xf32> to vector<16xf32>
        %swap3A_365 = vector.shape_cast %max3A_358 : vector<16xf32> to vector<1x1x16xf32>
        tpu.vector_store %arg11[%swap3A_360, %swap3A_361, %swap3A_362], %swap3A_365 {strides = array<i32>} : memref<2x80x128xf32, #tpu.memory_space<vmem>>, vector<1x1x16xf32>,
        %mul3A_366 = arith.constant 2 : i32
        %mul3A_367 = arith.muli %scan3A_180, %mul3A_366 : i32
        %add3A_368 = arith.constant 1 : i32
        %add3A_369 = arith.addi %mul3A_367, %add3A_368 : i32
        %get3A_370 = arith.constant 0 : i32
        %get3A_371 = arith.index_cast %get3A_370 : i32 to index
        %get3A_372 = arith.index_cast %add3A_369 : i32 to index
        %get3A_373 = arith.constant 0 : index
        %get3A_374 = tpu.vector_load %arg11[%get3A_371, %get3A_372, %get3A_373] {strides = array<i32>} : memref<2x80x128xf32, #tpu.memory_space<vmem>>, vector<1x1x16xf32>,
        %get3A_375 = vector.shape_cast %get3A_374 : vector<1x1x16xf32> to vector<16xf32>
        %get3A_376 = arith.constant 0 : i32
        %get3A_377 = arith.index_cast %get3A_376 : i32 to index
        %get3A_378 = arith.index_cast %add3A_369 : i32 to index
        %get3A_379 = arith.constant 0 : index
        %get3A_380 = tpu.vector_load %arg10[%get3A_377, %get3A_378, %get3A_379] {strides = array<i32>} : memref<2x80x128xf32, #tpu.memory_space<vmem>>, vector<1x1x16xf32>,
        %get3A_381 = vector.shape_cast %get3A_380 : vector<1x1x16xf32> to vector<16xf32>
        %add3A_382 = arith.addf %get3A_375, %get3A_381 : vector<16xf32>
        %max3A_383 = arith.constant 0.000000e+00 : f32
        %max3A_384 = vector.broadcast %max3A_383 : f32 to vector<16xf32>
        %max3A_385 = arith.maximumf %add3A_382, %max3A_384 : vector<16xf32>
        %swap3A_386 = arith.constant 0 : i32
        %swap3A_387 = arith.index_cast %swap3A_386 : i32 to index
        %swap3A_388 = arith.index_cast %add3A_369 : i32 to index
        %swap3A_389 = arith.constant 0 : index
        %swap3A_390 = tpu.vector_load %arg11[%swap3A_387, %swap3A_388, %swap3A_389] {strides = array<i32>} : memref<2x80x128xf32, #tpu.memory_space<vmem>>, vector<1x1x16xf32>,
        %swap3A_391 = vector.shape_cast %swap3A_390 : vector<1x1x16xf32> to vector<16xf32>
        %swap3A_392 = vector.shape_cast %max3A_385 : vector<16xf32> to vector<1x1x16xf32>
        tpu.vector_store %arg11[%swap3A_387, %swap3A_388, %swap3A_389], %swap3A_392 {strides = array<i32>} : memref<2x80x128xf32, #tpu.memory_space<vmem>>, vector<1x1x16xf32>,
        %get3A_393 = arith.constant 0 : i32
        %get3A_394 = arith.index_cast %get3A_393 : i32 to index
        %get3A_395 = arith.index_cast %add3A_369 : i32 to index
        %get3A_396 = arith.constant 16 : index
        %get3A_397 = tpu.vector_load %arg11[%get3A_394, %get3A_395, %get3A_396] {strides = array<i32>} : memref<2x80x128xf32, #tpu.memory_space<vmem>>, vector<1x1x16xf32>,
        %get3A_398 = vector.shape_cast %get3A_397 : vector<1x1x16xf32> to vector<16xf32>
        %get3A_399 = arith.constant 0 : i32
        %get3A_400 = arith.index_cast %get3A_399 : i32 to index
        %get3A_401 = arith.index_cast %add3A_369 : i32 to index
        %get3A_402 = arith.constant 16 : index
        %get3A_403 = tpu.vector_load %arg10[%get3A_400, %get3A_401, %get3A_402] {strides = array<i32>} : memref<2x80x128xf32, #tpu.memory_space<vmem>>, vector<1x1x16xf32>,
        %get3A_404 = vector.shape_cast %get3A_403 : vector<1x1x16xf32> to vector<16xf32>
        %add3A_405 = arith.addf %get3A_398, %get3A_404 : vector<16xf32>
        %max3A_406 = arith.constant 0.000000e+00 : f32
        %max3A_407 = vector.broadcast %max3A_406 : f32 to vector<16xf32>
        %max3A_408 = arith.maximumf %add3A_405, %max3A_407 : vector<16xf32>
        %swap3A_409 = arith.constant 0 : i32
        %swap3A_410 = arith.index_cast %swap3A_409 : i32 to index
        %swap3A_411 = arith.index_cast %add3A_369 : i32 to index
        %swap3A_412 = arith.constant 16 : index
        %swap3A_413 = tpu.vector_load %arg11[%swap3A_410, %swap3A_411, %swap3A_412] {strides = array<i32>} : memref<2x80x128xf32, #tpu.memory_space<vmem>>, vector<1x1x16xf32>,
        %swap3A_414 = vector.shape_cast %swap3A_413 : vector<1x1x16xf32> to vector<16xf32>
        %swap3A_415 = vector.shape_cast %max3A_408 : vector<16xf32> to vector<1x1x16xf32>
        tpu.vector_store %arg11[%swap3A_410, %swap3A_411, %swap3A_412], %swap3A_415 {strides = array<i32>} : memref<2x80x128xf32, #tpu.memory_space<vmem>>, vector<1x1x16xf32>,
        %get3A_416 = arith.constant 0 : i32
        %get3A_417 = arith.index_cast %get3A_416 : i32 to index
        %get3A_418 = arith.index_cast %add3A_369 : i32 to index
        %get3A_419 = arith.constant 32 : index
        %get3A_420 = tpu.vector_load %arg11[%get3A_417, %get3A_418, %get3A_419] {strides = array<i32>} : memref<2x80x128xf32, #tpu.memory_space<vmem>>, vector<1x1x16xf32>,
        %get3A_421 = vector.shape_cast %get3A_420 : vector<1x1x16xf32> to vector<16xf32>
        %get3A_422 = arith.constant 0 : i32
        %get3A_423 = arith.index_cast %get3A_422 : i32 to index
        %get3A_424 = arith.index_cast %add3A_369 : i32 to index
        %get3A_425 = arith.constant 32 : index
        %get3A_426 = tpu.vector_load %arg10[%get3A_423, %get3A_424, %get3A_425] {strides = array<i32>} : memref<2x80x128xf32, #tpu.memory_space<vmem>>, vector<1x1x16xf32>,
        %get3A_427 = vector.shape_cast %get3A_426 : vector<1x1x16xf32> to vector<16xf32>
        %add3A_428 = arith.addf %get3A_421, %get3A_427 : vector<16xf32>
        %max3A_429 = arith.constant 0.000000e+00 : f32
        %max3A_430 = vector.broadcast %max3A_429 : f32 to vector<16xf32>
        %max3A_431 = arith.maximumf %add3A_428, %max3A_430 : vector<16xf32>
        %swap3A_432 = arith.constant 0 : i32
        %swap3A_433 = arith.index_cast %swap3A_432 : i32 to index
        %swap3A_434 = arith.index_cast %add3A_369 : i32 to index
        %swap3A_435 = arith.constant 32 : index
        %swap3A_436 = tpu.vector_load %arg11[%swap3A_433, %swap3A_434, %swap3A_435] {strides = array<i32>} : memref<2x80x128xf32, #tpu.memory_space<vmem>>, vector<1x1x16xf32>,
        %swap3A_437 = vector.shape_cast %swap3A_436 : vector<1x1x16xf32> to vector<16xf32>
        %swap3A_438 = vector.shape_cast %max3A_431 : vector<16xf32> to vector<1x1x16xf32>
        tpu.vector_store %arg11[%swap3A_433, %swap3A_434, %swap3A_435], %swap3A_438 {strides = array<i32>} : memref<2x80x128xf32, #tpu.memory_space<vmem>>, vector<1x1x16xf32>,
        %get3A_439 = arith.constant 0 : i32
        %get3A_440 = arith.index_cast %get3A_439 : i32 to index
        %get3A_441 = arith.index_cast %add3A_369 : i32 to index
        %get3A_442 = arith.constant 48 : index
        %get3A_443 = tpu.vector_load %arg11[%get3A_440, %get3A_441, %get3A_442] {strides = array<i32>} : memref<2x80x128xf32, #tpu.memory_space<vmem>>, vector<1x1x16xf32>,
        %get3A_444 = vector.shape_cast %get3A_443 : vector<1x1x16xf32> to vector<16xf32>
        %get3A_445 = arith.constant 0 : i32
        %get3A_446 = arith.index_cast %get3A_445 : i32 to index
        %get3A_447 = arith.index_cast %add3A_369 : i32 to index
        %get3A_448 = arith.constant 48 : index
        %get3A_449 = tpu.vector_load %arg10[%get3A_446, %get3A_447, %get3A_448] {strides = array<i32>} : memref<2x80x128xf32, #tpu.memory_space<vmem>>, vector<1x1x16xf32>,
        %get3A_450 = vector.shape_cast %get3A_449 : vector<1x1x16xf32> to vector<16xf32>
        %add3A_451 = arith.addf %get3A_444, %get3A_450 : vector<16xf32>
        %max3A_452 = arith.constant 0.000000e+00 : f32
        %max3A_453 = vector.broadcast %max3A_452 : f32 to vector<16xf32>
        %max3A_454 = arith.maximumf %add3A_451, %max3A_453 : vector<16xf32>
        %swap3A_455 = arith.constant 0 : i32
        %swap3A_456 = arith.index_cast %swap3A_455 : i32 to index
        %swap3A_457 = arith.index_cast %add3A_369 : i32 to index
        %swap3A_458 = arith.constant 48 : index
        %swap3A_459 = tpu.vector_load %arg11[%swap3A_456, %swap3A_457, %swap3A_458] {strides = array<i32>} : memref<2x80x128xf32, #tpu.memory_space<vmem>>, vector<1x1x16xf32>,
        %swap3A_460 = vector.shape_cast %swap3A_459 : vector<1x1x16xf32> to vector<16xf32>
        %swap3A_461 = vector.shape_cast %max3A_454 : vector<16xf32> to vector<1x1x16xf32>
        tpu.vector_store %arg11[%swap3A_456, %swap3A_457, %swap3A_458], %swap3A_461 {strides = array<i32>} : memref<2x80x128xf32, #tpu.memory_space<vmem>>, vector<1x1x16xf32>,
        %get3A_462 = arith.constant 0 : i32
        %get3A_463 = arith.index_cast %get3A_462 : i32 to index
        %get3A_464 = arith.index_cast %add3A_369 : i32 to index
        %get3A_465 = arith.constant 64 : index
        %get3A_466 = tpu.vector_load %arg11[%get3A_463, %get3A_464, %get3A_465] {strides = array<i32>} : memref<2x80x128xf32, #tpu.memory_space<vmem>>, vector<1x1x16xf32>,
        %get3A_467 = vector.shape_cast %get3A_466 : vector<1x1x16xf32> to vector<16xf32>
        %get3A_468 = arith.constant 0 : i32
        %get3A_469 = arith.index_cast %get3A_468 : i32 to index
        %get3A_470 = arith.index_cast %add3A_369 : i32 to index
        %get3A_471 = arith.constant 64 : index
        %get3A_472 = tpu.vector_load %arg10[%get3A_469, %get3A_470, %get3A_471] {strides = array<i32>} : memref<2x80x128xf32, #tpu.memory_space<vmem>>, vector<1x1x16xf32>,
        %get3A_473 = vector.shape_cast %get3A_472 : vector<1x1x16xf32> to vector<16xf32>
        %add3A_474 = arith.addf %get3A_467, %get3A_473 : vector<16xf32>
        %max3A_475 = arith.constant 0.000000e+00 : f32
        %max3A_476 = vector.broadcast %max3A_475 : f32 to vector<16xf32>
        %max3A_477 = arith.maximumf %add3A_474, %max3A_476 : vector<16xf32>
        %swap3A_478 = arith.constant 0 : i32
        %swap3A_479 = arith.index_cast %swap3A_478 : i32 to index
        %swap3A_480 = arith.index_cast %add3A_369 : i32 to index
        %swap3A_481 = arith.constant 64 : index
        %swap3A_482 = tpu.vector_load %arg11[%swap3A_479, %swap3A_480, %swap3A_481] {strides = array<i32>} : memref<2x80x128xf32, #tpu.memory_space<vmem>>, vector<1x1x16xf32>,
        %swap3A_483 = vector.shape_cast %swap3A_482 : vector<1x1x16xf32> to vector<16xf32>
        %swap3A_484 = vector.shape_cast %max3A_477 : vector<16xf32> to vector<1x1x16xf32>
        tpu.vector_store %arg11[%swap3A_479, %swap3A_480, %swap3A_481], %swap3A_484 {strides = array<i32>} : memref<2x80x128xf32, #tpu.memory_space<vmem>>, vector<1x1x16xf32>,
        %get3A_485 = arith.constant 0 : i32
        %get3A_486 = arith.index_cast %get3A_485 : i32 to index
        %get3A_487 = arith.index_cast %add3A_369 : i32 to index
        %get3A_488 = arith.constant 80 : index
        %get3A_489 = tpu.vector_load %arg11[%get3A_486, %get3A_487, %get3A_488] {strides = array<i32>} : memref<2x80x128xf32, #tpu.memory_space<vmem>>, vector<1x1x16xf32>,
        %get3A_490 = vector.shape_cast %get3A_489 : vector<1x1x16xf32> to vector<16xf32>
        %get3A_491 = arith.constant 0 : i32
        %get3A_492 = arith.index_cast %get3A_491 : i32 to index
        %get3A_493 = arith.index_cast %add3A_369 : i32 to index
        %get3A_494 = arith.constant 80 : index
        %get3A_495 = tpu.vector_load %arg10[%get3A_492, %get3A_493, %get3A_494] {strides = array<i32>} : memref<2x80x128xf32, #tpu.memory_space<vmem>>, vector<1x1x16xf32>,
        %get3A_496 = vector.shape_cast %get3A_495 : vector<1x1x16xf32> to vector<16xf32>
        %add3A_497 = arith.addf %get3A_490, %get3A_496 : vector<16xf32>
        %max3A_498 = arith.constant 0.000000e+00 : f32
        %max3A_499 = vector.broadcast %max3A_498 : f32 to vector<16xf32>
        %max3A_500 = arith.maximumf %add3A_497, %max3A_499 : vector<16xf32>
        %swap3A_501 = arith.constant 0 : i32
        %swap3A_502 = arith.index_cast %swap3A_501 : i32 to index
        %swap3A_503 = arith.index_cast %add3A_369 : i32 to index
        %swap3A_504 = arith.constant 80 : index
        %swap3A_505 = tpu.vector_load %arg11[%swap3A_502, %swap3A_503, %swap3A_504] {strides = array<i32>} : memref<2x80x128xf32, #tpu.memory_space<vmem>>, vector<1x1x16xf32>,
        %swap3A_506 = vector.shape_cast %swap3A_505 : vector<1x1x16xf32> to vector<16xf32>
        %swap3A_507 = vector.shape_cast %max3A_500 : vector<16xf32> to vector<1x1x16xf32>
        tpu.vector_store %arg11[%swap3A_502, %swap3A_503, %swap3A_504], %swap3A_507 {strides = array<i32>} : memref<2x80x128xf32, #tpu.memory_space<vmem>>, vector<1x1x16xf32>,
        %get3A_508 = arith.constant 0 : i32
        %get3A_509 = arith.index_cast %get3A_508 : i32 to index
        %get3A_510 = arith.index_cast %add3A_369 : i32 to index
        %get3A_511 = arith.constant 96 : index
        %get3A_512 = tpu.vector_load %arg11[%get3A_509, %get3A_510, %get3A_511] {strides = array<i32>} : memref<2x80x128xf32, #tpu.memory_space<vmem>>, vector<1x1x16xf32>,
        %get3A_513 = vector.shape_cast %get3A_512 : vector<1x1x16xf32> to vector<16xf32>
        %get3A_514 = arith.constant 0 : i32
        %get3A_515 = arith.index_cast %get3A_514 : i32 to index
        %get3A_516 = arith.index_cast %add3A_369 : i32 to index
        %get3A_517 = arith.constant 96 : index
        %get3A_518 = tpu.vector_load %arg10[%get3A_515, %get3A_516, %get3A_517] {strides = array<i32>} : memref<2x80x128xf32, #tpu.memory_space<vmem>>, vector<1x1x16xf32>,
        %get3A_519 = vector.shape_cast %get3A_518 : vector<1x1x16xf32> to vector<16xf32>
        %add3A_520 = arith.addf %get3A_513, %get3A_519 : vector<16xf32>
        %max3A_521 = arith.constant 0.000000e+00 : f32
        %max3A_522 = vector.broadcast %max3A_521 : f32 to vector<16xf32>
        %max3A_523 = arith.maximumf %add3A_520, %max3A_522 : vector<16xf32>
        %swap3A_524 = arith.constant 0 : i32
        %swap3A_525 = arith.index_cast %swap3A_524 : i32 to index
        %swap3A_526 = arith.index_cast %add3A_369 : i32 to index
        %swap3A_527 = arith.constant 96 : index
        %swap3A_528 = tpu.vector_load %arg11[%swap3A_525, %swap3A_526, %swap3A_527] {strides = array<i32>} : memref<2x80x128xf32, #tpu.memory_space<vmem>>, vector<1x1x16xf32>,
        %swap3A_529 = vector.shape_cast %swap3A_528 : vector<1x1x16xf32> to vector<16xf32>
        %swap3A_530 = vector.shape_cast %max3A_523 : vector<16xf32> to vector<1x1x16xf32>
        tpu.vector_store %arg11[%swap3A_525, %swap3A_526, %swap3A_527], %swap3A_530 {strides = array<i32>} : memref<2x80x128xf32, #tpu.memory_space<vmem>>, vector<1x1x16xf32>,
        %get3A_531 = arith.constant 0 : i32
        %get3A_532 = arith.index_cast %get3A_531 : i32 to index
        %get3A_533 = arith.index_cast %add3A_369 : i32 to index
        %get3A_534 = arith.constant 112 : index
        %get3A_535 = tpu.vector_load %arg11[%get3A_532, %get3A_533, %get3A_534] {strides = array<i32>} : memref<2x80x128xf32, #tpu.memory_space<vmem>>, vector<1x1x16xf32>,
        %get3A_536 = vector.shape_cast %get3A_535 : vector<1x1x16xf32> to vector<16xf32>
        %get3A_537 = arith.constant 0 : i32
        %get3A_538 = arith.index_cast %get3A_537 : i32 to index
        %get3A_539 = arith.index_cast %add3A_369 : i32 to index
        %get3A_540 = arith.constant 112 : index
        %get3A_541 = tpu.vector_load %arg10[%get3A_538, %get3A_539, %get3A_540] {strides = array<i32>} : memref<2x80x128xf32, #tpu.memory_space<vmem>>, vector<1x1x16xf32>,
        %get3A_542 = vector.shape_cast %get3A_541 : vector<1x1x16xf32> to vector<16xf32>
        %add3A_543 = arith.addf %get3A_536, %get3A_542 : vector<16xf32>
        %max3A_544 = arith.constant 0.000000e+00 : f32
        %max3A_545 = vector.broadcast %max3A_544 : f32 to vector<16xf32>
        %max3A_546 = arith.maximumf %add3A_543, %max3A_545 : vector<16xf32>
        %swap3A_547 = arith.constant 0 : i32
        %swap3A_548 = arith.index_cast %swap3A_547 : i32 to index
        %swap3A_549 = arith.index_cast %add3A_369 : i32 to index
        %swap3A_550 = arith.constant 112 : index
        %swap3A_551 = tpu.vector_load %arg11[%swap3A_548, %swap3A_549, %swap3A_550] {strides = array<i32>} : memref<2x80x128xf32, #tpu.memory_space<vmem>>, vector<1x1x16xf32>,
        %swap3A_552 = vector.shape_cast %swap3A_551 : vector<1x1x16xf32> to vector<16xf32>
        %swap3A_553 = vector.shape_cast %max3A_546 : vector<16xf32> to vector<1x1x16xf32>
        tpu.vector_store %arg11[%swap3A_548, %swap3A_549, %swap3A_550], %swap3A_553 {strides = array<i32>} : memref<2x80x128xf32, #tpu.memory_space<vmem>>, vector<1x1x16xf32>,
      }
      %scan3A_143 = arith.constant 40 : i32
      %dma_wait3A_144 = arith.constant 0 : i32
      %dma_wait3A_145 = arith.constant 0 : i32
      %dma_wait3A_146 = arith.constant 0 : i32
      %dma_wait3A_147 = tpu.memref_slice %arg9[%dma_wait3A_144, %dma_wait3A_146] : memref<2x80xi32, #tpu.memory_space<vmem>> -> memref<1x80xi32, #tpu.memory_space<vmem>>
      %dma_wait3A_148 = tpu.memref_squeeze %dma_wait3A_147 : memref<1x80xi32, #tpu.memory_space<vmem>> -> memref<80xi32, #tpu.memory_space<vmem>>
      %dma_wait3A_149 = tpu.memref_slice %arg5[%mul3A_2] : memref<320000xi32, #tpu.memory_space<hbm>> -> memref<80xi32, #tpu.memory_space<hbm>>
      %dma_wait3A_150 = tpu.memref_slice %arg14[%dma_wait3A_145] : memref<2x!tpu.dma_semaphore, #tpu.memory_space<semaphore_mem>> -> memref<1x!tpu.dma_semaphore, #tpu.memory_space<semaphore_mem>>
      %dma_wait3A_151 = tpu.memref_squeeze %dma_wait3A_150 : memref<1x!tpu.dma_semaphore, #tpu.memory_space<semaphore_mem>> -> memref<!tpu.dma_semaphore, #tpu.memory_space<semaphore_mem>>
      %dma_wait3A_152 = arith.constant 0 : i32
      %dma_wait3A_153 = tpu.memref_slice %arg9[%dma_wait3A_144, %dma_wait3A_152] : memref<2x80xi32, #tpu.memory_space<vmem>> -> memref<1x80xi32, #tpu.memory_space<vmem>>
      %dma_wait3A_154 = tpu.memref_squeeze %dma_wait3A_153 : memref<1x80xi32, #tpu.memory_space<vmem>> -> memref<80xi32, #tpu.memory_space<vmem>>
      %dma_wait3A_155 = tpu.memref_slice %arg5[%mul3A_2] : memref<320000xi32, #tpu.memory_space<hbm>> -> memref<80xi32, #tpu.memory_space<hbm>>
      tpu.wait_dma2 semaphore(%dma_wait3A_151 : memref<!tpu.dma_semaphore, #tpu.memory_space<semaphore_mem>>) src(%dma_wait3A_155 : memref<80xi32, #tpu.memory_space<hbm>>) dst(%dma_wait3A_154 : memref<80xi32, #tpu.memory_space<vmem>>)
      %dma_start3A_156 = arith.constant 0 : i32
      %dma_start3A_157 = arith.constant 0 : i32
      %dma_start3A_158 = arith.constant 0 : i32
      %dma_start3A_159 = arith.constant 0 : i32
      %dma_start3A_160 = arith.constant 0 : i32
      %dma_start3A_161 = tpu.memref_slice %arg11[%dma_start3A_156, %dma_start3A_159, %dma_start3A_160] : memref<2x80x128xf32, #tpu.memory_space<vmem>> -> memref<1x80x128xf32, #tpu.memory_space<vmem>>
      %dma_start3A_162 = tpu.memref_squeeze %dma_start3A_161 : memref<1x80x128xf32, #tpu.memory_space<vmem>> -> memref<80x128xf32, #tpu.memory_space<vmem>>
      %dma_start3A_163 = arith.constant 0 : i32
      %dma_start3A_164 = tpu.memref_slice %arg9[%dma_start3A_157, %dma_start3A_163] : memref<2x80xi32, #tpu.memory_space<vmem>> -> memref<1x80xi32, #tpu.memory_space<vmem>>
      %dma_start3A_165 = tpu.memref_squeeze %dma_start3A_164 : memref<1x80xi32, #tpu.memory_space<vmem>> -> memref<80xi32, #tpu.memory_space<vmem>>
      %dma_start3A_166 = arith.constant 0 : i32
      %dma_start3A_167 = arith.constant 0 : i32
      %dma_start3A_168 = tpu.memref_slice %arg12[%dma_start3A_166, %dma_start3A_167] : memref<10000x128xf32, #tpu.memory_space<vmem_shared>> -> memref<10000x128xf32, #tpu.memory_space<vmem_shared>>
      %dma_start3A_169 = tpu.memref_slice %arg17[%dma_start3A_158] : memref<2x!tpu.dma_semaphore, #tpu.memory_space<semaphore_mem>> -> memref<1x!tpu.dma_semaphore, #tpu.memory_space<semaphore_mem>>
      %dma_start3A_170 = tpu.memref_squeeze %dma_start3A_169 : memref<1x!tpu.dma_semaphore, #tpu.memory_space<semaphore_mem>> -> memref<!tpu.dma_semaphore, #tpu.memory_space<semaphore_mem>>
      tpu.enqueue_indirect_dma source(%dma_start3A_162 : memref<80x128xf32, #tpu.memory_space<vmem>>) target(%dma_start3A_168 : memref<10000x128xf32, #tpu.memory_space<vmem_shared>>) offsets(%dma_start3A_165 : memref<80xi32, #tpu.memory_space<vmem>>) semaphore(%dma_start3A_170 : memref<!tpu.dma_semaphore, #tpu.memory_space<semaphore_mem>>) {add = true}
      %mul3A_171 = arith.constant 2 : i32
      %mul3A_172 = arith.muli %scan3A_86, %mul3A_171 : i32
      %add3A_173 = arith.constant 1 : i32
      %add3A_174 = arith.addi %mul3A_172, %add3A_173 : i32
      %le3A_175 = arith.constant 124 : i32
      %le3A_176 = arith.cmpi sle, %add3A_174, %le3A_175 : i32
      %convert_element_type3A_177 = arith.extui %le3A_176 : i1 to i32
      %cond3A_178 = arith.constant 0 : i32
      %cond3A_179 = arith.cmpi ne, %convert_element_type3A_177, %cond3A_178 : i32
      scf.if %cond3A_179 {
        %ge3A_180 = arith.constant 1 : i32
        %ge3A_181 = arith.cmpi sge, %add3A_174, %ge3A_180 : i32
        %convert_element_type3A_182 = arith.extui %ge3A_181 : i1 to i32
        %cond3A_183 = arith.constant 0 : i32
        %cond3A_184 = arith.cmpi ne, %convert_element_type3A_182, %cond3A_183 : i32
        scf.if %cond3A_184 {
          %dma_wait3A_264 = arith.constant 0 : i32
          %dma_wait3A_265 = arith.constant 0 : i32
          %dma_wait3A_266 = arith.constant 0 : i32
          %dma_wait3A_267 = arith.constant 0 : i32
          %dma_wait3A_268 = tpu.memref_slice %arg11[%dma_wait3A_264, %dma_wait3A_266, %dma_wait3A_267] : memref<2x80x128xf32, #tpu.memory_space<vmem>> -> memref<1x80x128xf32, #tpu.memory_space<vmem>>
          %dma_wait3A_269 = tpu.memref_squeeze %dma_wait3A_268 : memref<1x80x128xf32, #tpu.memory_space<vmem>> -> memref<80x128xf32, #tpu.memory_space<vmem>>
          %dma_wait3A_270 = arith.constant 0 : i32
          %dma_wait3A_271 = arith.constant 0 : i32
          %dma_wait3A_272 = tpu.memref_slice %arg12[%dma_wait3A_270, %dma_wait3A_271] : memref<10000x128xf32, #tpu.memory_space<vmem_shared>> -> memref<80x128xf32, #tpu.memory_space<vmem_shared>>
          %dma_wait3A_273 = tpu.memref_slice %arg17[%dma_wait3A_265] : memref<2x!tpu.dma_semaphore, #tpu.memory_space<semaphore_mem>> -> memref<1x!tpu.dma_semaphore, #tpu.memory_space<semaphore_mem>>
          %dma_wait3A_274 = tpu.memref_squeeze %dma_wait3A_273 : memref<1x!tpu.dma_semaphore, #tpu.memory_space<semaphore_mem>> -> memref<!tpu.dma_semaphore, #tpu.memory_space<semaphore_mem>>
          %dma_wait3A_275 = arith.constant 0 : i32
          %dma_wait3A_276 = arith.constant 0 : i32
          %dma_wait3A_277 = tpu.memref_slice %arg12[%dma_wait3A_275, %dma_wait3A_276] : memref<10000x128xf32, #tpu.memory_space<vmem_shared>> -> memref<80x128xf32, #tpu.memory_space<vmem_shared>>
          %dma_wait3A_278 = arith.constant 0 : i32
          %dma_wait3A_279 = arith.constant 0 : i32
          %dma_wait3A_280 = tpu.memref_slice %arg11[%dma_wait3A_264, %dma_wait3A_278, %dma_wait3A_279] : memref<2x80x128xf32, #tpu.memory_space<vmem>> -> memref<1x80x128xf32, #tpu.memory_space<vmem>>
          %dma_wait3A_281 = tpu.memref_squeeze %dma_wait3A_280 : memref<1x80x128xf32, #tpu.memory_space<vmem>> -> memref<80x128xf32, #tpu.memory_space<vmem>>
          tpu.wait_dma2 semaphore(%dma_wait3A_274 : memref<!tpu.dma_semaphore, #tpu.memory_space<semaphore_mem>>) src(%dma_wait3A_281 : memref<80x128xf32, #tpu.memory_space<vmem>>) dst(%dma_wait3A_277 : memref<80x128xf32, #tpu.memory_space<vmem_shared>>)
        } else {
        }
        %add3A_185 = arith.constant 1 : i32
        %add3A_186 = arith.addi %add3A_174, %add3A_185 : i32
        %le3A_187 = arith.constant 124 : i32
        %le3A_188 = arith.cmpi sle, %add3A_186, %le3A_187 : i32
        %convert_element_type3A_189 = arith.extui %le3A_188 : i1 to i32
        %cond3A_190 = arith.constant 0 : i32
        %cond3A_191 = arith.cmpi ne, %convert_element_type3A_189, %cond3A_190 : i32
        scf.if %cond3A_191 {
          %dma_wait3A_264 = arith.constant 0 : i32
          %dma_wait3A_265 = arith.constant 0 : i32
          %dma_wait3A_266 = arith.constant 0 : i32
          %dma_wait3A_267 = tpu.memref_slice %arg8[%dma_wait3A_264, %dma_wait3A_266] : memref<2x80xi32, #tpu.memory_space<vmem>> -> memref<1x80xi32, #tpu.memory_space<vmem>>
          %dma_wait3A_268 = tpu.memref_squeeze %dma_wait3A_267 : memref<1x80xi32, #tpu.memory_space<vmem>> -> memref<80xi32, #tpu.memory_space<vmem>>
          %dma_wait3A_269 = tpu.memref_slice %arg4[%mul3A_2] : memref<320000xi32, #tpu.memory_space<hbm>> -> memref<80xi32, #tpu.memory_space<hbm>>
          %dma_wait3A_270 = tpu.memref_slice %arg13[%dma_wait3A_265] : memref<2x!tpu.dma_semaphore, #tpu.memory_space<semaphore_mem>> -> memref<1x!tpu.dma_semaphore, #tpu.memory_space<semaphore_mem>>
          %dma_wait3A_271 = tpu.memref_squeeze %dma_wait3A_270 : memref<1x!tpu.dma_semaphore, #tpu.memory_space<semaphore_mem>> -> memref<!tpu.dma_semaphore, #tpu.memory_space<semaphore_mem>>
          %dma_wait3A_272 = arith.constant 0 : i32
          %dma_wait3A_273 = tpu.memref_slice %arg8[%dma_wait3A_264, %dma_wait3A_272] : memref<2x80xi32, #tpu.memory_space<vmem>> -> memref<1x80xi32, #tpu.memory_space<vmem>>
          %dma_wait3A_274 = tpu.memref_squeeze %dma_wait3A_273 : memref<1x80xi32, #tpu.memory_space<vmem>> -> memref<80xi32, #tpu.memory_space<vmem>>
          %dma_wait3A_275 = tpu.memref_slice %arg4[%mul3A_2] : memref<320000xi32, #tpu.memory_space<hbm>> -> memref<80xi32, #tpu.memory_space<hbm>>
          tpu.wait_dma2 semaphore(%dma_wait3A_271 : memref<!tpu.dma_semaphore, #tpu.memory_space<semaphore_mem>>) src(%dma_wait3A_275 : memref<80xi32, #tpu.memory_space<hbm>>) dst(%dma_wait3A_274 : memref<80xi32, #tpu.memory_space<vmem>>)
          %add3A_276 = arith.constant 1 : i32
          %add3A_277 = arith.addi %add3A_174, %add3A_276 : i32
          %mul3A_278 = arith.constant 80 : i32
          %mul3A_279 = arith.muli %add3A_277, %mul3A_278 : i32
          %add3A_280 = arith.addi %mul3A_2, %mul3A_279 : i32
          %dma_start3A_281 = arith.constant 0 : i32
          %dma_start3A_282 = arith.constant 0 : i32
          %dma_start3A_283 = arith.constant 0 : i32
          %dma_start3A_284 = tpu.memref_slice %arg9[%dma_start3A_281, %dma_start3A_283] : memref<2x80xi32, #tpu.memory_space<vmem>> -> memref<1x80xi32, #tpu.memory_space<vmem>>
          %dma_start3A_285 = tpu.memref_squeeze %dma_start3A_284 : memref<1x80xi32, #tpu.memory_space<vmem>> -> memref<80xi32, #tpu.memory_space<vmem>>
          %dma_start3A_286 = tpu.memref_slice %arg5[%add3A_280] : memref<320000xi32, #tpu.memory_space<hbm>> -> memref<80xi32, #tpu.memory_space<hbm>>
          %dma_start3A_287 = tpu.memref_slice %arg14[%dma_start3A_282] : memref<2x!tpu.dma_semaphore, #tpu.memory_space<semaphore_mem>> -> memref<1x!tpu.dma_semaphore, #tpu.memory_space<semaphore_mem>>
          %dma_start3A_288 = tpu.memref_squeeze %dma_start3A_287 : memref<1x!tpu.dma_semaphore, #tpu.memory_space<semaphore_mem>> -> memref<!tpu.dma_semaphore, #tpu.memory_space<semaphore_mem>>
          %dma_start3A_289 = arith.constant 0 : i32
          %dma_start3A_290 = tpu.memref_slice %arg9[%dma_start3A_281, %dma_start3A_289] : memref<2x80xi32, #tpu.memory_space<vmem>> -> memref<1x80xi32, #tpu.memory_space<vmem>>
          %dma_start3A_291 = tpu.memref_squeeze %dma_start3A_290 : memref<1x80xi32, #tpu.memory_space<vmem>> -> memref<80xi32, #tpu.memory_space<vmem>>
          %dma_start3A_292 = tpu.memref_slice %arg5[%add3A_280] : memref<320000xi32, #tpu.memory_space<hbm>> -> memref<80xi32, #tpu.memory_space<hbm>>
          tpu.enqueue_dma source(%dma_start3A_292 : memref<80xi32, #tpu.memory_space<hbm>>) target(%dma_start3A_291 : memref<80xi32, #tpu.memory_space<vmem>>) target_semaphore(%dma_start3A_288 : memref<!tpu.dma_semaphore, #tpu.memory_space<semaphore_mem>>)
          %dma_start3A_293 = arith.constant 0 : i32
          %dma_start3A_294 = arith.constant 0 : i32
          %dma_start3A_295 = arith.constant 0 : i32
          %dma_start3A_296 = arith.constant 0 : i32
          %dma_start3A_297 = tpu.memref_slice %arg10[%dma_start3A_293, %dma_start3A_295, %dma_start3A_296] : memref<2x80x128xf32, #tpu.memory_space<vmem>> -> memref<1x80x128xf32, #tpu.memory_space<vmem>>
          %dma_start3A_298 = tpu.memref_squeeze %dma_start3A_297 : memref<1x80x128xf32, #tpu.memory_space<vmem>> -> memref<80x128xf32, #tpu.memory_space<vmem>>
          %dma_start3A_299 = arith.constant 0 : i32
          %dma_start3A_300 = tpu.memref_slice %arg3[%add3A_280, %dma_start3A_299] : memref<320000x128xf32, #tpu.memory_space<hbm>> -> memref<80x128xf32, #tpu.memory_space<hbm>>
          %dma_start3A_301 = tpu.memref_slice %arg15[%dma_start3A_294] : memref<2x!tpu.dma_semaphore, #tpu.memory_space<semaphore_mem>> -> memref<1x!tpu.dma_semaphore, #tpu.memory_space<semaphore_mem>>
          %dma_start3A_302 = tpu.memref_squeeze %dma_start3A_301 : memref<1x!tpu.dma_semaphore, #tpu.memory_space<semaphore_mem>> -> memref<!tpu.dma_semaphore, #tpu.memory_space<semaphore_mem>>
          %dma_start3A_303 = arith.constant 0 : i32
          %dma_start3A_304 = arith.constant 0 : i32
          %dma_start3A_305 = tpu.memref_slice %arg10[%dma_start3A_293, %dma_start3A_303, %dma_start3A_304] : memref<2x80x128xf32, #tpu.memory_space<vmem>> -> memref<1x80x128xf32, #tpu.memory_space<vmem>>
          %dma_start3A_306 = tpu.memref_squeeze %dma_start3A_305 : memref<1x80x128xf32, #tpu.memory_space<vmem>> -> memref<80x128xf32, #tpu.memory_space<vmem>>
          %dma_start3A_307 = arith.constant 0 : i32
          %dma_start3A_308 = tpu.memref_slice %arg3[%add3A_280, %dma_start3A_307] : memref<320000x128xf32, #tpu.memory_space<hbm>> -> memref<80x128xf32, #tpu.memory_space<hbm>>
          tpu.enqueue_dma source(%dma_start3A_308 : memref<80x128xf32, #tpu.memory_space<hbm>>) target(%dma_start3A_306 : memref<80x128xf32, #tpu.memory_space<vmem>>) target_semaphore(%dma_start3A_302 : memref<!tpu.dma_semaphore, #tpu.memory_space<semaphore_mem>>)
          %dma_start3A_309 = arith.constant 0 : i32
          %dma_start3A_310 = arith.constant 0 : i32
          %dma_start3A_311 = arith.constant 0 : i32
          %dma_start3A_312 = arith.constant 0 : i32
          %dma_start3A_313 = arith.constant 0 : i32
          %dma_start3A_314 = tpu.memref_slice %arg11[%dma_start3A_310, %dma_start3A_312, %dma_start3A_313] : memref<2x80x128xf32, #tpu.memory_space<vmem>> -> memref<1x80x128xf32, #tpu.memory_space<vmem>>
          %dma_start3A_315 = tpu.memref_squeeze %dma_start3A_314 : memref<1x80x128xf32, #tpu.memory_space<vmem>> -> memref<80x128xf32, #tpu.memory_space<vmem>>
          %dma_start3A_316 = arith.constant 0 : i32
          %dma_start3A_317 = tpu.memref_slice %arg8[%dma_start3A_309, %dma_start3A_316] : memref<2x80xi32, #tpu.memory_space<vmem>> -> memref<1x80xi32, #tpu.memory_space<vmem>>
          %dma_start3A_318 = tpu.memref_squeeze %dma_start3A_317 : memref<1x80xi32, #tpu.memory_space<vmem>> -> memref<80xi32, #tpu.memory_space<vmem>>
          %dma_start3A_319 = arith.constant 0 : i32
          %dma_start3A_320 = arith.constant 0 : i32
          %dma_start3A_321 = tpu.memref_slice %arg2[%dma_start3A_319, %dma_start3A_320] : memref<10000x128xf32, #tpu.memory_space<hbm>> -> memref<10000x128xf32, #tpu.memory_space<hbm>>
          %dma_start3A_322 = tpu.memref_slice %arg16[%dma_start3A_311] : memref<2x!tpu.dma_semaphore, #tpu.memory_space<semaphore_mem>> -> memref<1x!tpu.dma_semaphore, #tpu.memory_space<semaphore_mem>>
          %dma_start3A_323 = tpu.memref_squeeze %dma_start3A_322 : memref<1x!tpu.dma_semaphore, #tpu.memory_space<semaphore_mem>> -> memref<!tpu.dma_semaphore, #tpu.memory_space<semaphore_mem>>
          tpu.enqueue_indirect_dma source(%dma_start3A_321 : memref<10000x128xf32, #tpu.memory_space<hbm>>) target(%dma_start3A_315 : memref<80x128xf32, #tpu.memory_space<vmem>>) offsets(%dma_start3A_318 : memref<80xi32, #tpu.memory_space<vmem>>) semaphore(%dma_start3A_323 : memref<!tpu.dma_semaphore, #tpu.memory_space<semaphore_mem>>)
        } else {
        }
        %dma_wait3A_192 = arith.constant 1 : i32
        %dma_wait3A_193 = arith.constant 1 : i32
        %dma_wait3A_194 = arith.constant 0 : i32
        %dma_wait3A_195 = arith.constant 0 : i32
        %dma_wait3A_196 = tpu.memref_slice %arg10[%dma_wait3A_192, %dma_wait3A_194, %dma_wait3A_195] : memref<2x80x128xf32, #tpu.memory_space<vmem>> -> memref<1x80x128xf32, #tpu.memory_space<vmem>>
        %dma_wait3A_197 = tpu.memref_squeeze %dma_wait3A_196 : memref<1x80x128xf32, #tpu.memory_space<vmem>> -> memref<80x128xf32, #tpu.memory_space<vmem>>
        %dma_wait3A_198 = arith.constant 0 : i32
        %dma_wait3A_199 = tpu.memref_slice %arg3[%mul3A_2, %dma_wait3A_198] : memref<320000x128xf32, #tpu.memory_space<hbm>> -> memref<80x128xf32, #tpu.memory_space<hbm>>
        %dma_wait3A_200 = tpu.memref_slice %arg15[%dma_wait3A_193] : memref<2x!tpu.dma_semaphore, #tpu.memory_space<semaphore_mem>> -> memref<1x!tpu.dma_semaphore, #tpu.memory_space<semaphore_mem>>
        %dma_wait3A_201 = tpu.memref_squeeze %dma_wait3A_200 : memref<1x!tpu.dma_semaphore, #tpu.memory_space<semaphore_mem>> -> memref<!tpu.dma_semaphore, #tpu.memory_space<semaphore_mem>>
        %dma_wait3A_202 = arith.constant 0 : i32
        %dma_wait3A_203 = arith.constant 0 : i32
        %dma_wait3A_204 = tpu.memref_slice %arg10[%dma_wait3A_192, %dma_wait3A_202, %dma_wait3A_203] : memref<2x80x128xf32, #tpu.memory_space<vmem>> -> memref<1x80x128xf32, #tpu.memory_space<vmem>>
        %dma_wait3A_205 = tpu.memref_squeeze %dma_wait3A_204 : memref<1x80x128xf32, #tpu.memory_space<vmem>> -> memref<80x128xf32, #tpu.memory_space<vmem>>
        %dma_wait3A_206 = arith.constant 0 : i32
        %dma_wait3A_207 = tpu.memref_slice %arg3[%mul3A_2, %dma_wait3A_206] : memref<320000x128xf32, #tpu.memory_space<hbm>> -> memref<80x128xf32, #tpu.memory_space<hbm>>
        tpu.wait_dma2 semaphore(%dma_wait3A_201 : memref<!tpu.dma_semaphore, #tpu.memory_space<semaphore_mem>>) src(%dma_wait3A_207 : memref<80x128xf32, #tpu.memory_space<hbm>>) dst(%dma_wait3A_205 : memref<80x128xf32, #tpu.memory_space<vmem>>)
        %dma_wait3A_208 = arith.constant 1 : i32
        %dma_wait3A_209 = arith.constant 1 : i32
        %dma_wait3A_210 = arith.constant 0 : i32
        %dma_wait3A_211 = arith.constant 0 : i32
        %dma_wait3A_212 = tpu.memref_slice %arg11[%dma_wait3A_208, %dma_wait3A_210, %dma_wait3A_211] : memref<2x80x128xf32, #tpu.memory_space<vmem>> -> memref<1x80x128xf32, #tpu.memory_space<vmem>>
        %dma_wait3A_213 = tpu.memref_squeeze %dma_wait3A_212 : memref<1x80x128xf32, #tpu.memory_space<vmem>> -> memref<80x128xf32, #tpu.memory_space<vmem>>
        %dma_wait3A_214 = arith.constant 0 : i32
        %dma_wait3A_215 = tpu.memref_slice %arg3[%mul3A_2, %dma_wait3A_214] : memref<320000x128xf32, #tpu.memory_space<hbm>> -> memref<80x128xf32, #tpu.memory_space<hbm>>
        %dma_wait3A_216 = tpu.memref_slice %arg16[%dma_wait3A_209] : memref<2x!tpu.dma_semaphore, #tpu.memory_space<semaphore_mem>> -> memref<1x!tpu.dma_semaphore, #tpu.memory_space<semaphore_mem>>
        %dma_wait3A_217 = tpu.memref_squeeze %dma_wait3A_216 : memref<1x!tpu.dma_semaphore, #tpu.memory_space<semaphore_mem>> -> memref<!tpu.dma_semaphore, #tpu.memory_space<semaphore_mem>>
        %dma_wait3A_218 = arith.constant 0 : i32
        %dma_wait3A_219 = arith.constant 0 : i32
        %dma_wait3A_220 = tpu.memref_slice %arg11[%dma_wait3A_208, %dma_wait3A_218, %dma_wait3A_219] : memref<2x80x128xf32, #tpu.memory_space<vmem>> -> memref<1x80x128xf32, #tpu.memory_space<vmem>>
        %dma_wait3A_221 = tpu.memref_squeeze %dma_wait3A_220 : memref<1x80x128xf32, #tpu.memory_space<vmem>> -> memref<80x128xf32, #tpu.memory_space<vmem>>
        %dma_wait3A_222 = arith.constant 0 : i32
        %dma_wait3A_223 = tpu.memref_slice %arg3[%mul3A_2, %dma_wait3A_222] : memref<320000x128xf32, #tpu.memory_space<hbm>> -> memref<80x128xf32, #tpu.memory_space<hbm>>
        tpu.wait_dma2 semaphore(%dma_wait3A_217 : memref<!tpu.dma_semaphore, #tpu.memory_space<semaphore_mem>>) src(%dma_wait3A_223 : memref<80x128xf32, #tpu.memory_space<hbm>>) dst(%dma_wait3A_221 : memref<80x128xf32, #tpu.memory_space<vmem>>)
        %add3A_224 = arith.constant 2 : i32
        %add3A_225 = arith.addi %add3A_174, %add3A_224 : i32
        %le3A_226 = arith.constant 124 : i32
        %le3A_227 = arith.cmpi sle, %add3A_225, %le3A_226 : i32
        %convert_element_type3A_228 = arith.extui %le3A_227 : i1 to i32
        %cond3A_229 = arith.constant 0 : i32
        %cond3A_230 = arith.cmpi ne, %convert_element_type3A_228, %cond3A_229 : i32
        scf.if %cond3A_230 {
          %add3A_264 = arith.constant 2 : i32
          %add3A_265 = arith.addi %add3A_174, %add3A_264 : i32
          %mul3A_266 = arith.constant 80 : i32
          %mul3A_267 = arith.muli %add3A_265, %mul3A_266 : i32
          %add3A_268 = arith.addi %mul3A_2, %mul3A_267 : i32
          %dma_start3A_269 = arith.constant 1 : i32
          %dma_start3A_270 = arith.constant 1 : i32
          %dma_start3A_271 = arith.constant 0 : i32
          %dma_start3A_272 = tpu.memref_slice %arg8[%dma_start3A_269, %dma_start3A_271] : memref<2x80xi32, #tpu.memory_space<vmem>> -> memref<1x80xi32, #tpu.memory_space<vmem>>
          %dma_start3A_273 = tpu.memref_squeeze %dma_start3A_272 : memref<1x80xi32, #tpu.memory_space<vmem>> -> memref<80xi32, #tpu.memory_space<vmem>>
          %dma_start3A_274 = tpu.memref_slice %arg4[%add3A_268] : memref<320000xi32, #tpu.memory_space<hbm>> -> memref<80xi32, #tpu.memory_space<hbm>>
          %dma_start3A_275 = tpu.memref_slice %arg13[%dma_start3A_270] : memref<2x!tpu.dma_semaphore, #tpu.memory_space<semaphore_mem>> -> memref<1x!tpu.dma_semaphore, #tpu.memory_space<semaphore_mem>>
          %dma_start3A_276 = tpu.memref_squeeze %dma_start3A_275 : memref<1x!tpu.dma_semaphore, #tpu.memory_space<semaphore_mem>> -> memref<!tpu.dma_semaphore, #tpu.memory_space<semaphore_mem>>
          %dma_start3A_277 = arith.constant 0 : i32
          %dma_start3A_278 = tpu.memref_slice %arg8[%dma_start3A_269, %dma_start3A_277] : memref<2x80xi32, #tpu.memory_space<vmem>> -> memref<1x80xi32, #tpu.memory_space<vmem>>
          %dma_start3A_279 = tpu.memref_squeeze %dma_start3A_278 : memref<1x80xi32, #tpu.memory_space<vmem>> -> memref<80xi32, #tpu.memory_space<vmem>>
          %dma_start3A_280 = tpu.memref_slice %arg4[%add3A_268] : memref<320000xi32, #tpu.memory_space<hbm>> -> memref<80xi32, #tpu.memory_space<hbm>>
          tpu.enqueue_dma source(%dma_start3A_280 : memref<80xi32, #tpu.memory_space<hbm>>) target(%dma_start3A_279 : memref<80xi32, #tpu.memory_space<vmem>>) target_semaphore(%dma_start3A_276 : memref<!tpu.dma_semaphore, #tpu.memory_space<semaphore_mem>>)
        } else {
        }
        %scan3A_231 = arith.constant 0 : i32
        %scan3A_232 = arith.constant 0 : i32
        %scan3A_233 = arith.constant 40 : i32
        %scan3A_234 = arith.addi %scan3A_232, %scan3A_233 : i32
        %scan3A_235 = arith.constant 1 : i32
        scf.for %scan3A_264 = %scan3A_232 to %scan3A_234 step %scan3A_235  : i32 {
          %mul3A_265 = arith.constant 2 : i32
          %mul3A_266 = arith.muli %scan3A_264, %mul3A_265 : i32
          %add3A_267 = arith.constant 0 : i32
          %add3A_268 = arith.addi %mul3A_266, %add3A_267 : i32
          %get3A = arith.constant 1 : i32
          %get3A_269 = arith.index_cast %get3A : i32 to index
          %get3A_270 = arith.index_cast %add3A_268 : i32 to index
          %get3A_271 = arith.constant 0 : index
          %get3A_272 = tpu.vector_load %arg11[%get3A_269, %get3A_270, %get3A_271] {strides = array<i32>} : memref<2x80x128xf32, #tpu.memory_space<vmem>>, vector<1x1x16xf32>,
          %get3A_273 = vector.shape_cast %get3A_272 : vector<1x1x16xf32> to vector<16xf32>
          %get3A_274 = arith.constant 1 : i32
          %get3A_275 = arith.index_cast %get3A_274 : i32 to index
          %get3A_276 = arith.index_cast %add3A_268 : i32 to index
          %get3A_277 = arith.constant 0 : index
          %get3A_278 = tpu.vector_load %arg10[%get3A_275, %get3A_276, %get3A_277] {strides = array<i32>} : memref<2x80x128xf32, #tpu.memory_space<vmem>>, vector<1x1x16xf32>,
          %get3A_279 = vector.shape_cast %get3A_278 : vector<1x1x16xf32> to vector<16xf32>
          %add3A_280 = arith.addf %get3A_273, %get3A_279 : vector<16xf32>
          %max3A = arith.constant 0.000000e+00 : f32
          %max3A_281 = vector.broadcast %max3A : f32 to vector<16xf32>
          %max3A_282 = arith.maximumf %add3A_280, %max3A_281 : vector<16xf32>
          %swap3A = arith.constant 1 : i32
          %swap3A_283 = arith.index_cast %swap3A : i32 to index
          %swap3A_284 = arith.index_cast %add3A_268 : i32 to index
          %swap3A_285 = arith.constant 0 : index
          %swap3A_286 = tpu.vector_load %arg11[%swap3A_283, %swap3A_284, %swap3A_285] {strides = array<i32>} : memref<2x80x128xf32, #tpu.memory_space<vmem>>, vector<1x1x16xf32>,
          %swap3A_287 = vector.shape_cast %swap3A_286 : vector<1x1x16xf32> to vector<16xf32>
          %swap3A_288 = vector.shape_cast %max3A_282 : vector<16xf32> to vector<1x1x16xf32>
          tpu.vector_store %arg11[%swap3A_283, %swap3A_284, %swap3A_285], %swap3A_288 {strides = array<i32>} : memref<2x80x128xf32, #tpu.memory_space<vmem>>, vector<1x1x16xf32>,
          %get3A_289 = arith.constant 1 : i32
          %get3A_290 = arith.index_cast %get3A_289 : i32 to index
          %get3A_291 = arith.index_cast %add3A_268 : i32 to index
          %get3A_292 = arith.constant 16 : index
          %get3A_293 = tpu.vector_load %arg11[%get3A_290, %get3A_291, %get3A_292] {strides = array<i32>} : memref<2x80x128xf32, #tpu.memory_space<vmem>>, vector<1x1x16xf32>,
          %get3A_294 = vector.shape_cast %get3A_293 : vector<1x1x16xf32> to vector<16xf32>
          %get3A_295 = arith.constant 1 : i32
          %get3A_296 = arith.index_cast %get3A_295 : i32 to index
          %get3A_297 = arith.index_cast %add3A_268 : i32 to index
          %get3A_298 = arith.constant 16 : index
          %get3A_299 = tpu.vector_load %arg10[%get3A_296, %get3A_297, %get3A_298] {strides = array<i32>} : memref<2x80x128xf32, #tpu.memory_space<vmem>>, vector<1x1x16xf32>,
          %get3A_300 = vector.shape_cast %get3A_299 : vector<1x1x16xf32> to vector<16xf32>
          %add3A_301 = arith.addf %get3A_294, %get3A_300 : vector<16xf32>
          %max3A_302 = arith.constant 0.000000e+00 : f32
          %max3A_303 = vector.broadcast %max3A_302 : f32 to vector<16xf32>
          %max3A_304 = arith.maximumf %add3A_301, %max3A_303 : vector<16xf32>
          %swap3A_305 = arith.constant 1 : i32
          %swap3A_306 = arith.index_cast %swap3A_305 : i32 to index
          %swap3A_307 = arith.index_cast %add3A_268 : i32 to index
          %swap3A_308 = arith.constant 16 : index
          %swap3A_309 = tpu.vector_load %arg11[%swap3A_306, %swap3A_307, %swap3A_308] {strides = array<i32>} : memref<2x80x128xf32, #tpu.memory_space<vmem>>, vector<1x1x16xf32>,
          %swap3A_310 = vector.shape_cast %swap3A_309 : vector<1x1x16xf32> to vector<16xf32>
          %swap3A_311 = vector.shape_cast %max3A_304 : vector<16xf32> to vector<1x1x16xf32>
          tpu.vector_store %arg11[%swap3A_306, %swap3A_307, %swap3A_308], %swap3A_311 {strides = array<i32>} : memref<2x80x128xf32, #tpu.memory_space<vmem>>, vector<1x1x16xf32>,
          %get3A_312 = arith.constant 1 : i32
          %get3A_313 = arith.index_cast %get3A_312 : i32 to index
          %get3A_314 = arith.index_cast %add3A_268 : i32 to index
          %get3A_315 = arith.constant 32 : index
          %get3A_316 = tpu.vector_load %arg11[%get3A_313, %get3A_314, %get3A_315] {strides = array<i32>} : memref<2x80x128xf32, #tpu.memory_space<vmem>>, vector<1x1x16xf32>,
          %get3A_317 = vector.shape_cast %get3A_316 : vector<1x1x16xf32> to vector<16xf32>
          %get3A_318 = arith.constant 1 : i32
          %get3A_319 = arith.index_cast %get3A_318 : i32 to index
          %get3A_320 = arith.index_cast %add3A_268 : i32 to index
          %get3A_321 = arith.constant 32 : index
          %get3A_322 = tpu.vector_load %arg10[%get3A_319, %get3A_320, %get3A_321] {strides = array<i32>} : memref<2x80x128xf32, #tpu.memory_space<vmem>>, vector<1x1x16xf32>,
          %get3A_323 = vector.shape_cast %get3A_322 : vector<1x1x16xf32> to vector<16xf32>
          %add3A_324 = arith.addf %get3A_317, %get3A_323 : vector<16xf32>
          %max3A_325 = arith.constant 0.000000e+00 : f32
          %max3A_326 = vector.broadcast %max3A_325 : f32 to vector<16xf32>
          %max3A_327 = arith.maximumf %add3A_324, %max3A_326 : vector<16xf32>
          %swap3A_328 = arith.constant 1 : i32
          %swap3A_329 = arith.index_cast %swap3A_328 : i32 to index
          %swap3A_330 = arith.index_cast %add3A_268 : i32 to index
          %swap3A_331 = arith.constant 32 : index
          %swap3A_332 = tpu.vector_load %arg11[%swap3A_329, %swap3A_330, %swap3A_331] {strides = array<i32>} : memref<2x80x128xf32, #tpu.memory_space<vmem>>, vector<1x1x16xf32>,
          %swap3A_333 = vector.shape_cast %swap3A_332 : vector<1x1x16xf32> to vector<16xf32>
          %swap3A_334 = vector.shape_cast %max3A_327 : vector<16xf32> to vector<1x1x16xf32>
          tpu.vector_store %arg11[%swap3A_329, %swap3A_330, %swap3A_331], %swap3A_334 {strides = array<i32>} : memref<2x80x128xf32, #tpu.memory_space<vmem>>, vector<1x1x16xf32>,
          %get3A_335 = arith.constant 1 : i32
          %get3A_336 = arith.index_cast %get3A_335 : i32 to index
          %get3A_337 = arith.index_cast %add3A_268 : i32 to index
          %get3A_338 = arith.constant 48 : index
          %get3A_339 = tpu.vector_load %arg11[%get3A_336, %get3A_337, %get3A_338] {strides = array<i32>} : memref<2x80x128xf32, #tpu.memory_space<vmem>>, vector<1x1x16xf32>,
          %get3A_340 = vector.shape_cast %get3A_339 : vector<1x1x16xf32> to vector<16xf32>
          %get3A_341 = arith.constant 1 : i32
          %get3A_342 = arith.index_cast %get3A_341 : i32 to index
          %get3A_343 = arith.index_cast %add3A_268 : i32 to index
          %get3A_344 = arith.constant 48 : index
          %get3A_345 = tpu.vector_load %arg10[%get3A_342, %get3A_343, %get3A_344] {strides = array<i32>} : memref<2x80x128xf32, #tpu.memory_space<vmem>>, vector<1x1x16xf32>,
          %get3A_346 = vector.shape_cast %get3A_345 : vector<1x1x16xf32> to vector<16xf32>
          %add3A_347 = arith.addf %get3A_340, %get3A_346 : vector<16xf32>
          %max3A_348 = arith.constant 0.000000e+00 : f32
          %max3A_349 = vector.broadcast %max3A_348 : f32 to vector<16xf32>
          %max3A_350 = arith.maximumf %add3A_347, %max3A_349 : vector<16xf32>
          %swap3A_351 = arith.constant 1 : i32
          %swap3A_352 = arith.index_cast %swap3A_351 : i32 to index
          %swap3A_353 = arith.index_cast %add3A_268 : i32 to index
          %swap3A_354 = arith.constant 48 : index
          %swap3A_355 = tpu.vector_load %arg11[%swap3A_352, %swap3A_353, %swap3A_354] {strides = array<i32>} : memref<2x80x128xf32, #tpu.memory_space<vmem>>, vector<1x1x16xf32>,
          %swap3A_356 = vector.shape_cast %swap3A_355 : vector<1x1x16xf32> to vector<16xf32>
          %swap3A_357 = vector.shape_cast %max3A_350 : vector<16xf32> to vector<1x1x16xf32>
          tpu.vector_store %arg11[%swap3A_352, %swap3A_353, %swap3A_354], %swap3A_357 {strides = array<i32>} : memref<2x80x128xf32, #tpu.memory_space<vmem>>, vector<1x1x16xf32>,
          %get3A_358 = arith.constant 1 : i32
          %get3A_359 = arith.index_cast %get3A_358 : i32 to index
          %get3A_360 = arith.index_cast %add3A_268 : i32 to index
          %get3A_361 = arith.constant 64 : index
          %get3A_362 = tpu.vector_load %arg11[%get3A_359, %get3A_360, %get3A_361] {strides = array<i32>} : memref<2x80x128xf32, #tpu.memory_space<vmem>>, vector<1x1x16xf32>,
          %get3A_363 = vector.shape_cast %get3A_362 : vector<1x1x16xf32> to vector<16xf32>
          %get3A_364 = arith.constant 1 : i32
          %get3A_365 = arith.index_cast %get3A_364 : i32 to index
          %get3A_366 = arith.index_cast %add3A_268 : i32 to index
          %get3A_367 = arith.constant 64 : index
          %get3A_368 = tpu.vector_load %arg10[%get3A_365, %get3A_366, %get3A_367] {strides = array<i32>} : memref<2x80x128xf32, #tpu.memory_space<vmem>>, vector<1x1x16xf32>,
          %get3A_369 = vector.shape_cast %get3A_368 : vector<1x1x16xf32> to vector<16xf32>
          %add3A_370 = arith.addf %get3A_363, %get3A_369 : vector<16xf32>
          %max3A_371 = arith.constant 0.000000e+00 : f32
          %max3A_372 = vector.broadcast %max3A_371 : f32 to vector<16xf32>
          %max3A_373 = arith.maximumf %add3A_370, %max3A_372 : vector<16xf32>
          %swap3A_374 = arith.constant 1 : i32
          %swap3A_375 = arith.index_cast %swap3A_374 : i32 to index
          %swap3A_376 = arith.index_cast %add3A_268 : i32 to index
          %swap3A_377 = arith.constant 64 : index
          %swap3A_378 = tpu.vector_load %arg11[%swap3A_375, %swap3A_376, %swap3A_377] {strides = array<i32>} : memref<2x80x128xf32, #tpu.memory_space<vmem>>, vector<1x1x16xf32>,
          %swap3A_379 = vector.shape_cast %swap3A_378 : vector<1x1x16xf32> to vector<16xf32>
          %swap3A_380 = vector.shape_cast %max3A_373 : vector<16xf32> to vector<1x1x16xf32>
          tpu.vector_store %arg11[%swap3A_375, %swap3A_376, %swap3A_377], %swap3A_380 {strides = array<i32>} : memref<2x80x128xf32, #tpu.memory_space<vmem>>, vector<1x1x16xf32>,
          %get3A_381 = arith.constant 1 : i32
          %get3A_382 = arith.index_cast %get3A_381 : i32 to index
          %get3A_383 = arith.index_cast %add3A_268 : i32 to index
          %get3A_384 = arith.constant 80 : index
          %get3A_385 = tpu.vector_load %arg11[%get3A_382, %get3A_383, %get3A_384] {strides = array<i32>} : memref<2x80x128xf32, #tpu.memory_space<vmem>>, vector<1x1x16xf32>,
          %get3A_386 = vector.shape_cast %get3A_385 : vector<1x1x16xf32> to vector<16xf32>
          %get3A_387 = arith.constant 1 : i32
          %get3A_388 = arith.index_cast %get3A_387 : i32 to index
          %get3A_389 = arith.index_cast %add3A_268 : i32 to index
          %get3A_390 = arith.constant 80 : index
          %get3A_391 = tpu.vector_load %arg10[%get3A_388, %get3A_389, %get3A_390] {strides = array<i32>} : memref<2x80x128xf32, #tpu.memory_space<vmem>>, vector<1x1x16xf32>,
          %get3A_392 = vector.shape_cast %get3A_391 : vector<1x1x16xf32> to vector<16xf32>
          %add3A_393 = arith.addf %get3A_386, %get3A_392 : vector<16xf32>
          %max3A_394 = arith.constant 0.000000e+00 : f32
          %max3A_395 = vector.broadcast %max3A_394 : f32 to vector<16xf32>
          %max3A_396 = arith.maximumf %add3A_393, %max3A_395 : vector<16xf32>
          %swap3A_397 = arith.constant 1 : i32
          %swap3A_398 = arith.index_cast %swap3A_397 : i32 to index
          %swap3A_399 = arith.index_cast %add3A_268 : i32 to index
          %swap3A_400 = arith.constant 80 : index
          %swap3A_401 = tpu.vector_load %arg11[%swap3A_398, %swap3A_399, %swap3A_400] {strides = array<i32>} : memref<2x80x128xf32, #tpu.memory_space<vmem>>, vector<1x1x16xf32>,
          %swap3A_402 = vector.shape_cast %swap3A_401 : vector<1x1x16xf32> to vector<16xf32>
          %swap3A_403 = vector.shape_cast %max3A_396 : vector<16xf32> to vector<1x1x16xf32>
          tpu.vector_store %arg11[%swap3A_398, %swap3A_399, %swap3A_400], %swap3A_403 {strides = array<i32>} : memref<2x80x128xf32, #tpu.memory_space<vmem>>, vector<1x1x16xf32>,
          %get3A_404 = arith.constant 1 : i32
          %get3A_405 = arith.index_cast %get3A_404 : i32 to index
          %get3A_406 = arith.index_cast %add3A_268 : i32 to index
          %get3A_407 = arith.constant 96 : index
          %get3A_408 = tpu.vector_load %arg11[%get3A_405, %get3A_406, %get3A_407] {strides = array<i32>} : memref<2x80x128xf32, #tpu.memory_space<vmem>>, vector<1x1x16xf32>,
          %get3A_409 = vector.shape_cast %get3A_408 : vector<1x1x16xf32> to vector<16xf32>
          %get3A_410 = arith.constant 1 : i32
          %get3A_411 = arith.index_cast %get3A_410 : i32 to index
          %get3A_412 = arith.index_cast %add3A_268 : i32 to index
          %get3A_413 = arith.constant 96 : index
          %get3A_414 = tpu.vector_load %arg10[%get3A_411, %get3A_412, %get3A_413] {strides = array<i32>} : memref<2x80x128xf32, #tpu.memory_space<vmem>>, vector<1x1x16xf32>,
          %get3A_415 = vector.shape_cast %get3A_414 : vector<1x1x16xf32> to vector<16xf32>
          %add3A_416 = arith.addf %get3A_409, %get3A_415 : vector<16xf32>
          %max3A_417 = arith.constant 0.000000e+00 : f32
          %max3A_418 = vector.broadcast %max3A_417 : f32 to vector<16xf32>
          %max3A_419 = arith.maximumf %add3A_416, %max3A_418 : vector<16xf32>
          %swap3A_420 = arith.constant 1 : i32
          %swap3A_421 = arith.index_cast %swap3A_420 : i32 to index
          %swap3A_422 = arith.index_cast %add3A_268 : i32 to index
          %swap3A_423 = arith.constant 96 : index
          %swap3A_424 = tpu.vector_load %arg11[%swap3A_421, %swap3A_422, %swap3A_423] {strides = array<i32>} : memref<2x80x128xf32, #tpu.memory_space<vmem>>, vector<1x1x16xf32>,
          %swap3A_425 = vector.shape_cast %swap3A_424 : vector<1x1x16xf32> to vector<16xf32>
          %swap3A_426 = vector.shape_cast %max3A_419 : vector<16xf32> to vector<1x1x16xf32>
          tpu.vector_store %arg11[%swap3A_421, %swap3A_422, %swap3A_423], %swap3A_426 {strides = array<i32>} : memref<2x80x128xf32, #tpu.memory_space<vmem>>, vector<1x1x16xf32>,
          %get3A_427 = arith.constant 1 : i32
          %get3A_428 = arith.index_cast %get3A_427 : i32 to index
          %get3A_429 = arith.index_cast %add3A_268 : i32 to index
          %get3A_430 = arith.constant 112 : index
          %get3A_431 = tpu.vector_load %arg11[%get3A_428, %get3A_429, %get3A_430] {strides = array<i32>} : memref<2x80x128xf32, #tpu.memory_space<vmem>>, vector<1x1x16xf32>,
          %get3A_432 = vector.shape_cast %get3A_431 : vector<1x1x16xf32> to vector<16xf32>
          %get3A_433 = arith.constant 1 : i32
          %get3A_434 = arith.index_cast %get3A_433 : i32 to index
          %get3A_435 = arith.index_cast %add3A_268 : i32 to index
          %get3A_436 = arith.constant 112 : index
          %get3A_437 = tpu.vector_load %arg10[%get3A_434, %get3A_435, %get3A_436] {strides = array<i32>} : memref<2x80x128xf32, #tpu.memory_space<vmem>>, vector<1x1x16xf32>,
          %get3A_438 = vector.shape_cast %get3A_437 : vector<1x1x16xf32> to vector<16xf32>
          %add3A_439 = arith.addf %get3A_432, %get3A_438 : vector<16xf32>
          %max3A_440 = arith.constant 0.000000e+00 : f32
          %max3A_441 = vector.broadcast %max3A_440 : f32 to vector<16xf32>
          %max3A_442 = arith.maximumf %add3A_439, %max3A_441 : vector<16xf32>
          %swap3A_443 = arith.constant 1 : i32
          %swap3A_444 = arith.index_cast %swap3A_443 : i32 to index
          %swap3A_445 = arith.index_cast %add3A_268 : i32 to index
          %swap3A_446 = arith.constant 112 : index
          %swap3A_447 = tpu.vector_load %arg11[%swap3A_444, %swap3A_445, %swap3A_446] {strides = array<i32>} : memref<2x80x128xf32, #tpu.memory_space<vmem>>, vector<1x1x16xf32>,
          %swap3A_448 = vector.shape_cast %swap3A_447 : vector<1x1x16xf32> to vector<16xf32>
          %swap3A_449 = vector.shape_cast %max3A_442 : vector<16xf32> to vector<1x1x16xf32>
          tpu.vector_store %arg11[%swap3A_444, %swap3A_445, %swap3A_446], %swap3A_449 {strides = array<i32>} : memref<2x80x128xf32, #tpu.memory_space<vmem>>, vector<1x1x16xf32>,
          %mul3A_450 = arith.constant 2 : i32
          %mul3A_451 = arith.muli %scan3A_264, %mul3A_450 : i32
          %add3A_452 = arith.constant 1 : i32
          %add3A_453 = arith.addi %mul3A_451, %add3A_452 : i32
          %get3A_454 = arith.constant 1 : i32
          %get3A_455 = arith.index_cast %get3A_454 : i32 to index
          %get3A_456 = arith.index_cast %add3A_453 : i32 to index
          %get3A_457 = arith.constant 0 : index
          %get3A_458 = tpu.vector_load %arg11[%get3A_455, %get3A_456, %get3A_457] {strides = array<i32>} : memref<2x80x128xf32, #tpu.memory_space<vmem>>, vector<1x1x16xf32>,
          %get3A_459 = vector.shape_cast %get3A_458 : vector<1x1x16xf32> to vector<16xf32>
          %get3A_460 = arith.constant 1 : i32
          %get3A_461 = arith.index_cast %get3A_460 : i32 to index
          %get3A_462 = arith.index_cast %add3A_453 : i32 to index
          %get3A_463 = arith.constant 0 : index
          %get3A_464 = tpu.vector_load %arg10[%get3A_461, %get3A_462, %get3A_463] {strides = array<i32>} : memref<2x80x128xf32, #tpu.memory_space<vmem>>, vector<1x1x16xf32>,
          %get3A_465 = vector.shape_cast %get3A_464 : vector<1x1x16xf32> to vector<16xf32>
          %add3A_466 = arith.addf %get3A_459, %get3A_465 : vector<16xf32>
          %max3A_467 = arith.constant 0.000000e+00 : f32
          %max3A_468 = vector.broadcast %max3A_467 : f32 to vector<16xf32>
          %max3A_469 = arith.maximumf %add3A_466, %max3A_468 : vector<16xf32>
          %swap3A_470 = arith.constant 1 : i32
          %swap3A_471 = arith.index_cast %swap3A_470 : i32 to index
          %swap3A_472 = arith.index_cast %add3A_453 : i32 to index
          %swap3A_473 = arith.constant 0 : index
          %swap3A_474 = tpu.vector_load %arg11[%swap3A_471, %swap3A_472, %swap3A_473] {strides = array<i32>} : memref<2x80x128xf32, #tpu.memory_space<vmem>>, vector<1x1x16xf32>,
          %swap3A_475 = vector.shape_cast %swap3A_474 : vector<1x1x16xf32> to vector<16xf32>
          %swap3A_476 = vector.shape_cast %max3A_469 : vector<16xf32> to vector<1x1x16xf32>
          tpu.vector_store %arg11[%swap3A_471, %swap3A_472, %swap3A_473], %swap3A_476 {strides = array<i32>} : memref<2x80x128xf32, #tpu.memory_space<vmem>>, vector<1x1x16xf32>,
          %get3A_477 = arith.constant 1 : i32
          %get3A_478 = arith.index_cast %get3A_477 : i32 to index
          %get3A_479 = arith.index_cast %add3A_453 : i32 to index
          %get3A_480 = arith.constant 16 : index
          %get3A_481 = tpu.vector_load %arg11[%get3A_478, %get3A_479, %get3A_480] {strides = array<i32>} : memref<2x80x128xf32, #tpu.memory_space<vmem>>, vector<1x1x16xf32>,
          %get3A_482 = vector.shape_cast %get3A_481 : vector<1x1x16xf32> to vector<16xf32>
          %get3A_483 = arith.constant 1 : i32
          %get3A_484 = arith.index_cast %get3A_483 : i32 to index
          %get3A_485 = arith.index_cast %add3A_453 : i32 to index
          %get3A_486 = arith.constant 16 : index
          %get3A_487 = tpu.vector_load %arg10[%get3A_484, %get3A_485, %get3A_486] {strides = array<i32>} : memref<2x80x128xf32, #tpu.memory_space<vmem>>, vector<1x1x16xf32>,
          %get3A_488 = vector.shape_cast %get3A_487 : vector<1x1x16xf32> to vector<16xf32>
          %add3A_489 = arith.addf %get3A_482, %get3A_488 : vector<16xf32>
          %max3A_490 = arith.constant 0.000000e+00 : f32
          %max3A_491 = vector.broadcast %max3A_490 : f32 to vector<16xf32>
          %max3A_492 = arith.maximumf %add3A_489, %max3A_491 : vector<16xf32>
          %swap3A_493 = arith.constant 1 : i32
          %swap3A_494 = arith.index_cast %swap3A_493 : i32 to index
          %swap3A_495 = arith.index_cast %add3A_453 : i32 to index
          %swap3A_496 = arith.constant 16 : index
          %swap3A_497 = tpu.vector_load %arg11[%swap3A_494, %swap3A_495, %swap3A_496] {strides = array<i32>} : memref<2x80x128xf32, #tpu.memory_space<vmem>>, vector<1x1x16xf32>,
          %swap3A_498 = vector.shape_cast %swap3A_497 : vector<1x1x16xf32> to vector<16xf32>
          %swap3A_499 = vector.shape_cast %max3A_492 : vector<16xf32> to vector<1x1x16xf32>
          tpu.vector_store %arg11[%swap3A_494, %swap3A_495, %swap3A_496], %swap3A_499 {strides = array<i32>} : memref<2x80x128xf32, #tpu.memory_space<vmem>>, vector<1x1x16xf32>,
          %get3A_500 = arith.constant 1 : i32
          %get3A_501 = arith.index_cast %get3A_500 : i32 to index
          %get3A_502 = arith.index_cast %add3A_453 : i32 to index
          %get3A_503 = arith.constant 32 : index
          %get3A_504 = tpu.vector_load %arg11[%get3A_501, %get3A_502, %get3A_503] {strides = array<i32>} : memref<2x80x128xf32, #tpu.memory_space<vmem>>, vector<1x1x16xf32>,
          %get3A_505 = vector.shape_cast %get3A_504 : vector<1x1x16xf32> to vector<16xf32>
          %get3A_506 = arith.constant 1 : i32
          %get3A_507 = arith.index_cast %get3A_506 : i32 to index
          %get3A_508 = arith.index_cast %add3A_453 : i32 to index
          %get3A_509 = arith.constant 32 : index
          %get3A_510 = tpu.vector_load %arg10[%get3A_507, %get3A_508, %get3A_509] {strides = array<i32>} : memref<2x80x128xf32, #tpu.memory_space<vmem>>, vector<1x1x16xf32>,
          %get3A_511 = vector.shape_cast %get3A_510 : vector<1x1x16xf32> to vector<16xf32>
          %add3A_512 = arith.addf %get3A_505, %get3A_511 : vector<16xf32>
          %max3A_513 = arith.constant 0.000000e+00 : f32
          %max3A_514 = vector.broadcast %max3A_513 : f32 to vector<16xf32>
          %max3A_515 = arith.maximumf %add3A_512, %max3A_514 : vector<16xf32>
          %swap3A_516 = arith.constant 1 : i32
          %swap3A_517 = arith.index_cast %swap3A_516 : i32 to index
          %swap3A_518 = arith.index_cast %add3A_453 : i32 to index
          %swap3A_519 = arith.constant 32 : index
          %swap3A_520 = tpu.vector_load %arg11[%swap3A_517, %swap3A_518, %swap3A_519] {strides = array<i32>} : memref<2x80x128xf32, #tpu.memory_space<vmem>>, vector<1x1x16xf32>,
          %swap3A_521 = vector.shape_cast %swap3A_520 : vector<1x1x16xf32> to vector<16xf32>
          %swap3A_522 = vector.shape_cast %max3A_515 : vector<16xf32> to vector<1x1x16xf32>
          tpu.vector_store %arg11[%swap3A_517, %swap3A_518, %swap3A_519], %swap3A_522 {strides = array<i32>} : memref<2x80x128xf32, #tpu.memory_space<vmem>>, vector<1x1x16xf32>,
          %get3A_523 = arith.constant 1 : i32
          %get3A_524 = arith.index_cast %get3A_523 : i32 to index
          %get3A_525 = arith.index_cast %add3A_453 : i32 to index
          %get3A_526 = arith.constant 48 : index
          %get3A_527 = tpu.vector_load %arg11[%get3A_524, %get3A_525, %get3A_526] {strides = array<i32>} : memref<2x80x128xf32, #tpu.memory_space<vmem>>, vector<1x1x16xf32>,
          %get3A_528 = vector.shape_cast %get3A_527 : vector<1x1x16xf32> to vector<16xf32>
          %get3A_529 = arith.constant 1 : i32
          %get3A_530 = arith.index_cast %get3A_529 : i32 to index
          %get3A_531 = arith.index_cast %add3A_453 : i32 to index
          %get3A_532 = arith.constant 48 : index
          %get3A_533 = tpu.vector_load %arg10[%get3A_530, %get3A_531, %get3A_532] {strides = array<i32>} : memref<2x80x128xf32, #tpu.memory_space<vmem>>, vector<1x1x16xf32>,
          %get3A_534 = vector.shape_cast %get3A_533 : vector<1x1x16xf32> to vector<16xf32>
          %add3A_535 = arith.addf %get3A_528, %get3A_534 : vector<16xf32>
          %max3A_536 = arith.constant 0.000000e+00 : f32
          %max3A_537 = vector.broadcast %max3A_536 : f32 to vector<16xf32>
          %max3A_538 = arith.maximumf %add3A_535, %max3A_537 : vector<16xf32>
          %swap3A_539 = arith.constant 1 : i32
          %swap3A_540 = arith.index_cast %swap3A_539 : i32 to index
          %swap3A_541 = arith.index_cast %add3A_453 : i32 to index
          %swap3A_542 = arith.constant 48 : index
          %swap3A_543 = tpu.vector_load %arg11[%swap3A_540, %swap3A_541, %swap3A_542] {strides = array<i32>} : memref<2x80x128xf32, #tpu.memory_space<vmem>>, vector<1x1x16xf32>,
          %swap3A_544 = vector.shape_cast %swap3A_543 : vector<1x1x16xf32> to vector<16xf32>
          %swap3A_545 = vector.shape_cast %max3A_538 : vector<16xf32> to vector<1x1x16xf32>
          tpu.vector_store %arg11[%swap3A_540, %swap3A_541, %swap3A_542], %swap3A_545 {strides = array<i32>} : memref<2x80x128xf32, #tpu.memory_space<vmem>>, vector<1x1x16xf32>,
          %get3A_546 = arith.constant 1 : i32
          %get3A_547 = arith.index_cast %get3A_546 : i32 to index
          %get3A_548 = arith.index_cast %add3A_453 : i32 to index
          %get3A_549 = arith.constant 64 : index
          %get3A_550 = tpu.vector_load %arg11[%get3A_547, %get3A_548, %get3A_549] {strides = array<i32>} : memref<2x80x128xf32, #tpu.memory_space<vmem>>, vector<1x1x16xf32>,
          %get3A_551 = vector.shape_cast %get3A_550 : vector<1x1x16xf32> to vector<16xf32>
          %get3A_552 = arith.constant 1 : i32
          %get3A_553 = arith.index_cast %get3A_552 : i32 to index
          %get3A_554 = arith.index_cast %add3A_453 : i32 to index
          %get3A_555 = arith.constant 64 : index
          %get3A_556 = tpu.vector_load %arg10[%get3A_553, %get3A_554, %get3A_555] {strides = array<i32>} : memref<2x80x128xf32, #tpu.memory_space<vmem>>, vector<1x1x16xf32>,
          %get3A_557 = vector.shape_cast %get3A_556 : vector<1x1x16xf32> to vector<16xf32>
          %add3A_558 = arith.addf %get3A_551, %get3A_557 : vector<16xf32>
          %max3A_559 = arith.constant 0.000000e+00 : f32
          %max3A_560 = vector.broadcast %max3A_559 : f32 to vector<16xf32>
          %max3A_561 = arith.maximumf %add3A_558, %max3A_560 : vector<16xf32>
          %swap3A_562 = arith.constant 1 : i32
          %swap3A_563 = arith.index_cast %swap3A_562 : i32 to index
          %swap3A_564 = arith.index_cast %add3A_453 : i32 to index
          %swap3A_565 = arith.constant 64 : index
          %swap3A_566 = tpu.vector_load %arg11[%swap3A_563, %swap3A_564, %swap3A_565] {strides = array<i32>} : memref<2x80x128xf32, #tpu.memory_space<vmem>>, vector<1x1x16xf32>,
          %swap3A_567 = vector.shape_cast %swap3A_566 : vector<1x1x16xf32> to vector<16xf32>
          %swap3A_568 = vector.shape_cast %max3A_561 : vector<16xf32> to vector<1x1x16xf32>
          tpu.vector_store %arg11[%swap3A_563, %swap3A_564, %swap3A_565], %swap3A_568 {strides = array<i32>} : memref<2x80x128xf32, #tpu.memory_space<vmem>>, vector<1x1x16xf32>,
          %get3A_569 = arith.constant 1 : i32
          %get3A_570 = arith.index_cast %get3A_569 : i32 to index
          %get3A_571 = arith.index_cast %add3A_453 : i32 to index
          %get3A_572 = arith.constant 80 : index
          %get3A_573 = tpu.vector_load %arg11[%get3A_570, %get3A_571, %get3A_572] {strides = array<i32>} : memref<2x80x128xf32, #tpu.memory_space<vmem>>, vector<1x1x16xf32>,
          %get3A_574 = vector.shape_cast %get3A_573 : vector<1x1x16xf32> to vector<16xf32>
          %get3A_575 = arith.constant 1 : i32
          %get3A_576 = arith.index_cast %get3A_575 : i32 to index
          %get3A_577 = arith.index_cast %add3A_453 : i32 to index
          %get3A_578 = arith.constant 80 : index
          %get3A_579 = tpu.vector_load %arg10[%get3A_576, %get3A_577, %get3A_578] {strides = array<i32>} : memref<2x80x128xf32, #tpu.memory_space<vmem>>, vector<1x1x16xf32>,
          %get3A_580 = vector.shape_cast %get3A_579 : vector<1x1x16xf32> to vector<16xf32>
          %add3A_581 = arith.addf %get3A_574, %get3A_580 : vector<16xf32>
          %max3A_582 = arith.constant 0.000000e+00 : f32
          %max3A_583 = vector.broadcast %max3A_582 : f32 to vector<16xf32>
          %max3A_584 = arith.maximumf %add3A_581, %max3A_583 : vector<16xf32>
          %swap3A_585 = arith.constant 1 : i32
          %swap3A_586 = arith.index_cast %swap3A_585 : i32 to index
          %swap3A_587 = arith.index_cast %add3A_453 : i32 to index
          %swap3A_588 = arith.constant 80 : index
          %swap3A_589 = tpu.vector_load %arg11[%swap3A_586, %swap3A_587, %swap3A_588] {strides = array<i32>} : memref<2x80x128xf32, #tpu.memory_space<vmem>>, vector<1x1x16xf32>,
          %swap3A_590 = vector.shape_cast %swap3A_589 : vector<1x1x16xf32> to vector<16xf32>
          %swap3A_591 = vector.shape_cast %max3A_584 : vector<16xf32> to vector<1x1x16xf32>
          tpu.vector_store %arg11[%swap3A_586, %swap3A_587, %swap3A_588], %swap3A_591 {strides = array<i32>} : memref<2x80x128xf32, #tpu.memory_space<vmem>>, vector<1x1x16xf32>,
          %get3A_592 = arith.constant 1 : i32
          %get3A_593 = arith.index_cast %get3A_592 : i32 to index
          %get3A_594 = arith.index_cast %add3A_453 : i32 to index
          %get3A_595 = arith.constant 96 : index
          %get3A_596 = tpu.vector_load %arg11[%get3A_593, %get3A_594, %get3A_595] {strides = array<i32>} : memref<2x80x128xf32, #tpu.memory_space<vmem>>, vector<1x1x16xf32>,
          %get3A_597 = vector.shape_cast %get3A_596 : vector<1x1x16xf32> to vector<16xf32>
          %get3A_598 = arith.constant 1 : i32
          %get3A_599 = arith.index_cast %get3A_598 : i32 to index
          %get3A_600 = arith.index_cast %add3A_453 : i32 to index
          %get3A_601 = arith.constant 96 : index
          %get3A_602 = tpu.vector_load %arg10[%get3A_599, %get3A_600, %get3A_601] {strides = array<i32>} : memref<2x80x128xf32, #tpu.memory_space<vmem>>, vector<1x1x16xf32>,
          %get3A_603 = vector.shape_cast %get3A_602 : vector<1x1x16xf32> to vector<16xf32>
          %add3A_604 = arith.addf %get3A_597, %get3A_603 : vector<16xf32>
          %max3A_605 = arith.constant 0.000000e+00 : f32
          %max3A_606 = vector.broadcast %max3A_605 : f32 to vector<16xf32>
          %max3A_607 = arith.maximumf %add3A_604, %max3A_606 : vector<16xf32>
          %swap3A_608 = arith.constant 1 : i32
          %swap3A_609 = arith.index_cast %swap3A_608 : i32 to index
          %swap3A_610 = arith.index_cast %add3A_453 : i32 to index
          %swap3A_611 = arith.constant 96 : index
          %swap3A_612 = tpu.vector_load %arg11[%swap3A_609, %swap3A_610, %swap3A_611] {strides = array<i32>} : memref<2x80x128xf32, #tpu.memory_space<vmem>>, vector<1x1x16xf32>,
          %swap3A_613 = vector.shape_cast %swap3A_612 : vector<1x1x16xf32> to vector<16xf32>
          %swap3A_614 = vector.shape_cast %max3A_607 : vector<16xf32> to vector<1x1x16xf32>
          tpu.vector_store %arg11[%swap3A_609, %swap3A_610, %swap3A_611], %swap3A_614 {strides = array<i32>} : memref<2x80x128xf32, #tpu.memory_space<vmem>>, vector<1x1x16xf32>,
          %get3A_615 = arith.constant 1 : i32
          %get3A_616 = arith.index_cast %get3A_615 : i32 to index
          %get3A_617 = arith.index_cast %add3A_453 : i32 to index
          %get3A_618 = arith.constant 112 : index
          %get3A_619 = tpu.vector_load %arg11[%get3A_616, %get3A_617, %get3A_618] {strides = array<i32>} : memref<2x80x128xf32, #tpu.memory_space<vmem>>, vector<1x1x16xf32>,
          %get3A_620 = vector.shape_cast %get3A_619 : vector<1x1x16xf32> to vector<16xf32>
          %get3A_621 = arith.constant 1 : i32
          %get3A_622 = arith.index_cast %get3A_621 : i32 to index
          %get3A_623 = arith.index_cast %add3A_453 : i32 to index
          %get3A_624 = arith.constant 112 : index
          %get3A_625 = tpu.vector_load %arg10[%get3A_622, %get3A_623, %get3A_624] {strides = array<i32>} : memref<2x80x128xf32, #tpu.memory_space<vmem>>, vector<1x1x16xf32>,
          %get3A_626 = vector.shape_cast %get3A_625 : vector<1x1x16xf32> to vector<16xf32>
          %add3A_627 = arith.addf %get3A_620, %get3A_626 : vector<16xf32>
          %max3A_628 = arith.constant 0.000000e+00 : f32
          %max3A_629 = vector.broadcast %max3A_628 : f32 to vector<16xf32>
          %max3A_630 = arith.maximumf %add3A_627, %max3A_629 : vector<16xf32>
          %swap3A_631 = arith.constant 1 : i32
          %swap3A_632 = arith.index_cast %swap3A_631 : i32 to index
          %swap3A_633 = arith.index_cast %add3A_453 : i32 to index
          %swap3A_634 = arith.constant 112 : index
          %swap3A_635 = tpu.vector_load %arg11[%swap3A_632, %swap3A_633, %swap3A_634] {strides = array<i32>} : memref<2x80x128xf32, #tpu.memory_space<vmem>>, vector<1x1x16xf32>,
          %swap3A_636 = vector.shape_cast %swap3A_635 : vector<1x1x16xf32> to vector<16xf32>
          %swap3A_637 = vector.shape_cast %max3A_630 : vector<16xf32> to vector<1x1x16xf32>
          tpu.vector_store %arg11[%swap3A_632, %swap3A_633, %swap3A_634], %swap3A_637 {strides = array<i32>} : memref<2x80x128xf32, #tpu.memory_space<vmem>>, vector<1x1x16xf32>,
        }
        %scan3A_236 = arith.constant 40 : i32
        %dma_wait3A_237 = arith.constant 1 : i32
        %dma_wait3A_238 = arith.constant 1 : i32
        %dma_wait3A_239 = arith.constant 0 : i32
        %dma_wait3A_240 = tpu.memref_slice %arg9[%dma_wait3A_237, %dma_wait3A_239] : memref<2x80xi32, #tpu.memory_space<vmem>> -> memref<1x80xi32, #tpu.memory_space<vmem>>
        %dma_wait3A_241 = tpu.memref_squeeze %dma_wait3A_240 : memref<1x80xi32, #tpu.memory_space<vmem>> -> memref<80xi32, #tpu.memory_space<vmem>>
        %dma_wait3A_242 = tpu.memref_slice %arg5[%mul3A_2] : memref<320000xi32, #tpu.memory_space<hbm>> -> memref<80xi32, #tpu.memory_space<hbm>>
        %dma_wait3A_243 = tpu.memref_slice %arg14[%dma_wait3A_238] : memref<2x!tpu.dma_semaphore, #tpu.memory_space<semaphore_mem>> -> memref<1x!tpu.dma_semaphore, #tpu.memory_space<semaphore_mem>>
        %dma_wait3A_244 = tpu.memref_squeeze %dma_wait3A_243 : memref<1x!tpu.dma_semaphore, #tpu.memory_space<semaphore_mem>> -> memref<!tpu.dma_semaphore, #tpu.memory_space<semaphore_mem>>
        %dma_wait3A_245 = arith.constant 0 : i32
        %dma_wait3A_246 = tpu.memref_slice %arg9[%dma_wait3A_237, %dma_wait3A_245] : memref<2x80xi32, #tpu.memory_space<vmem>> -> memref<1x80xi32, #tpu.memory_space<vmem>>
        %dma_wait3A_247 = tpu.memref_squeeze %dma_wait3A_246 : memref<1x80xi32, #tpu.memory_space<vmem>> -> memref<80xi32, #tpu.memory_space<vmem>>
        %dma_wait3A_248 = tpu.memref_slice %arg5[%mul3A_2] : memref<320000xi32, #tpu.memory_space<hbm>> -> memref<80xi32, #tpu.memory_space<hbm>>
        tpu.wait_dma2 semaphore(%dma_wait3A_244 : memref<!tpu.dma_semaphore, #tpu.memory_space<semaphore_mem>>) src(%dma_wait3A_248 : memref<80xi32, #tpu.memory_space<hbm>>) dst(%dma_wait3A_247 : memref<80xi32, #tpu.memory_space<vmem>>)
        %dma_start3A_249 = arith.constant 1 : i32
        %dma_start3A_250 = arith.constant 1 : i32
        %dma_start3A_251 = arith.constant 1 : i32
        %dma_start3A_252 = arith.constant 0 : i32
        %dma_start3A_253 = arith.constant 0 : i32
        %dma_start3A_254 = tpu.memref_slice %arg11[%dma_start3A_249, %dma_start3A_252, %dma_start3A_253] : memref<2x80x128xf32, #tpu.memory_space<vmem>> -> memref<1x80x128xf32, #tpu.memory_space<vmem>>
        %dma_start3A_255 = tpu.memref_squeeze %dma_start3A_254 : memref<1x80x128xf32, #tpu.memory_space<vmem>> -> memref<80x128xf32, #tpu.memory_space<vmem>>
        %dma_start3A_256 = arith.constant 0 : i32
        %dma_start3A_257 = tpu.memref_slice %arg9[%dma_start3A_250, %dma_start3A_256] : memref<2x80xi32, #tpu.memory_space<vmem>> -> memref<1x80xi32, #tpu.memory_space<vmem>>
        %dma_start3A_258 = tpu.memref_squeeze %dma_start3A_257 : memref<1x80xi32, #tpu.memory_space<vmem>> -> memref<80xi32, #tpu.memory_space<vmem>>
        %dma_start3A_259 = arith.constant 0 : i32
        %dma_start3A_260 = arith.constant 0 : i32
        %dma_start3A_261 = tpu.memref_slice %arg12[%dma_start3A_259, %dma_start3A_260] : memref<10000x128xf32, #tpu.memory_space<vmem_shared>> -> memref<10000x128xf32, #tpu.memory_space<vmem_shared>>
        %dma_start3A_262 = tpu.memref_slice %arg17[%dma_start3A_251] : memref<2x!tpu.dma_semaphore, #tpu.memory_space<semaphore_mem>> -> memref<1x!tpu.dma_semaphore, #tpu.memory_space<semaphore_mem>>
        %dma_start3A_263 = tpu.memref_squeeze %dma_start3A_262 : memref<1x!tpu.dma_semaphore, #tpu.memory_space<semaphore_mem>> -> memref<!tpu.dma_semaphore, #tpu.memory_space<semaphore_mem>>
        tpu.enqueue_indirect_dma source(%dma_start3A_255 : memref<80x128xf32, #tpu.memory_space<vmem>>) target(%dma_start3A_261 : memref<10000x128xf32, #tpu.memory_space<vmem_shared>>) offsets(%dma_start3A_258 : memref<80xi32, #tpu.memory_space<vmem>>) semaphore(%dma_start3A_263 : memref<!tpu.dma_semaphore, #tpu.memory_space<semaphore_mem>>) {add = true}
      } else {
      }
    }
    %scan3A_67 = arith.constant 63 : i32
    %dma_wait3A = arith.constant 0 : i32
    %dma_wait3A_68 = arith.constant 0 : i32
    %dma_wait3A_69 = arith.constant 0 : i32
    %dma_wait3A_70 = arith.constant 0 : i32
    %dma_wait3A_71 = tpu.memref_slice %arg11[%dma_wait3A, %dma_wait3A_69, %dma_wait3A_70] : memref<2x80x128xf32, #tpu.memory_space<vmem>> -> memref<1x80x128xf32, #tpu.memory_space<vmem>>
    %dma_wait3A_72 = tpu.memref_squeeze %dma_wait3A_71 : memref<1x80x128xf32, #tpu.memory_space<vmem>> -> memref<80x128xf32, #tpu.memory_space<vmem>>
    %dma_wait3A_73 = arith.constant 0 : i32
    %dma_wait3A_74 = arith.constant 0 : i32
    %dma_wait3A_75 = tpu.memref_slice %arg12[%dma_wait3A_73, %dma_wait3A_74] : memref<10000x128xf32, #tpu.memory_space<vmem_shared>> -> memref<80x128xf32, #tpu.memory_space<vmem_shared>>
    %dma_wait3A_76 = tpu.memref_slice %arg17[%dma_wait3A_68] : memref<2x!tpu.dma_semaphore, #tpu.memory_space<semaphore_mem>> -> memref<1x!tpu.dma_semaphore, #tpu.memory_space<semaphore_mem>>
    %dma_wait3A_77 = tpu.memref_squeeze %dma_wait3A_76 : memref<1x!tpu.dma_semaphore, #tpu.memory_space<semaphore_mem>> -> memref<!tpu.dma_semaphore, #tpu.memory_space<semaphore_mem>>
    %dma_wait3A_78 = arith.constant 0 : i32
    %dma_wait3A_79 = arith.constant 0 : i32
    %dma_wait3A_80 = tpu.memref_slice %arg12[%dma_wait3A_78, %dma_wait3A_79] : memref<10000x128xf32, #tpu.memory_space<vmem_shared>> -> memref<80x128xf32, #tpu.memory_space<vmem_shared>>
    %dma_wait3A_81 = arith.constant 0 : i32
    %dma_wait3A_82 = arith.constant 0 : i32
    %dma_wait3A_83 = tpu.memref_slice %arg11[%dma_wait3A, %dma_wait3A_81, %dma_wait3A_82] : memref<2x80x128xf32, #tpu.memory_space<vmem>> -> memref<1x80x128xf32, #tpu.memory_space<vmem>>
    %dma_wait3A_84 = tpu.memref_squeeze %dma_wait3A_83 : memref<1x80x128xf32, #tpu.memory_space<vmem>> -> memref<80x128xf32, #tpu.memory_space<vmem>>
    tpu.wait_dma2 semaphore(%dma_wait3A_77 : memref<!tpu.dma_semaphore, #tpu.memory_space<semaphore_mem>>) src(%dma_wait3A_84 : memref<80x128xf32, #tpu.memory_space<vmem>>) dst(%dma_wait3A_80 : memref<80x128xf32, #tpu.memory_space<vmem_shared>>)
    %barrier3A_85 = arith.constant 0 : index
    tpu.barrier barrier_id(%barrier3A_85)
    "tpu.region"() ({
      %run_scoped3A_86 = tpu.sem_alloc : memref<!tpu.dma_semaphore, #tpu.memory_space<semaphore_mem>>
      %dma_start3A_87 = arith.constant 0 : i32
      %dma_start3A_88 = tpu.memref_slice %arg7[%arg0, %mul3A_4, %dma_start3A_87] : memref<2x10000x128xf32, #tpu.memory_space<hbm>> -> memref<1x640x128xf32, #tpu.memory_space<hbm>>
      %dma_start3A_89 = tpu.memref_squeeze %dma_start3A_88 : memref<1x640x128xf32, #tpu.memory_space<hbm>> -> memref<640x128xf32, #tpu.memory_space<hbm>>
      %dma_start3A_90 = arith.constant 0 : i32
      %dma_start3A_91 = tpu.memref_slice %arg12[%mul3A_4, %dma_start3A_90] : memref<10000x128xf32, #tpu.memory_space<vmem_shared>> -> memref<640x128xf32, #tpu.memory_space<vmem_shared>>
      tpu.enqueue_dma source(%dma_start3A_91 : memref<640x128xf32, #tpu.memory_space<vmem_shared>>) target(%dma_start3A_89 : memref<640x128xf32, #tpu.memory_space<hbm>>) target_semaphore(%run_scoped3A_86 : memref<!tpu.dma_semaphore, #tpu.memory_space<semaphore_mem>>)
      %dma_wait3A_92 = arith.constant 0 : i32
      %dma_wait3A_93 = tpu.memref_slice %arg7[%arg0, %mul3A_4, %dma_wait3A_92] : memref<2x10000x128xf32, #tpu.memory_space<hbm>> -> memref<1x640x128xf32, #tpu.memory_space<hbm>>
      %dma_wait3A_94 = tpu.memref_squeeze %dma_wait3A_93 : memref<1x640x128xf32, #tpu.memory_space<hbm>> -> memref<640x128xf32, #tpu.memory_space<hbm>>
      %dma_wait3A_95 = arith.constant 0 : i32
      %dma_wait3A_96 = tpu.memref_slice %arg12[%mul3A_4, %dma_wait3A_95] : memref<10000x128xf32, #tpu.memory_space<vmem_shared>> -> memref<640x128xf32, #tpu.memory_space<vmem_shared>>
      tpu.wait_dma2 semaphore(%run_scoped3A_86 : memref<!tpu.dma_semaphore, #tpu.memory_space<semaphore_mem>>) src(%dma_wait3A_96 : memref<640x128xf32, #tpu.memory_space<vmem_shared>>) dst(%dma_wait3A_94 : memref<640x128xf32, #tpu.memory_space<hbm>>)
      tpu.yield
    }) : () -> ()
    return
  }
}

#map = affine_map<(d0, d1) -> (0, 0)>
#map1 = affine_map<(d0, d1) -> (0)>
#map2 = affine_map<(d0, d1) -> (0, 0, 0)>
module attributes {stable_mosaic.version = 14 : i64} {
  func.func @_sc_edge_body(%arg0: i32, %arg1: i32, %arg2: memref<10000x128xf32, #tpu.memory_space<hbm>>, %arg3: memref<320000x128xf32, #tpu.memory_space<hbm>>, %arg4: memref<320000xi32, #tpu.memory_space<hbm>>, %arg5: memref<320000xi32, #tpu.memory_space<hbm>>, %arg6: memref<10000x128xf32, #tpu.memory_space<hbm>>, %arg7: memref<2x10000x128xf32, #tpu.memory_space<hbm>>, %arg8: memref<2x80xi32, #tpu.memory_space<vmem>>, %arg9: memref<2x80xi32, #tpu.memory_space<vmem>>, %arg10: memref<2x80x128xf32, #tpu.memory_space<vmem>>, %arg11: memref<2x80x128xf32, #tpu.memory_space<vmem>>, %arg12: memref<10000x128xf32, #tpu.memory_space<vmem_shared>>, %arg13: memref<2x!tpu.dma_semaphore, #tpu.memory_space<semaphore_mem>>, %arg14: memref<2x!tpu.dma_semaphore, #tpu.memory_space<semaphore_mem>>, %arg15: memref<2x!tpu.dma_semaphore, #tpu.memory_space<semaphore_mem>>, %arg16: memref<2x!tpu.dma_semaphore, #tpu.memory_space<semaphore_mem>>, %arg17: memref<2x!tpu.dma_semaphore, #tpu.memory_space<semaphore_mem>>) attributes {dimension_semantics = [#tpu.dimension_semantics<core_parallel>, #tpu.dimension_semantics<subcore_parallel>], iteration_bounds = array<i64: 2, 16>, scalar_prefetch = 0 : i64, scratch_operands = 10 : i64, tpu.core_type = #tpu.core_type<sc_vector_subcore>, window_params = [{transform_indices = #map}, {transform_indices = #map}, {transform_indices = #map1}, {transform_indices = #map1}, {transform_indices = #map}, {transform_indices = #map2}]} {
    %mul3A = arith.constant 16 : i32
    %mul3A_0 = arith.muli %arg0, %mul3A : i32
    %add3A = arith.addi %mul3A_0, %arg1 : i32
    %mul3A_1 = arith.constant 10000 : i32
    %mul3A_2 = arith.muli %add3A, %mul3A_1 : i32
    %mul3A_3 = arith.constant 624 : i32
    %mul3A_4 = arith.muli %arg1, %mul3A_3 : i32
    %run_scoped3A = arith.constant 0 : i32
    "tpu.region"() ({
      %run_scoped3A_86 = tpu.sem_alloc : memref<!tpu.dma_semaphore, #tpu.memory_space<semaphore_mem>>
      %dma_start3A_87 = arith.constant 0 : i32
      %dma_start3A_88 = tpu.memref_slice %arg8[%run_scoped3A, %dma_start3A_87] : memref<2x80xi32, #tpu.memory_space<vmem>> -> memref<1x80xi32, #tpu.memory_space<vmem>>
      %dma_start3A_89 = tpu.memref_squeeze %dma_start3A_88 : memref<1x80xi32, #tpu.memory_space<vmem>> -> memref<80xi32, #tpu.memory_space<vmem>>
      %dma_start3A_90 = tpu.memref_slice %arg4[%mul3A_2] : memref<320000xi32, #tpu.memory_space<hbm>> -> memref<80xi32, #tpu.memory_space<hbm>>
      %dma_start3A_91 = arith.constant 0 : i32
      %dma_start3A_92 = tpu.memref_slice %arg8[%run_scoped3A, %dma_start3A_91] : memref<2x80xi32, #tpu.memory_space<vmem>> -> memref<1x80xi32, #tpu.memory_space<vmem>>
      %dma_start3A_93 = tpu.memref_squeeze %dma_start3A_92 : memref<1x80xi32, #tpu.memory_space<vmem>> -> memref<80xi32, #tpu.memory_space<vmem>>
      %dma_start3A_94 = tpu.memref_slice %arg4[%mul3A_2] : memref<320000xi32, #tpu.memory_space<hbm>> -> memref<80xi32, #tpu.memory_space<hbm>>
      tpu.enqueue_dma source(%dma_start3A_94 : memref<80xi32, #tpu.memory_space<hbm>>) target(%dma_start3A_93 : memref<80xi32, #tpu.memory_space<vmem>>) target_semaphore(%run_scoped3A_86 : memref<!tpu.dma_semaphore, #tpu.memory_space<semaphore_mem>>)
      %dma_wait3A_95 = arith.constant 0 : i32
      %dma_wait3A_96 = tpu.memref_slice %arg8[%run_scoped3A, %dma_wait3A_95] : memref<2x80xi32, #tpu.memory_space<vmem>> -> memref<1x80xi32, #tpu.memory_space<vmem>>
      %dma_wait3A_97 = tpu.memref_squeeze %dma_wait3A_96 : memref<1x80xi32, #tpu.memory_space<vmem>> -> memref<80xi32, #tpu.memory_space<vmem>>
      %dma_wait3A_98 = tpu.memref_slice %arg4[%mul3A_2] : memref<320000xi32, #tpu.memory_space<hbm>> -> memref<80xi32, #tpu.memory_space<hbm>>
      %dma_wait3A_99 = arith.constant 0 : i32
      %dma_wait3A_100 = tpu.memref_slice %arg8[%run_scoped3A, %dma_wait3A_99] : memref<2x80xi32, #tpu.memory_space<vmem>> -> memref<1x80xi32, #tpu.memory_space<vmem>>
      %dma_wait3A_101 = tpu.memref_squeeze %dma_wait3A_100 : memref<1x80xi32, #tpu.memory_space<vmem>> -> memref<80xi32, #tpu.memory_space<vmem>>
      %dma_wait3A_102 = tpu.memref_slice %arg4[%mul3A_2] : memref<320000xi32, #tpu.memory_space<hbm>> -> memref<80xi32, #tpu.memory_space<hbm>>
      tpu.wait_dma2 semaphore(%run_scoped3A_86 : memref<!tpu.dma_semaphore, #tpu.memory_space<semaphore_mem>>) src(%dma_wait3A_102 : memref<80xi32, #tpu.memory_space<hbm>>) dst(%dma_wait3A_101 : memref<80xi32, #tpu.memory_space<vmem>>)
      tpu.yield
    }) : () -> ()
    %add3A_5 = arith.constant 0 : i32
    %add3A_6 = arith.addi %mul3A_2, %add3A_5 : i32
    %dma_start3A = arith.constant 0 : i32
    %dma_start3A_7 = arith.constant 0 : i32
    %dma_start3A_8 = arith.constant 0 : i32
    %dma_start3A_9 = tpu.memref_slice %arg9[%dma_start3A, %dma_start3A_8] : memref<2x80xi32, #tpu.memory_space<vmem>> -> memref<1x80xi32, #tpu.memory_space<vmem>>
    %dma_start3A_10 = tpu.memref_squeeze %dma_start3A_9 : memref<1x80xi32, #tpu.memory_space<vmem>> -> memref<80xi32, #tpu.memory_space<vmem>>
    %dma_start3A_11 = tpu.memref_slice %arg5[%add3A_6] : memref<320000xi32, #tpu.memory_space<hbm>> -> memref<80xi32, #tpu.memory_space<hbm>>
    %dma_start3A_12 = tpu.memref_slice %arg14[%dma_start3A_7] : memref<2x!tpu.dma_semaphore, #tpu.memory_space<semaphore_mem>> -> memref<1x!tpu.dma_semaphore, #tpu.memory_space<semaphore_mem>>
    %dma_start3A_13 = tpu.memref_squeeze %dma_start3A_12 : memref<1x!tpu.dma_semaphore, #tpu.memory_space<semaphore_mem>> -> memref<!tpu.dma_semaphore, #tpu.memory_space<semaphore_mem>>
    %dma_start3A_14 = arith.constant 0 : i32
    %dma_start3A_15 = tpu.memref_slice %arg9[%dma_start3A, %dma_start3A_14] : memref<2x80xi32, #tpu.memory_space<vmem>> -> memref<1x80xi32, #tpu.memory_space<vmem>>
    %dma_start3A_16 = tpu.memref_squeeze %dma_start3A_15 : memref<1x80xi32, #tpu.memory_space<vmem>> -> memref<80xi32, #tpu.memory_space<vmem>>
    %dma_start3A_17 = tpu.memref_slice %arg5[%add3A_6] : memref<320000xi32, #tpu.memory_space<hbm>> -> memref<80xi32, #tpu.memory_space<hbm>>
    tpu.enqueue_dma source(%dma_start3A_17 : memref<80xi32, #tpu.memory_space<hbm>>) target(%dma_start3A_16 : memref<80xi32, #tpu.memory_space<vmem>>) target_semaphore(%dma_start3A_13 : memref<!tpu.dma_semaphore, #tpu.memory_space<semaphore_mem>>)
    %dma_start3A_18 = arith.constant 0 : i32
    %dma_start3A_19 = arith.constant 0 : i32
    %dma_start3A_20 = arith.constant 0 : i32
    %dma_start3A_21 = arith.constant 0 : i32
    %dma_start3A_22 = tpu.memref_slice %arg10[%dma_start3A_18, %dma_start3A_20, %dma_start3A_21] : memref<2x80x128xf32, #tpu.memory_space<vmem>> -> memref<1x80x128xf32, #tpu.memory_space<vmem>>
    %dma_start3A_23 = tpu.memref_squeeze %dma_start3A_22 : memref<1x80x128xf32, #tpu.memory_space<vmem>> -> memref<80x128xf32, #tpu.memory_space<vmem>>
    %dma_start3A_24 = arith.constant 0 : i32
    %dma_start3A_25 = tpu.memref_slice %arg3[%add3A_6, %dma_start3A_24] : memref<320000x128xf32, #tpu.memory_space<hbm>> -> memref<80x128xf32, #tpu.memory_space<hbm>>
    %dma_start3A_26 = tpu.memref_slice %arg15[%dma_start3A_19] : memref<2x!tpu.dma_semaphore, #tpu.memory_space<semaphore_mem>> -> memref<1x!tpu.dma_semaphore, #tpu.memory_space<semaphore_mem>>
    %dma_start3A_27 = tpu.memref_squeeze %dma_start3A_26 : memref<1x!tpu.dma_semaphore, #tpu.memory_space<semaphore_mem>> -> memref<!tpu.dma_semaphore, #tpu.memory_space<semaphore_mem>>
    %dma_start3A_28 = arith.constant 0 : i32
    %dma_start3A_29 = arith.constant 0 : i32
    %dma_start3A_30 = tpu.memref_slice %arg10[%dma_start3A_18, %dma_start3A_28, %dma_start3A_29] : memref<2x80x128xf32, #tpu.memory_space<vmem>> -> memref<1x80x128xf32, #tpu.memory_space<vmem>>
    %dma_start3A_31 = tpu.memref_squeeze %dma_start3A_30 : memref<1x80x128xf32, #tpu.memory_space<vmem>> -> memref<80x128xf32, #tpu.memory_space<vmem>>
    %dma_start3A_32 = arith.constant 0 : i32
    %dma_start3A_33 = tpu.memref_slice %arg3[%add3A_6, %dma_start3A_32] : memref<320000x128xf32, #tpu.memory_space<hbm>> -> memref<80x128xf32, #tpu.memory_space<hbm>>
    tpu.enqueue_dma source(%dma_start3A_33 : memref<80x128xf32, #tpu.memory_space<hbm>>) target(%dma_start3A_31 : memref<80x128xf32, #tpu.memory_space<vmem>>) target_semaphore(%dma_start3A_27 : memref<!tpu.dma_semaphore, #tpu.memory_space<semaphore_mem>>)
    %dma_start3A_34 = arith.constant 0 : i32
    %dma_start3A_35 = arith.constant 0 : i32
    %dma_start3A_36 = arith.constant 0 : i32
    %dma_start3A_37 = arith.constant 0 : i32
    %dma_start3A_38 = arith.constant 0 : i32
    %dma_start3A_39 = tpu.memref_slice %arg11[%dma_start3A_35, %dma_start3A_37, %dma_start3A_38] : memref<2x80x128xf32, #tpu.memory_space<vmem>> -> memref<1x80x128xf32, #tpu.memory_space<vmem>>
    %dma_start3A_40 = tpu.memref_squeeze %dma_start3A_39 : memref<1x80x128xf32, #tpu.memory_space<vmem>> -> memref<80x128xf32, #tpu.memory_space<vmem>>
    %dma_start3A_41 = arith.constant 0 : i32
    %dma_start3A_42 = tpu.memref_slice %arg8[%dma_start3A_34, %dma_start3A_41] : memref<2x80xi32, #tpu.memory_space<vmem>> -> memref<1x80xi32, #tpu.memory_space<vmem>>
    %dma_start3A_43 = tpu.memref_squeeze %dma_start3A_42 : memref<1x80xi32, #tpu.memory_space<vmem>> -> memref<80xi32, #tpu.memory_space<vmem>>
    %dma_start3A_44 = arith.constant 0 : i32
    %dma_start3A_45 = arith.constant 0 : i32
    %dma_start3A_46 = tpu.memref_slice %arg2[%dma_start3A_44, %dma_start3A_45] : memref<10000x128xf32, #tpu.memory_space<hbm>> -> memref<10000x128xf32, #tpu.memory_space<hbm>>
    %dma_start3A_47 = tpu.memref_slice %arg16[%dma_start3A_36] : memref<2x!tpu.dma_semaphore, #tpu.memory_space<semaphore_mem>> -> memref<1x!tpu.dma_semaphore, #tpu.memory_space<semaphore_mem>>
    %dma_start3A_48 = tpu.memref_squeeze %dma_start3A_47 : memref<1x!tpu.dma_semaphore, #tpu.memory_space<semaphore_mem>> -> memref<!tpu.dma_semaphore, #tpu.memory_space<semaphore_mem>>
    tpu.enqueue_indirect_dma source(%dma_start3A_46 : memref<10000x128xf32, #tpu.memory_space<hbm>>) target(%dma_start3A_40 : memref<80x128xf32, #tpu.memory_space<vmem>>) offsets(%dma_start3A_43 : memref<80xi32, #tpu.memory_space<vmem>>) semaphore(%dma_start3A_48 : memref<!tpu.dma_semaphore, #tpu.memory_space<semaphore_mem>>)
    %add3A_49 = arith.constant 80 : i32
    %add3A_50 = arith.addi %mul3A_2, %add3A_49 : i32
    %dma_start3A_51 = arith.constant 1 : i32
    %dma_start3A_52 = arith.constant 1 : i32
    %dma_start3A_53 = arith.constant 0 : i32
    %dma_start3A_54 = tpu.memref_slice %arg8[%dma_start3A_51, %dma_start3A_53] : memref<2x80xi32, #tpu.memory_space<vmem>> -> memref<1x80xi32, #tpu.memory_space<vmem>>
    %dma_start3A_55 = tpu.memref_squeeze %dma_start3A_54 : memref<1x80xi32, #tpu.memory_space<vmem>> -> memref<80xi32, #tpu.memory_space<vmem>>
    %dma_start3A_56 = tpu.memref_slice %arg4[%add3A_50] : memref<320000xi32, #tpu.memory_space<hbm>> -> memref<80xi32, #tpu.memory_space<hbm>>
    %dma_start3A_57 = tpu.memref_slice %arg13[%dma_start3A_52] : memref<2x!tpu.dma_semaphore, #tpu.memory_space<semaphore_mem>> -> memref<1x!tpu.dma_semaphore, #tpu.memory_space<semaphore_mem>>
    %dma_start3A_58 = tpu.memref_squeeze %dma_start3A_57 : memref<1x!tpu.dma_semaphore, #tpu.memory_space<semaphore_mem>> -> memref<!tpu.dma_semaphore, #tpu.memory_space<semaphore_mem>>
    %dma_start3A_59 = arith.constant 0 : i32
    %dma_start3A_60 = tpu.memref_slice %arg8[%dma_start3A_51, %dma_start3A_59] : memref<2x80xi32, #tpu.memory_space<vmem>> -> memref<1x80xi32, #tpu.memory_space<vmem>>
    %dma_start3A_61 = tpu.memref_squeeze %dma_start3A_60 : memref<1x80xi32, #tpu.memory_space<vmem>> -> memref<80xi32, #tpu.memory_space<vmem>>
    %dma_start3A_62 = tpu.memref_slice %arg4[%add3A_50] : memref<320000xi32, #tpu.memory_space<hbm>> -> memref<80xi32, #tpu.memory_space<hbm>>
    tpu.enqueue_dma source(%dma_start3A_62 : memref<80xi32, #tpu.memory_space<hbm>>) target(%dma_start3A_61 : memref<80xi32, #tpu.memory_space<vmem>>) target_semaphore(%dma_start3A_58 : memref<!tpu.dma_semaphore, #tpu.memory_space<semaphore_mem>>)
    "tpu.region"() ({
      %run_scoped3A_86 = tpu.sem_alloc : memref<!tpu.dma_semaphore, #tpu.memory_space<semaphore_mem>>
      %dma_start3A_87 = arith.constant 0 : i32
      %dma_start3A_88 = tpu.memref_slice %arg12[%mul3A_4, %dma_start3A_87] : memref<10000x128xf32, #tpu.memory_space<vmem_shared>> -> memref<640x128xf32, #tpu.memory_space<vmem_shared>>
      %dma_start3A_89 = arith.constant 0 : i32
      %dma_start3A_90 = tpu.memref_slice %arg6[%mul3A_4, %dma_start3A_89] : memref<10000x128xf32, #tpu.memory_space<hbm>> -> memref<640x128xf32, #tpu.memory_space<hbm>>
      tpu.enqueue_dma source(%dma_start3A_90 : memref<640x128xf32, #tpu.memory_space<hbm>>) target(%dma_start3A_88 : memref<640x128xf32, #tpu.memory_space<vmem_shared>>) target_semaphore(%run_scoped3A_86 : memref<!tpu.dma_semaphore, #tpu.memory_space<semaphore_mem>>)
      %dma_wait3A_91 = arith.constant 0 : i32
      %dma_wait3A_92 = tpu.memref_slice %arg12[%mul3A_4, %dma_wait3A_91] : memref<10000x128xf32, #tpu.memory_space<vmem_shared>> -> memref<640x128xf32, #tpu.memory_space<vmem_shared>>
      %dma_wait3A_93 = arith.constant 0 : i32
      %dma_wait3A_94 = tpu.memref_slice %arg6[%mul3A_4, %dma_wait3A_93] : memref<10000x128xf32, #tpu.memory_space<hbm>> -> memref<640x128xf32, #tpu.memory_space<hbm>>
      tpu.wait_dma2 semaphore(%run_scoped3A_86 : memref<!tpu.dma_semaphore, #tpu.memory_space<semaphore_mem>>) src(%dma_wait3A_94 : memref<640x128xf32, #tpu.memory_space<hbm>>) dst(%dma_wait3A_92 : memref<640x128xf32, #tpu.memory_space<vmem_shared>>)
      tpu.yield
    }) : () -> ()
    %barrier3A = arith.constant 0 : index
    tpu.barrier barrier_id(%barrier3A)
    %scan3A = arith.constant 0 : i32
    %scan3A_63 = arith.constant 0 : i32
    %scan3A_64 = arith.constant 63 : i32
    %scan3A_65 = arith.addi %scan3A_63, %scan3A_64 : i32
    %scan3A_66 = arith.constant 1 : i32
    scf.for %scan3A_86 = %scan3A_63 to %scan3A_65 step %scan3A_66  : i32 {
      %mul3A_87 = arith.constant 2 : i32
      %mul3A_88 = arith.muli %scan3A_86, %mul3A_87 : i32
      %add3A_89 = arith.constant 0 : i32
      %add3A_90 = arith.addi %mul3A_88, %add3A_89 : i32
      %ge3A = arith.constant 1 : i32
      %ge3A_91 = arith.cmpi sge, %add3A_90, %ge3A : i32
      %convert_element_type3A = arith.extui %ge3A_91 : i1 to i32
      %cond3A = arith.constant 0 : i32
      %cond3A_92 = arith.cmpi ne, %convert_element_type3A, %cond3A : i32
      scf.if %cond3A_92 {
        %dma_wait3A_180 = arith.constant 1 : i32
        %dma_wait3A_181 = arith.constant 1 : i32
        %dma_wait3A_182 = arith.constant 0 : i32
        %dma_wait3A_183 = arith.constant 0 : i32
        %dma_wait3A_184 = tpu.memref_slice %arg11[%dma_wait3A_180, %dma_wait3A_182, %dma_wait3A_183] : memref<2x80x128xf32, #tpu.memory_space<vmem>> -> memref<1x80x128xf32, #tpu.memory_space<vmem>>
        %dma_wait3A_185 = tpu.memref_squeeze %dma_wait3A_184 : memref<1x80x128xf32, #tpu.memory_space<vmem>> -> memref<80x128xf32, #tpu.memory_space<vmem>>
        %dma_wait3A_186 = arith.constant 0 : i32
        %dma_wait3A_187 = arith.constant 0 : i32
        %dma_wait3A_188 = tpu.memref_slice %arg12[%dma_wait3A_186, %dma_wait3A_187] : memref<10000x128xf32, #tpu.memory_space<vmem_shared>> -> memref<80x128xf32, #tpu.memory_space<vmem_shared>>
        %dma_wait3A_189 = tpu.memref_slice %arg17[%dma_wait3A_181] : memref<2x!tpu.dma_semaphore, #tpu.memory_space<semaphore_mem>> -> memref<1x!tpu.dma_semaphore, #tpu.memory_space<semaphore_mem>>
        %dma_wait3A_190 = tpu.memref_squeeze %dma_wait3A_189 : memref<1x!tpu.dma_semaphore, #tpu.memory_space<semaphore_mem>> -> memref<!tpu.dma_semaphore, #tpu.memory_space<semaphore_mem>>
        %dma_wait3A_191 = arith.constant 0 : i32
        %dma_wait3A_192 = arith.constant 0 : i32
        %dma_wait3A_193 = tpu.memref_slice %arg12[%dma_wait3A_191, %dma_wait3A_192] : memref<10000x128xf32, #tpu.memory_space<vmem_shared>> -> memref<80x128xf32, #tpu.memory_space<vmem_shared>>
        %dma_wait3A_194 = arith.constant 0 : i32
        %dma_wait3A_195 = arith.constant 0 : i32
        %dma_wait3A_196 = tpu.memref_slice %arg11[%dma_wait3A_180, %dma_wait3A_194, %dma_wait3A_195] : memref<2x80x128xf32, #tpu.memory_space<vmem>> -> memref<1x80x128xf32, #tpu.memory_space<vmem>>
        %dma_wait3A_197 = tpu.memref_squeeze %dma_wait3A_196 : memref<1x80x128xf32, #tpu.memory_space<vmem>> -> memref<80x128xf32, #tpu.memory_space<vmem>>
        tpu.wait_dma2 semaphore(%dma_wait3A_190 : memref<!tpu.dma_semaphore, #tpu.memory_space<semaphore_mem>>) src(%dma_wait3A_197 : memref<80x128xf32, #tpu.memory_space<vmem>>) dst(%dma_wait3A_193 : memref<80x128xf32, #tpu.memory_space<vmem_shared>>)
      } else {
      }
      %add3A_93 = arith.constant 1 : i32
      %add3A_94 = arith.addi %add3A_90, %add3A_93 : i32
      %le3A = arith.constant 124 : i32
      %le3A_95 = arith.cmpi sle, %add3A_94, %le3A : i32
      %convert_element_type3A_96 = arith.extui %le3A_95 : i1 to i32
      %cond3A_97 = arith.constant 0 : i32
      %cond3A_98 = arith.cmpi ne, %convert_element_type3A_96, %cond3A_97 : i32
      scf.if %cond3A_98 {
        %dma_wait3A_180 = arith.constant 1 : i32
        %dma_wait3A_181 = arith.constant 1 : i32
        %dma_wait3A_182 = arith.constant 0 : i32
        %dma_wait3A_183 = tpu.memref_slice %arg8[%dma_wait3A_180, %dma_wait3A_182] : memref<2x80xi32, #tpu.memory_space<vmem>> -> memref<1x80xi32, #tpu.memory_space<vmem>>
        %dma_wait3A_184 = tpu.memref_squeeze %dma_wait3A_183 : memref<1x80xi32, #tpu.memory_space<vmem>> -> memref<80xi32, #tpu.memory_space<vmem>>
        %dma_wait3A_185 = tpu.memref_slice %arg4[%mul3A_2] : memref<320000xi32, #tpu.memory_space<hbm>> -> memref<80xi32, #tpu.memory_space<hbm>>
        %dma_wait3A_186 = tpu.memref_slice %arg13[%dma_wait3A_181] : memref<2x!tpu.dma_semaphore, #tpu.memory_space<semaphore_mem>> -> memref<1x!tpu.dma_semaphore, #tpu.memory_space<semaphore_mem>>
        %dma_wait3A_187 = tpu.memref_squeeze %dma_wait3A_186 : memref<1x!tpu.dma_semaphore, #tpu.memory_space<semaphore_mem>> -> memref<!tpu.dma_semaphore, #tpu.memory_space<semaphore_mem>>
        %dma_wait3A_188 = arith.constant 0 : i32
        %dma_wait3A_189 = tpu.memref_slice %arg8[%dma_wait3A_180, %dma_wait3A_188] : memref<2x80xi32, #tpu.memory_space<vmem>> -> memref<1x80xi32, #tpu.memory_space<vmem>>
        %dma_wait3A_190 = tpu.memref_squeeze %dma_wait3A_189 : memref<1x80xi32, #tpu.memory_space<vmem>> -> memref<80xi32, #tpu.memory_space<vmem>>
        %dma_wait3A_191 = tpu.memref_slice %arg4[%mul3A_2] : memref<320000xi32, #tpu.memory_space<hbm>> -> memref<80xi32, #tpu.memory_space<hbm>>
        tpu.wait_dma2 semaphore(%dma_wait3A_187 : memref<!tpu.dma_semaphore, #tpu.memory_space<semaphore_mem>>) src(%dma_wait3A_191 : memref<80xi32, #tpu.memory_space<hbm>>) dst(%dma_wait3A_190 : memref<80xi32, #tpu.memory_space<vmem>>)
        %add3A_192 = arith.constant 1 : i32
        %add3A_193 = arith.addi %add3A_90, %add3A_192 : i32
        %mul3A_194 = arith.constant 80 : i32
        %mul3A_195 = arith.muli %add3A_193, %mul3A_194 : i32
        %add3A_196 = arith.addi %mul3A_2, %mul3A_195 : i32
        %dma_start3A_197 = arith.constant 1 : i32
        %dma_start3A_198 = arith.constant 1 : i32
        %dma_start3A_199 = arith.constant 0 : i32
        %dma_start3A_200 = tpu.memref_slice %arg9[%dma_start3A_197, %dma_start3A_199] : memref<2x80xi32, #tpu.memory_space<vmem>> -> memref<1x80xi32, #tpu.memory_space<vmem>>
        %dma_start3A_201 = tpu.memref_squeeze %dma_start3A_200 : memref<1x80xi32, #tpu.memory_space<vmem>> -> memref<80xi32, #tpu.memory_space<vmem>>
        %dma_start3A_202 = tpu.memref_slice %arg5[%add3A_196] : memref<320000xi32, #tpu.memory_space<hbm>> -> memref<80xi32, #tpu.memory_space<hbm>>
        %dma_start3A_203 = tpu.memref_slice %arg14[%dma_start3A_198] : memref<2x!tpu.dma_semaphore, #tpu.memory_space<semaphore_mem>> -> memref<1x!tpu.dma_semaphore, #tpu.memory_space<semaphore_mem>>
        %dma_start3A_204 = tpu.memref_squeeze %dma_start3A_203 : memref<1x!tpu.dma_semaphore, #tpu.memory_space<semaphore_mem>> -> memref<!tpu.dma_semaphore, #tpu.memory_space<semaphore_mem>>
        %dma_start3A_205 = arith.constant 0 : i32
        %dma_start3A_206 = tpu.memref_slice %arg9[%dma_start3A_197, %dma_start3A_205] : memref<2x80xi32, #tpu.memory_space<vmem>> -> memref<1x80xi32, #tpu.memory_space<vmem>>
        %dma_start3A_207 = tpu.memref_squeeze %dma_start3A_206 : memref<1x80xi32, #tpu.memory_space<vmem>> -> memref<80xi32, #tpu.memory_space<vmem>>
        %dma_start3A_208 = tpu.memref_slice %arg5[%add3A_196] : memref<320000xi32, #tpu.memory_space<hbm>> -> memref<80xi32, #tpu.memory_space<hbm>>
        tpu.enqueue_dma source(%dma_start3A_208 : memref<80xi32, #tpu.memory_space<hbm>>) target(%dma_start3A_207 : memref<80xi32, #tpu.memory_space<vmem>>) target_semaphore(%dma_start3A_204 : memref<!tpu.dma_semaphore, #tpu.memory_space<semaphore_mem>>)
        %dma_start3A_209 = arith.constant 1 : i32
        %dma_start3A_210 = arith.constant 1 : i32
        %dma_start3A_211 = arith.constant 0 : i32
        %dma_start3A_212 = arith.constant 0 : i32
        %dma_start3A_213 = tpu.memref_slice %arg10[%dma_start3A_209, %dma_start3A_211, %dma_start3A_212] : memref<2x80x128xf32, #tpu.memory_space<vmem>> -> memref<1x80x128xf32, #tpu.memory_space<vmem>>
        %dma_start3A_214 = tpu.memref_squeeze %dma_start3A_213 : memref<1x80x128xf32, #tpu.memory_space<vmem>> -> memref<80x128xf32, #tpu.memory_space<vmem>>
        %dma_start3A_215 = arith.constant 0 : i32
        %dma_start3A_216 = tpu.memref_slice %arg3[%add3A_196, %dma_start3A_215] : memref<320000x128xf32, #tpu.memory_space<hbm>> -> memref<80x128xf32, #tpu.memory_space<hbm>>
        %dma_start3A_217 = tpu.memref_slice %arg15[%dma_start3A_210] : memref<2x!tpu.dma_semaphore, #tpu.memory_space<semaphore_mem>> -> memref<1x!tpu.dma_semaphore, #tpu.memory_space<semaphore_mem>>
        %dma_start3A_218 = tpu.memref_squeeze %dma_start3A_217 : memref<1x!tpu.dma_semaphore, #tpu.memory_space<semaphore_mem>> -> memref<!tpu.dma_semaphore, #tpu.memory_space<semaphore_mem>>
        %dma_start3A_219 = arith.constant 0 : i32
        %dma_start3A_220 = arith.constant 0 : i32
        %dma_start3A_221 = tpu.memref_slice %arg10[%dma_start3A_209, %dma_start3A_219, %dma_start3A_220] : memref<2x80x128xf32, #tpu.memory_space<vmem>> -> memref<1x80x128xf32, #tpu.memory_space<vmem>>
        %dma_start3A_222 = tpu.memref_squeeze %dma_start3A_221 : memref<1x80x128xf32, #tpu.memory_space<vmem>> -> memref<80x128xf32, #tpu.memory_space<vmem>>
        %dma_start3A_223 = arith.constant 0 : i32
        %dma_start3A_224 = tpu.memref_slice %arg3[%add3A_196, %dma_start3A_223] : memref<320000x128xf32, #tpu.memory_space<hbm>> -> memref<80x128xf32, #tpu.memory_space<hbm>>
        tpu.enqueue_dma source(%dma_start3A_224 : memref<80x128xf32, #tpu.memory_space<hbm>>) target(%dma_start3A_222 : memref<80x128xf32, #tpu.memory_space<vmem>>) target_semaphore(%dma_start3A_218 : memref<!tpu.dma_semaphore, #tpu.memory_space<semaphore_mem>>)
        %dma_start3A_225 = arith.constant 1 : i32
        %dma_start3A_226 = arith.constant 1 : i32
        %dma_start3A_227 = arith.constant 1 : i32
        %dma_start3A_228 = arith.constant 0 : i32
        %dma_start3A_229 = arith.constant 0 : i32
        %dma_start3A_230 = tpu.memref_slice %arg11[%dma_start3A_226, %dma_start3A_228, %dma_start3A_229] : memref<2x80x128xf32, #tpu.memory_space<vmem>> -> memref<1x80x128xf32, #tpu.memory_space<vmem>>
        %dma_start3A_231 = tpu.memref_squeeze %dma_start3A_230 : memref<1x80x128xf32, #tpu.memory_space<vmem>> -> memref<80x128xf32, #tpu.memory_space<vmem>>
        %dma_start3A_232 = arith.constant 0 : i32
        %dma_start3A_233 = tpu.memref_slice %arg8[%dma_start3A_225, %dma_start3A_232] : memref<2x80xi32, #tpu.memory_space<vmem>> -> memref<1x80xi32, #tpu.memory_space<vmem>>
        %dma_start3A_234 = tpu.memref_squeeze %dma_start3A_233 : memref<1x80xi32, #tpu.memory_space<vmem>> -> memref<80xi32, #tpu.memory_space<vmem>>
        %dma_start3A_235 = arith.constant 0 : i32
        %dma_start3A_236 = arith.constant 0 : i32
        %dma_start3A_237 = tpu.memref_slice %arg2[%dma_start3A_235, %dma_start3A_236] : memref<10000x128xf32, #tpu.memory_space<hbm>> -> memref<10000x128xf32, #tpu.memory_space<hbm>>
        %dma_start3A_238 = tpu.memref_slice %arg16[%dma_start3A_227] : memref<2x!tpu.dma_semaphore, #tpu.memory_space<semaphore_mem>> -> memref<1x!tpu.dma_semaphore, #tpu.memory_space<semaphore_mem>>
        %dma_start3A_239 = tpu.memref_squeeze %dma_start3A_238 : memref<1x!tpu.dma_semaphore, #tpu.memory_space<semaphore_mem>> -> memref<!tpu.dma_semaphore, #tpu.memory_space<semaphore_mem>>
        tpu.enqueue_indirect_dma source(%dma_start3A_237 : memref<10000x128xf32, #tpu.memory_space<hbm>>) target(%dma_start3A_231 : memref<80x128xf32, #tpu.memory_space<vmem>>) offsets(%dma_start3A_234 : memref<80xi32, #tpu.memory_space<vmem>>) semaphore(%dma_start3A_239 : memref<!tpu.dma_semaphore, #tpu.memory_space<semaphore_mem>>)
      } else {
      }
      %dma_wait3A_99 = arith.constant 0 : i32
      %dma_wait3A_100 = arith.constant 0 : i32
      %dma_wait3A_101 = arith.constant 0 : i32
      %dma_wait3A_102 = arith.constant 0 : i32
      %dma_wait3A_103 = tpu.memref_slice %arg10[%dma_wait3A_99, %dma_wait3A_101, %dma_wait3A_102] : memref<2x80x128xf32, #tpu.memory_space<vmem>> -> memref<1x80x128xf32, #tpu.memory_space<vmem>>
      %dma_wait3A_104 = tpu.memref_squeeze %dma_wait3A_103 : memref<1x80x128xf32, #tpu.memory_space<vmem>> -> memref<80x128xf32, #tpu.memory_space<vmem>>
      %dma_wait3A_105 = arith.constant 0 : i32
      %dma_wait3A_106 = tpu.memref_slice %arg3[%mul3A_2, %dma_wait3A_105] : memref<320000x128xf32, #tpu.memory_space<hbm>> -> memref<80x128xf32, #tpu.memory_space<hbm>>
      %dma_wait3A_107 = tpu.memref_slice %arg15[%dma_wait3A_100] : memref<2x!tpu.dma_semaphore, #tpu.memory_space<semaphore_mem>> -> memref<1x!tpu.dma_semaphore, #tpu.memory_space<semaphore_mem>>
      %dma_wait3A_108 = tpu.memref_squeeze %dma_wait3A_107 : memref<1x!tpu.dma_semaphore, #tpu.memory_space<semaphore_mem>> -> memref<!tpu.dma_semaphore, #tpu.memory_space<semaphore_mem>>
      %dma_wait3A_109 = arith.constant 0 : i32
      %dma_wait3A_110 = arith.constant 0 : i32
      %dma_wait3A_111 = tpu.memref_slice %arg10[%dma_wait3A_99, %dma_wait3A_109, %dma_wait3A_110] : memref<2x80x128xf32, #tpu.memory_space<vmem>> -> memref<1x80x128xf32, #tpu.memory_space<vmem>>
      %dma_wait3A_112 = tpu.memref_squeeze %dma_wait3A_111 : memref<1x80x128xf32, #tpu.memory_space<vmem>> -> memref<80x128xf32, #tpu.memory_space<vmem>>
      %dma_wait3A_113 = arith.constant 0 : i32
      %dma_wait3A_114 = tpu.memref_slice %arg3[%mul3A_2, %dma_wait3A_113] : memref<320000x128xf32, #tpu.memory_space<hbm>> -> memref<80x128xf32, #tpu.memory_space<hbm>>
      tpu.wait_dma2 semaphore(%dma_wait3A_108 : memref<!tpu.dma_semaphore, #tpu.memory_space<semaphore_mem>>) src(%dma_wait3A_114 : memref<80x128xf32, #tpu.memory_space<hbm>>) dst(%dma_wait3A_112 : memref<80x128xf32, #tpu.memory_space<vmem>>)
      %dma_wait3A_115 = arith.constant 0 : i32
      %dma_wait3A_116 = arith.constant 0 : i32
      %dma_wait3A_117 = arith.constant 0 : i32
      %dma_wait3A_118 = arith.constant 0 : i32
      %dma_wait3A_119 = tpu.memref_slice %arg11[%dma_wait3A_115, %dma_wait3A_117, %dma_wait3A_118] : memref<2x80x128xf32, #tpu.memory_space<vmem>> -> memref<1x80x128xf32, #tpu.memory_space<vmem>>
      %dma_wait3A_120 = tpu.memref_squeeze %dma_wait3A_119 : memref<1x80x128xf32, #tpu.memory_space<vmem>> -> memref<80x128xf32, #tpu.memory_space<vmem>>
      %dma_wait3A_121 = arith.constant 0 : i32
      %dma_wait3A_122 = tpu.memref_slice %arg3[%mul3A_2, %dma_wait3A_121] : memref<320000x128xf32, #tpu.memory_space<hbm>> -> memref<80x128xf32, #tpu.memory_space<hbm>>
      %dma_wait3A_123 = tpu.memref_slice %arg16[%dma_wait3A_116] : memref<2x!tpu.dma_semaphore, #tpu.memory_space<semaphore_mem>> -> memref<1x!tpu.dma_semaphore, #tpu.memory_space<semaphore_mem>>
      %dma_wait3A_124 = tpu.memref_squeeze %dma_wait3A_123 : memref<1x!tpu.dma_semaphore, #tpu.memory_space<semaphore_mem>> -> memref<!tpu.dma_semaphore, #tpu.memory_space<semaphore_mem>>
      %dma_wait3A_125 = arith.constant 0 : i32
      %dma_wait3A_126 = arith.constant 0 : i32
      %dma_wait3A_127 = tpu.memref_slice %arg11[%dma_wait3A_115, %dma_wait3A_125, %dma_wait3A_126] : memref<2x80x128xf32, #tpu.memory_space<vmem>> -> memref<1x80x128xf32, #tpu.memory_space<vmem>>
      %dma_wait3A_128 = tpu.memref_squeeze %dma_wait3A_127 : memref<1x80x128xf32, #tpu.memory_space<vmem>> -> memref<80x128xf32, #tpu.memory_space<vmem>>
      %dma_wait3A_129 = arith.constant 0 : i32
      %dma_wait3A_130 = tpu.memref_slice %arg3[%mul3A_2, %dma_wait3A_129] : memref<320000x128xf32, #tpu.memory_space<hbm>> -> memref<80x128xf32, #tpu.memory_space<hbm>>
      tpu.wait_dma2 semaphore(%dma_wait3A_124 : memref<!tpu.dma_semaphore, #tpu.memory_space<semaphore_mem>>) src(%dma_wait3A_130 : memref<80x128xf32, #tpu.memory_space<hbm>>) dst(%dma_wait3A_128 : memref<80x128xf32, #tpu.memory_space<vmem>>)
      %add3A_131 = arith.constant 2 : i32
      %add3A_132 = arith.addi %add3A_90, %add3A_131 : i32
      %le3A_133 = arith.constant 124 : i32
      %le3A_134 = arith.cmpi sle, %add3A_132, %le3A_133 : i32
      %convert_element_type3A_135 = arith.extui %le3A_134 : i1 to i32
      %cond3A_136 = arith.constant 0 : i32
      %cond3A_137 = arith.cmpi ne, %convert_element_type3A_135, %cond3A_136 : i32
      scf.if %cond3A_137 {
        %add3A_180 = arith.constant 2 : i32
        %add3A_181 = arith.addi %add3A_90, %add3A_180 : i32
        %mul3A_182 = arith.constant 80 : i32
        %mul3A_183 = arith.muli %add3A_181, %mul3A_182 : i32
        %add3A_184 = arith.addi %mul3A_2, %mul3A_183 : i32
        %dma_start3A_185 = arith.constant 0 : i32
        %dma_start3A_186 = arith.constant 0 : i32
        %dma_start3A_187 = arith.constant 0 : i32
        %dma_start3A_188 = tpu.memref_slice %arg8[%dma_start3A_185, %dma_start3A_187] : memref<2x80xi32, #tpu.memory_space<vmem>> -> memref<1x80xi32, #tpu.memory_space<vmem>>
        %dma_start3A_189 = tpu.memref_squeeze %dma_start3A_188 : memref<1x80xi32, #tpu.memory_space<vmem>> -> memref<80xi32, #tpu.memory_space<vmem>>
        %dma_start3A_190 = tpu.memref_slice %arg4[%add3A_184] : memref<320000xi32, #tpu.memory_space<hbm>> -> memref<80xi32, #tpu.memory_space<hbm>>
        %dma_start3A_191 = tpu.memref_slice %arg13[%dma_start3A_186] : memref<2x!tpu.dma_semaphore, #tpu.memory_space<semaphore_mem>> -> memref<1x!tpu.dma_semaphore, #tpu.memory_space<semaphore_mem>>
        %dma_start3A_192 = tpu.memref_squeeze %dma_start3A_191 : memref<1x!tpu.dma_semaphore, #tpu.memory_space<semaphore_mem>> -> memref<!tpu.dma_semaphore, #tpu.memory_space<semaphore_mem>>
        %dma_start3A_193 = arith.constant 0 : i32
        %dma_start3A_194 = tpu.memref_slice %arg8[%dma_start3A_185, %dma_start3A_193] : memref<2x80xi32, #tpu.memory_space<vmem>> -> memref<1x80xi32, #tpu.memory_space<vmem>>
        %dma_start3A_195 = tpu.memref_squeeze %dma_start3A_194 : memref<1x80xi32, #tpu.memory_space<vmem>> -> memref<80xi32, #tpu.memory_space<vmem>>
        %dma_start3A_196 = tpu.memref_slice %arg4[%add3A_184] : memref<320000xi32, #tpu.memory_space<hbm>> -> memref<80xi32, #tpu.memory_space<hbm>>
        tpu.enqueue_dma source(%dma_start3A_196 : memref<80xi32, #tpu.memory_space<hbm>>) target(%dma_start3A_195 : memref<80xi32, #tpu.memory_space<vmem>>) target_semaphore(%dma_start3A_192 : memref<!tpu.dma_semaphore, #tpu.memory_space<semaphore_mem>>)
      } else {
      }
      %scan3A_138 = arith.constant 0 : i32
      %scan3A_139 = arith.constant 0 : i32
      %scan3A_140 = arith.constant 40 : i32
      %scan3A_141 = arith.addi %scan3A_139, %scan3A_140 : i32
      %scan3A_142 = arith.constant 1 : i32
      scf.for %scan3A_180 = %scan3A_139 to %scan3A_141 step %scan3A_142  : i32 {
        %mul3A_181 = arith.constant 2 : i32
        %mul3A_182 = arith.muli %scan3A_180, %mul3A_181 : i32
        %add3A_183 = arith.constant 0 : i32
        %add3A_184 = arith.addi %mul3A_182, %add3A_183 : i32
        %get3A = arith.constant 0 : i32
        %get3A_185 = arith.index_cast %get3A : i32 to index
        %get3A_186 = arith.index_cast %add3A_184 : i32 to index
        %get3A_187 = arith.constant 0 : index
        %get3A_188 = tpu.vector_load %arg11[%get3A_185, %get3A_186, %get3A_187] {strides = array<i32>} : memref<2x80x128xf32, #tpu.memory_space<vmem>>, vector<1x1x16xf32>,
        %get3A_189 = vector.shape_cast %get3A_188 : vector<1x1x16xf32> to vector<16xf32>
        %get3A_190 = arith.constant 0 : i32
        %get3A_191 = arith.index_cast %get3A_190 : i32 to index
        %get3A_192 = arith.index_cast %add3A_184 : i32 to index
        %get3A_193 = arith.constant 0 : index
        %get3A_194 = tpu.vector_load %arg10[%get3A_191, %get3A_192, %get3A_193] {strides = array<i32>} : memref<2x80x128xf32, #tpu.memory_space<vmem>>, vector<1x1x16xf32>,
        %get3A_195 = vector.shape_cast %get3A_194 : vector<1x1x16xf32> to vector<16xf32>
        %add3A_196 = arith.addf %get3A_189, %get3A_195 : vector<16xf32>
        %max3A = arith.constant 0.000000e+00 : f32
        %max3A_197 = vector.broadcast %max3A : f32 to vector<16xf32>
        %max3A_198 = arith.maximumf %add3A_196, %max3A_197 : vector<16xf32>
        %swap3A = arith.constant 0 : i32
        %swap3A_199 = arith.index_cast %swap3A : i32 to index
        %swap3A_200 = arith.index_cast %add3A_184 : i32 to index
        %swap3A_201 = arith.constant 0 : index
        %swap3A_202 = tpu.vector_load %arg11[%swap3A_199, %swap3A_200, %swap3A_201] {strides = array<i32>} : memref<2x80x128xf32, #tpu.memory_space<vmem>>, vector<1x1x16xf32>,
        %swap3A_203 = vector.shape_cast %swap3A_202 : vector<1x1x16xf32> to vector<16xf32>
        %swap3A_204 = vector.shape_cast %max3A_198 : vector<16xf32> to vector<1x1x16xf32>
        tpu.vector_store %arg11[%swap3A_199, %swap3A_200, %swap3A_201], %swap3A_204 {strides = array<i32>} : memref<2x80x128xf32, #tpu.memory_space<vmem>>, vector<1x1x16xf32>,
        %get3A_205 = arith.constant 0 : i32
        %get3A_206 = arith.index_cast %get3A_205 : i32 to index
        %get3A_207 = arith.index_cast %add3A_184 : i32 to index
        %get3A_208 = arith.constant 16 : index
        %get3A_209 = tpu.vector_load %arg11[%get3A_206, %get3A_207, %get3A_208] {strides = array<i32>} : memref<2x80x128xf32, #tpu.memory_space<vmem>>, vector<1x1x16xf32>,
        %get3A_210 = vector.shape_cast %get3A_209 : vector<1x1x16xf32> to vector<16xf32>
        %get3A_211 = arith.constant 0 : i32
        %get3A_212 = arith.index_cast %get3A_211 : i32 to index
        %get3A_213 = arith.index_cast %add3A_184 : i32 to index
        %get3A_214 = arith.constant 16 : index
        %get3A_215 = tpu.vector_load %arg10[%get3A_212, %get3A_213, %get3A_214] {strides = array<i32>} : memref<2x80x128xf32, #tpu.memory_space<vmem>>, vector<1x1x16xf32>,
        %get3A_216 = vector.shape_cast %get3A_215 : vector<1x1x16xf32> to vector<16xf32>
        %add3A_217 = arith.addf %get3A_210, %get3A_216 : vector<16xf32>
        %max3A_218 = arith.constant 0.000000e+00 : f32
        %max3A_219 = vector.broadcast %max3A_218 : f32 to vector<16xf32>
        %max3A_220 = arith.maximumf %add3A_217, %max3A_219 : vector<16xf32>
        %swap3A_221 = arith.constant 0 : i32
        %swap3A_222 = arith.index_cast %swap3A_221 : i32 to index
        %swap3A_223 = arith.index_cast %add3A_184 : i32 to index
        %swap3A_224 = arith.constant 16 : index
        %swap3A_225 = tpu.vector_load %arg11[%swap3A_222, %swap3A_223, %swap3A_224] {strides = array<i32>} : memref<2x80x128xf32, #tpu.memory_space<vmem>>, vector<1x1x16xf32>,
        %swap3A_226 = vector.shape_cast %swap3A_225 : vector<1x1x16xf32> to vector<16xf32>
        %swap3A_227 = vector.shape_cast %max3A_220 : vector<16xf32> to vector<1x1x16xf32>
        tpu.vector_store %arg11[%swap3A_222, %swap3A_223, %swap3A_224], %swap3A_227 {strides = array<i32>} : memref<2x80x128xf32, #tpu.memory_space<vmem>>, vector<1x1x16xf32>,
        %get3A_228 = arith.constant 0 : i32
        %get3A_229 = arith.index_cast %get3A_228 : i32 to index
        %get3A_230 = arith.index_cast %add3A_184 : i32 to index
        %get3A_231 = arith.constant 32 : index
        %get3A_232 = tpu.vector_load %arg11[%get3A_229, %get3A_230, %get3A_231] {strides = array<i32>} : memref<2x80x128xf32, #tpu.memory_space<vmem>>, vector<1x1x16xf32>,
        %get3A_233 = vector.shape_cast %get3A_232 : vector<1x1x16xf32> to vector<16xf32>
        %get3A_234 = arith.constant 0 : i32
        %get3A_235 = arith.index_cast %get3A_234 : i32 to index
        %get3A_236 = arith.index_cast %add3A_184 : i32 to index
        %get3A_237 = arith.constant 32 : index
        %get3A_238 = tpu.vector_load %arg10[%get3A_235, %get3A_236, %get3A_237] {strides = array<i32>} : memref<2x80x128xf32, #tpu.memory_space<vmem>>, vector<1x1x16xf32>,
        %get3A_239 = vector.shape_cast %get3A_238 : vector<1x1x16xf32> to vector<16xf32>
        %add3A_240 = arith.addf %get3A_233, %get3A_239 : vector<16xf32>
        %max3A_241 = arith.constant 0.000000e+00 : f32
        %max3A_242 = vector.broadcast %max3A_241 : f32 to vector<16xf32>
        %max3A_243 = arith.maximumf %add3A_240, %max3A_242 : vector<16xf32>
        %swap3A_244 = arith.constant 0 : i32
        %swap3A_245 = arith.index_cast %swap3A_244 : i32 to index
        %swap3A_246 = arith.index_cast %add3A_184 : i32 to index
        %swap3A_247 = arith.constant 32 : index
        %swap3A_248 = tpu.vector_load %arg11[%swap3A_245, %swap3A_246, %swap3A_247] {strides = array<i32>} : memref<2x80x128xf32, #tpu.memory_space<vmem>>, vector<1x1x16xf32>,
        %swap3A_249 = vector.shape_cast %swap3A_248 : vector<1x1x16xf32> to vector<16xf32>
        %swap3A_250 = vector.shape_cast %max3A_243 : vector<16xf32> to vector<1x1x16xf32>
        tpu.vector_store %arg11[%swap3A_245, %swap3A_246, %swap3A_247], %swap3A_250 {strides = array<i32>} : memref<2x80x128xf32, #tpu.memory_space<vmem>>, vector<1x1x16xf32>,
        %get3A_251 = arith.constant 0 : i32
        %get3A_252 = arith.index_cast %get3A_251 : i32 to index
        %get3A_253 = arith.index_cast %add3A_184 : i32 to index
        %get3A_254 = arith.constant 48 : index
        %get3A_255 = tpu.vector_load %arg11[%get3A_252, %get3A_253, %get3A_254] {strides = array<i32>} : memref<2x80x128xf32, #tpu.memory_space<vmem>>, vector<1x1x16xf32>,
        %get3A_256 = vector.shape_cast %get3A_255 : vector<1x1x16xf32> to vector<16xf32>
        %get3A_257 = arith.constant 0 : i32
        %get3A_258 = arith.index_cast %get3A_257 : i32 to index
        %get3A_259 = arith.index_cast %add3A_184 : i32 to index
        %get3A_260 = arith.constant 48 : index
        %get3A_261 = tpu.vector_load %arg10[%get3A_258, %get3A_259, %get3A_260] {strides = array<i32>} : memref<2x80x128xf32, #tpu.memory_space<vmem>>, vector<1x1x16xf32>,
        %get3A_262 = vector.shape_cast %get3A_261 : vector<1x1x16xf32> to vector<16xf32>
        %add3A_263 = arith.addf %get3A_256, %get3A_262 : vector<16xf32>
        %max3A_264 = arith.constant 0.000000e+00 : f32
        %max3A_265 = vector.broadcast %max3A_264 : f32 to vector<16xf32>
        %max3A_266 = arith.maximumf %add3A_263, %max3A_265 : vector<16xf32>
        %swap3A_267 = arith.constant 0 : i32
        %swap3A_268 = arith.index_cast %swap3A_267 : i32 to index
        %swap3A_269 = arith.index_cast %add3A_184 : i32 to index
        %swap3A_270 = arith.constant 48 : index
        %swap3A_271 = tpu.vector_load %arg11[%swap3A_268, %swap3A_269, %swap3A_270] {strides = array<i32>} : memref<2x80x128xf32, #tpu.memory_space<vmem>>, vector<1x1x16xf32>,
        %swap3A_272 = vector.shape_cast %swap3A_271 : vector<1x1x16xf32> to vector<16xf32>
        %swap3A_273 = vector.shape_cast %max3A_266 : vector<16xf32> to vector<1x1x16xf32>
        tpu.vector_store %arg11[%swap3A_268, %swap3A_269, %swap3A_270], %swap3A_273 {strides = array<i32>} : memref<2x80x128xf32, #tpu.memory_space<vmem>>, vector<1x1x16xf32>,
        %get3A_274 = arith.constant 0 : i32
        %get3A_275 = arith.index_cast %get3A_274 : i32 to index
        %get3A_276 = arith.index_cast %add3A_184 : i32 to index
        %get3A_277 = arith.constant 64 : index
        %get3A_278 = tpu.vector_load %arg11[%get3A_275, %get3A_276, %get3A_277] {strides = array<i32>} : memref<2x80x128xf32, #tpu.memory_space<vmem>>, vector<1x1x16xf32>,
        %get3A_279 = vector.shape_cast %get3A_278 : vector<1x1x16xf32> to vector<16xf32>
        %get3A_280 = arith.constant 0 : i32
        %get3A_281 = arith.index_cast %get3A_280 : i32 to index
        %get3A_282 = arith.index_cast %add3A_184 : i32 to index
        %get3A_283 = arith.constant 64 : index
        %get3A_284 = tpu.vector_load %arg10[%get3A_281, %get3A_282, %get3A_283] {strides = array<i32>} : memref<2x80x128xf32, #tpu.memory_space<vmem>>, vector<1x1x16xf32>,
        %get3A_285 = vector.shape_cast %get3A_284 : vector<1x1x16xf32> to vector<16xf32>
        %add3A_286 = arith.addf %get3A_279, %get3A_285 : vector<16xf32>
        %max3A_287 = arith.constant 0.000000e+00 : f32
        %max3A_288 = vector.broadcast %max3A_287 : f32 to vector<16xf32>
        %max3A_289 = arith.maximumf %add3A_286, %max3A_288 : vector<16xf32>
        %swap3A_290 = arith.constant 0 : i32
        %swap3A_291 = arith.index_cast %swap3A_290 : i32 to index
        %swap3A_292 = arith.index_cast %add3A_184 : i32 to index
        %swap3A_293 = arith.constant 64 : index
        %swap3A_294 = tpu.vector_load %arg11[%swap3A_291, %swap3A_292, %swap3A_293] {strides = array<i32>} : memref<2x80x128xf32, #tpu.memory_space<vmem>>, vector<1x1x16xf32>,
        %swap3A_295 = vector.shape_cast %swap3A_294 : vector<1x1x16xf32> to vector<16xf32>
        %swap3A_296 = vector.shape_cast %max3A_289 : vector<16xf32> to vector<1x1x16xf32>
        tpu.vector_store %arg11[%swap3A_291, %swap3A_292, %swap3A_293], %swap3A_296 {strides = array<i32>} : memref<2x80x128xf32, #tpu.memory_space<vmem>>, vector<1x1x16xf32>,
        %get3A_297 = arith.constant 0 : i32
        %get3A_298 = arith.index_cast %get3A_297 : i32 to index
        %get3A_299 = arith.index_cast %add3A_184 : i32 to index
        %get3A_300 = arith.constant 80 : index
        %get3A_301 = tpu.vector_load %arg11[%get3A_298, %get3A_299, %get3A_300] {strides = array<i32>} : memref<2x80x128xf32, #tpu.memory_space<vmem>>, vector<1x1x16xf32>,
        %get3A_302 = vector.shape_cast %get3A_301 : vector<1x1x16xf32> to vector<16xf32>
        %get3A_303 = arith.constant 0 : i32
        %get3A_304 = arith.index_cast %get3A_303 : i32 to index
        %get3A_305 = arith.index_cast %add3A_184 : i32 to index
        %get3A_306 = arith.constant 80 : index
        %get3A_307 = tpu.vector_load %arg10[%get3A_304, %get3A_305, %get3A_306] {strides = array<i32>} : memref<2x80x128xf32, #tpu.memory_space<vmem>>, vector<1x1x16xf32>,
        %get3A_308 = vector.shape_cast %get3A_307 : vector<1x1x16xf32> to vector<16xf32>
        %add3A_309 = arith.addf %get3A_302, %get3A_308 : vector<16xf32>
        %max3A_310 = arith.constant 0.000000e+00 : f32
        %max3A_311 = vector.broadcast %max3A_310 : f32 to vector<16xf32>
        %max3A_312 = arith.maximumf %add3A_309, %max3A_311 : vector<16xf32>
        %swap3A_313 = arith.constant 0 : i32
        %swap3A_314 = arith.index_cast %swap3A_313 : i32 to index
        %swap3A_315 = arith.index_cast %add3A_184 : i32 to index
        %swap3A_316 = arith.constant 80 : index
        %swap3A_317 = tpu.vector_load %arg11[%swap3A_314, %swap3A_315, %swap3A_316] {strides = array<i32>} : memref<2x80x128xf32, #tpu.memory_space<vmem>>, vector<1x1x16xf32>,
        %swap3A_318 = vector.shape_cast %swap3A_317 : vector<1x1x16xf32> to vector<16xf32>
        %swap3A_319 = vector.shape_cast %max3A_312 : vector<16xf32> to vector<1x1x16xf32>
        tpu.vector_store %arg11[%swap3A_314, %swap3A_315, %swap3A_316], %swap3A_319 {strides = array<i32>} : memref<2x80x128xf32, #tpu.memory_space<vmem>>, vector<1x1x16xf32>,
        %get3A_320 = arith.constant 0 : i32
        %get3A_321 = arith.index_cast %get3A_320 : i32 to index
        %get3A_322 = arith.index_cast %add3A_184 : i32 to index
        %get3A_323 = arith.constant 96 : index
        %get3A_324 = tpu.vector_load %arg11[%get3A_321, %get3A_322, %get3A_323] {strides = array<i32>} : memref<2x80x128xf32, #tpu.memory_space<vmem>>, vector<1x1x16xf32>,
        %get3A_325 = vector.shape_cast %get3A_324 : vector<1x1x16xf32> to vector<16xf32>
        %get3A_326 = arith.constant 0 : i32
        %get3A_327 = arith.index_cast %get3A_326 : i32 to index
        %get3A_328 = arith.index_cast %add3A_184 : i32 to index
        %get3A_329 = arith.constant 96 : index
        %get3A_330 = tpu.vector_load %arg10[%get3A_327, %get3A_328, %get3A_329] {strides = array<i32>} : memref<2x80x128xf32, #tpu.memory_space<vmem>>, vector<1x1x16xf32>,
        %get3A_331 = vector.shape_cast %get3A_330 : vector<1x1x16xf32> to vector<16xf32>
        %add3A_332 = arith.addf %get3A_325, %get3A_331 : vector<16xf32>
        %max3A_333 = arith.constant 0.000000e+00 : f32
        %max3A_334 = vector.broadcast %max3A_333 : f32 to vector<16xf32>
        %max3A_335 = arith.maximumf %add3A_332, %max3A_334 : vector<16xf32>
        %swap3A_336 = arith.constant 0 : i32
        %swap3A_337 = arith.index_cast %swap3A_336 : i32 to index
        %swap3A_338 = arith.index_cast %add3A_184 : i32 to index
        %swap3A_339 = arith.constant 96 : index
        %swap3A_340 = tpu.vector_load %arg11[%swap3A_337, %swap3A_338, %swap3A_339] {strides = array<i32>} : memref<2x80x128xf32, #tpu.memory_space<vmem>>, vector<1x1x16xf32>,
        %swap3A_341 = vector.shape_cast %swap3A_340 : vector<1x1x16xf32> to vector<16xf32>
        %swap3A_342 = vector.shape_cast %max3A_335 : vector<16xf32> to vector<1x1x16xf32>
        tpu.vector_store %arg11[%swap3A_337, %swap3A_338, %swap3A_339], %swap3A_342 {strides = array<i32>} : memref<2x80x128xf32, #tpu.memory_space<vmem>>, vector<1x1x16xf32>,
        %get3A_343 = arith.constant 0 : i32
        %get3A_344 = arith.index_cast %get3A_343 : i32 to index
        %get3A_345 = arith.index_cast %add3A_184 : i32 to index
        %get3A_346 = arith.constant 112 : index
        %get3A_347 = tpu.vector_load %arg11[%get3A_344, %get3A_345, %get3A_346] {strides = array<i32>} : memref<2x80x128xf32, #tpu.memory_space<vmem>>, vector<1x1x16xf32>,
        %get3A_348 = vector.shape_cast %get3A_347 : vector<1x1x16xf32> to vector<16xf32>
        %get3A_349 = arith.constant 0 : i32
        %get3A_350 = arith.index_cast %get3A_349 : i32 to index
        %get3A_351 = arith.index_cast %add3A_184 : i32 to index
        %get3A_352 = arith.constant 112 : index
        %get3A_353 = tpu.vector_load %arg10[%get3A_350, %get3A_351, %get3A_352] {strides = array<i32>} : memref<2x80x128xf32, #tpu.memory_space<vmem>>, vector<1x1x16xf32>,
        %get3A_354 = vector.shape_cast %get3A_353 : vector<1x1x16xf32> to vector<16xf32>
        %add3A_355 = arith.addf %get3A_348, %get3A_354 : vector<16xf32>
        %max3A_356 = arith.constant 0.000000e+00 : f32
        %max3A_357 = vector.broadcast %max3A_356 : f32 to vector<16xf32>
        %max3A_358 = arith.maximumf %add3A_355, %max3A_357 : vector<16xf32>
        %swap3A_359 = arith.constant 0 : i32
        %swap3A_360 = arith.index_cast %swap3A_359 : i32 to index
        %swap3A_361 = arith.index_cast %add3A_184 : i32 to index
        %swap3A_362 = arith.constant 112 : index
        %swap3A_363 = tpu.vector_load %arg11[%swap3A_360, %swap3A_361, %swap3A_362] {strides = array<i32>} : memref<2x80x128xf32, #tpu.memory_space<vmem>>, vector<1x1x16xf32>,
        %swap3A_364 = vector.shape_cast %swap3A_363 : vector<1x1x16xf32> to vector<16xf32>
        %swap3A_365 = vector.shape_cast %max3A_358 : vector<16xf32> to vector<1x1x16xf32>
        tpu.vector_store %arg11[%swap3A_360, %swap3A_361, %swap3A_362], %swap3A_365 {strides = array<i32>} : memref<2x80x128xf32, #tpu.memory_space<vmem>>, vector<1x1x16xf32>,
        %mul3A_366 = arith.constant 2 : i32
        %mul3A_367 = arith.muli %scan3A_180, %mul3A_366 : i32
        %add3A_368 = arith.constant 1 : i32
        %add3A_369 = arith.addi %mul3A_367, %add3A_368 : i32
        %get3A_370 = arith.constant 0 : i32
        %get3A_371 = arith.index_cast %get3A_370 : i32 to index
        %get3A_372 = arith.index_cast %add3A_369 : i32 to index
        %get3A_373 = arith.constant 0 : index
        %get3A_374 = tpu.vector_load %arg11[%get3A_371, %get3A_372, %get3A_373] {strides = array<i32>} : memref<2x80x128xf32, #tpu.memory_space<vmem>>, vector<1x1x16xf32>,
        %get3A_375 = vector.shape_cast %get3A_374 : vector<1x1x16xf32> to vector<16xf32>
        %get3A_376 = arith.constant 0 : i32
        %get3A_377 = arith.index_cast %get3A_376 : i32 to index
        %get3A_378 = arith.index_cast %add3A_369 : i32 to index
        %get3A_379 = arith.constant 0 : index
        %get3A_380 = tpu.vector_load %arg10[%get3A_377, %get3A_378, %get3A_379] {strides = array<i32>} : memref<2x80x128xf32, #tpu.memory_space<vmem>>, vector<1x1x16xf32>,
        %get3A_381 = vector.shape_cast %get3A_380 : vector<1x1x16xf32> to vector<16xf32>
        %add3A_382 = arith.addf %get3A_375, %get3A_381 : vector<16xf32>
        %max3A_383 = arith.constant 0.000000e+00 : f32
        %max3A_384 = vector.broadcast %max3A_383 : f32 to vector<16xf32>
        %max3A_385 = arith.maximumf %add3A_382, %max3A_384 : vector<16xf32>
        %swap3A_386 = arith.constant 0 : i32
        %swap3A_387 = arith.index_cast %swap3A_386 : i32 to index
        %swap3A_388 = arith.index_cast %add3A_369 : i32 to index
        %swap3A_389 = arith.constant 0 : index
        %swap3A_390 = tpu.vector_load %arg11[%swap3A_387, %swap3A_388, %swap3A_389] {strides = array<i32>} : memref<2x80x128xf32, #tpu.memory_space<vmem>>, vector<1x1x16xf32>,
        %swap3A_391 = vector.shape_cast %swap3A_390 : vector<1x1x16xf32> to vector<16xf32>
        %swap3A_392 = vector.shape_cast %max3A_385 : vector<16xf32> to vector<1x1x16xf32>
        tpu.vector_store %arg11[%swap3A_387, %swap3A_388, %swap3A_389], %swap3A_392 {strides = array<i32>} : memref<2x80x128xf32, #tpu.memory_space<vmem>>, vector<1x1x16xf32>,
        %get3A_393 = arith.constant 0 : i32
        %get3A_394 = arith.index_cast %get3A_393 : i32 to index
        %get3A_395 = arith.index_cast %add3A_369 : i32 to index
        %get3A_396 = arith.constant 16 : index
        %get3A_397 = tpu.vector_load %arg11[%get3A_394, %get3A_395, %get3A_396] {strides = array<i32>} : memref<2x80x128xf32, #tpu.memory_space<vmem>>, vector<1x1x16xf32>,
        %get3A_398 = vector.shape_cast %get3A_397 : vector<1x1x16xf32> to vector<16xf32>
        %get3A_399 = arith.constant 0 : i32
        %get3A_400 = arith.index_cast %get3A_399 : i32 to index
        %get3A_401 = arith.index_cast %add3A_369 : i32 to index
        %get3A_402 = arith.constant 16 : index
        %get3A_403 = tpu.vector_load %arg10[%get3A_400, %get3A_401, %get3A_402] {strides = array<i32>} : memref<2x80x128xf32, #tpu.memory_space<vmem>>, vector<1x1x16xf32>,
        %get3A_404 = vector.shape_cast %get3A_403 : vector<1x1x16xf32> to vector<16xf32>
        %add3A_405 = arith.addf %get3A_398, %get3A_404 : vector<16xf32>
        %max3A_406 = arith.constant 0.000000e+00 : f32
        %max3A_407 = vector.broadcast %max3A_406 : f32 to vector<16xf32>
        %max3A_408 = arith.maximumf %add3A_405, %max3A_407 : vector<16xf32>
        %swap3A_409 = arith.constant 0 : i32
        %swap3A_410 = arith.index_cast %swap3A_409 : i32 to index
        %swap3A_411 = arith.index_cast %add3A_369 : i32 to index
        %swap3A_412 = arith.constant 16 : index
        %swap3A_413 = tpu.vector_load %arg11[%swap3A_410, %swap3A_411, %swap3A_412] {strides = array<i32>} : memref<2x80x128xf32, #tpu.memory_space<vmem>>, vector<1x1x16xf32>,
        %swap3A_414 = vector.shape_cast %swap3A_413 : vector<1x1x16xf32> to vector<16xf32>
        %swap3A_415 = vector.shape_cast %max3A_408 : vector<16xf32> to vector<1x1x16xf32>
        tpu.vector_store %arg11[%swap3A_410, %swap3A_411, %swap3A_412], %swap3A_415 {strides = array<i32>} : memref<2x80x128xf32, #tpu.memory_space<vmem>>, vector<1x1x16xf32>,
        %get3A_416 = arith.constant 0 : i32
        %get3A_417 = arith.index_cast %get3A_416 : i32 to index
        %get3A_418 = arith.index_cast %add3A_369 : i32 to index
        %get3A_419 = arith.constant 32 : index
        %get3A_420 = tpu.vector_load %arg11[%get3A_417, %get3A_418, %get3A_419] {strides = array<i32>} : memref<2x80x128xf32, #tpu.memory_space<vmem>>, vector<1x1x16xf32>,
        %get3A_421 = vector.shape_cast %get3A_420 : vector<1x1x16xf32> to vector<16xf32>
        %get3A_422 = arith.constant 0 : i32
        %get3A_423 = arith.index_cast %get3A_422 : i32 to index
        %get3A_424 = arith.index_cast %add3A_369 : i32 to index
        %get3A_425 = arith.constant 32 : index
        %get3A_426 = tpu.vector_load %arg10[%get3A_423, %get3A_424, %get3A_425] {strides = array<i32>} : memref<2x80x128xf32, #tpu.memory_space<vmem>>, vector<1x1x16xf32>,
        %get3A_427 = vector.shape_cast %get3A_426 : vector<1x1x16xf32> to vector<16xf32>
        %add3A_428 = arith.addf %get3A_421, %get3A_427 : vector<16xf32>
        %max3A_429 = arith.constant 0.000000e+00 : f32
        %max3A_430 = vector.broadcast %max3A_429 : f32 to vector<16xf32>
        %max3A_431 = arith.maximumf %add3A_428, %max3A_430 : vector<16xf32>
        %swap3A_432 = arith.constant 0 : i32
        %swap3A_433 = arith.index_cast %swap3A_432 : i32 to index
        %swap3A_434 = arith.index_cast %add3A_369 : i32 to index
        %swap3A_435 = arith.constant 32 : index
        %swap3A_436 = tpu.vector_load %arg11[%swap3A_433, %swap3A_434, %swap3A_435] {strides = array<i32>} : memref<2x80x128xf32, #tpu.memory_space<vmem>>, vector<1x1x16xf32>,
        %swap3A_437 = vector.shape_cast %swap3A_436 : vector<1x1x16xf32> to vector<16xf32>
        %swap3A_438 = vector.shape_cast %max3A_431 : vector<16xf32> to vector<1x1x16xf32>
        tpu.vector_store %arg11[%swap3A_433, %swap3A_434, %swap3A_435], %swap3A_438 {strides = array<i32>} : memref<2x80x128xf32, #tpu.memory_space<vmem>>, vector<1x1x16xf32>,
        %get3A_439 = arith.constant 0 : i32
        %get3A_440 = arith.index_cast %get3A_439 : i32 to index
        %get3A_441 = arith.index_cast %add3A_369 : i32 to index
        %get3A_442 = arith.constant 48 : index
        %get3A_443 = tpu.vector_load %arg11[%get3A_440, %get3A_441, %get3A_442] {strides = array<i32>} : memref<2x80x128xf32, #tpu.memory_space<vmem>>, vector<1x1x16xf32>,
        %get3A_444 = vector.shape_cast %get3A_443 : vector<1x1x16xf32> to vector<16xf32>
        %get3A_445 = arith.constant 0 : i32
        %get3A_446 = arith.index_cast %get3A_445 : i32 to index
        %get3A_447 = arith.index_cast %add3A_369 : i32 to index
        %get3A_448 = arith.constant 48 : index
        %get3A_449 = tpu.vector_load %arg10[%get3A_446, %get3A_447, %get3A_448] {strides = array<i32>} : memref<2x80x128xf32, #tpu.memory_space<vmem>>, vector<1x1x16xf32>,
        %get3A_450 = vector.shape_cast %get3A_449 : vector<1x1x16xf32> to vector<16xf32>
        %add3A_451 = arith.addf %get3A_444, %get3A_450 : vector<16xf32>
        %max3A_452 = arith.constant 0.000000e+00 : f32
        %max3A_453 = vector.broadcast %max3A_452 : f32 to vector<16xf32>
        %max3A_454 = arith.maximumf %add3A_451, %max3A_453 : vector<16xf32>
        %swap3A_455 = arith.constant 0 : i32
        %swap3A_456 = arith.index_cast %swap3A_455 : i32 to index
        %swap3A_457 = arith.index_cast %add3A_369 : i32 to index
        %swap3A_458 = arith.constant 48 : index
        %swap3A_459 = tpu.vector_load %arg11[%swap3A_456, %swap3A_457, %swap3A_458] {strides = array<i32>} : memref<2x80x128xf32, #tpu.memory_space<vmem>>, vector<1x1x16xf32>,
        %swap3A_460 = vector.shape_cast %swap3A_459 : vector<1x1x16xf32> to vector<16xf32>
        %swap3A_461 = vector.shape_cast %max3A_454 : vector<16xf32> to vector<1x1x16xf32>
        tpu.vector_store %arg11[%swap3A_456, %swap3A_457, %swap3A_458], %swap3A_461 {strides = array<i32>} : memref<2x80x128xf32, #tpu.memory_space<vmem>>, vector<1x1x16xf32>,
        %get3A_462 = arith.constant 0 : i32
        %get3A_463 = arith.index_cast %get3A_462 : i32 to index
        %get3A_464 = arith.index_cast %add3A_369 : i32 to index
        %get3A_465 = arith.constant 64 : index
        %get3A_466 = tpu.vector_load %arg11[%get3A_463, %get3A_464, %get3A_465] {strides = array<i32>} : memref<2x80x128xf32, #tpu.memory_space<vmem>>, vector<1x1x16xf32>,
        %get3A_467 = vector.shape_cast %get3A_466 : vector<1x1x16xf32> to vector<16xf32>
        %get3A_468 = arith.constant 0 : i32
        %get3A_469 = arith.index_cast %get3A_468 : i32 to index
        %get3A_470 = arith.index_cast %add3A_369 : i32 to index
        %get3A_471 = arith.constant 64 : index
        %get3A_472 = tpu.vector_load %arg10[%get3A_469, %get3A_470, %get3A_471] {strides = array<i32>} : memref<2x80x128xf32, #tpu.memory_space<vmem>>, vector<1x1x16xf32>,
        %get3A_473 = vector.shape_cast %get3A_472 : vector<1x1x16xf32> to vector<16xf32>
        %add3A_474 = arith.addf %get3A_467, %get3A_473 : vector<16xf32>
        %max3A_475 = arith.constant 0.000000e+00 : f32
        %max3A_476 = vector.broadcast %max3A_475 : f32 to vector<16xf32>
        %max3A_477 = arith.maximumf %add3A_474, %max3A_476 : vector<16xf32>
        %swap3A_478 = arith.constant 0 : i32
        %swap3A_479 = arith.index_cast %swap3A_478 : i32 to index
        %swap3A_480 = arith.index_cast %add3A_369 : i32 to index
        %swap3A_481 = arith.constant 64 : index
        %swap3A_482 = tpu.vector_load %arg11[%swap3A_479, %swap3A_480, %swap3A_481] {strides = array<i32>} : memref<2x80x128xf32, #tpu.memory_space<vmem>>, vector<1x1x16xf32>,
        %swap3A_483 = vector.shape_cast %swap3A_482 : vector<1x1x16xf32> to vector<16xf32>
        %swap3A_484 = vector.shape_cast %max3A_477 : vector<16xf32> to vector<1x1x16xf32>
        tpu.vector_store %arg11[%swap3A_479, %swap3A_480, %swap3A_481], %swap3A_484 {strides = array<i32>} : memref<2x80x128xf32, #tpu.memory_space<vmem>>, vector<1x1x16xf32>,
        %get3A_485 = arith.constant 0 : i32
        %get3A_486 = arith.index_cast %get3A_485 : i32 to index
        %get3A_487 = arith.index_cast %add3A_369 : i32 to index
        %get3A_488 = arith.constant 80 : index
        %get3A_489 = tpu.vector_load %arg11[%get3A_486, %get3A_487, %get3A_488] {strides = array<i32>} : memref<2x80x128xf32, #tpu.memory_space<vmem>>, vector<1x1x16xf32>,
        %get3A_490 = vector.shape_cast %get3A_489 : vector<1x1x16xf32> to vector<16xf32>
        %get3A_491 = arith.constant 0 : i32
        %get3A_492 = arith.index_cast %get3A_491 : i32 to index
        %get3A_493 = arith.index_cast %add3A_369 : i32 to index
        %get3A_494 = arith.constant 80 : index
        %get3A_495 = tpu.vector_load %arg10[%get3A_492, %get3A_493, %get3A_494] {strides = array<i32>} : memref<2x80x128xf32, #tpu.memory_space<vmem>>, vector<1x1x16xf32>,
        %get3A_496 = vector.shape_cast %get3A_495 : vector<1x1x16xf32> to vector<16xf32>
        %add3A_497 = arith.addf %get3A_490, %get3A_496 : vector<16xf32>
        %max3A_498 = arith.constant 0.000000e+00 : f32
        %max3A_499 = vector.broadcast %max3A_498 : f32 to vector<16xf32>
        %max3A_500 = arith.maximumf %add3A_497, %max3A_499 : vector<16xf32>
        %swap3A_501 = arith.constant 0 : i32
        %swap3A_502 = arith.index_cast %swap3A_501 : i32 to index
        %swap3A_503 = arith.index_cast %add3A_369 : i32 to index
        %swap3A_504 = arith.constant 80 : index
        %swap3A_505 = tpu.vector_load %arg11[%swap3A_502, %swap3A_503, %swap3A_504] {strides = array<i32>} : memref<2x80x128xf32, #tpu.memory_space<vmem>>, vector<1x1x16xf32>,
        %swap3A_506 = vector.shape_cast %swap3A_505 : vector<1x1x16xf32> to vector<16xf32>
        %swap3A_507 = vector.shape_cast %max3A_500 : vector<16xf32> to vector<1x1x16xf32>
        tpu.vector_store %arg11[%swap3A_502, %swap3A_503, %swap3A_504], %swap3A_507 {strides = array<i32>} : memref<2x80x128xf32, #tpu.memory_space<vmem>>, vector<1x1x16xf32>,
        %get3A_508 = arith.constant 0 : i32
        %get3A_509 = arith.index_cast %get3A_508 : i32 to index
        %get3A_510 = arith.index_cast %add3A_369 : i32 to index
        %get3A_511 = arith.constant 96 : index
        %get3A_512 = tpu.vector_load %arg11[%get3A_509, %get3A_510, %get3A_511] {strides = array<i32>} : memref<2x80x128xf32, #tpu.memory_space<vmem>>, vector<1x1x16xf32>,
        %get3A_513 = vector.shape_cast %get3A_512 : vector<1x1x16xf32> to vector<16xf32>
        %get3A_514 = arith.constant 0 : i32
        %get3A_515 = arith.index_cast %get3A_514 : i32 to index
        %get3A_516 = arith.index_cast %add3A_369 : i32 to index
        %get3A_517 = arith.constant 96 : index
        %get3A_518 = tpu.vector_load %arg10[%get3A_515, %get3A_516, %get3A_517] {strides = array<i32>} : memref<2x80x128xf32, #tpu.memory_space<vmem>>, vector<1x1x16xf32>,
        %get3A_519 = vector.shape_cast %get3A_518 : vector<1x1x16xf32> to vector<16xf32>
        %add3A_520 = arith.addf %get3A_513, %get3A_519 : vector<16xf32>
        %max3A_521 = arith.constant 0.000000e+00 : f32
        %max3A_522 = vector.broadcast %max3A_521 : f32 to vector<16xf32>
        %max3A_523 = arith.maximumf %add3A_520, %max3A_522 : vector<16xf32>
        %swap3A_524 = arith.constant 0 : i32
        %swap3A_525 = arith.index_cast %swap3A_524 : i32 to index
        %swap3A_526 = arith.index_cast %add3A_369 : i32 to index
        %swap3A_527 = arith.constant 96 : index
        %swap3A_528 = tpu.vector_load %arg11[%swap3A_525, %swap3A_526, %swap3A_527] {strides = array<i32>} : memref<2x80x128xf32, #tpu.memory_space<vmem>>, vector<1x1x16xf32>,
        %swap3A_529 = vector.shape_cast %swap3A_528 : vector<1x1x16xf32> to vector<16xf32>
        %swap3A_530 = vector.shape_cast %max3A_523 : vector<16xf32> to vector<1x1x16xf32>
        tpu.vector_store %arg11[%swap3A_525, %swap3A_526, %swap3A_527], %swap3A_530 {strides = array<i32>} : memref<2x80x128xf32, #tpu.memory_space<vmem>>, vector<1x1x16xf32>,
        %get3A_531 = arith.constant 0 : i32
        %get3A_532 = arith.index_cast %get3A_531 : i32 to index
        %get3A_533 = arith.index_cast %add3A_369 : i32 to index
        %get3A_534 = arith.constant 112 : index
        %get3A_535 = tpu.vector_load %arg11[%get3A_532, %get3A_533, %get3A_534] {strides = array<i32>} : memref<2x80x128xf32, #tpu.memory_space<vmem>>, vector<1x1x16xf32>,
        %get3A_536 = vector.shape_cast %get3A_535 : vector<1x1x16xf32> to vector<16xf32>
        %get3A_537 = arith.constant 0 : i32
        %get3A_538 = arith.index_cast %get3A_537 : i32 to index
        %get3A_539 = arith.index_cast %add3A_369 : i32 to index
        %get3A_540 = arith.constant 112 : index
        %get3A_541 = tpu.vector_load %arg10[%get3A_538, %get3A_539, %get3A_540] {strides = array<i32>} : memref<2x80x128xf32, #tpu.memory_space<vmem>>, vector<1x1x16xf32>,
        %get3A_542 = vector.shape_cast %get3A_541 : vector<1x1x16xf32> to vector<16xf32>
        %add3A_543 = arith.addf %get3A_536, %get3A_542 : vector<16xf32>
        %max3A_544 = arith.constant 0.000000e+00 : f32
        %max3A_545 = vector.broadcast %max3A_544 : f32 to vector<16xf32>
        %max3A_546 = arith.maximumf %add3A_543, %max3A_545 : vector<16xf32>
        %swap3A_547 = arith.constant 0 : i32
        %swap3A_548 = arith.index_cast %swap3A_547 : i32 to index
        %swap3A_549 = arith.index_cast %add3A_369 : i32 to index
        %swap3A_550 = arith.constant 112 : index
        %swap3A_551 = tpu.vector_load %arg11[%swap3A_548, %swap3A_549, %swap3A_550] {strides = array<i32>} : memref<2x80x128xf32, #tpu.memory_space<vmem>>, vector<1x1x16xf32>,
        %swap3A_552 = vector.shape_cast %swap3A_551 : vector<1x1x16xf32> to vector<16xf32>
        %swap3A_553 = vector.shape_cast %max3A_546 : vector<16xf32> to vector<1x1x16xf32>
        tpu.vector_store %arg11[%swap3A_548, %swap3A_549, %swap3A_550], %swap3A_553 {strides = array<i32>} : memref<2x80x128xf32, #tpu.memory_space<vmem>>, vector<1x1x16xf32>,
      }
      %scan3A_143 = arith.constant 40 : i32
      %dma_wait3A_144 = arith.constant 0 : i32
      %dma_wait3A_145 = arith.constant 0 : i32
      %dma_wait3A_146 = arith.constant 0 : i32
      %dma_wait3A_147 = tpu.memref_slice %arg9[%dma_wait3A_144, %dma_wait3A_146] : memref<2x80xi32, #tpu.memory_space<vmem>> -> memref<1x80xi32, #tpu.memory_space<vmem>>
      %dma_wait3A_148 = tpu.memref_squeeze %dma_wait3A_147 : memref<1x80xi32, #tpu.memory_space<vmem>> -> memref<80xi32, #tpu.memory_space<vmem>>
      %dma_wait3A_149 = tpu.memref_slice %arg5[%mul3A_2] : memref<320000xi32, #tpu.memory_space<hbm>> -> memref<80xi32, #tpu.memory_space<hbm>>
      %dma_wait3A_150 = tpu.memref_slice %arg14[%dma_wait3A_145] : memref<2x!tpu.dma_semaphore, #tpu.memory_space<semaphore_mem>> -> memref<1x!tpu.dma_semaphore, #tpu.memory_space<semaphore_mem>>
      %dma_wait3A_151 = tpu.memref_squeeze %dma_wait3A_150 : memref<1x!tpu.dma_semaphore, #tpu.memory_space<semaphore_mem>> -> memref<!tpu.dma_semaphore, #tpu.memory_space<semaphore_mem>>
      %dma_wait3A_152 = arith.constant 0 : i32
      %dma_wait3A_153 = tpu.memref_slice %arg9[%dma_wait3A_144, %dma_wait3A_152] : memref<2x80xi32, #tpu.memory_space<vmem>> -> memref<1x80xi32, #tpu.memory_space<vmem>>
      %dma_wait3A_154 = tpu.memref_squeeze %dma_wait3A_153 : memref<1x80xi32, #tpu.memory_space<vmem>> -> memref<80xi32, #tpu.memory_space<vmem>>
      %dma_wait3A_155 = tpu.memref_slice %arg5[%mul3A_2] : memref<320000xi32, #tpu.memory_space<hbm>> -> memref<80xi32, #tpu.memory_space<hbm>>
      tpu.wait_dma2 semaphore(%dma_wait3A_151 : memref<!tpu.dma_semaphore, #tpu.memory_space<semaphore_mem>>) src(%dma_wait3A_155 : memref<80xi32, #tpu.memory_space<hbm>>) dst(%dma_wait3A_154 : memref<80xi32, #tpu.memory_space<vmem>>)
      %dma_start3A_156 = arith.constant 0 : i32
      %dma_start3A_157 = arith.constant 0 : i32
      %dma_start3A_158 = arith.constant 0 : i32
      %dma_start3A_159 = arith.constant 0 : i32
      %dma_start3A_160 = arith.constant 0 : i32
      %dma_start3A_161 = tpu.memref_slice %arg11[%dma_start3A_156, %dma_start3A_159, %dma_start3A_160] : memref<2x80x128xf32, #tpu.memory_space<vmem>> -> memref<1x80x128xf32, #tpu.memory_space<vmem>>
      %dma_start3A_162 = tpu.memref_squeeze %dma_start3A_161 : memref<1x80x128xf32, #tpu.memory_space<vmem>> -> memref<80x128xf32, #tpu.memory_space<vmem>>
      %dma_start3A_163 = arith.constant 0 : i32
      %dma_start3A_164 = tpu.memref_slice %arg9[%dma_start3A_157, %dma_start3A_163] : memref<2x80xi32, #tpu.memory_space<vmem>> -> memref<1x80xi32, #tpu.memory_space<vmem>>
      %dma_start3A_165 = tpu.memref_squeeze %dma_start3A_164 : memref<1x80xi32, #tpu.memory_space<vmem>> -> memref<80xi32, #tpu.memory_space<vmem>>
      %dma_start3A_166 = arith.constant 0 : i32
      %dma_start3A_167 = arith.constant 0 : i32
      %dma_start3A_168 = tpu.memref_slice %arg12[%dma_start3A_166, %dma_start3A_167] : memref<10000x128xf32, #tpu.memory_space<vmem_shared>> -> memref<10000x128xf32, #tpu.memory_space<vmem_shared>>
      %dma_start3A_169 = tpu.memref_slice %arg17[%dma_start3A_158] : memref<2x!tpu.dma_semaphore, #tpu.memory_space<semaphore_mem>> -> memref<1x!tpu.dma_semaphore, #tpu.memory_space<semaphore_mem>>
      %dma_start3A_170 = tpu.memref_squeeze %dma_start3A_169 : memref<1x!tpu.dma_semaphore, #tpu.memory_space<semaphore_mem>> -> memref<!tpu.dma_semaphore, #tpu.memory_space<semaphore_mem>>
      tpu.enqueue_indirect_dma source(%dma_start3A_162 : memref<80x128xf32, #tpu.memory_space<vmem>>) target(%dma_start3A_168 : memref<10000x128xf32, #tpu.memory_space<vmem_shared>>) offsets(%dma_start3A_165 : memref<80xi32, #tpu.memory_space<vmem>>) semaphore(%dma_start3A_170 : memref<!tpu.dma_semaphore, #tpu.memory_space<semaphore_mem>>) {add = true}
      %mul3A_171 = arith.constant 2 : i32
      %mul3A_172 = arith.muli %scan3A_86, %mul3A_171 : i32
      %add3A_173 = arith.constant 1 : i32
      %add3A_174 = arith.addi %mul3A_172, %add3A_173 : i32
      %le3A_175 = arith.constant 124 : i32
      %le3A_176 = arith.cmpi sle, %add3A_174, %le3A_175 : i32
      %convert_element_type3A_177 = arith.extui %le3A_176 : i1 to i32
      %cond3A_178 = arith.constant 0 : i32
      %cond3A_179 = arith.cmpi ne, %convert_element_type3A_177, %cond3A_178 : i32
      scf.if %cond3A_179 {
        %ge3A_180 = arith.constant 1 : i32
        %ge3A_181 = arith.cmpi sge, %add3A_174, %ge3A_180 : i32
        %convert_element_type3A_182 = arith.extui %ge3A_181 : i1 to i32
        %cond3A_183 = arith.constant 0 : i32
        %cond3A_184 = arith.cmpi ne, %convert_element_type3A_182, %cond3A_183 : i32
        scf.if %cond3A_184 {
          %dma_wait3A_264 = arith.constant 0 : i32
          %dma_wait3A_265 = arith.constant 0 : i32
          %dma_wait3A_266 = arith.constant 0 : i32
          %dma_wait3A_267 = arith.constant 0 : i32
          %dma_wait3A_268 = tpu.memref_slice %arg11[%dma_wait3A_264, %dma_wait3A_266, %dma_wait3A_267] : memref<2x80x128xf32, #tpu.memory_space<vmem>> -> memref<1x80x128xf32, #tpu.memory_space<vmem>>
          %dma_wait3A_269 = tpu.memref_squeeze %dma_wait3A_268 : memref<1x80x128xf32, #tpu.memory_space<vmem>> -> memref<80x128xf32, #tpu.memory_space<vmem>>
          %dma_wait3A_270 = arith.constant 0 : i32
          %dma_wait3A_271 = arith.constant 0 : i32
          %dma_wait3A_272 = tpu.memref_slice %arg12[%dma_wait3A_270, %dma_wait3A_271] : memref<10000x128xf32, #tpu.memory_space<vmem_shared>> -> memref<80x128xf32, #tpu.memory_space<vmem_shared>>
          %dma_wait3A_273 = tpu.memref_slice %arg17[%dma_wait3A_265] : memref<2x!tpu.dma_semaphore, #tpu.memory_space<semaphore_mem>> -> memref<1x!tpu.dma_semaphore, #tpu.memory_space<semaphore_mem>>
          %dma_wait3A_274 = tpu.memref_squeeze %dma_wait3A_273 : memref<1x!tpu.dma_semaphore, #tpu.memory_space<semaphore_mem>> -> memref<!tpu.dma_semaphore, #tpu.memory_space<semaphore_mem>>
          %dma_wait3A_275 = arith.constant 0 : i32
          %dma_wait3A_276 = arith.constant 0 : i32
          %dma_wait3A_277 = tpu.memref_slice %arg12[%dma_wait3A_275, %dma_wait3A_276] : memref<10000x128xf32, #tpu.memory_space<vmem_shared>> -> memref<80x128xf32, #tpu.memory_space<vmem_shared>>
          %dma_wait3A_278 = arith.constant 0 : i32
          %dma_wait3A_279 = arith.constant 0 : i32
          %dma_wait3A_280 = tpu.memref_slice %arg11[%dma_wait3A_264, %dma_wait3A_278, %dma_wait3A_279] : memref<2x80x128xf32, #tpu.memory_space<vmem>> -> memref<1x80x128xf32, #tpu.memory_space<vmem>>
          %dma_wait3A_281 = tpu.memref_squeeze %dma_wait3A_280 : memref<1x80x128xf32, #tpu.memory_space<vmem>> -> memref<80x128xf32, #tpu.memory_space<vmem>>
          tpu.wait_dma2 semaphore(%dma_wait3A_274 : memref<!tpu.dma_semaphore, #tpu.memory_space<semaphore_mem>>) src(%dma_wait3A_281 : memref<80x128xf32, #tpu.memory_space<vmem>>) dst(%dma_wait3A_277 : memref<80x128xf32, #tpu.memory_space<vmem_shared>>)
        } else {
        }
        %add3A_185 = arith.constant 1 : i32
        %add3A_186 = arith.addi %add3A_174, %add3A_185 : i32
        %le3A_187 = arith.constant 124 : i32
        %le3A_188 = arith.cmpi sle, %add3A_186, %le3A_187 : i32
        %convert_element_type3A_189 = arith.extui %le3A_188 : i1 to i32
        %cond3A_190 = arith.constant 0 : i32
        %cond3A_191 = arith.cmpi ne, %convert_element_type3A_189, %cond3A_190 : i32
        scf.if %cond3A_191 {
          %dma_wait3A_264 = arith.constant 0 : i32
          %dma_wait3A_265 = arith.constant 0 : i32
          %dma_wait3A_266 = arith.constant 0 : i32
          %dma_wait3A_267 = tpu.memref_slice %arg8[%dma_wait3A_264, %dma_wait3A_266] : memref<2x80xi32, #tpu.memory_space<vmem>> -> memref<1x80xi32, #tpu.memory_space<vmem>>
          %dma_wait3A_268 = tpu.memref_squeeze %dma_wait3A_267 : memref<1x80xi32, #tpu.memory_space<vmem>> -> memref<80xi32, #tpu.memory_space<vmem>>
          %dma_wait3A_269 = tpu.memref_slice %arg4[%mul3A_2] : memref<320000xi32, #tpu.memory_space<hbm>> -> memref<80xi32, #tpu.memory_space<hbm>>
          %dma_wait3A_270 = tpu.memref_slice %arg13[%dma_wait3A_265] : memref<2x!tpu.dma_semaphore, #tpu.memory_space<semaphore_mem>> -> memref<1x!tpu.dma_semaphore, #tpu.memory_space<semaphore_mem>>
          %dma_wait3A_271 = tpu.memref_squeeze %dma_wait3A_270 : memref<1x!tpu.dma_semaphore, #tpu.memory_space<semaphore_mem>> -> memref<!tpu.dma_semaphore, #tpu.memory_space<semaphore_mem>>
          %dma_wait3A_272 = arith.constant 0 : i32
          %dma_wait3A_273 = tpu.memref_slice %arg8[%dma_wait3A_264, %dma_wait3A_272] : memref<2x80xi32, #tpu.memory_space<vmem>> -> memref<1x80xi32, #tpu.memory_space<vmem>>
          %dma_wait3A_274 = tpu.memref_squeeze %dma_wait3A_273 : memref<1x80xi32, #tpu.memory_space<vmem>> -> memref<80xi32, #tpu.memory_space<vmem>>
          %dma_wait3A_275 = tpu.memref_slice %arg4[%mul3A_2] : memref<320000xi32, #tpu.memory_space<hbm>> -> memref<80xi32, #tpu.memory_space<hbm>>
          tpu.wait_dma2 semaphore(%dma_wait3A_271 : memref<!tpu.dma_semaphore, #tpu.memory_space<semaphore_mem>>) src(%dma_wait3A_275 : memref<80xi32, #tpu.memory_space<hbm>>) dst(%dma_wait3A_274 : memref<80xi32, #tpu.memory_space<vmem>>)
          %add3A_276 = arith.constant 1 : i32
          %add3A_277 = arith.addi %add3A_174, %add3A_276 : i32
          %mul3A_278 = arith.constant 80 : i32
          %mul3A_279 = arith.muli %add3A_277, %mul3A_278 : i32
          %add3A_280 = arith.addi %mul3A_2, %mul3A_279 : i32
          %dma_start3A_281 = arith.constant 0 : i32
          %dma_start3A_282 = arith.constant 0 : i32
          %dma_start3A_283 = arith.constant 0 : i32
          %dma_start3A_284 = tpu.memref_slice %arg9[%dma_start3A_281, %dma_start3A_283] : memref<2x80xi32, #tpu.memory_space<vmem>> -> memref<1x80xi32, #tpu.memory_space<vmem>>
          %dma_start3A_285 = tpu.memref_squeeze %dma_start3A_284 : memref<1x80xi32, #tpu.memory_space<vmem>> -> memref<80xi32, #tpu.memory_space<vmem>>
          %dma_start3A_286 = tpu.memref_slice %arg5[%add3A_280] : memref<320000xi32, #tpu.memory_space<hbm>> -> memref<80xi32, #tpu.memory_space<hbm>>
          %dma_start3A_287 = tpu.memref_slice %arg14[%dma_start3A_282] : memref<2x!tpu.dma_semaphore, #tpu.memory_space<semaphore_mem>> -> memref<1x!tpu.dma_semaphore, #tpu.memory_space<semaphore_mem>>
          %dma_start3A_288 = tpu.memref_squeeze %dma_start3A_287 : memref<1x!tpu.dma_semaphore, #tpu.memory_space<semaphore_mem>> -> memref<!tpu.dma_semaphore, #tpu.memory_space<semaphore_mem>>
          %dma_start3A_289 = arith.constant 0 : i32
          %dma_start3A_290 = tpu.memref_slice %arg9[%dma_start3A_281, %dma_start3A_289] : memref<2x80xi32, #tpu.memory_space<vmem>> -> memref<1x80xi32, #tpu.memory_space<vmem>>
          %dma_start3A_291 = tpu.memref_squeeze %dma_start3A_290 : memref<1x80xi32, #tpu.memory_space<vmem>> -> memref<80xi32, #tpu.memory_space<vmem>>
          %dma_start3A_292 = tpu.memref_slice %arg5[%add3A_280] : memref<320000xi32, #tpu.memory_space<hbm>> -> memref<80xi32, #tpu.memory_space<hbm>>
          tpu.enqueue_dma source(%dma_start3A_292 : memref<80xi32, #tpu.memory_space<hbm>>) target(%dma_start3A_291 : memref<80xi32, #tpu.memory_space<vmem>>) target_semaphore(%dma_start3A_288 : memref<!tpu.dma_semaphore, #tpu.memory_space<semaphore_mem>>)
          %dma_start3A_293 = arith.constant 0 : i32
          %dma_start3A_294 = arith.constant 0 : i32
          %dma_start3A_295 = arith.constant 0 : i32
          %dma_start3A_296 = arith.constant 0 : i32
          %dma_start3A_297 = tpu.memref_slice %arg10[%dma_start3A_293, %dma_start3A_295, %dma_start3A_296] : memref<2x80x128xf32, #tpu.memory_space<vmem>> -> memref<1x80x128xf32, #tpu.memory_space<vmem>>
          %dma_start3A_298 = tpu.memref_squeeze %dma_start3A_297 : memref<1x80x128xf32, #tpu.memory_space<vmem>> -> memref<80x128xf32, #tpu.memory_space<vmem>>
          %dma_start3A_299 = arith.constant 0 : i32
          %dma_start3A_300 = tpu.memref_slice %arg3[%add3A_280, %dma_start3A_299] : memref<320000x128xf32, #tpu.memory_space<hbm>> -> memref<80x128xf32, #tpu.memory_space<hbm>>
          %dma_start3A_301 = tpu.memref_slice %arg15[%dma_start3A_294] : memref<2x!tpu.dma_semaphore, #tpu.memory_space<semaphore_mem>> -> memref<1x!tpu.dma_semaphore, #tpu.memory_space<semaphore_mem>>
          %dma_start3A_302 = tpu.memref_squeeze %dma_start3A_301 : memref<1x!tpu.dma_semaphore, #tpu.memory_space<semaphore_mem>> -> memref<!tpu.dma_semaphore, #tpu.memory_space<semaphore_mem>>
          %dma_start3A_303 = arith.constant 0 : i32
          %dma_start3A_304 = arith.constant 0 : i32
          %dma_start3A_305 = tpu.memref_slice %arg10[%dma_start3A_293, %dma_start3A_303, %dma_start3A_304] : memref<2x80x128xf32, #tpu.memory_space<vmem>> -> memref<1x80x128xf32, #tpu.memory_space<vmem>>
          %dma_start3A_306 = tpu.memref_squeeze %dma_start3A_305 : memref<1x80x128xf32, #tpu.memory_space<vmem>> -> memref<80x128xf32, #tpu.memory_space<vmem>>
          %dma_start3A_307 = arith.constant 0 : i32
          %dma_start3A_308 = tpu.memref_slice %arg3[%add3A_280, %dma_start3A_307] : memref<320000x128xf32, #tpu.memory_space<hbm>> -> memref<80x128xf32, #tpu.memory_space<hbm>>
          tpu.enqueue_dma source(%dma_start3A_308 : memref<80x128xf32, #tpu.memory_space<hbm>>) target(%dma_start3A_306 : memref<80x128xf32, #tpu.memory_space<vmem>>) target_semaphore(%dma_start3A_302 : memref<!tpu.dma_semaphore, #tpu.memory_space<semaphore_mem>>)
          %dma_start3A_309 = arith.constant 0 : i32
          %dma_start3A_310 = arith.constant 0 : i32
          %dma_start3A_311 = arith.constant 0 : i32
          %dma_start3A_312 = arith.constant 0 : i32
          %dma_start3A_313 = arith.constant 0 : i32
          %dma_start3A_314 = tpu.memref_slice %arg11[%dma_start3A_310, %dma_start3A_312, %dma_start3A_313] : memref<2x80x128xf32, #tpu.memory_space<vmem>> -> memref<1x80x128xf32, #tpu.memory_space<vmem>>
          %dma_start3A_315 = tpu.memref_squeeze %dma_start3A_314 : memref<1x80x128xf32, #tpu.memory_space<vmem>> -> memref<80x128xf32, #tpu.memory_space<vmem>>
          %dma_start3A_316 = arith.constant 0 : i32
          %dma_start3A_317 = tpu.memref_slice %arg8[%dma_start3A_309, %dma_start3A_316] : memref<2x80xi32, #tpu.memory_space<vmem>> -> memref<1x80xi32, #tpu.memory_space<vmem>>
          %dma_start3A_318 = tpu.memref_squeeze %dma_start3A_317 : memref<1x80xi32, #tpu.memory_space<vmem>> -> memref<80xi32, #tpu.memory_space<vmem>>
          %dma_start3A_319 = arith.constant 0 : i32
          %dma_start3A_320 = arith.constant 0 : i32
          %dma_start3A_321 = tpu.memref_slice %arg2[%dma_start3A_319, %dma_start3A_320] : memref<10000x128xf32, #tpu.memory_space<hbm>> -> memref<10000x128xf32, #tpu.memory_space<hbm>>
          %dma_start3A_322 = tpu.memref_slice %arg16[%dma_start3A_311] : memref<2x!tpu.dma_semaphore, #tpu.memory_space<semaphore_mem>> -> memref<1x!tpu.dma_semaphore, #tpu.memory_space<semaphore_mem>>
          %dma_start3A_323 = tpu.memref_squeeze %dma_start3A_322 : memref<1x!tpu.dma_semaphore, #tpu.memory_space<semaphore_mem>> -> memref<!tpu.dma_semaphore, #tpu.memory_space<semaphore_mem>>
          tpu.enqueue_indirect_dma source(%dma_start3A_321 : memref<10000x128xf32, #tpu.memory_space<hbm>>) target(%dma_start3A_315 : memref<80x128xf32, #tpu.memory_space<vmem>>) offsets(%dma_start3A_318 : memref<80xi32, #tpu.memory_space<vmem>>) semaphore(%dma_start3A_323 : memref<!tpu.dma_semaphore, #tpu.memory_space<semaphore_mem>>)
        } else {
        }
        %dma_wait3A_192 = arith.constant 1 : i32
        %dma_wait3A_193 = arith.constant 1 : i32
        %dma_wait3A_194 = arith.constant 0 : i32
        %dma_wait3A_195 = arith.constant 0 : i32
        %dma_wait3A_196 = tpu.memref_slice %arg10[%dma_wait3A_192, %dma_wait3A_194, %dma_wait3A_195] : memref<2x80x128xf32, #tpu.memory_space<vmem>> -> memref<1x80x128xf32, #tpu.memory_space<vmem>>
        %dma_wait3A_197 = tpu.memref_squeeze %dma_wait3A_196 : memref<1x80x128xf32, #tpu.memory_space<vmem>> -> memref<80x128xf32, #tpu.memory_space<vmem>>
        %dma_wait3A_198 = arith.constant 0 : i32
        %dma_wait3A_199 = tpu.memref_slice %arg3[%mul3A_2, %dma_wait3A_198] : memref<320000x128xf32, #tpu.memory_space<hbm>> -> memref<80x128xf32, #tpu.memory_space<hbm>>
        %dma_wait3A_200 = tpu.memref_slice %arg15[%dma_wait3A_193] : memref<2x!tpu.dma_semaphore, #tpu.memory_space<semaphore_mem>> -> memref<1x!tpu.dma_semaphore, #tpu.memory_space<semaphore_mem>>
        %dma_wait3A_201 = tpu.memref_squeeze %dma_wait3A_200 : memref<1x!tpu.dma_semaphore, #tpu.memory_space<semaphore_mem>> -> memref<!tpu.dma_semaphore, #tpu.memory_space<semaphore_mem>>
        %dma_wait3A_202 = arith.constant 0 : i32
        %dma_wait3A_203 = arith.constant 0 : i32
        %dma_wait3A_204 = tpu.memref_slice %arg10[%dma_wait3A_192, %dma_wait3A_202, %dma_wait3A_203] : memref<2x80x128xf32, #tpu.memory_space<vmem>> -> memref<1x80x128xf32, #tpu.memory_space<vmem>>
        %dma_wait3A_205 = tpu.memref_squeeze %dma_wait3A_204 : memref<1x80x128xf32, #tpu.memory_space<vmem>> -> memref<80x128xf32, #tpu.memory_space<vmem>>
        %dma_wait3A_206 = arith.constant 0 : i32
        %dma_wait3A_207 = tpu.memref_slice %arg3[%mul3A_2, %dma_wait3A_206] : memref<320000x128xf32, #tpu.memory_space<hbm>> -> memref<80x128xf32, #tpu.memory_space<hbm>>
        tpu.wait_dma2 semaphore(%dma_wait3A_201 : memref<!tpu.dma_semaphore, #tpu.memory_space<semaphore_mem>>) src(%dma_wait3A_207 : memref<80x128xf32, #tpu.memory_space<hbm>>) dst(%dma_wait3A_205 : memref<80x128xf32, #tpu.memory_space<vmem>>)
        %dma_wait3A_208 = arith.constant 1 : i32
        %dma_wait3A_209 = arith.constant 1 : i32
        %dma_wait3A_210 = arith.constant 0 : i32
        %dma_wait3A_211 = arith.constant 0 : i32
        %dma_wait3A_212 = tpu.memref_slice %arg11[%dma_wait3A_208, %dma_wait3A_210, %dma_wait3A_211] : memref<2x80x128xf32, #tpu.memory_space<vmem>> -> memref<1x80x128xf32, #tpu.memory_space<vmem>>
        %dma_wait3A_213 = tpu.memref_squeeze %dma_wait3A_212 : memref<1x80x128xf32, #tpu.memory_space<vmem>> -> memref<80x128xf32, #tpu.memory_space<vmem>>
        %dma_wait3A_214 = arith.constant 0 : i32
        %dma_wait3A_215 = tpu.memref_slice %arg3[%mul3A_2, %dma_wait3A_214] : memref<320000x128xf32, #tpu.memory_space<hbm>> -> memref<80x128xf32, #tpu.memory_space<hbm>>
        %dma_wait3A_216 = tpu.memref_slice %arg16[%dma_wait3A_209] : memref<2x!tpu.dma_semaphore, #tpu.memory_space<semaphore_mem>> -> memref<1x!tpu.dma_semaphore, #tpu.memory_space<semaphore_mem>>
        %dma_wait3A_217 = tpu.memref_squeeze %dma_wait3A_216 : memref<1x!tpu.dma_semaphore, #tpu.memory_space<semaphore_mem>> -> memref<!tpu.dma_semaphore, #tpu.memory_space<semaphore_mem>>
        %dma_wait3A_218 = arith.constant 0 : i32
        %dma_wait3A_219 = arith.constant 0 : i32
        %dma_wait3A_220 = tpu.memref_slice %arg11[%dma_wait3A_208, %dma_wait3A_218, %dma_wait3A_219] : memref<2x80x128xf32, #tpu.memory_space<vmem>> -> memref<1x80x128xf32, #tpu.memory_space<vmem>>
        %dma_wait3A_221 = tpu.memref_squeeze %dma_wait3A_220 : memref<1x80x128xf32, #tpu.memory_space<vmem>> -> memref<80x128xf32, #tpu.memory_space<vmem>>
        %dma_wait3A_222 = arith.constant 0 : i32
        %dma_wait3A_223 = tpu.memref_slice %arg3[%mul3A_2, %dma_wait3A_222] : memref<320000x128xf32, #tpu.memory_space<hbm>> -> memref<80x128xf32, #tpu.memory_space<hbm>>
        tpu.wait_dma2 semaphore(%dma_wait3A_217 : memref<!tpu.dma_semaphore, #tpu.memory_space<semaphore_mem>>) src(%dma_wait3A_223 : memref<80x128xf32, #tpu.memory_space<hbm>>) dst(%dma_wait3A_221 : memref<80x128xf32, #tpu.memory_space<vmem>>)
        %add3A_224 = arith.constant 2 : i32
        %add3A_225 = arith.addi %add3A_174, %add3A_224 : i32
        %le3A_226 = arith.constant 124 : i32
        %le3A_227 = arith.cmpi sle, %add3A_225, %le3A_226 : i32
        %convert_element_type3A_228 = arith.extui %le3A_227 : i1 to i32
        %cond3A_229 = arith.constant 0 : i32
        %cond3A_230 = arith.cmpi ne, %convert_element_type3A_228, %cond3A_229 : i32
        scf.if %cond3A_230 {
          %add3A_264 = arith.constant 2 : i32
          %add3A_265 = arith.addi %add3A_174, %add3A_264 : i32
          %mul3A_266 = arith.constant 80 : i32
          %mul3A_267 = arith.muli %add3A_265, %mul3A_266 : i32
          %add3A_268 = arith.addi %mul3A_2, %mul3A_267 : i32
          %dma_start3A_269 = arith.constant 1 : i32
          %dma_start3A_270 = arith.constant 1 : i32
          %dma_start3A_271 = arith.constant 0 : i32
          %dma_start3A_272 = tpu.memref_slice %arg8[%dma_start3A_269, %dma_start3A_271] : memref<2x80xi32, #tpu.memory_space<vmem>> -> memref<1x80xi32, #tpu.memory_space<vmem>>
          %dma_start3A_273 = tpu.memref_squeeze %dma_start3A_272 : memref<1x80xi32, #tpu.memory_space<vmem>> -> memref<80xi32, #tpu.memory_space<vmem>>
          %dma_start3A_274 = tpu.memref_slice %arg4[%add3A_268] : memref<320000xi32, #tpu.memory_space<hbm>> -> memref<80xi32, #tpu.memory_space<hbm>>
          %dma_start3A_275 = tpu.memref_slice %arg13[%dma_start3A_270] : memref<2x!tpu.dma_semaphore, #tpu.memory_space<semaphore_mem>> -> memref<1x!tpu.dma_semaphore, #tpu.memory_space<semaphore_mem>>
          %dma_start3A_276 = tpu.memref_squeeze %dma_start3A_275 : memref<1x!tpu.dma_semaphore, #tpu.memory_space<semaphore_mem>> -> memref<!tpu.dma_semaphore, #tpu.memory_space<semaphore_mem>>
          %dma_start3A_277 = arith.constant 0 : i32
          %dma_start3A_278 = tpu.memref_slice %arg8[%dma_start3A_269, %dma_start3A_277] : memref<2x80xi32, #tpu.memory_space<vmem>> -> memref<1x80xi32, #tpu.memory_space<vmem>>
          %dma_start3A_279 = tpu.memref_squeeze %dma_start3A_278 : memref<1x80xi32, #tpu.memory_space<vmem>> -> memref<80xi32, #tpu.memory_space<vmem>>
          %dma_start3A_280 = tpu.memref_slice %arg4[%add3A_268] : memref<320000xi32, #tpu.memory_space<hbm>> -> memref<80xi32, #tpu.memory_space<hbm>>
          tpu.enqueue_dma source(%dma_start3A_280 : memref<80xi32, #tpu.memory_space<hbm>>) target(%dma_start3A_279 : memref<80xi32, #tpu.memory_space<vmem>>) target_semaphore(%dma_start3A_276 : memref<!tpu.dma_semaphore, #tpu.memory_space<semaphore_mem>>)
        } else {
        }
        %scan3A_231 = arith.constant 0 : i32
        %scan3A_232 = arith.constant 0 : i32
        %scan3A_233 = arith.constant 40 : i32
        %scan3A_234 = arith.addi %scan3A_232, %scan3A_233 : i32
        %scan3A_235 = arith.constant 1 : i32
        scf.for %scan3A_264 = %scan3A_232 to %scan3A_234 step %scan3A_235  : i32 {
          %mul3A_265 = arith.constant 2 : i32
          %mul3A_266 = arith.muli %scan3A_264, %mul3A_265 : i32
          %add3A_267 = arith.constant 0 : i32
          %add3A_268 = arith.addi %mul3A_266, %add3A_267 : i32
          %get3A = arith.constant 1 : i32
          %get3A_269 = arith.index_cast %get3A : i32 to index
          %get3A_270 = arith.index_cast %add3A_268 : i32 to index
          %get3A_271 = arith.constant 0 : index
          %get3A_272 = tpu.vector_load %arg11[%get3A_269, %get3A_270, %get3A_271] {strides = array<i32>} : memref<2x80x128xf32, #tpu.memory_space<vmem>>, vector<1x1x16xf32>,
          %get3A_273 = vector.shape_cast %get3A_272 : vector<1x1x16xf32> to vector<16xf32>
          %get3A_274 = arith.constant 1 : i32
          %get3A_275 = arith.index_cast %get3A_274 : i32 to index
          %get3A_276 = arith.index_cast %add3A_268 : i32 to index
          %get3A_277 = arith.constant 0 : index
          %get3A_278 = tpu.vector_load %arg10[%get3A_275, %get3A_276, %get3A_277] {strides = array<i32>} : memref<2x80x128xf32, #tpu.memory_space<vmem>>, vector<1x1x16xf32>,
          %get3A_279 = vector.shape_cast %get3A_278 : vector<1x1x16xf32> to vector<16xf32>
          %add3A_280 = arith.addf %get3A_273, %get3A_279 : vector<16xf32>
          %max3A = arith.constant 0.000000e+00 : f32
          %max3A_281 = vector.broadcast %max3A : f32 to vector<16xf32>
          %max3A_282 = arith.maximumf %add3A_280, %max3A_281 : vector<16xf32>
          %swap3A = arith.constant 1 : i32
          %swap3A_283 = arith.index_cast %swap3A : i32 to index
          %swap3A_284 = arith.index_cast %add3A_268 : i32 to index
          %swap3A_285 = arith.constant 0 : index
          %swap3A_286 = tpu.vector_load %arg11[%swap3A_283, %swap3A_284, %swap3A_285] {strides = array<i32>} : memref<2x80x128xf32, #tpu.memory_space<vmem>>, vector<1x1x16xf32>,
          %swap3A_287 = vector.shape_cast %swap3A_286 : vector<1x1x16xf32> to vector<16xf32>
          %swap3A_288 = vector.shape_cast %max3A_282 : vector<16xf32> to vector<1x1x16xf32>
          tpu.vector_store %arg11[%swap3A_283, %swap3A_284, %swap3A_285], %swap3A_288 {strides = array<i32>} : memref<2x80x128xf32, #tpu.memory_space<vmem>>, vector<1x1x16xf32>,
          %get3A_289 = arith.constant 1 : i32
          %get3A_290 = arith.index_cast %get3A_289 : i32 to index
          %get3A_291 = arith.index_cast %add3A_268 : i32 to index
          %get3A_292 = arith.constant 16 : index
          %get3A_293 = tpu.vector_load %arg11[%get3A_290, %get3A_291, %get3A_292] {strides = array<i32>} : memref<2x80x128xf32, #tpu.memory_space<vmem>>, vector<1x1x16xf32>,
          %get3A_294 = vector.shape_cast %get3A_293 : vector<1x1x16xf32> to vector<16xf32>
          %get3A_295 = arith.constant 1 : i32
          %get3A_296 = arith.index_cast %get3A_295 : i32 to index
          %get3A_297 = arith.index_cast %add3A_268 : i32 to index
          %get3A_298 = arith.constant 16 : index
          %get3A_299 = tpu.vector_load %arg10[%get3A_296, %get3A_297, %get3A_298] {strides = array<i32>} : memref<2x80x128xf32, #tpu.memory_space<vmem>>, vector<1x1x16xf32>,
          %get3A_300 = vector.shape_cast %get3A_299 : vector<1x1x16xf32> to vector<16xf32>
          %add3A_301 = arith.addf %get3A_294, %get3A_300 : vector<16xf32>
          %max3A_302 = arith.constant 0.000000e+00 : f32
          %max3A_303 = vector.broadcast %max3A_302 : f32 to vector<16xf32>
          %max3A_304 = arith.maximumf %add3A_301, %max3A_303 : vector<16xf32>
          %swap3A_305 = arith.constant 1 : i32
          %swap3A_306 = arith.index_cast %swap3A_305 : i32 to index
          %swap3A_307 = arith.index_cast %add3A_268 : i32 to index
          %swap3A_308 = arith.constant 16 : index
          %swap3A_309 = tpu.vector_load %arg11[%swap3A_306, %swap3A_307, %swap3A_308] {strides = array<i32>} : memref<2x80x128xf32, #tpu.memory_space<vmem>>, vector<1x1x16xf32>,
          %swap3A_310 = vector.shape_cast %swap3A_309 : vector<1x1x16xf32> to vector<16xf32>
          %swap3A_311 = vector.shape_cast %max3A_304 : vector<16xf32> to vector<1x1x16xf32>
          tpu.vector_store %arg11[%swap3A_306, %swap3A_307, %swap3A_308], %swap3A_311 {strides = array<i32>} : memref<2x80x128xf32, #tpu.memory_space<vmem>>, vector<1x1x16xf32>,
          %get3A_312 = arith.constant 1 : i32
          %get3A_313 = arith.index_cast %get3A_312 : i32 to index
          %get3A_314 = arith.index_cast %add3A_268 : i32 to index
          %get3A_315 = arith.constant 32 : index
          %get3A_316 = tpu.vector_load %arg11[%get3A_313, %get3A_314, %get3A_315] {strides = array<i32>} : memref<2x80x128xf32, #tpu.memory_space<vmem>>, vector<1x1x16xf32>,
          %get3A_317 = vector.shape_cast %get3A_316 : vector<1x1x16xf32> to vector<16xf32>
          %get3A_318 = arith.constant 1 : i32
          %get3A_319 = arith.index_cast %get3A_318 : i32 to index
          %get3A_320 = arith.index_cast %add3A_268 : i32 to index
          %get3A_321 = arith.constant 32 : index
          %get3A_322 = tpu.vector_load %arg10[%get3A_319, %get3A_320, %get3A_321] {strides = array<i32>} : memref<2x80x128xf32, #tpu.memory_space<vmem>>, vector<1x1x16xf32>,
          %get3A_323 = vector.shape_cast %get3A_322 : vector<1x1x16xf32> to vector<16xf32>
          %add3A_324 = arith.addf %get3A_317, %get3A_323 : vector<16xf32>
          %max3A_325 = arith.constant 0.000000e+00 : f32
          %max3A_326 = vector.broadcast %max3A_325 : f32 to vector<16xf32>
          %max3A_327 = arith.maximumf %add3A_324, %max3A_326 : vector<16xf32>
          %swap3A_328 = arith.constant 1 : i32
          %swap3A_329 = arith.index_cast %swap3A_328 : i32 to index
          %swap3A_330 = arith.index_cast %add3A_268 : i32 to index
          %swap3A_331 = arith.constant 32 : index
          %swap3A_332 = tpu.vector_load %arg11[%swap3A_329, %swap3A_330, %swap3A_331] {strides = array<i32>} : memref<2x80x128xf32, #tpu.memory_space<vmem>>, vector<1x1x16xf32>,
          %swap3A_333 = vector.shape_cast %swap3A_332 : vector<1x1x16xf32> to vector<16xf32>
          %swap3A_334 = vector.shape_cast %max3A_327 : vector<16xf32> to vector<1x1x16xf32>
          tpu.vector_store %arg11[%swap3A_329, %swap3A_330, %swap3A_331], %swap3A_334 {strides = array<i32>} : memref<2x80x128xf32, #tpu.memory_space<vmem>>, vector<1x1x16xf32>,
          %get3A_335 = arith.constant 1 : i32
          %get3A_336 = arith.index_cast %get3A_335 : i32 to index
          %get3A_337 = arith.index_cast %add3A_268 : i32 to index
          %get3A_338 = arith.constant 48 : index
          %get3A_339 = tpu.vector_load %arg11[%get3A_336, %get3A_337, %get3A_338] {strides = array<i32>} : memref<2x80x128xf32, #tpu.memory_space<vmem>>, vector<1x1x16xf32>,
          %get3A_340 = vector.shape_cast %get3A_339 : vector<1x1x16xf32> to vector<16xf32>
          %get3A_341 = arith.constant 1 : i32
          %get3A_342 = arith.index_cast %get3A_341 : i32 to index
          %get3A_343 = arith.index_cast %add3A_268 : i32 to index
          %get3A_344 = arith.constant 48 : index
          %get3A_345 = tpu.vector_load %arg10[%get3A_342, %get3A_343, %get3A_344] {strides = array<i32>} : memref<2x80x128xf32, #tpu.memory_space<vmem>>, vector<1x1x16xf32>,
          %get3A_346 = vector.shape_cast %get3A_345 : vector<1x1x16xf32> to vector<16xf32>
          %add3A_347 = arith.addf %get3A_340, %get3A_346 : vector<16xf32>
          %max3A_348 = arith.constant 0.000000e+00 : f32
          %max3A_349 = vector.broadcast %max3A_348 : f32 to vector<16xf32>
          %max3A_350 = arith.maximumf %add3A_347, %max3A_349 : vector<16xf32>
          %swap3A_351 = arith.constant 1 : i32
          %swap3A_352 = arith.index_cast %swap3A_351 : i32 to index
          %swap3A_353 = arith.index_cast %add3A_268 : i32 to index
          %swap3A_354 = arith.constant 48 : index
          %swap3A_355 = tpu.vector_load %arg11[%swap3A_352, %swap3A_353, %swap3A_354] {strides = array<i32>} : memref<2x80x128xf32, #tpu.memory_space<vmem>>, vector<1x1x16xf32>,
          %swap3A_356 = vector.shape_cast %swap3A_355 : vector<1x1x16xf32> to vector<16xf32>
          %swap3A_357 = vector.shape_cast %max3A_350 : vector<16xf32> to vector<1x1x16xf32>
          tpu.vector_store %arg11[%swap3A_352, %swap3A_353, %swap3A_354], %swap3A_357 {strides = array<i32>} : memref<2x80x128xf32, #tpu.memory_space<vmem>>, vector<1x1x16xf32>,
          %get3A_358 = arith.constant 1 : i32
          %get3A_359 = arith.index_cast %get3A_358 : i32 to index
          %get3A_360 = arith.index_cast %add3A_268 : i32 to index
          %get3A_361 = arith.constant 64 : index
          %get3A_362 = tpu.vector_load %arg11[%get3A_359, %get3A_360, %get3A_361] {strides = array<i32>} : memref<2x80x128xf32, #tpu.memory_space<vmem>>, vector<1x1x16xf32>,
          %get3A_363 = vector.shape_cast %get3A_362 : vector<1x1x16xf32> to vector<16xf32>
          %get3A_364 = arith.constant 1 : i32
          %get3A_365 = arith.index_cast %get3A_364 : i32 to index
          %get3A_366 = arith.index_cast %add3A_268 : i32 to index
          %get3A_367 = arith.constant 64 : index
          %get3A_368 = tpu.vector_load %arg10[%get3A_365, %get3A_366, %get3A_367] {strides = array<i32>} : memref<2x80x128xf32, #tpu.memory_space<vmem>>, vector<1x1x16xf32>,
          %get3A_369 = vector.shape_cast %get3A_368 : vector<1x1x16xf32> to vector<16xf32>
          %add3A_370 = arith.addf %get3A_363, %get3A_369 : vector<16xf32>
          %max3A_371 = arith.constant 0.000000e+00 : f32
          %max3A_372 = vector.broadcast %max3A_371 : f32 to vector<16xf32>
          %max3A_373 = arith.maximumf %add3A_370, %max3A_372 : vector<16xf32>
          %swap3A_374 = arith.constant 1 : i32
          %swap3A_375 = arith.index_cast %swap3A_374 : i32 to index
          %swap3A_376 = arith.index_cast %add3A_268 : i32 to index
          %swap3A_377 = arith.constant 64 : index
          %swap3A_378 = tpu.vector_load %arg11[%swap3A_375, %swap3A_376, %swap3A_377] {strides = array<i32>} : memref<2x80x128xf32, #tpu.memory_space<vmem>>, vector<1x1x16xf32>,
          %swap3A_379 = vector.shape_cast %swap3A_378 : vector<1x1x16xf32> to vector<16xf32>
          %swap3A_380 = vector.shape_cast %max3A_373 : vector<16xf32> to vector<1x1x16xf32>
          tpu.vector_store %arg11[%swap3A_375, %swap3A_376, %swap3A_377], %swap3A_380 {strides = array<i32>} : memref<2x80x128xf32, #tpu.memory_space<vmem>>, vector<1x1x16xf32>,
          %get3A_381 = arith.constant 1 : i32
          %get3A_382 = arith.index_cast %get3A_381 : i32 to index
          %get3A_383 = arith.index_cast %add3A_268 : i32 to index
          %get3A_384 = arith.constant 80 : index
          %get3A_385 = tpu.vector_load %arg11[%get3A_382, %get3A_383, %get3A_384] {strides = array<i32>} : memref<2x80x128xf32, #tpu.memory_space<vmem>>, vector<1x1x16xf32>,
          %get3A_386 = vector.shape_cast %get3A_385 : vector<1x1x16xf32> to vector<16xf32>
          %get3A_387 = arith.constant 1 : i32
          %get3A_388 = arith.index_cast %get3A_387 : i32 to index
          %get3A_389 = arith.index_cast %add3A_268 : i32 to index
          %get3A_390 = arith.constant 80 : index
          %get3A_391 = tpu.vector_load %arg10[%get3A_388, %get3A_389, %get3A_390] {strides = array<i32>} : memref<2x80x128xf32, #tpu.memory_space<vmem>>, vector<1x1x16xf32>,
          %get3A_392 = vector.shape_cast %get3A_391 : vector<1x1x16xf32> to vector<16xf32>
          %add3A_393 = arith.addf %get3A_386, %get3A_392 : vector<16xf32>
          %max3A_394 = arith.constant 0.000000e+00 : f32
          %max3A_395 = vector.broadcast %max3A_394 : f32 to vector<16xf32>
          %max3A_396 = arith.maximumf %add3A_393, %max3A_395 : vector<16xf32>
          %swap3A_397 = arith.constant 1 : i32
          %swap3A_398 = arith.index_cast %swap3A_397 : i32 to index
          %swap3A_399 = arith.index_cast %add3A_268 : i32 to index
          %swap3A_400 = arith.constant 80 : index
          %swap3A_401 = tpu.vector_load %arg11[%swap3A_398, %swap3A_399, %swap3A_400] {strides = array<i32>} : memref<2x80x128xf32, #tpu.memory_space<vmem>>, vector<1x1x16xf32>,
          %swap3A_402 = vector.shape_cast %swap3A_401 : vector<1x1x16xf32> to vector<16xf32>
          %swap3A_403 = vector.shape_cast %max3A_396 : vector<16xf32> to vector<1x1x16xf32>
          tpu.vector_store %arg11[%swap3A_398, %swap3A_399, %swap3A_400], %swap3A_403 {strides = array<i32>} : memref<2x80x128xf32, #tpu.memory_space<vmem>>, vector<1x1x16xf32>,
          %get3A_404 = arith.constant 1 : i32
          %get3A_405 = arith.index_cast %get3A_404 : i32 to index
          %get3A_406 = arith.index_cast %add3A_268 : i32 to index
          %get3A_407 = arith.constant 96 : index
          %get3A_408 = tpu.vector_load %arg11[%get3A_405, %get3A_406, %get3A_407] {strides = array<i32>} : memref<2x80x128xf32, #tpu.memory_space<vmem>>, vector<1x1x16xf32>,
          %get3A_409 = vector.shape_cast %get3A_408 : vector<1x1x16xf32> to vector<16xf32>
          %get3A_410 = arith.constant 1 : i32
          %get3A_411 = arith.index_cast %get3A_410 : i32 to index
          %get3A_412 = arith.index_cast %add3A_268 : i32 to index
          %get3A_413 = arith.constant 96 : index
          %get3A_414 = tpu.vector_load %arg10[%get3A_411, %get3A_412, %get3A_413] {strides = array<i32>} : memref<2x80x128xf32, #tpu.memory_space<vmem>>, vector<1x1x16xf32>,
          %get3A_415 = vector.shape_cast %get3A_414 : vector<1x1x16xf32> to vector<16xf32>
          %add3A_416 = arith.addf %get3A_409, %get3A_415 : vector<16xf32>
          %max3A_417 = arith.constant 0.000000e+00 : f32
          %max3A_418 = vector.broadcast %max3A_417 : f32 to vector<16xf32>
          %max3A_419 = arith.maximumf %add3A_416, %max3A_418 : vector<16xf32>
          %swap3A_420 = arith.constant 1 : i32
          %swap3A_421 = arith.index_cast %swap3A_420 : i32 to index
          %swap3A_422 = arith.index_cast %add3A_268 : i32 to index
          %swap3A_423 = arith.constant 96 : index
          %swap3A_424 = tpu.vector_load %arg11[%swap3A_421, %swap3A_422, %swap3A_423] {strides = array<i32>} : memref<2x80x128xf32, #tpu.memory_space<vmem>>, vector<1x1x16xf32>,
          %swap3A_425 = vector.shape_cast %swap3A_424 : vector<1x1x16xf32> to vector<16xf32>
          %swap3A_426 = vector.shape_cast %max3A_419 : vector<16xf32> to vector<1x1x16xf32>
          tpu.vector_store %arg11[%swap3A_421, %swap3A_422, %swap3A_423], %swap3A_426 {strides = array<i32>} : memref<2x80x128xf32, #tpu.memory_space<vmem>>, vector<1x1x16xf32>,
          %get3A_427 = arith.constant 1 : i32
          %get3A_428 = arith.index_cast %get3A_427 : i32 to index
          %get3A_429 = arith.index_cast %add3A_268 : i32 to index
          %get3A_430 = arith.constant 112 : index
          %get3A_431 = tpu.vector_load %arg11[%get3A_428, %get3A_429, %get3A_430] {strides = array<i32>} : memref<2x80x128xf32, #tpu.memory_space<vmem>>, vector<1x1x16xf32>,
          %get3A_432 = vector.shape_cast %get3A_431 : vector<1x1x16xf32> to vector<16xf32>
          %get3A_433 = arith.constant 1 : i32
          %get3A_434 = arith.index_cast %get3A_433 : i32 to index
          %get3A_435 = arith.index_cast %add3A_268 : i32 to index
          %get3A_436 = arith.constant 112 : index
          %get3A_437 = tpu.vector_load %arg10[%get3A_434, %get3A_435, %get3A_436] {strides = array<i32>} : memref<2x80x128xf32, #tpu.memory_space<vmem>>, vector<1x1x16xf32>,
          %get3A_438 = vector.shape_cast %get3A_437 : vector<1x1x16xf32> to vector<16xf32>
          %add3A_439 = arith.addf %get3A_432, %get3A_438 : vector<16xf32>
          %max3A_440 = arith.constant 0.000000e+00 : f32
          %max3A_441 = vector.broadcast %max3A_440 : f32 to vector<16xf32>
          %max3A_442 = arith.maximumf %add3A_439, %max3A_441 : vector<16xf32>
          %swap3A_443 = arith.constant 1 : i32
          %swap3A_444 = arith.index_cast %swap3A_443 : i32 to index
          %swap3A_445 = arith.index_cast %add3A_268 : i32 to index
          %swap3A_446 = arith.constant 112 : index
          %swap3A_447 = tpu.vector_load %arg11[%swap3A_444, %swap3A_445, %swap3A_446] {strides = array<i32>} : memref<2x80x128xf32, #tpu.memory_space<vmem>>, vector<1x1x16xf32>,
          %swap3A_448 = vector.shape_cast %swap3A_447 : vector<1x1x16xf32> to vector<16xf32>
          %swap3A_449 = vector.shape_cast %max3A_442 : vector<16xf32> to vector<1x1x16xf32>
          tpu.vector_store %arg11[%swap3A_444, %swap3A_445, %swap3A_446], %swap3A_449 {strides = array<i32>} : memref<2x80x128xf32, #tpu.memory_space<vmem>>, vector<1x1x16xf32>,
          %mul3A_450 = arith.constant 2 : i32
          %mul3A_451 = arith.muli %scan3A_264, %mul3A_450 : i32
          %add3A_452 = arith.constant 1 : i32
          %add3A_453 = arith.addi %mul3A_451, %add3A_452 : i32
          %get3A_454 = arith.constant 1 : i32
          %get3A_455 = arith.index_cast %get3A_454 : i32 to index
          %get3A_456 = arith.index_cast %add3A_453 : i32 to index
          %get3A_457 = arith.constant 0 : index
          %get3A_458 = tpu.vector_load %arg11[%get3A_455, %get3A_456, %get3A_457] {strides = array<i32>} : memref<2x80x128xf32, #tpu.memory_space<vmem>>, vector<1x1x16xf32>,
          %get3A_459 = vector.shape_cast %get3A_458 : vector<1x1x16xf32> to vector<16xf32>
          %get3A_460 = arith.constant 1 : i32
          %get3A_461 = arith.index_cast %get3A_460 : i32 to index
          %get3A_462 = arith.index_cast %add3A_453 : i32 to index
          %get3A_463 = arith.constant 0 : index
          %get3A_464 = tpu.vector_load %arg10[%get3A_461, %get3A_462, %get3A_463] {strides = array<i32>} : memref<2x80x128xf32, #tpu.memory_space<vmem>>, vector<1x1x16xf32>,
          %get3A_465 = vector.shape_cast %get3A_464 : vector<1x1x16xf32> to vector<16xf32>
          %add3A_466 = arith.addf %get3A_459, %get3A_465 : vector<16xf32>
          %max3A_467 = arith.constant 0.000000e+00 : f32
          %max3A_468 = vector.broadcast %max3A_467 : f32 to vector<16xf32>
          %max3A_469 = arith.maximumf %add3A_466, %max3A_468 : vector<16xf32>
          %swap3A_470 = arith.constant 1 : i32
          %swap3A_471 = arith.index_cast %swap3A_470 : i32 to index
          %swap3A_472 = arith.index_cast %add3A_453 : i32 to index
          %swap3A_473 = arith.constant 0 : index
          %swap3A_474 = tpu.vector_load %arg11[%swap3A_471, %swap3A_472, %swap3A_473] {strides = array<i32>} : memref<2x80x128xf32, #tpu.memory_space<vmem>>, vector<1x1x16xf32>,
          %swap3A_475 = vector.shape_cast %swap3A_474 : vector<1x1x16xf32> to vector<16xf32>
          %swap3A_476 = vector.shape_cast %max3A_469 : vector<16xf32> to vector<1x1x16xf32>
          tpu.vector_store %arg11[%swap3A_471, %swap3A_472, %swap3A_473], %swap3A_476 {strides = array<i32>} : memref<2x80x128xf32, #tpu.memory_space<vmem>>, vector<1x1x16xf32>,
          %get3A_477 = arith.constant 1 : i32
          %get3A_478 = arith.index_cast %get3A_477 : i32 to index
          %get3A_479 = arith.index_cast %add3A_453 : i32 to index
          %get3A_480 = arith.constant 16 : index
          %get3A_481 = tpu.vector_load %arg11[%get3A_478, %get3A_479, %get3A_480] {strides = array<i32>} : memref<2x80x128xf32, #tpu.memory_space<vmem>>, vector<1x1x16xf32>,
          %get3A_482 = vector.shape_cast %get3A_481 : vector<1x1x16xf32> to vector<16xf32>
          %get3A_483 = arith.constant 1 : i32
          %get3A_484 = arith.index_cast %get3A_483 : i32 to index
          %get3A_485 = arith.index_cast %add3A_453 : i32 to index
          %get3A_486 = arith.constant 16 : index
          %get3A_487 = tpu.vector_load %arg10[%get3A_484, %get3A_485, %get3A_486] {strides = array<i32>} : memref<2x80x128xf32, #tpu.memory_space<vmem>>, vector<1x1x16xf32>,
          %get3A_488 = vector.shape_cast %get3A_487 : vector<1x1x16xf32> to vector<16xf32>
          %add3A_489 = arith.addf %get3A_482, %get3A_488 : vector<16xf32>
          %max3A_490 = arith.constant 0.000000e+00 : f32
          %max3A_491 = vector.broadcast %max3A_490 : f32 to vector<16xf32>
          %max3A_492 = arith.maximumf %add3A_489, %max3A_491 : vector<16xf32>
          %swap3A_493 = arith.constant 1 : i32
          %swap3A_494 = arith.index_cast %swap3A_493 : i32 to index
          %swap3A_495 = arith.index_cast %add3A_453 : i32 to index
          %swap3A_496 = arith.constant 16 : index
          %swap3A_497 = tpu.vector_load %arg11[%swap3A_494, %swap3A_495, %swap3A_496] {strides = array<i32>} : memref<2x80x128xf32, #tpu.memory_space<vmem>>, vector<1x1x16xf32>,
          %swap3A_498 = vector.shape_cast %swap3A_497 : vector<1x1x16xf32> to vector<16xf32>
          %swap3A_499 = vector.shape_cast %max3A_492 : vector<16xf32> to vector<1x1x16xf32>
          tpu.vector_store %arg11[%swap3A_494, %swap3A_495, %swap3A_496], %swap3A_499 {strides = array<i32>} : memref<2x80x128xf32, #tpu.memory_space<vmem>>, vector<1x1x16xf32>,
          %get3A_500 = arith.constant 1 : i32
          %get3A_501 = arith.index_cast %get3A_500 : i32 to index
          %get3A_502 = arith.index_cast %add3A_453 : i32 to index
          %get3A_503 = arith.constant 32 : index
          %get3A_504 = tpu.vector_load %arg11[%get3A_501, %get3A_502, %get3A_503] {strides = array<i32>} : memref<2x80x128xf32, #tpu.memory_space<vmem>>, vector<1x1x16xf32>,
          %get3A_505 = vector.shape_cast %get3A_504 : vector<1x1x16xf32> to vector<16xf32>
          %get3A_506 = arith.constant 1 : i32
          %get3A_507 = arith.index_cast %get3A_506 : i32 to index
          %get3A_508 = arith.index_cast %add3A_453 : i32 to index
          %get3A_509 = arith.constant 32 : index
          %get3A_510 = tpu.vector_load %arg10[%get3A_507, %get3A_508, %get3A_509] {strides = array<i32>} : memref<2x80x128xf32, #tpu.memory_space<vmem>>, vector<1x1x16xf32>,
          %get3A_511 = vector.shape_cast %get3A_510 : vector<1x1x16xf32> to vector<16xf32>
          %add3A_512 = arith.addf %get3A_505, %get3A_511 : vector<16xf32>
          %max3A_513 = arith.constant 0.000000e+00 : f32
          %max3A_514 = vector.broadcast %max3A_513 : f32 to vector<16xf32>
          %max3A_515 = arith.maximumf %add3A_512, %max3A_514 : vector<16xf32>
          %swap3A_516 = arith.constant 1 : i32
          %swap3A_517 = arith.index_cast %swap3A_516 : i32 to index
          %swap3A_518 = arith.index_cast %add3A_453 : i32 to index
          %swap3A_519 = arith.constant 32 : index
          %swap3A_520 = tpu.vector_load %arg11[%swap3A_517, %swap3A_518, %swap3A_519] {strides = array<i32>} : memref<2x80x128xf32, #tpu.memory_space<vmem>>, vector<1x1x16xf32>,
          %swap3A_521 = vector.shape_cast %swap3A_520 : vector<1x1x16xf32> to vector<16xf32>
          %swap3A_522 = vector.shape_cast %max3A_515 : vector<16xf32> to vector<1x1x16xf32>
          tpu.vector_store %arg11[%swap3A_517, %swap3A_518, %swap3A_519], %swap3A_522 {strides = array<i32>} : memref<2x80x128xf32, #tpu.memory_space<vmem>>, vector<1x1x16xf32>,
          %get3A_523 = arith.constant 1 : i32
          %get3A_524 = arith.index_cast %get3A_523 : i32 to index
          %get3A_525 = arith.index_cast %add3A_453 : i32 to index
          %get3A_526 = arith.constant 48 : index
          %get3A_527 = tpu.vector_load %arg11[%get3A_524, %get3A_525, %get3A_526] {strides = array<i32>} : memref<2x80x128xf32, #tpu.memory_space<vmem>>, vector<1x1x16xf32>,
          %get3A_528 = vector.shape_cast %get3A_527 : vector<1x1x16xf32> to vector<16xf32>
          %get3A_529 = arith.constant 1 : i32
          %get3A_530 = arith.index_cast %get3A_529 : i32 to index
          %get3A_531 = arith.index_cast %add3A_453 : i32 to index
          %get3A_532 = arith.constant 48 : index
          %get3A_533 = tpu.vector_load %arg10[%get3A_530, %get3A_531, %get3A_532] {strides = array<i32>} : memref<2x80x128xf32, #tpu.memory_space<vmem>>, vector<1x1x16xf32>,
          %get3A_534 = vector.shape_cast %get3A_533 : vector<1x1x16xf32> to vector<16xf32>
          %add3A_535 = arith.addf %get3A_528, %get3A_534 : vector<16xf32>
          %max3A_536 = arith.constant 0.000000e+00 : f32
          %max3A_537 = vector.broadcast %max3A_536 : f32 to vector<16xf32>
          %max3A_538 = arith.maximumf %add3A_535, %max3A_537 : vector<16xf32>
          %swap3A_539 = arith.constant 1 : i32
          %swap3A_540 = arith.index_cast %swap3A_539 : i32 to index
          %swap3A_541 = arith.index_cast %add3A_453 : i32 to index
          %swap3A_542 = arith.constant 48 : index
          %swap3A_543 = tpu.vector_load %arg11[%swap3A_540, %swap3A_541, %swap3A_542] {strides = array<i32>} : memref<2x80x128xf32, #tpu.memory_space<vmem>>, vector<1x1x16xf32>,
          %swap3A_544 = vector.shape_cast %swap3A_543 : vector<1x1x16xf32> to vector<16xf32>
          %swap3A_545 = vector.shape_cast %max3A_538 : vector<16xf32> to vector<1x1x16xf32>
          tpu.vector_store %arg11[%swap3A_540, %swap3A_541, %swap3A_542], %swap3A_545 {strides = array<i32>} : memref<2x80x128xf32, #tpu.memory_space<vmem>>, vector<1x1x16xf32>,
          %get3A_546 = arith.constant 1 : i32
          %get3A_547 = arith.index_cast %get3A_546 : i32 to index
          %get3A_548 = arith.index_cast %add3A_453 : i32 to index
          %get3A_549 = arith.constant 64 : index
          %get3A_550 = tpu.vector_load %arg11[%get3A_547, %get3A_548, %get3A_549] {strides = array<i32>} : memref<2x80x128xf32, #tpu.memory_space<vmem>>, vector<1x1x16xf32>,
          %get3A_551 = vector.shape_cast %get3A_550 : vector<1x1x16xf32> to vector<16xf32>
          %get3A_552 = arith.constant 1 : i32
          %get3A_553 = arith.index_cast %get3A_552 : i32 to index
          %get3A_554 = arith.index_cast %add3A_453 : i32 to index
          %get3A_555 = arith.constant 64 : index
          %get3A_556 = tpu.vector_load %arg10[%get3A_553, %get3A_554, %get3A_555] {strides = array<i32>} : memref<2x80x128xf32, #tpu.memory_space<vmem>>, vector<1x1x16xf32>,
          %get3A_557 = vector.shape_cast %get3A_556 : vector<1x1x16xf32> to vector<16xf32>
          %add3A_558 = arith.addf %get3A_551, %get3A_557 : vector<16xf32>
          %max3A_559 = arith.constant 0.000000e+00 : f32
          %max3A_560 = vector.broadcast %max3A_559 : f32 to vector<16xf32>
          %max3A_561 = arith.maximumf %add3A_558, %max3A_560 : vector<16xf32>
          %swap3A_562 = arith.constant 1 : i32
          %swap3A_563 = arith.index_cast %swap3A_562 : i32 to index
          %swap3A_564 = arith.index_cast %add3A_453 : i32 to index
          %swap3A_565 = arith.constant 64 : index
          %swap3A_566 = tpu.vector_load %arg11[%swap3A_563, %swap3A_564, %swap3A_565] {strides = array<i32>} : memref<2x80x128xf32, #tpu.memory_space<vmem>>, vector<1x1x16xf32>,
          %swap3A_567 = vector.shape_cast %swap3A_566 : vector<1x1x16xf32> to vector<16xf32>
          %swap3A_568 = vector.shape_cast %max3A_561 : vector<16xf32> to vector<1x1x16xf32>
          tpu.vector_store %arg11[%swap3A_563, %swap3A_564, %swap3A_565], %swap3A_568 {strides = array<i32>} : memref<2x80x128xf32, #tpu.memory_space<vmem>>, vector<1x1x16xf32>,
          %get3A_569 = arith.constant 1 : i32
          %get3A_570 = arith.index_cast %get3A_569 : i32 to index
          %get3A_571 = arith.index_cast %add3A_453 : i32 to index
          %get3A_572 = arith.constant 80 : index
          %get3A_573 = tpu.vector_load %arg11[%get3A_570, %get3A_571, %get3A_572] {strides = array<i32>} : memref<2x80x128xf32, #tpu.memory_space<vmem>>, vector<1x1x16xf32>,
          %get3A_574 = vector.shape_cast %get3A_573 : vector<1x1x16xf32> to vector<16xf32>
          %get3A_575 = arith.constant 1 : i32
          %get3A_576 = arith.index_cast %get3A_575 : i32 to index
          %get3A_577 = arith.index_cast %add3A_453 : i32 to index
          %get3A_578 = arith.constant 80 : index
          %get3A_579 = tpu.vector_load %arg10[%get3A_576, %get3A_577, %get3A_578] {strides = array<i32>} : memref<2x80x128xf32, #tpu.memory_space<vmem>>, vector<1x1x16xf32>,
          %get3A_580 = vector.shape_cast %get3A_579 : vector<1x1x16xf32> to vector<16xf32>
          %add3A_581 = arith.addf %get3A_574, %get3A_580 : vector<16xf32>
          %max3A_582 = arith.constant 0.000000e+00 : f32
          %max3A_583 = vector.broadcast %max3A_582 : f32 to vector<16xf32>
          %max3A_584 = arith.maximumf %add3A_581, %max3A_583 : vector<16xf32>
          %swap3A_585 = arith.constant 1 : i32
          %swap3A_586 = arith.index_cast %swap3A_585 : i32 to index
          %swap3A_587 = arith.index_cast %add3A_453 : i32 to index
          %swap3A_588 = arith.constant 80 : index
          %swap3A_589 = tpu.vector_load %arg11[%swap3A_586, %swap3A_587, %swap3A_588] {strides = array<i32>} : memref<2x80x128xf32, #tpu.memory_space<vmem>>, vector<1x1x16xf32>,
          %swap3A_590 = vector.shape_cast %swap3A_589 : vector<1x1x16xf32> to vector<16xf32>
          %swap3A_591 = vector.shape_cast %max3A_584 : vector<16xf32> to vector<1x1x16xf32>
          tpu.vector_store %arg11[%swap3A_586, %swap3A_587, %swap3A_588], %swap3A_591 {strides = array<i32>} : memref<2x80x128xf32, #tpu.memory_space<vmem>>, vector<1x1x16xf32>,
          %get3A_592 = arith.constant 1 : i32
          %get3A_593 = arith.index_cast %get3A_592 : i32 to index
          %get3A_594 = arith.index_cast %add3A_453 : i32 to index
          %get3A_595 = arith.constant 96 : index
          %get3A_596 = tpu.vector_load %arg11[%get3A_593, %get3A_594, %get3A_595] {strides = array<i32>} : memref<2x80x128xf32, #tpu.memory_space<vmem>>, vector<1x1x16xf32>,
          %get3A_597 = vector.shape_cast %get3A_596 : vector<1x1x16xf32> to vector<16xf32>
          %get3A_598 = arith.constant 1 : i32
          %get3A_599 = arith.index_cast %get3A_598 : i32 to index
          %get3A_600 = arith.index_cast %add3A_453 : i32 to index
          %get3A_601 = arith.constant 96 : index
          %get3A_602 = tpu.vector_load %arg10[%get3A_599, %get3A_600, %get3A_601] {strides = array<i32>} : memref<2x80x128xf32, #tpu.memory_space<vmem>>, vector<1x1x16xf32>,
          %get3A_603 = vector.shape_cast %get3A_602 : vector<1x1x16xf32> to vector<16xf32>
          %add3A_604 = arith.addf %get3A_597, %get3A_603 : vector<16xf32>
          %max3A_605 = arith.constant 0.000000e+00 : f32
          %max3A_606 = vector.broadcast %max3A_605 : f32 to vector<16xf32>
          %max3A_607 = arith.maximumf %add3A_604, %max3A_606 : vector<16xf32>
          %swap3A_608 = arith.constant 1 : i32
          %swap3A_609 = arith.index_cast %swap3A_608 : i32 to index
          %swap3A_610 = arith.index_cast %add3A_453 : i32 to index
          %swap3A_611 = arith.constant 96 : index
          %swap3A_612 = tpu.vector_load %arg11[%swap3A_609, %swap3A_610, %swap3A_611] {strides = array<i32>} : memref<2x80x128xf32, #tpu.memory_space<vmem>>, vector<1x1x16xf32>,
          %swap3A_613 = vector.shape_cast %swap3A_612 : vector<1x1x16xf32> to vector<16xf32>
          %swap3A_614 = vector.shape_cast %max3A_607 : vector<16xf32> to vector<1x1x16xf32>
          tpu.vector_store %arg11[%swap3A_609, %swap3A_610, %swap3A_611], %swap3A_614 {strides = array<i32>} : memref<2x80x128xf32, #tpu.memory_space<vmem>>, vector<1x1x16xf32>,
          %get3A_615 = arith.constant 1 : i32
          %get3A_616 = arith.index_cast %get3A_615 : i32 to index
          %get3A_617 = arith.index_cast %add3A_453 : i32 to index
          %get3A_618 = arith.constant 112 : index
          %get3A_619 = tpu.vector_load %arg11[%get3A_616, %get3A_617, %get3A_618] {strides = array<i32>} : memref<2x80x128xf32, #tpu.memory_space<vmem>>, vector<1x1x16xf32>,
          %get3A_620 = vector.shape_cast %get3A_619 : vector<1x1x16xf32> to vector<16xf32>
          %get3A_621 = arith.constant 1 : i32
          %get3A_622 = arith.index_cast %get3A_621 : i32 to index
          %get3A_623 = arith.index_cast %add3A_453 : i32 to index
          %get3A_624 = arith.constant 112 : index
          %get3A_625 = tpu.vector_load %arg10[%get3A_622, %get3A_623, %get3A_624] {strides = array<i32>} : memref<2x80x128xf32, #tpu.memory_space<vmem>>, vector<1x1x16xf32>,
          %get3A_626 = vector.shape_cast %get3A_625 : vector<1x1x16xf32> to vector<16xf32>
          %add3A_627 = arith.addf %get3A_620, %get3A_626 : vector<16xf32>
          %max3A_628 = arith.constant 0.000000e+00 : f32
          %max3A_629 = vector.broadcast %max3A_628 : f32 to vector<16xf32>
          %max3A_630 = arith.maximumf %add3A_627, %max3A_629 : vector<16xf32>
          %swap3A_631 = arith.constant 1 : i32
          %swap3A_632 = arith.index_cast %swap3A_631 : i32 to index
          %swap3A_633 = arith.index_cast %add3A_453 : i32 to index
          %swap3A_634 = arith.constant 112 : index
          %swap3A_635 = tpu.vector_load %arg11[%swap3A_632, %swap3A_633, %swap3A_634] {strides = array<i32>} : memref<2x80x128xf32, #tpu.memory_space<vmem>>, vector<1x1x16xf32>,
          %swap3A_636 = vector.shape_cast %swap3A_635 : vector<1x1x16xf32> to vector<16xf32>
          %swap3A_637 = vector.shape_cast %max3A_630 : vector<16xf32> to vector<1x1x16xf32>
          tpu.vector_store %arg11[%swap3A_632, %swap3A_633, %swap3A_634], %swap3A_637 {strides = array<i32>} : memref<2x80x128xf32, #tpu.memory_space<vmem>>, vector<1x1x16xf32>,
        }
        %scan3A_236 = arith.constant 40 : i32
        %dma_wait3A_237 = arith.constant 1 : i32
        %dma_wait3A_238 = arith.constant 1 : i32
        %dma_wait3A_239 = arith.constant 0 : i32
        %dma_wait3A_240 = tpu.memref_slice %arg9[%dma_wait3A_237, %dma_wait3A_239] : memref<2x80xi32, #tpu.memory_space<vmem>> -> memref<1x80xi32, #tpu.memory_space<vmem>>
        %dma_wait3A_241 = tpu.memref_squeeze %dma_wait3A_240 : memref<1x80xi32, #tpu.memory_space<vmem>> -> memref<80xi32, #tpu.memory_space<vmem>>
        %dma_wait3A_242 = tpu.memref_slice %arg5[%mul3A_2] : memref<320000xi32, #tpu.memory_space<hbm>> -> memref<80xi32, #tpu.memory_space<hbm>>
        %dma_wait3A_243 = tpu.memref_slice %arg14[%dma_wait3A_238] : memref<2x!tpu.dma_semaphore, #tpu.memory_space<semaphore_mem>> -> memref<1x!tpu.dma_semaphore, #tpu.memory_space<semaphore_mem>>
        %dma_wait3A_244 = tpu.memref_squeeze %dma_wait3A_243 : memref<1x!tpu.dma_semaphore, #tpu.memory_space<semaphore_mem>> -> memref<!tpu.dma_semaphore, #tpu.memory_space<semaphore_mem>>
        %dma_wait3A_245 = arith.constant 0 : i32
        %dma_wait3A_246 = tpu.memref_slice %arg9[%dma_wait3A_237, %dma_wait3A_245] : memref<2x80xi32, #tpu.memory_space<vmem>> -> memref<1x80xi32, #tpu.memory_space<vmem>>
        %dma_wait3A_247 = tpu.memref_squeeze %dma_wait3A_246 : memref<1x80xi32, #tpu.memory_space<vmem>> -> memref<80xi32, #tpu.memory_space<vmem>>
        %dma_wait3A_248 = tpu.memref_slice %arg5[%mul3A_2] : memref<320000xi32, #tpu.memory_space<hbm>> -> memref<80xi32, #tpu.memory_space<hbm>>
        tpu.wait_dma2 semaphore(%dma_wait3A_244 : memref<!tpu.dma_semaphore, #tpu.memory_space<semaphore_mem>>) src(%dma_wait3A_248 : memref<80xi32, #tpu.memory_space<hbm>>) dst(%dma_wait3A_247 : memref<80xi32, #tpu.memory_space<vmem>>)
        %dma_start3A_249 = arith.constant 1 : i32
        %dma_start3A_250 = arith.constant 1 : i32
        %dma_start3A_251 = arith.constant 1 : i32
        %dma_start3A_252 = arith.constant 0 : i32
        %dma_start3A_253 = arith.constant 0 : i32
        %dma_start3A_254 = tpu.memref_slice %arg11[%dma_start3A_249, %dma_start3A_252, %dma_start3A_253] : memref<2x80x128xf32, #tpu.memory_space<vmem>> -> memref<1x80x128xf32, #tpu.memory_space<vmem>>
        %dma_start3A_255 = tpu.memref_squeeze %dma_start3A_254 : memref<1x80x128xf32, #tpu.memory_space<vmem>> -> memref<80x128xf32, #tpu.memory_space<vmem>>
        %dma_start3A_256 = arith.constant 0 : i32
        %dma_start3A_257 = tpu.memref_slice %arg9[%dma_start3A_250, %dma_start3A_256] : memref<2x80xi32, #tpu.memory_space<vmem>> -> memref<1x80xi32, #tpu.memory_space<vmem>>
        %dma_start3A_258 = tpu.memref_squeeze %dma_start3A_257 : memref<1x80xi32, #tpu.memory_space<vmem>> -> memref<80xi32, #tpu.memory_space<vmem>>
        %dma_start3A_259 = arith.constant 0 : i32
        %dma_start3A_260 = arith.constant 0 : i32
        %dma_start3A_261 = tpu.memref_slice %arg12[%dma_start3A_259, %dma_start3A_260] : memref<10000x128xf32, #tpu.memory_space<vmem_shared>> -> memref<10000x128xf32, #tpu.memory_space<vmem_shared>>
        %dma_start3A_262 = tpu.memref_slice %arg17[%dma_start3A_251] : memref<2x!tpu.dma_semaphore, #tpu.memory_space<semaphore_mem>> -> memref<1x!tpu.dma_semaphore, #tpu.memory_space<semaphore_mem>>
        %dma_start3A_263 = tpu.memref_squeeze %dma_start3A_262 : memref<1x!tpu.dma_semaphore, #tpu.memory_space<semaphore_mem>> -> memref<!tpu.dma_semaphore, #tpu.memory_space<semaphore_mem>>
        tpu.enqueue_indirect_dma source(%dma_start3A_255 : memref<80x128xf32, #tpu.memory_space<vmem>>) target(%dma_start3A_261 : memref<10000x128xf32, #tpu.memory_space<vmem_shared>>) offsets(%dma_start3A_258 : memref<80xi32, #tpu.memory_space<vmem>>) semaphore(%dma_start3A_263 : memref<!tpu.dma_semaphore, #tpu.memory_space<semaphore_mem>>) {add = true}
      } else {
      }
    }
    %scan3A_67 = arith.constant 63 : i32
    %dma_wait3A = arith.constant 0 : i32
    %dma_wait3A_68 = arith.constant 0 : i32
    %dma_wait3A_69 = arith.constant 0 : i32
    %dma_wait3A_70 = arith.constant 0 : i32
    %dma_wait3A_71 = tpu.memref_slice %arg11[%dma_wait3A, %dma_wait3A_69, %dma_wait3A_70] : memref<2x80x128xf32, #tpu.memory_space<vmem>> -> memref<1x80x128xf32, #tpu.memory_space<vmem>>
    %dma_wait3A_72 = tpu.memref_squeeze %dma_wait3A_71 : memref<1x80x128xf32, #tpu.memory_space<vmem>> -> memref<80x128xf32, #tpu.memory_space<vmem>>
    %dma_wait3A_73 = arith.constant 0 : i32
    %dma_wait3A_74 = arith.constant 0 : i32
    %dma_wait3A_75 = tpu.memref_slice %arg12[%dma_wait3A_73, %dma_wait3A_74] : memref<10000x128xf32, #tpu.memory_space<vmem_shared>> -> memref<80x128xf32, #tpu.memory_space<vmem_shared>>
    %dma_wait3A_76 = tpu.memref_slice %arg17[%dma_wait3A_68] : memref<2x!tpu.dma_semaphore, #tpu.memory_space<semaphore_mem>> -> memref<1x!tpu.dma_semaphore, #tpu.memory_space<semaphore_mem>>
    %dma_wait3A_77 = tpu.memref_squeeze %dma_wait3A_76 : memref<1x!tpu.dma_semaphore, #tpu.memory_space<semaphore_mem>> -> memref<!tpu.dma_semaphore, #tpu.memory_space<semaphore_mem>>
    %dma_wait3A_78 = arith.constant 0 : i32
    %dma_wait3A_79 = arith.constant 0 : i32
    %dma_wait3A_80 = tpu.memref_slice %arg12[%dma_wait3A_78, %dma_wait3A_79] : memref<10000x128xf32, #tpu.memory_space<vmem_shared>> -> memref<80x128xf32, #tpu.memory_space<vmem_shared>>
    %dma_wait3A_81 = arith.constant 0 : i32
    %dma_wait3A_82 = arith.constant 0 : i32
    %dma_wait3A_83 = tpu.memref_slice %arg11[%dma_wait3A, %dma_wait3A_81, %dma_wait3A_82] : memref<2x80x128xf32, #tpu.memory_space<vmem>> -> memref<1x80x128xf32, #tpu.memory_space<vmem>>
    %dma_wait3A_84 = tpu.memref_squeeze %dma_wait3A_83 : memref<1x80x128xf32, #tpu.memory_space<vmem>> -> memref<80x128xf32, #tpu.memory_space<vmem>>
    tpu.wait_dma2 semaphore(%dma_wait3A_77 : memref<!tpu.dma_semaphore, #tpu.memory_space<semaphore_mem>>) src(%dma_wait3A_84 : memref<80x128xf32, #tpu.memory_space<vmem>>) dst(%dma_wait3A_80 : memref<80x128xf32, #tpu.memory_space<vmem_shared>>)
    %barrier3A_85 = arith.constant 0 : index
    tpu.barrier barrier_id(%barrier3A_85)
    "tpu.region"() ({
      %run_scoped3A_86 = tpu.sem_alloc : memref<!tpu.dma_semaphore, #tpu.memory_space<semaphore_mem>>
      %dma_start3A_87 = arith.constant 0 : i32
      %dma_start3A_88 = tpu.memref_slice %arg7[%arg0, %mul3A_4, %dma_start3A_87] : memref<2x10000x128xf32, #tpu.memory_space<hbm>> -> memref<1x640x128xf32, #tpu.memory_space<hbm>>
      %dma_start3A_89 = tpu.memref_squeeze %dma_start3A_88 : memref<1x640x128xf32, #tpu.memory_space<hbm>> -> memref<640x128xf32, #tpu.memory_space<hbm>>
      %dma_start3A_90 = arith.constant 0 : i32
      %dma_start3A_91 = tpu.memref_slice %arg12[%mul3A_4, %dma_start3A_90] : memref<10000x128xf32, #tpu.memory_space<vmem_shared>> -> memref<640x128xf32, #tpu.memory_space<vmem_shared>>
      tpu.enqueue_dma source(%dma_start3A_91 : memref<640x128xf32, #tpu.memory_space<vmem_shared>>) target(%dma_start3A_89 : memref<640x128xf32, #tpu.memory_space<hbm>>) target_semaphore(%run_scoped3A_86 : memref<!tpu.dma_semaphore, #tpu.memory_space<semaphore_mem>>)
      %dma_wait3A_92 = arith.constant 0 : i32
      %dma_wait3A_93 = tpu.memref_slice %arg7[%arg0, %mul3A_4, %dma_wait3A_92] : memref<2x10000x128xf32, #tpu.memory_space<hbm>> -> memref<1x640x128xf32, #tpu.memory_space<hbm>>
      %dma_wait3A_94 = tpu.memref_squeeze %dma_wait3A_93 : memref<1x640x128xf32, #tpu.memory_space<hbm>> -> memref<640x128xf32, #tpu.memory_space<hbm>>
      %dma_wait3A_95 = arith.constant 0 : i32
      %dma_wait3A_96 = tpu.memref_slice %arg12[%mul3A_4, %dma_wait3A_95] : memref<10000x128xf32, #tpu.memory_space<vmem_shared>> -> memref<640x128xf32, #tpu.memory_space<vmem_shared>>
      tpu.wait_dma2 semaphore(%run_scoped3A_86 : memref<!tpu.dma_semaphore, #tpu.memory_space<semaphore_mem>>) src(%dma_wait3A_96 : memref<640x128xf32, #tpu.memory_space<vmem_shared>>) dst(%dma_wait3A_94 : memref<640x128xf32, #tpu.memory_space<hbm>>)
      tpu.yield
    }) : () -> ()
    return
  }
}

module attributes {stable_mosaic.version = 14 : i64} {
  func.func @_edge_mlp_body(%arg0: i32, %arg1: memref<3200x16xf32, #tpu.memory_space<vmem>>, %arg2: memref<16x128xf32, #tpu.memory_space<vmem>>, %arg3: memref<1x128xf32, #tpu.memory_space<vmem>>, %arg4: memref<3200x128xf32, #tpu.memory_space<vmem>>) attributes {dimension_semantics = [#tpu.dimension_semantics<arbitrary>], iteration_bounds = array<i64: 100>, scalar_prefetch = 0 : i64, scratch_operands = 0 : i64, tpu.core_type = #tpu.core_type<tc>, window_params = [{transform_indices = @transform_0, window_bounds = array<i64: 3200, 16>}, {pipeline_mode = #tpu.pipeline_mode<synchronous>, transform_indices = @transform_1, window_bounds = array<i64: 16, 128>}, {pipeline_mode = #tpu.pipeline_mode<synchronous>, transform_indices = @transform_2, window_bounds = array<i64: 1, 128>}, {transform_indices = @transform_3, window_bounds = array<i64: 3200, 128>}]} {
    %get3A = arith.constant 0 : index
    %get3A_0 = arith.constant 0 : index
    %get3A_1 = vector.load %arg1[%get3A, %get3A_0] : memref<3200x16xf32, #tpu.memory_space<vmem>>, vector<3200x16xf32>
    %get3A_2 = arith.constant 0 : index
    %get3A_3 = arith.constant 0 : index
    %get3A_4 = vector.load %arg2[%get3A_2, %get3A_3] : memref<16x128xf32, #tpu.memory_space<vmem>>, vector<16x128xf32>
    %dot_general3A = arith.constant dense<0.000000e+00> : vector<3200x128xf32>
    %dot_general3A_5 = tpu.matmul %get3A_1, %get3A_4, %dot_general3A {dimension_numbers = #tpu.dot_dimension_numbers<[1], [0], [0], [1], [0, 0, 1, 1], [], []>, transpose_lhs_hint = false} : vector<3200x16xf32>, vector<16x128xf32>, vector<3200x128xf32> -> vector<3200x128xf32>
    %get3A_6 = arith.constant 0 : index
    %get3A_7 = arith.constant 0 : index
    %get3A_8 = vector.load %arg3[%get3A_6, %get3A_7] : memref<1x128xf32, #tpu.memory_space<vmem>>, vector<1x128xf32>
    %add3A = vector.broadcast %get3A_8 : vector<1x128xf32> to vector<3200x128xf32>
    %add3A_9 = arith.addf %dot_general3A_5, %add3A : vector<3200x128xf32>
    %swap3A = arith.constant 0 : index
    %swap3A_10 = arith.constant 0 : index
    %swap3A_11 = vector.load %arg4[%swap3A, %swap3A_10] : memref<3200x128xf32, #tpu.memory_space<vmem>>, vector<3200x128xf32>
    tpu.vector_store %arg4[%swap3A, %swap3A_10], %add3A_9 {strides = array<i32>} : memref<3200x128xf32, #tpu.memory_space<vmem>>, vector<3200x128xf32>,
    return
  }
  func.func @transform_0(%arg0: i32) -> (i32, i32) {
    %c0_i32 = arith.constant 0 : i32
    %c0_i32_0 = arith.constant 0 : i32
    return %arg0, %c0_i32 : i32, i32
  }
  func.func @transform_1(%arg0: i32) -> (i32, i32) {
    %c0_i32 = arith.constant 0 : i32
    %c0_i32_0 = arith.constant 0 : i32
    %c0_i32_1 = arith.constant 0 : i32
    return %c0_i32, %c0_i32_0 : i32, i32
  }
  func.func @transform_2(%arg0: i32) -> (i32, i32) {
    %c0_i32 = arith.constant 0 : i32
    %c0_i32_0 = arith.constant 0 : i32
    %c0_i32_1 = arith.constant 0 : i32
    return %c0_i32, %c0_i32_0 : i32, i32
  }
  func.func @transform_3(%arg0: i32) -> (i32, i32) {
    %c0_i32 = arith.constant 0 : i32
    %c0_i32_0 = arith.constant 0 : i32
    return %arg0, %c0_i32 : i32, i32
  }
}

module attributes {stable_mosaic.version = 14 : i64} {
  func.func @_embed_body(%arg0: memref<10000x128xf32, #tpu.memory_space<vmem>>, %arg1: memref<128x128xf32, #tpu.memory_space<vmem>>, %arg2: memref<1x128xf32, #tpu.memory_space<vmem>>, %arg3: memref<10000x128xf32, #tpu.memory_space<vmem>>) attributes {dimension_semantics = [], scalar_prefetch = 0 : i64, scratch_operands = 0 : i64, tpu.core_type = #tpu.core_type<tc>} {
    %get3A = arith.constant 0 : index
    %get3A_0 = arith.constant 0 : index
    %get3A_1 = vector.load %arg0[%get3A, %get3A_0] : memref<10000x128xf32, #tpu.memory_space<vmem>>, vector<10000x128xf32>
    %get3A_2 = arith.constant 0 : index
    %get3A_3 = arith.constant 0 : index
    %get3A_4 = vector.load %arg1[%get3A_2, %get3A_3] : memref<128x128xf32, #tpu.memory_space<vmem>>, vector<128x128xf32>
    %dot_general3A = arith.constant dense<0.000000e+00> : vector<10000x128xf32>
    %dot_general3A_5 = tpu.matmul %get3A_1, %get3A_4, %dot_general3A {dimension_numbers = #tpu.dot_dimension_numbers<[1], [0], [0], [1], [0, 0, 1, 1], [], []>, transpose_lhs_hint = false} : vector<10000x128xf32>, vector<128x128xf32>, vector<10000x128xf32> -> vector<10000x128xf32>
    %get3A_6 = arith.constant 0 : index
    %get3A_7 = arith.constant 0 : index
    %get3A_8 = vector.load %arg2[%get3A_6, %get3A_7] : memref<1x128xf32, #tpu.memory_space<vmem>>, vector<1x128xf32>
    %add3A = vector.broadcast %get3A_8 : vector<1x128xf32> to vector<10000x128xf32>
    %add3A_9 = arith.addf %dot_general3A_5, %add3A : vector<10000x128xf32>
    %swap3A = arith.constant 0 : index
    %swap3A_10 = arith.constant 0 : index
    %swap3A_11 = vector.load %arg3[%swap3A, %swap3A_10] : memref<10000x128xf32, #tpu.memory_space<vmem>>, vector<10000x128xf32>
    tpu.vector_store %arg3[%swap3A, %swap3A_10], %add3A_9 {strides = array<i32>} : memref<10000x128xf32, #tpu.memory_space<vmem>>, vector<10000x128xf32>,
    return
  }
}

module attributes {stable_mosaic.version = 14 : i64} {
  func.func @_node_mlp_body(%arg0: memref<10000x128xf32, #tpu.memory_space<vmem>>, %arg1: memref<2x10000x128xf32, #tpu.memory_space<vmem>>, %arg2: memref<1x1xf32, #tpu.memory_space<vmem>>, %arg3: memref<128x256xf32, #tpu.memory_space<vmem>>, %arg4: memref<1x256xf32, #tpu.memory_space<vmem>>, %arg5: memref<1x256xf32, #tpu.memory_space<vmem>>, %arg6: memref<1x256xf32, #tpu.memory_space<vmem>>, %arg7: memref<256x128xf32, #tpu.memory_space<vmem>>, %arg8: memref<1x128xf32, #tpu.memory_space<vmem>>, %arg9: memref<1x128xf32, #tpu.memory_space<vmem>>, %arg10: memref<1x128xf32, #tpu.memory_space<vmem>>, %arg11: memref<10000x128xf32, #tpu.memory_space<vmem>>) attributes {dimension_semantics = [], scalar_prefetch = 0 : i64, scratch_operands = 0 : i64, tpu.core_type = #tpu.core_type<tc>} {
    %get3A = arith.constant 0 : index
    %get3A_0 = arith.constant 0 : index
    %get3A_1 = vector.load %arg2[%get3A, %get3A_0] : memref<1x1xf32, #tpu.memory_space<vmem>>, vector<1x1xf32>
    %get3A_2 = vector.extract %get3A_1[0, 0] : f32 from vector<1x1xf32>
    %get3A_3 = arith.constant 0 : index
    %get3A_4 = arith.constant 0 : index
    %get3A_5 = vector.load %arg0[%get3A_3, %get3A_4] : memref<10000x128xf32, #tpu.memory_space<vmem>>, vector<10000x128xf32>
    %mul3A = vector.broadcast %get3A_2 : f32 to vector<10000x128xf32>
    %mul3A_6 = arith.mulf %mul3A, %get3A_5 : vector<10000x128xf32>
    %get3A_7 = arith.constant 0 : index
    %get3A_8 = arith.constant 0 : index
    %get3A_9 = arith.constant 0 : index
    %get3A_10 = vector.load %arg1[%get3A_7, %get3A_8, %get3A_9] : memref<2x10000x128xf32, #tpu.memory_space<vmem>>, vector<1x10000x128xf32>
    %get3A_11 = vector.shape_cast %get3A_10 : vector<1x10000x128xf32> to vector<10000x128xf32>
    %add3A = arith.addf %mul3A_6, %get3A_11 : vector<10000x128xf32>
    %get3A_12 = arith.constant 1 : index
    %get3A_13 = arith.constant 0 : index
    %get3A_14 = arith.constant 0 : index
    %get3A_15 = vector.load %arg1[%get3A_12, %get3A_13, %get3A_14] : memref<2x10000x128xf32, #tpu.memory_space<vmem>>, vector<1x10000x128xf32>
    %get3A_16 = vector.shape_cast %get3A_15 : vector<1x10000x128xf32> to vector<10000x128xf32>
    %add3A_17 = arith.addf %add3A, %get3A_16 : vector<10000x128xf32>
    %get3A_18 = arith.constant 0 : index
    %get3A_19 = arith.constant 0 : index
    %get3A_20 = vector.load %arg3[%get3A_18, %get3A_19] : memref<128x256xf32, #tpu.memory_space<vmem>>, vector<128x256xf32>
    %dot_general3A = arith.constant dense<0.000000e+00> : vector<10000x256xf32>
    %dot_general3A_21 = tpu.matmul %add3A_17, %get3A_20, %dot_general3A {dimension_numbers = #tpu.dot_dimension_numbers<[1], [0], [0], [1], [0, 0, 1, 1], [], []>, transpose_lhs_hint = false} : vector<10000x128xf32>, vector<128x256xf32>, vector<10000x256xf32> -> vector<10000x256xf32>
    %get3A_22 = arith.constant 0 : index
    %get3A_23 = arith.constant 0 : index
    %get3A_24 = vector.load %arg4[%get3A_22, %get3A_23] : memref<1x256xf32, #tpu.memory_space<vmem>>, vector<1x256xf32>
    %add3A_25 = vector.broadcast %get3A_24 : vector<1x256xf32> to vector<10000x256xf32>
    %add3A_26 = arith.addf %dot_general3A_21, %add3A_25 : vector<10000x256xf32>
    %get3A_27 = arith.constant 0 : index
    %get3A_28 = arith.constant 0 : index
    %get3A_29 = vector.load %arg5[%get3A_27, %get3A_28] : memref<1x256xf32, #tpu.memory_space<vmem>>, vector<1x256xf32>
    %get3A_30 = arith.constant 0 : index
    %get3A_31 = arith.constant 0 : index
    %get3A_32 = vector.load %arg6[%get3A_30, %get3A_31] : memref<1x256xf32, #tpu.memory_space<vmem>>, vector<1x256xf32>
    %reduce_sum3A = arith.constant dense<0.000000e+00> : vector<256xf32>
    %reduce_sum3A_33 = vector.multi_reduction <add>, %add3A_26, %reduce_sum3A [0] : vector<10000x256xf32> to vector<256xf32>
    %broadcast_in_dim3A = vector.shape_cast %reduce_sum3A_33 : vector<256xf32> to vector<1x256xf32>
    %div3A = arith.constant 1.000000e+04 : f32
    %div3A_34 = vector.broadcast %div3A : f32 to vector<1x256xf32>
    %div3A_35 = arith.divf %broadcast_in_dim3A, %div3A_34 : vector<1x256xf32>
    %sub3A = vector.broadcast %div3A_35 : vector<1x256xf32> to vector<10000x256xf32>
    %sub3A_36 = arith.subf %add3A_26, %sub3A : vector<10000x256xf32>
    %sub3A_37 = vector.broadcast %div3A_35 : vector<1x256xf32> to vector<10000x256xf32>
    %sub3A_38 = arith.subf %add3A_26, %sub3A_37 : vector<10000x256xf32>
    %mul3A_39 = arith.mulf %sub3A_36, %sub3A_38 : vector<10000x256xf32>
    %reduce_sum3A_40 = arith.constant dense<0.000000e+00> : vector<256xf32>
    %reduce_sum3A_41 = vector.multi_reduction <add>, %mul3A_39, %reduce_sum3A_40 [0] : vector<10000x256xf32> to vector<256xf32>
    %broadcast_in_dim3A_42 = vector.shape_cast %reduce_sum3A_41 : vector<256xf32> to vector<1x256xf32>
    %div3A_43 = arith.constant 1.000000e+04 : f32
    %div3A_44 = vector.broadcast %div3A_43 : f32 to vector<1x256xf32>
    %div3A_45 = arith.divf %broadcast_in_dim3A_42, %div3A_44 : vector<1x256xf32>
    %sub3A_46 = vector.broadcast %div3A_35 : vector<1x256xf32> to vector<10000x256xf32>
    %sub3A_47 = arith.subf %add3A_26, %sub3A_46 : vector<10000x256xf32>
    %mul3A_48 = vector.broadcast %get3A_29 : vector<1x256xf32> to vector<10000x256xf32>
    %mul3A_49 = arith.mulf %mul3A_48, %sub3A_47 : vector<10000x256xf32>
    %add3A_50 = arith.constant 9.99999974E-6 : f32
    %add3A_51 = vector.broadcast %add3A_50 : f32 to vector<1x256xf32>
    %add3A_52 = arith.addf %div3A_45, %add3A_51 : vector<1x256xf32>
    %rsqrt3A = math.rsqrt %add3A_52 : vector<1x256xf32>
    %mul3A_53 = vector.broadcast %rsqrt3A : vector<1x256xf32> to vector<10000x256xf32>
    %mul3A_54 = arith.mulf %mul3A_49, %mul3A_53 : vector<10000x256xf32>
    %add3A_55 = vector.broadcast %get3A_32 : vector<1x256xf32> to vector<10000x256xf32>
    %add3A_56 = arith.addf %mul3A_54, %add3A_55 : vector<10000x256xf32>
    %max3A = arith.constant 0.000000e+00 : f32
    %max3A_57 = vector.broadcast %max3A : f32 to vector<10000x256xf32>
    %max3A_58 = arith.maximumf %add3A_56, %max3A_57 : vector<10000x256xf32>
    %get3A_59 = arith.constant 0 : index
    %get3A_60 = arith.constant 0 : index
    %get3A_61 = vector.load %arg7[%get3A_59, %get3A_60] : memref<256x128xf32, #tpu.memory_space<vmem>>, vector<256x128xf32>
    %dot_general3A_62 = arith.constant dense<0.000000e+00> : vector<10000x128xf32>
    %dot_general3A_63 = tpu.matmul %max3A_58, %get3A_61, %dot_general3A_62 {dimension_numbers = #tpu.dot_dimension_numbers<[1], [0], [0], [1], [0, 0, 1, 1], [], []>, transpose_lhs_hint = false} : vector<10000x256xf32>, vector<256x128xf32>, vector<10000x128xf32> -> vector<10000x128xf32>
    %get3A_64 = arith.constant 0 : index
    %get3A_65 = arith.constant 0 : index
    %get3A_66 = vector.load %arg8[%get3A_64, %get3A_65] : memref<1x128xf32, #tpu.memory_space<vmem>>, vector<1x128xf32>
    %add3A_67 = vector.broadcast %get3A_66 : vector<1x128xf32> to vector<10000x128xf32>
    %add3A_68 = arith.addf %dot_general3A_63, %add3A_67 : vector<10000x128xf32>
    %get3A_69 = arith.constant 0 : index
    %get3A_70 = arith.constant 0 : index
    %get3A_71 = vector.load %arg9[%get3A_69, %get3A_70] : memref<1x128xf32, #tpu.memory_space<vmem>>, vector<1x128xf32>
    %get3A_72 = arith.constant 0 : index
    %get3A_73 = arith.constant 0 : index
    %get3A_74 = vector.load %arg10[%get3A_72, %get3A_73] : memref<1x128xf32, #tpu.memory_space<vmem>>, vector<1x128xf32>
    %reduce_sum3A_75 = arith.constant dense<0.000000e+00> : vector<128xf32>
    %reduce_sum3A_76 = vector.multi_reduction <add>, %add3A_68, %reduce_sum3A_75 [0] : vector<10000x128xf32> to vector<128xf32>
    %broadcast_in_dim3A_77 = vector.shape_cast %reduce_sum3A_76 : vector<128xf32> to vector<1x128xf32>
    %div3A_78 = arith.constant 1.000000e+04 : f32
    %div3A_79 = vector.broadcast %div3A_78 : f32 to vector<1x128xf32>
    %div3A_80 = arith.divf %broadcast_in_dim3A_77, %div3A_79 : vector<1x128xf32>
    %sub3A_81 = vector.broadcast %div3A_80 : vector<1x128xf32> to vector<10000x128xf32>
    %sub3A_82 = arith.subf %add3A_68, %sub3A_81 : vector<10000x128xf32>
    %sub3A_83 = vector.broadcast %div3A_80 : vector<1x128xf32> to vector<10000x128xf32>
    %sub3A_84 = arith.subf %add3A_68, %sub3A_83 : vector<10000x128xf32>
    %mul3A_85 = arith.mulf %sub3A_82, %sub3A_84 : vector<10000x128xf32>
    %reduce_sum3A_86 = arith.constant dense<0.000000e+00> : vector<128xf32>
    %reduce_sum3A_87 = vector.multi_reduction <add>, %mul3A_85, %reduce_sum3A_86 [0] : vector<10000x128xf32> to vector<128xf32>
    %broadcast_in_dim3A_88 = vector.shape_cast %reduce_sum3A_87 : vector<128xf32> to vector<1x128xf32>
    %div3A_89 = arith.constant 1.000000e+04 : f32
    %div3A_90 = vector.broadcast %div3A_89 : f32 to vector<1x128xf32>
    %div3A_91 = arith.divf %broadcast_in_dim3A_88, %div3A_90 : vector<1x128xf32>
    %sub3A_92 = vector.broadcast %div3A_80 : vector<1x128xf32> to vector<10000x128xf32>
    %sub3A_93 = arith.subf %add3A_68, %sub3A_92 : vector<10000x128xf32>
    %mul3A_94 = vector.broadcast %get3A_71 : vector<1x128xf32> to vector<10000x128xf32>
    %mul3A_95 = arith.mulf %mul3A_94, %sub3A_93 : vector<10000x128xf32>
    %add3A_96 = arith.constant 9.99999974E-6 : f32
    %add3A_97 = vector.broadcast %add3A_96 : f32 to vector<1x128xf32>
    %add3A_98 = arith.addf %div3A_91, %add3A_97 : vector<1x128xf32>
    %rsqrt3A_99 = math.rsqrt %add3A_98 : vector<1x128xf32>
    %mul3A_100 = vector.broadcast %rsqrt3A_99 : vector<1x128xf32> to vector<10000x128xf32>
    %mul3A_101 = arith.mulf %mul3A_95, %mul3A_100 : vector<10000x128xf32>
    %add3A_102 = vector.broadcast %get3A_74 : vector<1x128xf32> to vector<10000x128xf32>
    %add3A_103 = arith.addf %mul3A_101, %add3A_102 : vector<10000x128xf32>
    %max3A_104 = arith.constant 0.000000e+00 : f32
    %max3A_105 = vector.broadcast %max3A_104 : f32 to vector<10000x128xf32>
    %max3A_106 = arith.maximumf %add3A_103, %max3A_105 : vector<10000x128xf32>
    %swap3A = arith.constant 0 : index
    %swap3A_107 = arith.constant 0 : index
    %swap3A_108 = vector.load %arg11[%swap3A, %swap3A_107] : memref<10000x128xf32, #tpu.memory_space<vmem>>, vector<10000x128xf32>
    tpu.vector_store %arg11[%swap3A, %swap3A_107], %max3A_106 {strides = array<i32>} : memref<10000x128xf32, #tpu.memory_space<vmem>>, vector<10000x128xf32>,
    return
  }
}

module attributes {stable_mosaic.version = 14 : i64} {
  func.func @_node_mlp_body(%arg0: memref<10000x128xf32, #tpu.memory_space<vmem>>, %arg1: memref<2x10000x128xf32, #tpu.memory_space<vmem>>, %arg2: memref<1x1xf32, #tpu.memory_space<vmem>>, %arg3: memref<128x256xf32, #tpu.memory_space<vmem>>, %arg4: memref<1x256xf32, #tpu.memory_space<vmem>>, %arg5: memref<1x256xf32, #tpu.memory_space<vmem>>, %arg6: memref<1x256xf32, #tpu.memory_space<vmem>>, %arg7: memref<256x128xf32, #tpu.memory_space<vmem>>, %arg8: memref<1x128xf32, #tpu.memory_space<vmem>>, %arg9: memref<1x128xf32, #tpu.memory_space<vmem>>, %arg10: memref<1x128xf32, #tpu.memory_space<vmem>>, %arg11: memref<10000x128xf32, #tpu.memory_space<vmem>>) attributes {dimension_semantics = [], scalar_prefetch = 0 : i64, scratch_operands = 0 : i64, tpu.core_type = #tpu.core_type<tc>} {
    %get3A = arith.constant 0 : index
    %get3A_0 = arith.constant 0 : index
    %get3A_1 = vector.load %arg2[%get3A, %get3A_0] : memref<1x1xf32, #tpu.memory_space<vmem>>, vector<1x1xf32>
    %get3A_2 = vector.extract %get3A_1[0, 0] : f32 from vector<1x1xf32>
    %get3A_3 = arith.constant 0 : index
    %get3A_4 = arith.constant 0 : index
    %get3A_5 = vector.load %arg0[%get3A_3, %get3A_4] : memref<10000x128xf32, #tpu.memory_space<vmem>>, vector<10000x128xf32>
    %mul3A = vector.broadcast %get3A_2 : f32 to vector<10000x128xf32>
    %mul3A_6 = arith.mulf %mul3A, %get3A_5 : vector<10000x128xf32>
    %get3A_7 = arith.constant 0 : index
    %get3A_8 = arith.constant 0 : index
    %get3A_9 = arith.constant 0 : index
    %get3A_10 = vector.load %arg1[%get3A_7, %get3A_8, %get3A_9] : memref<2x10000x128xf32, #tpu.memory_space<vmem>>, vector<1x10000x128xf32>
    %get3A_11 = vector.shape_cast %get3A_10 : vector<1x10000x128xf32> to vector<10000x128xf32>
    %add3A = arith.addf %mul3A_6, %get3A_11 : vector<10000x128xf32>
    %get3A_12 = arith.constant 1 : index
    %get3A_13 = arith.constant 0 : index
    %get3A_14 = arith.constant 0 : index
    %get3A_15 = vector.load %arg1[%get3A_12, %get3A_13, %get3A_14] : memref<2x10000x128xf32, #tpu.memory_space<vmem>>, vector<1x10000x128xf32>
    %get3A_16 = vector.shape_cast %get3A_15 : vector<1x10000x128xf32> to vector<10000x128xf32>
    %add3A_17 = arith.addf %add3A, %get3A_16 : vector<10000x128xf32>
    %get3A_18 = arith.constant 0 : index
    %get3A_19 = arith.constant 0 : index
    %get3A_20 = vector.load %arg3[%get3A_18, %get3A_19] : memref<128x256xf32, #tpu.memory_space<vmem>>, vector<128x256xf32>
    %dot_general3A = arith.constant dense<0.000000e+00> : vector<10000x256xf32>
    %dot_general3A_21 = tpu.matmul %add3A_17, %get3A_20, %dot_general3A {dimension_numbers = #tpu.dot_dimension_numbers<[1], [0], [0], [1], [0, 0, 1, 1], [], []>, transpose_lhs_hint = false} : vector<10000x128xf32>, vector<128x256xf32>, vector<10000x256xf32> -> vector<10000x256xf32>
    %get3A_22 = arith.constant 0 : index
    %get3A_23 = arith.constant 0 : index
    %get3A_24 = vector.load %arg4[%get3A_22, %get3A_23] : memref<1x256xf32, #tpu.memory_space<vmem>>, vector<1x256xf32>
    %add3A_25 = vector.broadcast %get3A_24 : vector<1x256xf32> to vector<10000x256xf32>
    %add3A_26 = arith.addf %dot_general3A_21, %add3A_25 : vector<10000x256xf32>
    %get3A_27 = arith.constant 0 : index
    %get3A_28 = arith.constant 0 : index
    %get3A_29 = vector.load %arg5[%get3A_27, %get3A_28] : memref<1x256xf32, #tpu.memory_space<vmem>>, vector<1x256xf32>
    %get3A_30 = arith.constant 0 : index
    %get3A_31 = arith.constant 0 : index
    %get3A_32 = vector.load %arg6[%get3A_30, %get3A_31] : memref<1x256xf32, #tpu.memory_space<vmem>>, vector<1x256xf32>
    %reduce_sum3A = arith.constant dense<0.000000e+00> : vector<256xf32>
    %reduce_sum3A_33 = vector.multi_reduction <add>, %add3A_26, %reduce_sum3A [0] : vector<10000x256xf32> to vector<256xf32>
    %broadcast_in_dim3A = vector.shape_cast %reduce_sum3A_33 : vector<256xf32> to vector<1x256xf32>
    %div3A = arith.constant 1.000000e+04 : f32
    %div3A_34 = vector.broadcast %div3A : f32 to vector<1x256xf32>
    %div3A_35 = arith.divf %broadcast_in_dim3A, %div3A_34 : vector<1x256xf32>
    %sub3A = vector.broadcast %div3A_35 : vector<1x256xf32> to vector<10000x256xf32>
    %sub3A_36 = arith.subf %add3A_26, %sub3A : vector<10000x256xf32>
    %sub3A_37 = vector.broadcast %div3A_35 : vector<1x256xf32> to vector<10000x256xf32>
    %sub3A_38 = arith.subf %add3A_26, %sub3A_37 : vector<10000x256xf32>
    %mul3A_39 = arith.mulf %sub3A_36, %sub3A_38 : vector<10000x256xf32>
    %reduce_sum3A_40 = arith.constant dense<0.000000e+00> : vector<256xf32>
    %reduce_sum3A_41 = vector.multi_reduction <add>, %mul3A_39, %reduce_sum3A_40 [0] : vector<10000x256xf32> to vector<256xf32>
    %broadcast_in_dim3A_42 = vector.shape_cast %reduce_sum3A_41 : vector<256xf32> to vector<1x256xf32>
    %div3A_43 = arith.constant 1.000000e+04 : f32
    %div3A_44 = vector.broadcast %div3A_43 : f32 to vector<1x256xf32>
    %div3A_45 = arith.divf %broadcast_in_dim3A_42, %div3A_44 : vector<1x256xf32>
    %sub3A_46 = vector.broadcast %div3A_35 : vector<1x256xf32> to vector<10000x256xf32>
    %sub3A_47 = arith.subf %add3A_26, %sub3A_46 : vector<10000x256xf32>
    %mul3A_48 = vector.broadcast %get3A_29 : vector<1x256xf32> to vector<10000x256xf32>
    %mul3A_49 = arith.mulf %mul3A_48, %sub3A_47 : vector<10000x256xf32>
    %add3A_50 = arith.constant 9.99999974E-6 : f32
    %add3A_51 = vector.broadcast %add3A_50 : f32 to vector<1x256xf32>
    %add3A_52 = arith.addf %div3A_45, %add3A_51 : vector<1x256xf32>
    %rsqrt3A = math.rsqrt %add3A_52 : vector<1x256xf32>
    %mul3A_53 = vector.broadcast %rsqrt3A : vector<1x256xf32> to vector<10000x256xf32>
    %mul3A_54 = arith.mulf %mul3A_49, %mul3A_53 : vector<10000x256xf32>
    %add3A_55 = vector.broadcast %get3A_32 : vector<1x256xf32> to vector<10000x256xf32>
    %add3A_56 = arith.addf %mul3A_54, %add3A_55 : vector<10000x256xf32>
    %max3A = arith.constant 0.000000e+00 : f32
    %max3A_57 = vector.broadcast %max3A : f32 to vector<10000x256xf32>
    %max3A_58 = arith.maximumf %add3A_56, %max3A_57 : vector<10000x256xf32>
    %get3A_59 = arith.constant 0 : index
    %get3A_60 = arith.constant 0 : index
    %get3A_61 = vector.load %arg7[%get3A_59, %get3A_60] : memref<256x128xf32, #tpu.memory_space<vmem>>, vector<256x128xf32>
    %dot_general3A_62 = arith.constant dense<0.000000e+00> : vector<10000x128xf32>
    %dot_general3A_63 = tpu.matmul %max3A_58, %get3A_61, %dot_general3A_62 {dimension_numbers = #tpu.dot_dimension_numbers<[1], [0], [0], [1], [0, 0, 1, 1], [], []>, transpose_lhs_hint = false} : vector<10000x256xf32>, vector<256x128xf32>, vector<10000x128xf32> -> vector<10000x128xf32>
    %get3A_64 = arith.constant 0 : index
    %get3A_65 = arith.constant 0 : index
    %get3A_66 = vector.load %arg8[%get3A_64, %get3A_65] : memref<1x128xf32, #tpu.memory_space<vmem>>, vector<1x128xf32>
    %add3A_67 = vector.broadcast %get3A_66 : vector<1x128xf32> to vector<10000x128xf32>
    %add3A_68 = arith.addf %dot_general3A_63, %add3A_67 : vector<10000x128xf32>
    %get3A_69 = arith.constant 0 : index
    %get3A_70 = arith.constant 0 : index
    %get3A_71 = vector.load %arg9[%get3A_69, %get3A_70] : memref<1x128xf32, #tpu.memory_space<vmem>>, vector<1x128xf32>
    %get3A_72 = arith.constant 0 : index
    %get3A_73 = arith.constant 0 : index
    %get3A_74 = vector.load %arg10[%get3A_72, %get3A_73] : memref<1x128xf32, #tpu.memory_space<vmem>>, vector<1x128xf32>
    %reduce_sum3A_75 = arith.constant dense<0.000000e+00> : vector<128xf32>
    %reduce_sum3A_76 = vector.multi_reduction <add>, %add3A_68, %reduce_sum3A_75 [0] : vector<10000x128xf32> to vector<128xf32>
    %broadcast_in_dim3A_77 = vector.shape_cast %reduce_sum3A_76 : vector<128xf32> to vector<1x128xf32>
    %div3A_78 = arith.constant 1.000000e+04 : f32
    %div3A_79 = vector.broadcast %div3A_78 : f32 to vector<1x128xf32>
    %div3A_80 = arith.divf %broadcast_in_dim3A_77, %div3A_79 : vector<1x128xf32>
    %sub3A_81 = vector.broadcast %div3A_80 : vector<1x128xf32> to vector<10000x128xf32>
    %sub3A_82 = arith.subf %add3A_68, %sub3A_81 : vector<10000x128xf32>
    %sub3A_83 = vector.broadcast %div3A_80 : vector<1x128xf32> to vector<10000x128xf32>
    %sub3A_84 = arith.subf %add3A_68, %sub3A_83 : vector<10000x128xf32>
    %mul3A_85 = arith.mulf %sub3A_82, %sub3A_84 : vector<10000x128xf32>
    %reduce_sum3A_86 = arith.constant dense<0.000000e+00> : vector<128xf32>
    %reduce_sum3A_87 = vector.multi_reduction <add>, %mul3A_85, %reduce_sum3A_86 [0] : vector<10000x128xf32> to vector<128xf32>
    %broadcast_in_dim3A_88 = vector.shape_cast %reduce_sum3A_87 : vector<128xf32> to vector<1x128xf32>
    %div3A_89 = arith.constant 1.000000e+04 : f32
    %div3A_90 = vector.broadcast %div3A_89 : f32 to vector<1x128xf32>
    %div3A_91 = arith.divf %broadcast_in_dim3A_88, %div3A_90 : vector<1x128xf32>
    %sub3A_92 = vector.broadcast %div3A_80 : vector<1x128xf32> to vector<10000x128xf32>
    %sub3A_93 = arith.subf %add3A_68, %sub3A_92 : vector<10000x128xf32>
    %mul3A_94 = vector.broadcast %get3A_71 : vector<1x128xf32> to vector<10000x128xf32>
    %mul3A_95 = arith.mulf %mul3A_94, %sub3A_93 : vector<10000x128xf32>
    %add3A_96 = arith.constant 9.99999974E-6 : f32
    %add3A_97 = vector.broadcast %add3A_96 : f32 to vector<1x128xf32>
    %add3A_98 = arith.addf %div3A_91, %add3A_97 : vector<1x128xf32>
    %rsqrt3A_99 = math.rsqrt %add3A_98 : vector<1x128xf32>
    %mul3A_100 = vector.broadcast %rsqrt3A_99 : vector<1x128xf32> to vector<10000x128xf32>
    %mul3A_101 = arith.mulf %mul3A_95, %mul3A_100 : vector<10000x128xf32>
    %add3A_102 = vector.broadcast %get3A_74 : vector<1x128xf32> to vector<10000x128xf32>
    %add3A_103 = arith.addf %mul3A_101, %add3A_102 : vector<10000x128xf32>
    %swap3A = arith.constant 0 : index
    %swap3A_104 = arith.constant 0 : index
    %swap3A_105 = vector.load %arg11[%swap3A, %swap3A_104] : memref<10000x128xf32, #tpu.memory_space<vmem>>, vector<10000x128xf32>
    tpu.vector_store %arg11[%swap3A, %swap3A_104], %add3A_103 {strides = array<i32>} : memref<10000x128xf32, #tpu.memory_space<vmem>>, vector<10000x128xf32>,
    return
  }
}

module attributes {stable_mosaic.version = 14 : i64} {
  func.func @_separator_body(%arg0: memref<10000x128xf32, #tpu.memory_space<vmem>>, %arg1: memref<10000x1xi32, #tpu.memory_space<vmem>>, %arg2: memref<128x256xf32, #tpu.memory_space<vmem>>, %arg3: memref<1x256xf32, #tpu.memory_space<vmem>>, %arg4: memref<1x256xf32, #tpu.memory_space<vmem>>, %arg5: memref<1x256xf32, #tpu.memory_space<vmem>>, %arg6: memref<256x128xf32, #tpu.memory_space<vmem>>, %arg7: memref<1x128xf32, #tpu.memory_space<vmem>>, %arg8: memref<10000x128xf32, #tpu.memory_space<vmem>>, %arg9: memref<1x128xf32, #tpu.memory_space<vmem>>, %arg10: memref<1x128xf32, #tpu.memory_space<vmem>>) attributes {dimension_semantics = [], scalar_prefetch = 0 : i64, scratch_operands = 0 : i64, tpu.core_type = #tpu.core_type<tc>} {
    %get3A = arith.constant 0 : index
    %get3A_0 = arith.constant 0 : index
    %get3A_1 = vector.load %arg0[%get3A, %get3A_0] : memref<10000x128xf32, #tpu.memory_space<vmem>>, vector<10000x128xf32>
    %get3A_2 = arith.constant 0 : index
    %get3A_3 = arith.constant 0 : index
    %get3A_4 = vector.load %arg2[%get3A_2, %get3A_3] : memref<128x256xf32, #tpu.memory_space<vmem>>, vector<128x256xf32>
    %dot_general3A = arith.constant dense<0.000000e+00> : vector<10000x256xf32>
    %dot_general3A_5 = tpu.matmul %get3A_1, %get3A_4, %dot_general3A {dimension_numbers = #tpu.dot_dimension_numbers<[1], [0], [0], [1], [0, 0, 1, 1], [], []>, transpose_lhs_hint = false} : vector<10000x128xf32>, vector<128x256xf32>, vector<10000x256xf32> -> vector<10000x256xf32>
    %get3A_6 = arith.constant 0 : index
    %get3A_7 = arith.constant 0 : index
    %get3A_8 = vector.load %arg3[%get3A_6, %get3A_7] : memref<1x256xf32, #tpu.memory_space<vmem>>, vector<1x256xf32>
    %add3A = vector.broadcast %get3A_8 : vector<1x256xf32> to vector<10000x256xf32>
    %add3A_9 = arith.addf %dot_general3A_5, %add3A : vector<10000x256xf32>
    %get3A_10 = arith.constant 0 : index
    %get3A_11 = arith.constant 0 : index
    %get3A_12 = vector.load %arg4[%get3A_10, %get3A_11] : memref<1x256xf32, #tpu.memory_space<vmem>>, vector<1x256xf32>
    %get3A_13 = arith.constant 0 : index
    %get3A_14 = arith.constant 0 : index
    %get3A_15 = vector.load %arg5[%get3A_13, %get3A_14] : memref<1x256xf32, #tpu.memory_space<vmem>>, vector<1x256xf32>
    %reduce_sum3A = arith.constant dense<0.000000e+00> : vector<256xf32>
    %reduce_sum3A_16 = vector.multi_reduction <add>, %add3A_9, %reduce_sum3A [0] : vector<10000x256xf32> to vector<256xf32>
    %broadcast_in_dim3A = vector.shape_cast %reduce_sum3A_16 : vector<256xf32> to vector<1x256xf32>
    %div3A = arith.constant 1.000000e+04 : f32
    %div3A_17 = vector.broadcast %div3A : f32 to vector<1x256xf32>
    %div3A_18 = arith.divf %broadcast_in_dim3A, %div3A_17 : vector<1x256xf32>
    %sub3A = vector.broadcast %div3A_18 : vector<1x256xf32> to vector<10000x256xf32>
    %sub3A_19 = arith.subf %add3A_9, %sub3A : vector<10000x256xf32>
    %sub3A_20 = vector.broadcast %div3A_18 : vector<1x256xf32> to vector<10000x256xf32>
    %sub3A_21 = arith.subf %add3A_9, %sub3A_20 : vector<10000x256xf32>
    %mul3A = arith.mulf %sub3A_19, %sub3A_21 : vector<10000x256xf32>
    %reduce_sum3A_22 = arith.constant dense<0.000000e+00> : vector<256xf32>
    %reduce_sum3A_23 = vector.multi_reduction <add>, %mul3A, %reduce_sum3A_22 [0] : vector<10000x256xf32> to vector<256xf32>
    %broadcast_in_dim3A_24 = vector.shape_cast %reduce_sum3A_23 : vector<256xf32> to vector<1x256xf32>
    %div3A_25 = arith.constant 1.000000e+04 : f32
    %div3A_26 = vector.broadcast %div3A_25 : f32 to vector<1x256xf32>
    %div3A_27 = arith.divf %broadcast_in_dim3A_24, %div3A_26 : vector<1x256xf32>
    %sub3A_28 = vector.broadcast %div3A_18 : vector<1x256xf32> to vector<10000x256xf32>
    %sub3A_29 = arith.subf %add3A_9, %sub3A_28 : vector<10000x256xf32>
    %mul3A_30 = vector.broadcast %get3A_12 : vector<1x256xf32> to vector<10000x256xf32>
    %mul3A_31 = arith.mulf %mul3A_30, %sub3A_29 : vector<10000x256xf32>
    %add3A_32 = arith.constant 9.99999974E-6 : f32
    %add3A_33 = vector.broadcast %add3A_32 : f32 to vector<1x256xf32>
    %add3A_34 = arith.addf %div3A_27, %add3A_33 : vector<1x256xf32>
    %rsqrt3A = math.rsqrt %add3A_34 : vector<1x256xf32>
    %mul3A_35 = vector.broadcast %rsqrt3A : vector<1x256xf32> to vector<10000x256xf32>
    %mul3A_36 = arith.mulf %mul3A_31, %mul3A_35 : vector<10000x256xf32>
    %add3A_37 = vector.broadcast %get3A_15 : vector<1x256xf32> to vector<10000x256xf32>
    %add3A_38 = arith.addf %mul3A_36, %add3A_37 : vector<10000x256xf32>
    %max3A = arith.constant 0.000000e+00 : f32
    %max3A_39 = vector.broadcast %max3A : f32 to vector<10000x256xf32>
    %max3A_40 = arith.maximumf %add3A_38, %max3A_39 : vector<10000x256xf32>
    %get3A_41 = arith.constant 0 : index
    %get3A_42 = arith.constant 0 : index
    %get3A_43 = vector.load %arg6[%get3A_41, %get3A_42] : memref<256x128xf32, #tpu.memory_space<vmem>>, vector<256x128xf32>
    %dot_general3A_44 = arith.constant dense<0.000000e+00> : vector<10000x128xf32>
    %dot_general3A_45 = tpu.matmul %max3A_40, %get3A_43, %dot_general3A_44 {dimension_numbers = #tpu.dot_dimension_numbers<[1], [0], [0], [1], [0, 0, 1, 1], [], []>, transpose_lhs_hint = false} : vector<10000x256xf32>, vector<256x128xf32>, vector<10000x128xf32> -> vector<10000x128xf32>
    %get3A_46 = arith.constant 0 : index
    %get3A_47 = arith.constant 0 : index
    %get3A_48 = vector.load %arg7[%get3A_46, %get3A_47] : memref<1x128xf32, #tpu.memory_space<vmem>>, vector<1x128xf32>
    %add3A_49 = vector.broadcast %get3A_48 : vector<1x128xf32> to vector<10000x128xf32>
    %add3A_50 = arith.addf %dot_general3A_45, %add3A_49 : vector<10000x128xf32>
    %logistic3A = arith.negf %add3A_50 : vector<10000x128xf32>
    %logistic3A_51 = math.exp %logistic3A : vector<10000x128xf32>
    %logistic3A_52 = arith.constant 1.000000e+00 : f32
    %logistic3A_53 = vector.broadcast %logistic3A_52 : f32 to vector<10000x128xf32>
    %logistic3A_54 = arith.addf %logistic3A_53, %logistic3A_51 : vector<10000x128xf32>
    %logistic3A_55 = arith.divf %logistic3A_53, %logistic3A_54 : vector<10000x128xf32>
    %swap3A = arith.constant 0 : index
    %swap3A_56 = arith.constant 0 : index
    %swap3A_57 = vector.load %arg8[%swap3A, %swap3A_56] : memref<10000x128xf32, #tpu.memory_space<vmem>>, vector<10000x128xf32>
    tpu.vector_store %arg8[%swap3A, %swap3A_56], %logistic3A_55 {strides = array<i32>} : memref<10000x128xf32, #tpu.memory_space<vmem>>, vector<10000x128xf32>,
    %reduce_sum3A_58 = arith.constant dense<0.000000e+00> : vector<10000xf32>
    %reduce_sum3A_59 = vector.multi_reduction <add>, %logistic3A_55, %reduce_sum3A_58 [1] : vector<10000x128xf32> to vector<10000xf32>
    %broadcast_in_dim3A_60 = vector.shape_cast %reduce_sum3A_59 : vector<10000xf32> to vector<10000x1xf32>
    %div3A_61 = arith.constant 1.280000e+02 : f32
    %div3A_62 = vector.broadcast %div3A_61 : f32 to vector<10000x1xf32>
    %div3A_63 = arith.divf %broadcast_in_dim3A_60, %div3A_62 : vector<10000x1xf32>
    %iota3A = tpu.iota {dimensions = array<i32: 1>} : vector<1x128xi32>
    %get3A_64 = arith.constant 0 : index
    %get3A_65 = arith.constant 0 : index
    %get3A_66 = vector.load %arg1[%get3A_64, %get3A_65] : memref<10000x1xi32, #tpu.memory_space<vmem>>, vector<10000x1xi32>
    %eq3A = vector.broadcast %get3A_66 : vector<10000x1xi32> to vector<10000x128xi32>
    %eq3A_67 = vector.broadcast %iota3A : vector<1x128xi32> to vector<10000x128xi32>
    %eq3A_68 = arith.cmpi eq, %eq3A, %eq3A_67 : vector<10000x128xi32>
    %convert_element_type3A = arith.extui %eq3A_68 : vector<10000x128xi1> to vector<10000x128xi32>
    %convert_element_type3A_69 = arith.sitofp %convert_element_type3A : vector<10000x128xi32> to vector<10000x128xf32>
    %mul3A_70 = vector.broadcast %div3A_63 : vector<10000x1xf32> to vector<10000x128xf32>
    %mul3A_71 = arith.mulf %convert_element_type3A_69, %mul3A_70 : vector<10000x128xf32>
    %reduce_sum3A_72 = arith.constant dense<0.000000e+00> : vector<128xf32>
    %reduce_sum3A_73 = vector.multi_reduction <add>, %mul3A_71, %reduce_sum3A_72 [0] : vector<10000x128xf32> to vector<128xf32>
    %broadcast_in_dim3A_74 = vector.shape_cast %reduce_sum3A_73 : vector<128xf32> to vector<1x128xf32>
    %reduce_sum3A_75 = arith.constant dense<0.000000e+00> : vector<128xf32>
    %reduce_sum3A_76 = vector.multi_reduction <add>, %convert_element_type3A_69, %reduce_sum3A_75 [0] : vector<10000x128xf32> to vector<128xf32>
    %broadcast_in_dim3A_77 = vector.shape_cast %reduce_sum3A_76 : vector<128xf32> to vector<1x128xf32>
    %add3A_78 = arith.constant 9.99999993E-9 : f32
    %add3A_79 = vector.broadcast %add3A_78 : f32 to vector<1x128xf32>
    %add3A_80 = arith.addf %broadcast_in_dim3A_74, %add3A_79 : vector<1x128xf32>
    %swap3A_81 = arith.constant 0 : index
    %swap3A_82 = arith.constant 0 : index
    %swap3A_83 = vector.load %arg9[%swap3A_81, %swap3A_82] : memref<1x128xf32, #tpu.memory_space<vmem>>, vector<1x128xf32>
    tpu.vector_store %arg9[%swap3A_81, %swap3A_82], %add3A_80 {strides = array<i32>} : memref<1x128xf32, #tpu.memory_space<vmem>>, vector<1x128xf32>,
    %sub3A_84 = arith.subf %broadcast_in_dim3A_77, %broadcast_in_dim3A_74 : vector<1x128xf32>
    %add3A_85 = arith.constant 9.99999993E-9 : f32
    %add3A_86 = vector.broadcast %add3A_85 : f32 to vector<1x128xf32>
    %add3A_87 = arith.addf %sub3A_84, %add3A_86 : vector<1x128xf32>
    %swap3A_88 = arith.constant 0 : index
    %swap3A_89 = arith.constant 0 : index
    %swap3A_90 = vector.load %arg10[%swap3A_88, %swap3A_89] : memref<1x128xf32, #tpu.memory_space<vmem>>, vector<1x128xf32>
    tpu.vector_store %arg10[%swap3A_88, %swap3A_89], %add3A_87 {strides = array<i32>} : memref<1x128xf32, #tpu.memory_space<vmem>>, vector<1x128xf32>,
    return
  }
}

</mosaic_0001>

<sc_bundles>
// kernel: kernel.13.cloned.1.call-start
scs
__scs_entry_jumppad:
0x0: {  	(pc) =	sbr.rel $0x88, $3  }
0x1: {  	(tag) =	ssettag $0x0;
	lr =	simm.s32 $0x1  }
0x2: {  	[smem:$0x3F8A] =	sst lr;
	_ =	strace $0xD0000000  }
0x3: {  	_ = 	snop  }
0x4: {  	_ = 	snop  }
0x5: {  	_ = 	snop  }
0x6: {  	_ = 	snop  }
0x7: {  	_ = 	snop  }
__scs_overlays_trampoline_lowered:
0x8: {  	[smem:$0x3F99] =	sst s0  }
0x9: {  	[smem:$0x3F9A] =	sst s1  }
0xa: {  	[smem:$0x3F9B] =	sst s2  }
0xb: {  	[smem:$0x3F9C] =	sst s3  }
0xc: {  	[smem:$0x3F9D] =	sst s4  }
0xd: {  	[smem:$0x3F9E] =	sst s5  }
0xe: {  	[smem:$0x3F9F] =	sst s6  }
0xf: {  	[smem:$0x3FA0] =	sst s7  }
0x10: {  	[smem:$0x3FA1] =	sst s8  }
0x11: {  	[smem:$0x3FA2] =	sst s9;
	s0 =	simm.s32 @!p0 $0x0  }
0x12: {  	s1 =	sld [smem:$0x3F88];
	s0 =	simm.s32 @p0 $0x1  }
0x13: {  	[smem:$0x3FA3] =	sst s0;
	s0 =	simm.s32 @!p1 $0x0  }
0x14: {  	s2 =	sld [smem:$0x3F87];
	s0 =	simm.s32 @p1 $0x1  }
0x15: {  	[smem:$0x3FA4] =	sst s0;
	s0 =	simm.s32 @!p2 $0x0  }
0x16: {  	s3 =	sld [smem:$0x3FDB];
	s0 =	simm.s32 @p2 $0x1  }
0x17: {  	s4 =	simm.s32 $0x1BF5;
	[smem:$0x3FA6] =	sst s0  }
0x18: {  	s0 =	sld [smem:$0x3F89];
	_ =	swait.ge [sflag:s4], $0x0  }
0x19: {  	s7 =	sld [smem:$0x3F8A]  }
0x1a: {  	s8 =	sadd.s32 $0xFFFFE003, lr  }
0x1b: {  	s9 =	sadd.s32 $0xFFFFFEF7, lr;
	s5 =	simm.s32 $0xFFFFFFFF;
	p2 =	slt.u32 s8, $0xFFFFF086  }
0x1c: {  	p1 =	slt.u32 s9, $0xF7A;
	s5 =	simm.s32 @!p2 $0x0  }
0x1d: {  	s5 =	simm.s32 @p1 $0x1;
	p0 =	seq.s32 s7, s2  }
0x1e: {  	s7 =	smul.u32 @!p0 $0xF7A, s2;
	p2 =	seq.s32 @!p0 s5, $0x0  }
0x1f: {  	s9 =	smul.u32 $0xF7A, s1;
	s8 =	simm.s32 @!p0 $0x1BF5;
	p2 =	por !p2, p0  }
0x20: {  	[sflag:s8] =	ssyncset.s32 @!p0 $0xFFFFF086;
	s6 =	sadd.s32 @!p0 s3, s7;
	s7 =	simm.s32 @!p0 $0x108  }
0x21: {  	s3 =	sadd.s32 s3, s9;
	s6 =	sadd.s32 @!p0 $0x88, s6;
	s7 =	simm.s32 @p2 $0x1082  }
0x22: {  	[simem:s7], [sflag:s8] =	dma.local @!p0 [hbm:s6], $0xF7A  }
0x23: {  	s9 =	sor.u32 $0xD0000000, s2;
	s6 =	simm.s32 $0x108;
	_ =	swait.ge @!p0 [sflag:s8], $0x0  }
0x24: {  	s3 =	sadd.s32 $0x88, s3;
	s6 =	simm.s32 @!p1 $0x1082;
	[sflag:s4] =	ssyncset.s32 $0xFFFFF086  }
0x25: {  	[simem:s6], [sflag:s4] =	dma.local [hbm:s3], $0xF7A  }
0x26: {  	[smem:$0x3F8A] =	sst s1;
	(tag) =	ssettag s2;
	_ =	strace s9  }
0x27: {  	s1 =	sld [smem:$0x3F9A]  }
0x28: {  	s2 =	sld [smem:$0x3F9B]  }
0x29: {  	s4 =	sld [smem:$0x3F9D]  }
0x2a: {  	p0 =	seq.s32 s5, $0x0;
	s5 =	sld [smem:$0x3F9E]  }
0x2b: {  	s6 =	sld [smem:$0x3F9F]  }
0x2c: {  	s7 =	sld [smem:$0x3FA0]  }
0x2d: {  	s3 =	simm.s32 $0x108;
	s8 =	sld [smem:$0x3FA1]  }
0x2e: {  	s3 =	simm.s32 @!p0 $0x1082;
	s9 =	sld [smem:$0x3FA2]  }
0x2f: {  	lr =	sadd.s32 s0, s3;
	s0 =	sld [smem:$0x3F99]  }
0x30: {  	s3 =	sld [smem:$0x3F9C]  }
0x31: {  	[smem:$0x3FA5] =	sst s10  }
0x32: {  	s10 =	sld [smem:$0x3FA3];
	_ =	sdelay $0x3  }
0x33: {  	p0 =	seq.s32 s10, $0x1;
	s10 =	sld [smem:$0x3FA5];
	_ =	sdelay $0x3  }
0x34: {  	[smem:$0x3FA5] =	sst s10  }
0x35: {  	s10 =	sld [smem:$0x3FA4];
	_ =	sdelay $0x3  }
0x36: {  	p1 =	seq.s32 s10, $0x1;
	s10 =	sld [smem:$0x3FA5];
	_ =	sdelay $0x3  }
0x37: {  	[smem:$0x3FA5] =	sst s10  }
0x38: {  	s10 =	sld [smem:$0x3FA6]  }
0x39: {  	_ = 	snop;
	(pc) =	sbr.ind lr, $3  }
0x3a: {  	_ = 	snop  }
0x3b: {  	_ = 	snop  }
0x3c: {  	p2 =	seq.s32 s10, $0x1;
	s10 =	sld [smem:$0x3FA5]  }
0x3d: {  	_ =	shalt  }
0x3e: {  	_ =	shalt  }
0x3f: {  	_ =	shalt  }
0x40: {  	_ =	shalt  }
0x41: {  	_ =	shalt  }
0x42: {  	_ =	shalt  }
0x43: {  	_ =	shalt  }
0x44: {  	_ =	shalt  }
0x45: {  	_ =	shalt  }
0x46: {  	_ =	shalt  }
0x47: {  	_ =	shalt  }
0x48: {  	_ =	shalt  }
0x49: {  	_ =	shalt  }
0x4a: {  	_ =	shalt  }
0x4b: {  	_ =	shalt  }
0x4c: {  	_ =	shalt  }
0x4d: {  	_ =	shalt  }
0x4e: {  	_ =	shalt  }
0x4f: {  	_ =	shalt  }
0x50: {  	_ =	shalt  }
0x51: {  	_ =	shalt  }
0x52: {  	_ =	shalt  }
0x53: {  	_ =	shalt  }
0x54: {  	_ =	shalt  }
0x55: {  	_ =	shalt  }
0x56: {  	_ =	shalt  }
0x57: {  	_ =	shalt  }
0x58: {  	_ =	shalt  }
0x59: {  	_ =	shalt  }
0x5a: {  	_ =	shalt  }
0x5b: {  	_ =	shalt  }
0x5c: {  	_ =	shalt  }
0x5d: {  	_ =	shalt  }
0x5e: {  	_ =	shalt  }
0x5f: {  	_ =	shalt  }
0x60: {  	_ =	shalt  }
0x61: {  	_ =	shalt  }
0x62: {  	_ =	shalt  }
0x63: {  	_ =	shalt  }
0x64: {  	_ =	shalt  }
0x65: {  	_ =	shalt  }
0x66: {  	_ =	shalt  }
0x67: {  	_ =	shalt  }
0x68: {  	_ =	shalt  }
0x69: {  	_ =	shalt  }
0x6a: {  	_ =	shalt  }
0x6b: {  	_ =	shalt  }
0x6c: {  	_ =	shalt  }
0x6d: {  	_ =	shalt  }
0x6e: {  	_ =	shalt  }
0x6f: {  	_ =	shalt  }
0x70: {  	_ =	shalt  }
0x71: {  	_ =	shalt  }
0x72: {  	_ =	shalt  }
0x73: {  	_ =	shalt  }
0x74: {  	_ =	shalt  }
0x75: {  	_ =	shalt  }
0x76: {  	_ =	shalt  }
0x77: {  	_ =	shalt  }
0x78: {  	_ =	shalt  }
0x79: {  	_ =	shalt  }
0x7a: {  	_ =	shalt  }
0x7b: {  	_ =	shalt  }
0x7c: {  	_ =	shalt  }
0x7d: {  	_ =	shalt  }
0x7e: {  	_ =	shalt  }
0x7f: {  	_ =	shalt  }
0x80: {  	_ =	shalt  }
0x81: {  	_ =	shalt  }
0x82: {  	_ =	shalt  }
0x83: {  	_ =	shalt  }
0x84: {  	_ =	shalt  }
0x85: {  	_ =	shalt  }
0x86: {  	_ =	shalt  }
0x87: {  	_ =	shalt  }
.Lfunc_end0:
.L_simem_size_0:
called_computation_lowered:
.L_overlay_start_0:
0x88: {  	s2 =	sld [smem:$0x3FD9]  }
0x89: {  	s3 =	sld [smem:$0x3FFE];
	_ =	sdelay $0x1  }
0x8a: {  	s1 =	srdreg.scid  }
0x8b: {  	s0 =	sand.u32 $0x1, s1  }
0x8c: {  	s14 =	sshll.u32 s0, $0xA;
	s2 =	sadd.s32 s3, s2  }
0x8d: {  	s2 =	sadd.s32 s2, s14  }
0x8e: {  	[smem:$0x3FB1] =	sst s2  }
0x8f: {  	_ = 	snop  }
0x90: {  	s2 =	sld [smem:$0x3FD0];
	_ =	sdelay $0x2  }
0x91: {  	s15 =	simm.s32 $0xA;
	s4 =	simm.s32 $0x10  }
0x92: {  	[smem:s4], [sflag:s15] =	dma.local [hbm:s2], $0x1  }
0x93: {  	_ =	swait.eq [sflag:s15], $0x1  }
0x94: {  	[sflag:s15] =	ssyncset.done $0x0  }
0x95: {  	[sflag:s15] =	ssyncadd.s32 $0xFFFFFFFF  }
0x96: {  	s16 =	sld [smem:$0x10];
	(tm) =	ssettm $0x1  }
0x97: {  	s17 =	sld [smem:$0x3FFB];
	_ =	sdelay $0x3  }
0x98: {  	_ =	strace s17  }
0x99: {  	s3 =	sld [smem:$0x3FFC];
	_ =	sdelay $0x3  }
0x9a: {  	_ =	strace s3  }
0x9b: {  	s3 =	sld [smem:$0x3FFD];
	_ =	sdelay $0x3  }
0x9c: {  	_ =	strace s3  }
0x9d: {  	_ =	strace $0x8FFFFFFF  }
0x9e: {  	s18 =	sld [smem:$0x3FDB];
	_ =	sdelay $0x1  }
0x9f: {  	s19 =	simm.s32 $_scs_section_size  }
0xa0: {  	s5 =	simm.s32 $_size__tile_overlayer_lowered;
	s6 =	simm.s32 $_tile_overlayer_lowered  }
0xa1: {  	s22 =	simm.s32 $0x1BFF;
	s21 =	sshll.u32 s6, $0x1;
	s3 =	sadd.s32 s19, s18  }
0xa2: {  	s7 =	simm.s32 $0x0;
	s20 =	sshll.u32 s5, $0x1;
	s5 =	sadd.s32 s21, s3  }
0xa3: {  	[timem:s7], [sflag:s22] =	dma.local [hbm:s5], s20  }
0xa4: {  	_ =	swait.ge [sflag:s22], s20  }
0xa5: {  	s4 =	ssub.s32 $0x0, s20;
	[sflag:s22] =	ssyncset.done $0x0  }
0xa6: {  	[sflag:s22] =	ssyncadd.s32 s4;
	_ =	sdelay $0x1  }
0xa7: {  	s23 =	simm.s32 $0x1B8B  }
0xa8: {  	_ =	swait.ge [sflag:s23], $0x1  }
0xa9: {  	[sflag:s23] =	ssyncset.done $0x0  }
0xaa: {  	s25 =	simm.s32 $0x1B8E;
	s24 =	sld [smem:$0x3FFE];
	[sflag:s23] =	ssyncadd.s32 $0xFFFFFFFF  }
0xab: {  	s26 =	simm.s32 $execute0_lowered;
	[smem:$0x3FD2] =	sst s25  }
0xac: {  	s5 =	sshll.u32 s26, $0x1;
	_ =	strace $0x80000046;
	[dreg:$0x1] =	wrdreg $0xFFFFFFFF  }
0xad: {  	s28 =	simm.s32 $_size_execute0_lowered;
	s3 =	sadd.s32 s3, s5;
	[dreg:$0x0] =	wrdreg $0x0  }
0xae: {  	s5 =	sshll.u32 s28, $0x1;
	[dreg:$0x2] =	wrdreg s3  }
0xaf: {  	[dreg:$0x3] =	wrdreg s5  }
0xb0: {  	[dreg:$0x4] =	wrdreg $0xC0  }
0xb1: {  	_ =	task [dreg:s7], $0x5FFFF  }
0xb2: {  	[dreg:$0x1] =	wrdreg $0xFFFFFFFF  }
0xb3: {  	[dreg:$0x0] =	wrdreg $0x60  }
0xb4: {  	[dreg:$0x2] =	wrdreg s16  }
0xb5: {  	[dreg:$0x3] =	wrdreg s24  }
0xb6: {  	[dreg:$0x4] =	wrdreg $0xA2000  }
0xb7: {  	[dreg:$0x5] =	wrdreg $0x9  }
0xb8: {  	_ =	task.clear_ibuf [dreg:s7], $0x6FFFF;
	_ =	strace $0x90000046  }
0xb9: {  	s29 =	simm.s32 $0x9;
	_ =	strace $0x80000048  }
0xba: {  	_ =	swait.ge [sflag:s29], $0x1  }
0xbb: {  	[sflag:s29] =	ssyncadd.s32 $0xFFFFFFFF  }
0xbc: {  	_ =	strace $0x90000048  }
0xbd: {  	_ =	sfence  }
0xbe: {  	s30 =	sld [smem:$0x0];
	_ =	sdelay $0x2  }
0xbf: {  	s31 =	sshll.u32 s1, $0xD;
	s1 =	sshrl.u32 s1, $0x2  }
0xc0: {  	s3 =	sand.u32 $0x4000, s31;
	s1 =	sadd.s32 s1, s30  }
0xc1: {  	s0 =	sor.u32 s3, s0;
	s1 =	sshll.u32 s1, $0x11  }
0xc2: {  	s0 =	sor.u32 s1, s0  }
0xc3: {  	s0 =	sadd.s32 $0x8F2B, s0  }
0xc4: {  	[sflag:s0] =	ssyncadd.remote.s32 $0x1  }
0xc5: {  	_ =	sfence.sel $0xFFFF  }
0xc6: {  	[dreg:$0x0] =	wrdreg $0xFFFFFFFF;
	(pc) =	sbr.abs _section_cstart, $3  }
0xc7: {  	[dreg:$0x1] =	wrdreg $0xFFFFFFFF  }
0xc8: {  	_ =	task.clear_ibuf [dreg:s7], $0x2FFFF;
	_ =	strace $0x9FFFFFFF  }
0xc9: {  	(tm) =	ssettm $0x7FFFFFFF  }
tec
execute0_lowered:
.L_overlay_start_1:
0x0: {  	(tag) =	ssettag $0x1  }
0x1: {  	s1 =	rddreg [dreg:$0x0]  }
0x2: {  	s0 =	rddreg [dreg:$0x1]  }
0x3: {  	s2 =	rddreg [dreg:$0x2];
	s4 =	simm.s32 $0x0  }
0x4: {  	s13 =	stileid.u32;
	s3 =	srdreg.scid;
	s18 =	simm.s32 $0xB  }
0x5: {  	s28 =	simm.s32 $0x2A00;
	s29 =	simm.s32 $0x7A00;
	s30 =	simm.s32 $0x5  }
0x6: {  	s31 =	simm.s32 $0x7;
	[smem:$0x7FF] =	sst s4;
	s5 =	sadd.s32 $0x4FEA00, s0  }
0x7: {  	s8 =	smul.u32 $0x13800, s13;
	s3 =	sand.u32 $0x1, s3;
	s6 =	sadd.s32 $0x4F4C00, s0  }
0x8: {  	s7 =	sadd.s32 $0x4EAE00, s0;
	s12 =	smul.u32 $0x4E000, s13;
	s26 =	sshll.u32 s13, $0x6  }
0x9: {  	_ =	strace $0x80000047;
	s9 =	smul.u32 $0x138800, s3;
	s11 =	sshll.u32 s3, $0x4  }
0xa: {  	s3 =	ssub.s32 $0x2, s3;
	s10 =	sshrl.u32 s8, $0x3;
	s19 =	sor.u32 s13, s11  }
0xb: {  	s21 =	sshrl.u32 s3, $0x1;
	s24 =	sshrl.u32 s12, $0x2;
	s12 =	simm.s32 $0x0  }
0xc: {  	s10 =	sadd.s32 s10, s0;
	s8 =	sadd.s32 s8, s9;
	s9 =	smul.u32 $0x27100, s19  }
0xd: {  	s3 =	ssub.s32 s3, s21;
	s21 =	simm.s32 $0x50;
	s20 =	sshrl.u32 s8, $0x3  }
0xe: {  	s8 =	smul.u32 $0x2710, s19;
	s10 =	sadd.s32 $0x9E0A00, s10;
	s25 =	smax.u32 s3, $0x1  }
0xf: {  	s19 =	simm.s32 $0x100;
	s3 =	simm.s32 $0x9;
	[dreg:$0x8] =	wrdreg s10  }
0x10: {  	s0 =	sadd.s32 s20, s0;
	s9 =	sadd.s32 s5, s9;
	[dreg:$0xb] =	wrdreg s25  }
0x11: {  	s25 =	simm.s32 $0x2;
	s20 =	simm.s32 $0x6;
	s10 =	simm.s32 $0x8  }
0x12: {  	s22 =	sshrl.u32 s8, $0x3;
	[dreg:$0x6] =	wrdreg s9;
	s9 =	sadd.s32 s24, s2  }
0x13: {  	s15 =	sadd.s32 $0xF0, s8;
	s0 =	sadd.s32 $0xA07C00, s0;
	[dreg:$0x9] =	wrdreg s9  }
.Ltmp0:
0x14: {  	s11 =	sadd.s32 s7, s22;
	[dreg:$0xa] =	wrdreg s0;
	(pc) =	sbr.rel .LBB2_1-.Ltmp0, $4  }
0x15: {  	s14 =	sadd.s32 s6, s22;
	s22 =	simm.s32 $0x5200;
	[dreg:$0x5] =	wrdreg s11  }
0x16: {  	s0 =	simm.s32 $0x3;
	[dreg:$0x4] =	wrdreg s14;
	s23 =	sadd.s32 $0xA, s14  }
0x17: {  	s14 =	sor.u32 $0x1C0B, s26;
	s26 =	simm.s32 $0x180;
	[dreg:$0x7] =	wrdreg s23  }
0x18: {  	s11 =	simm.s32 $0x4;
	s23 =	simm.s32 $0x80;
	[dreg:$0xc] =	wrdreg s14  }
.LBB2_11:
0x19: {  	_ =	swait.ge [sflag:s3], $0x2800  }
0x1a: {  	[sflag:s3] =	ssyncset.done $0x0  }
0x1b: {  	[sflag:s3] =	ssyncadd.s32 $0xFFFFD800  }
0x1c: {  	[bflag:$0x0] =	sbarrier.arrive $0xFFFF  }
0x1d: {  	s9 =	rddreg [dreg:$0xa]  }
0x1e: {  	s14 =	rddreg [dreg:$0xc]  }
0x1f: {  	s13 =	rddreg [dreg:$0xd]  }
0x20: {  	[hbm:s9], [sflag:s14] =	dma.local [spmem:s13], $0x2800  }
0x21: {  	_ =	swait.ge [sflag:s18], $0x2800  }
0x22: {  	s12 =	sadd.s32 $0x1, s12;
	s24 =	rddreg [dreg:$0xb]  }
0x23: {  	p0 =	sne.s32 s12, s24  }
.Ltmp1:
0x24: {  	_ = 	snop;
	(pc) =	sbr.rel @!p0 .LBB2_12-.Ltmp1, $3  }
0x25: {  	_ =	sdelay $0x1  }
0x26: {  	[sflag:s18] =	ssyncset.done $0x0  }
0x27: {  	[sflag:s18] =	ssyncadd.s32 $0xFFFFD800  }
.LBB2_1:
0x28: {  	s9 =	rddreg [dreg:$0x4]  }
0x29: {  	[tilespmem:s4], [sflag:$0xB] =	stream.linear.gather [hbm4b:s9+s4], $0x50, $0x38;
	[tilespmem:$0x1DA80] =	vst v63  }
0x2a: {  	_ =	swait.ge [sflag:s18], $0x50  }
0x2b: {  	[sflag:s18] =	ssyncset.done $0x0;
	s17 =	rddreg [dreg:$0x5]  }
0x2c: {  	s16 =	rddreg [dreg:$0x9];
	[sflag:s18] =	ssyncadd.s32 $0xFFFFFFB0  }
0x2d: {  	[tilespmem:s19], [sflag:$0x3] =	stream.linear.gather [hbm4b:s17+s4], $0x50, $0x38;
	[tilespmem:$0x1DA80] =	vst v63  }
0x2e: {  	s24 =	rddreg [dreg:$0x6];
	s17 =	sshrl.u32 s16, $0x3  }
0x2f: {  	s13 =	simm.s32 $0x200;
	[dreg:$0xd] =	wrdreg s17  }
0x30: {  	[tilespmem:s13], [sflag:$0x5] =	stream.linear.gather [hbm4b:s24+s4], $0x2800, $0x38;
	[tilespmem:$0x1DA80] =	vst v63  }
0x31: {  	s13 =	rddreg [dreg:$0x7]  }
0x32: {  	[tilespmem:s22], [sflag:$0x7] =	stream.indirect.gather [hbm4b:s1+s21], $0x80, s4, s21, $0xb8;
	[tilespmem:$0x1DA80] =	vst v63  }
0x33: {  	s24 =	rddreg [dreg:$0x8]  }
0x34: {  	[tilespmem:s23], [sflag:$0x2] =	stream.linear.gather [hbm4b:s13+s4], $0x50, $0x38;
	[tilespmem:$0x1DA80] =	vst v63  }
0x35: {  	[spmem:s17], [sflag:s14] =	dma.local [hbm:s24], $0x2800  }
.Ltmp2:
0x36: {  	_ =	swait.ge [sflag:s18], $0x2800;
	(pc) =	sbr.rel .LBB2_2-.Ltmp2, $4  }
0x37: {  	[sflag:s18] =	ssyncset.done $0x0  }
0x38: {  	[sflag:s18] =	ssyncadd.s32 $0xFFFFD800  }
0x39: {  	[bflag:$0x0] =	sbarrier.arrive $0xFFFF  }
0x3a: {  	s14 =	simm.s32 $0x0  }
.LBB2_10:
0x3b: {  	s14 =	sadd.s32 $0x1, s14  }
0x3c: {  	p0 =	sne.s32 s14, $0x3F  }
.Ltmp3:
0x3d: {  	_ = 	snop;
	(pc) =	sbr.rel @!p0 .LBB2_11-.Ltmp3, $1  }
0x3e: {  	_ =	sdelay $0x3  }
.LBB2_2:
0x3f: {  	s9 =	sshll.u32 s14, $0x1;
	p0 =	seq.s32 s14, $0x0  }
0x40: {  	s16 =	sor.u32 @!p0 $0x1, s9  }
0x41: {  	p1 =	sgt.u32 @!p0 s16, $0x7C  }
0x42: {  	p2 =	por p0, !p1  }
.Ltmp4:
0x43: {  	_ = 	snop;
	(pc) =	sbr.rel @!p2 .LBB2_4-.Ltmp4, $4  }
0x44: {  	s17 =	simm.s32 @!p0 $0xA  }
0x45: {  	_ =	swait.ge @!p0 [sflag:s17], $0x2800  }
0x46: {  	[sflag:s17] =	ssyncset.done @!p0 $0x0  }
0x47: {  	p1 =	por @!p0 $0x0, $0x0;
	[sflag:s17] =	ssyncadd.s32 @!p0 $0xFFFFD800  }
0x48: {  	s16 =	simm.s32 @p0 $0x1  }
0x49: {  	s16 =	smul.u32 $0x50, s16;
	_ =	sdelay $0x1  }
0x4a: {  	_ =	swait.ge [sflag:s25], $0x50;
	s16 =	sadd.s32 s8, s16  }
0x4b: {  	[sflag:s25] =	ssyncset.done $0x0;
	s17 =	sshrl.u32 s16, $0x3  }
0x4c: {  	[sflag:s25] =	ssyncadd.s32 $0xFFFFFFB0;
	s16 =	sshll.u32 s16, $0x4;
	s17 =	sadd.s32 s7, s17  }
0x4d: {  	[tilespmem:s26], [sflag:$0x4] =	stream.linear.gather [hbm4b:s17+s4], $0x50, $0x38;
	[tilespmem:$0x1DA80] =	vst v63  }
0x4e: {  	s16 =	sadd.s32 s5, s16  }
0x4f: {  	[tilespmem:s28], [sflag:$0x6] =	stream.linear.gather [hbm4b:s16+s4], $0x2800, $0x38;
	[tilespmem:$0x1DA80] =	vst v63  }
0x50: {  	p1 =	por $0x1, $0x1  }
0x51: {  	[tilespmem:s29], [sflag:$0x8] =	stream.indirect.gather [hbm4b:s1+s21], $0x80, s23, s21, $0xb8;
	[tilespmem:$0x1DA80] =	vst v63  }
.LBB2_4:
0x52: {  	_ =	swait.ge [sflag:s30], $0x2800;
	s9 =	sadd.s32 $0x2, s9;
	p0 =	seq.s32 s14, $0x3E  }
0x53: {  	[sflag:s30] =	ssyncset.done $0x0;
	s9 =	smul.u32 @!p0 $0x50, s9  }
0x54: {  	[sflag:s30] =	ssyncadd.s32 $0xFFFFD800  }
0x55: {  	_ =	swait.ge [sflag:s31], $0x2800;
	s16 =	sadd.s32 @!p0 s8, s9  }
0x56: {  	[sflag:s31] =	ssyncset.done $0x0;
	s17 =	sshrl.u32 @!p0 s16, $0x3  }
0x57: {  	s24 =	simm.s32 @!p0 $0x0;
	[sflag:s31] =	ssyncadd.s32 $0xFFFFD800;
	s9 =	sadd.s32 @!p0 s6, s17  }
0x58: {  	[tilespmem:s24], [sflag:$0x1] =	stream.linear.gather @!p0 [hbm4b:s9+s24], $0x50, $0x38;
	[tilespmem:$0x1DA80] =	vst v63  }
0x59: {  	s9 =	simm.s32 $0xF0  }
0x5a: {  	v6 =	vld [tilespmem:s9+$0x110]  }
0x5b: {  	v7 =	vld [tilespmem:s9+$0x120]  }
0x5c: {  	v8 =	vld [tilespmem:s9+$0x130]  }
0x5d: {  	v9 =	vld [tilespmem:s9+$0x140]  }
0x5e: {  	v10 =	vld [tilespmem:s9+$0x150]  }
0x5f: {  	v11 =	vld [tilespmem:s9+$0x160]  }
0x60: {  	v12 =	vld [tilespmem:s9+$0x170]  }
0x61: {  	v13 =	vld [tilespmem:s9+$0x180]  }
0x62: {  	v14 =	vld [tilespmem:s9+$0x190]  }
0x63: {  	v15 =	vld [tilespmem:s9+$0x1A0]  }
0x64: {  	v5 =	vld [tilespmem:s9+$0x1B0]  }
0x65: {  	v4 =	vld [tilespmem:s9+$0x1C0]  }
0x66: {  	v3 =	vld [tilespmem:s9+$0x1D0]  }
0x67: {  	v16 =	vld [tilespmem:s9+$0x5110]  }
0x68: {  	v17 =	vld [tilespmem:s9+$0x5120]  }
0x69: {  	v2 =	vld [tilespmem:s9+$0x1E0]  }
0x6a: {  	v18 =	vld [tilespmem:s9+$0x5130]  }
0x6b: {  	v19 =	vld [tilespmem:s9+$0x5140]  }
0x6c: {  	v1 =	vld [tilespmem:s9+$0x1F0];
	v6 =	vadd.f32 v6, v16  }
0x6d: {  	v20 =	vld [tilespmem:s9+$0x5150];
	v7 =	vadd.f32 v7, v17  }
0x6e: {  	v60 =	vld [tilespmem:s9+$0x5160];
	v6 =	vmax.f32 v6, $0.0e+00  }
0x6f: {  	v0 =	vld [tilespmem:s9+$0x200];
	v7 =	vmax.f32 v7, $0.0e+00;
	[tilespmem:s9+$0x5110] =	vst v6;
	v6 =	vadd.f32 v8, v18  }
0x70: {  	v21 =	vld [tilespmem:s9+$0x5170];
	[tilespmem:s9+$0x5120] =	vst v7;
	v7 =	vadd.f32 v9, v19  }
0x71: {  	v61 =	vld [tilespmem:s9+$0x5180];
	v6 =	vmax.f32 v6, $0.0e+00  }
0x72: {  	v62 =	vld [tilespmem:s9+$0x5190];
	v8 =	vmax.f32 v7, $0.0e+00;
	[tilespmem:s9+$0x5130] =	vst v6;
	v6 =	vadd.f32 v10, v20  }
0x73: {  	v63 =	vld [tilespmem:s9+$0x51A0];
	[tilespmem:s9+$0x5140] =	vst v8;
	v8 =	vadd.f32 v11, v60  }
0x74: {  	v7 =	vld [tilespmem:s9+$0x51B0];
	v9 =	vmax.f32 v6, $0.0e+00  }
0x75: {  	v6 =	vld [tilespmem:s9+$0x51C0];
	v10 =	vmax.f32 v8, $0.0e+00;
	[tilespmem:s9+$0x5150] =	vst v9;
	v9 =	vadd.f32 v12, v21  }
0x76: {  	v8 =	vld [tilespmem:s9+$0x51D0];
	[tilespmem:s9+$0x5160] =	vst v10;
	v10 =	vadd.f32 v13, v61  }
0x77: {  	v12 =	vadd.f32 v14, v62;
	v11 =	vmax.f32 v9, $0.0e+00;
	v9 =	vld [tilespmem:s9+$0x51E0]  }
0x78: {  	s24 =	simm.s32 $0x7C0;
	v13 =	vmax.f32 v10, $0.0e+00;
	v10 =	vld [tilespmem:s9+$0x51F0];
	[tilespmem:s9+$0x5170] =	vst v11;
	v11 =	vadd.f32 v15, v63  }
.LBB2_5:
0x79: {  	s13 =	sshra.s32 s24, $0x2;
	p2 =	sne.s32 s24, $0x9FC0;
	[tilespmem:s9+$0x5180] =	vst v13;
	v12 =	vmax.f32 v12, $0.0e+00;
	v5 =	vadd.f32 v5, v7;
	v7 =	vld [tilespmem:s9+$0x5200]  }
0x7a: {  	v13 =	vld [tilespmem:s13+$0x110];
	[tilespmem:s9+$0x5190] =	vst v12;
	v11 =	vmax.f32 v11, $0.0e+00;
	v4 =	vadd.f32 v4, v6  }
0x7b: {  	v6 =	vld [tilespmem:s13+$0x120];
	[tilespmem:s9+$0x51A0] =	vst v11;
	v5 =	vmax.f32 v5, $0.0e+00;
	v3 =	vadd.f32 v3, v8  }
0x7c: {  	v8 =	vld [tilespmem:s13+$0x130];
	[tilespmem:s9+$0x51B0] =	vst v5;
	v4 =	vmax.f32 v4, $0.0e+00;
	v2 =	vadd.f32 v2, v9  }
0x7d: {  	v9 =	vld [tilespmem:s13+$0x140];
	[tilespmem:s9+$0x51C0] =	vst v4;
	v3 =	vmax.f32 v3, $0.0e+00;
	v1 =	vadd.f32 v1, v10  }
0x7e: {  	v10 =	vld [tilespmem:s13+$0x150];
	[tilespmem:s9+$0x51D0] =	vst v3;
	v2 =	vmax.f32 v2, $0.0e+00;
	v0 =	vadd.f32 v0, v7  }
0x7f: {  	v7 =	vld [tilespmem:s13+$0x160];
	[tilespmem:s9+$0x51E0] =	vst v2;
	v1 =	vmax.f32 v1, $0.0e+00  }
0x80: {  	v11 =	vld [tilespmem:s13+$0x170];
	[tilespmem:s9+$0x51F0] =	vst v1;
	v0 =	vmax.f32 v0, $0.0e+00  }
0x81: {  	v12 =	vld [tilespmem:s13+$0x180];
	[tilespmem:s9+$0x5200] =	vst v0;
	s9 =	smov.u32 s13  }
0x82: {  	v14 =	vld [tilespmem:s9+$0x190]  }
0x83: {  	v15 =	vld [tilespmem:s9+$0x1A0]  }
0x84: {  	v5 =	vld [tilespmem:s9+$0x1B0]  }
0x85: {  	v4 =	vld [tilespmem:s9+$0x1C0]  }
0x86: {  	v3 =	vld [tilespmem:s9+$0x1D0]  }
0x87: {  	v2 =	vld [tilespmem:s9+$0x1E0]  }
0x88: {  	v1 =	vld [tilespmem:s9+$0x1F0]  }
0x89: {  	v0 =	vld [tilespmem:s9+$0x200]  }
0x8a: {  	v16 =	vld [tilespmem:s9+$0x5110]  }
0x8b: {  	v17 =	vld [tilespmem:s9+$0x5120]  }
0x8c: {  	v18 =	vld [tilespmem:s9+$0x5130]  }
0x8d: {  	v19 =	vld [tilespmem:s9+$0x5140]  }
0x8e: {  	v20 =	vld [tilespmem:s9+$0x5150]  }
0x8f: {  	v13 =	vadd.f32 v13, v16;
	v16 =	vld [tilespmem:s9+$0x5160]  }
0x90: {  	v6 =	vadd.f32 v6, v17;
	v17 =	vld [tilespmem:s9+$0x5170]  }
0x91: {  	v13 =	vmax.f32 v13, $0.0e+00;
	v8 =	vadd.f32 v8, v18;
	v18 =	vld [tilespmem:s9+$0x5180]  }
0x92: {  	[tilespmem:s9+$0x5110] =	vst v13;
	v6 =	vmax.f32 v6, $0.0e+00;
	v9 =	vadd.f32 v9, v19;
	v13 =	vld [tilespmem:s9+$0x5190]  }
0x93: {  	[tilespmem:s9+$0x5120] =	vst v6;
	v6 =	vmax.f32 v8, $0.0e+00;
	v8 =	vadd.f32 v10, v20;
	v10 =	vld [tilespmem:s9+$0x51A0]  }
.Ltmp5:
0x94: {  	[tilespmem:s9+$0x5130] =	vst v6;
	v6 =	vmax.f32 v9, $0.0e+00;
	v9 =	vadd.f32 v7, v16;
	v7 =	vld [tilespmem:s9+$0x51B0];
	(pc) =	sbr.rel @p2 .LBB2_5-.Ltmp5, $4  }
0x95: {  	[tilespmem:s9+$0x5140] =	vst v6;
	v8 =	vmax.f32 v8, $0.0e+00;
	v11 =	vadd.f32 v11, v17;
	v6 =	vld [tilespmem:s9+$0x51C0]  }
0x96: {  	[tilespmem:s9+$0x5150] =	vst v8;
	v9 =	vmax.f32 v9, $0.0e+00;
	v16 =	vadd.f32 v12, v18;
	v8 =	vld [tilespmem:s9+$0x51D0]  }
0x97: {  	[tilespmem:s9+$0x5160] =	vst v9;
	v11 =	vmax.f32 v11, $0.0e+00;
	v12 =	vadd.f32 v14, v13;
	v9 =	vld [tilespmem:s9+$0x51E0]  }
0x98: {  	s24 =	sadd.s32 $0x400, s24;
	[tilespmem:s9+$0x5170] =	vst v11;
	v13 =	vmax.f32 v16, $0.0e+00;
	v11 =	vadd.f32 v15, v10;
	v10 =	vld [tilespmem:s9+$0x51F0]  }
0x99: {  	[tilespmem:s9+$0x5180] =	vst v13;
	v12 =	vmax.f32 v12, $0.0e+00;
	v5 =	vadd.f32 v5, v7;
	v63 =	vld [tilespmem:s9+$0x5200]  }
0x9a: {  	[tilespmem:s9+$0x5190] =	vst v12;
	v11 =	vmax.f32 v11, $0.0e+00;
	v4 =	vadd.f32 v4, v6  }
0x9b: {  	[tilespmem:s9+$0x51A0] =	vst v11;
	v5 =	vmax.f32 v5, $0.0e+00;
	v3 =	vadd.f32 v3, v8  }
0x9c: {  	[tilespmem:s9+$0x51B0] =	vst v5;
	v4 =	vmax.f32 v4, $0.0e+00;
	v2 =	vadd.f32 v2, v9  }
0x9d: {  	[tilespmem:s9+$0x51C0] =	vst v4;
	v3 =	vmax.f32 v3, $0.0e+00;
	v1 =	vadd.f32 v1, v10  }
0x9e: {  	[tilespmem:s9+$0x51D0] =	vst v3;
	v2 =	vmax.f32 v2, $0.0e+00;
	v0 =	vadd.f32 v0, v63  }
0x9f: {  	[tilespmem:s9+$0x51E0] =	vst v2;
	v1 =	vmax.f32 v1, $0.0e+00  }
0xa0: {  	[tilespmem:s9+$0x51F0] =	vst v1;
	v0 =	vmax.f32 v0, $0.0e+00  }
.Ltmp6:
0xa1: {  	[tilespmem:s9+$0x5200] =	vst v0;
	(pc) =	sbr.rel @!p1 .LBB2_10-.Ltmp6, $4  }
0xa2: {  	_ =	swait.ge [sflag:s0], $0x50  }
0xa3: {  	[sflag:s0] =	ssyncset.done $0x0  }
0xa4: {  	[sflag:s0] =	ssyncadd.s32 $0xFFFFFFB0  }
0xa5: {  	[spmem:s2] =	stream.indirect.scatter.add.f32 [tilespmem:s22], [sflag:$0x9], $0x80, s19, s21, $0xb8;
	[tilespmem:$0x1DA80] =	vst v63  }
0xa6: {  	_ =	swait.ge [sflag:s3], $0x2800  }
0xa7: {  	[sflag:s3] =	ssyncset.done $0x0  }
0xa8: {  	s9 =	simm.s32 @!p0 $0x1;
	[sflag:s3] =	ssyncadd.s32 $0xFFFFD800  }
0xa9: {  	_ =	swait.ge @!p0 [sflag:s9], $0x50  }
0xaa: {  	s13 =	simm.s32 @!p0 $0x0;
	[sflag:s9] =	ssyncset.done @!p0 $0x0  }
0xab: {  	[sflag:s9] =	ssyncadd.s32 @!p0 $0xFFFFFFB0;
	s9 =	sadd.s32 @!p0 s7, s17;
	s17 =	simm.s32 @!p0 $0x100  }
0xac: {  	[tilespmem:s17], [sflag:$0x3] =	stream.linear.gather @!p0 [hbm4b:s9+s13], $0x50, $0x38;
	[tilespmem:$0x1DA80] =	vst v63  }
0xad: {  	s9 =	sshll.u32 @!p0 s16, $0x4  }
0xae: {  	s16 =	simm.s32 @!p0 $0x200;
	s9 =	sadd.s32 @!p0 s5, s9  }
0xaf: {  	[tilespmem:s16], [sflag:$0x5] =	stream.linear.gather @!p0 [hbm4b:s9+s13], $0x2800, $0x38;
	[tilespmem:$0x1DA80] =	vst v63  }
0xb0: {  	s9 =	simm.s32 @!p0 $0x50;
	s16 =	simm.s32 @!p0 $0x5200  }
0xb1: {  	[tilespmem:s16], [sflag:$0x7] =	stream.indirect.gather @!p0 [hbm4b:s1+s9], $0x80, s13, s9, $0xb8;
	[tilespmem:$0x1DA80] =	vst v63  }
0xb2: {  	p0 =	sgt.u32 s14, $0x3C;
	_ =	swait.ge [sflag:s20], $0x2800  }
0xb3: {  	s9 =	smul.u32 @!p0 $0xA0, s14;
	[sflag:s20] =	ssyncset.done $0x0  }
0xb4: {  	[sflag:s20] =	ssyncadd.s32 $0xFFFFD800  }
0xb5: {  	s9 =	sadd.s32 @!p0 s9, s15;
	_ =	swait.ge [sflag:s10], $0x2800  }
0xb6: {  	s13 =	simm.s32 @!p0 $0x0;
	s9 =	sshrl.u32 @!p0 s9, $0x3;
	[sflag:s10] =	ssyncset.done $0x0  }
0xb7: {  	s16 =	simm.s32 @!p0 $0x80;
	s9 =	sadd.s32 @!p0 s6, s9;
	[sflag:s10] =	ssyncadd.s32 $0xFFFFD800  }
0xb8: {  	[tilespmem:s16], [sflag:$0x2] =	stream.linear.gather @!p0 [hbm4b:s9+s13], $0x50, $0x38;
	[tilespmem:$0x1DA80] =	vst v63  }
0xb9: {  	s9 =	simm.s32 $0x0  }
0xba: {  	v6 =	vld [tilespmem:s9+$0x2A00]  }
0xbb: {  	v7 =	vld [tilespmem:s9+$0x2A10]  }
0xbc: {  	v8 =	vld [tilespmem:s9+$0x2A20]  }
0xbd: {  	v9 =	vld [tilespmem:s9+$0x2A30]  }
0xbe: {  	v10 =	vld [tilespmem:s9+$0x2A40]  }
0xbf: {  	v11 =	vld [tilespmem:s9+$0x2A50]  }
0xc0: {  	v12 =	vld [tilespmem:s9+$0x2A60]  }
0xc1: {  	v13 =	vld [tilespmem:s9+$0x2A70]  }
0xc2: {  	v14 =	vld [tilespmem:s9+$0x2A80]  }
0xc3: {  	v15 =	vld [tilespmem:s9+$0x2A90]  }
0xc4: {  	v5 =	vld [tilespmem:s9+$0x2AA0]  }
0xc5: {  	v4 =	vld [tilespmem:s9+$0x2AB0]  }
0xc6: {  	v3 =	vld [tilespmem:s9+$0x2AC0]  }
0xc7: {  	v16 =	vld [tilespmem:s9+$0x7A00]  }
0xc8: {  	v17 =	vld [tilespmem:s9+$0x7A10]  }
0xc9: {  	v2 =	vld [tilespmem:s9+$0x2AD0]  }
0xca: {  	v18 =	vld [tilespmem:s9+$0x7A20]  }
0xcb: {  	v19 =	vld [tilespmem:s9+$0x7A30]  }
0xcc: {  	v1 =	vld [tilespmem:s9+$0x2AE0];
	v6 =	vadd.f32 v6, v16  }
0xcd: {  	v20 =	vld [tilespmem:s9+$0x7A40];
	v7 =	vadd.f32 v7, v17  }
0xce: {  	v60 =	vld [tilespmem:s9+$0x7A50];
	v6 =	vmax.f32 v6, $0.0e+00  }
0xcf: {  	v0 =	vld [tilespmem:s9+$0x2AF0];
	v7 =	vmax.f32 v7, $0.0e+00;
	[tilespmem:s9+$0x7A00] =	vst v6;
	v6 =	vadd.f32 v8, v18  }
0xd0: {  	v21 =	vld [tilespmem:s9+$0x7A60];
	[tilespmem:s9+$0x7A10] =	vst v7;
	v7 =	vadd.f32 v9, v19  }
0xd1: {  	v61 =	vld [tilespmem:s9+$0x7A70];
	v6 =	vmax.f32 v6, $0.0e+00  }
0xd2: {  	v62 =	vld [tilespmem:s9+$0x7A80];
	v8 =	vmax.f32 v7, $0.0e+00;
	[tilespmem:s9+$0x7A20] =	vst v6;
	v6 =	vadd.f32 v10, v20  }
0xd3: {  	v63 =	vld [tilespmem:s9+$0x7A90];
	[tilespmem:s9+$0x7A30] =	vst v8;
	v8 =	vadd.f32 v11, v60  }
0xd4: {  	v7 =	vld [tilespmem:s9+$0x7AA0];
	v9 =	vmax.f32 v6, $0.0e+00  }
0xd5: {  	v6 =	vld [tilespmem:s9+$0x7AB0];
	v10 =	vmax.f32 v8, $0.0e+00;
	[tilespmem:s9+$0x7A40] =	vst v9;
	v9 =	vadd.f32 v12, v21  }
0xd6: {  	v8 =	vld [tilespmem:s9+$0x7AC0];
	[tilespmem:s9+$0x7A50] =	vst v10;
	v10 =	vadd.f32 v13, v61  }
0xd7: {  	v12 =	vadd.f32 v14, v62;
	v11 =	vmax.f32 v9, $0.0e+00;
	v9 =	vld [tilespmem:s9+$0x7AD0]  }
0xd8: {  	s16 =	simm.s32 $0x400;
	v13 =	vmax.f32 v10, $0.0e+00;
	v10 =	vld [tilespmem:s9+$0x7AE0];
	[tilespmem:s9+$0x7A60] =	vst v11;
	v11 =	vadd.f32 v15, v63  }
.LBB2_8:
0xd9: {  	s13 =	sshra.s32 s16, $0x2;
	p0 =	sne.s32 s16, $0x9C00;
	[tilespmem:s9+$0x7A70] =	vst v13;
	v12 =	vmax.f32 v12, $0.0e+00;
	v5 =	vadd.f32 v5, v7;
	v7 =	vld [tilespmem:s9+$0x7AF0]  }
0xda: {  	v13 =	vld [tilespmem:s13+$0x2A00];
	[tilespmem:s9+$0x7A80] =	vst v12;
	v11 =	vmax.f32 v11, $0.0e+00;
	v4 =	vadd.f32 v4, v6  }
0xdb: {  	v6 =	vld [tilespmem:s13+$0x2A10];
	[tilespmem:s9+$0x7A90] =	vst v11;
	v5 =	vmax.f32 v5, $0.0e+00;
	v3 =	vadd.f32 v3, v8  }
0xdc: {  	v8 =	vld [tilespmem:s13+$0x2A20];
	[tilespmem:s9+$0x7AA0] =	vst v5;
	v4 =	vmax.f32 v4, $0.0e+00;
	v2 =	vadd.f32 v2, v9  }
0xdd: {  	v9 =	vld [tilespmem:s13+$0x2A30];
	[tilespmem:s9+$0x7AB0] =	vst v4;
	v3 =	vmax.f32 v3, $0.0e+00;
	v1 =	vadd.f32 v1, v10  }
0xde: {  	v10 =	vld [tilespmem:s13+$0x2A40];
	[tilespmem:s9+$0x7AC0] =	vst v3;
	v2 =	vmax.f32 v2, $0.0e+00;
	v0 =	vadd.f32 v0, v7  }
0xdf: {  	v7 =	vld [tilespmem:s13+$0x2A50];
	[tilespmem:s9+$0x7AD0] =	vst v2;
	v1 =	vmax.f32 v1, $0.0e+00  }
0xe0: {  	v11 =	vld [tilespmem:s13+$0x2A60];
	[tilespmem:s9+$0x7AE0] =	vst v1;
	v0 =	vmax.f32 v0, $0.0e+00  }
0xe1: {  	v12 =	vld [tilespmem:s13+$0x2A70];
	[tilespmem:s9+$0x7AF0] =	vst v0;
	s9 =	smov.u32 s13  }
0xe2: {  	v14 =	vld [tilespmem:s9+$0x2A80]  }
0xe3: {  	v15 =	vld [tilespmem:s9+$0x2A90]  }
0xe4: {  	v5 =	vld [tilespmem:s9+$0x2AA0]  }
0xe5: {  	v4 =	vld [tilespmem:s9+$0x2AB0]  }
0xe6: {  	v3 =	vld [tilespmem:s9+$0x2AC0]  }
0xe7: {  	v2 =	vld [tilespmem:s9+$0x2AD0]  }
0xe8: {  	v1 =	vld [tilespmem:s9+$0x2AE0]  }
0xe9: {  	v0 =	vld [tilespmem:s9+$0x2AF0]  }
0xea: {  	v16 =	vld [tilespmem:s9+$0x7A00]  }
0xeb: {  	v17 =	vld [tilespmem:s9+$0x7A10]  }
0xec: {  	v18 =	vld [tilespmem:s9+$0x7A20]  }
0xed: {  	v19 =	vld [tilespmem:s9+$0x7A30]  }
0xee: {  	v20 =	vld [tilespmem:s9+$0x7A40]  }
0xef: {  	v13 =	vadd.f32 v13, v16;
	v16 =	vld [tilespmem:s9+$0x7A50]  }
0xf0: {  	v6 =	vadd.f32 v6, v17;
	v17 =	vld [tilespmem:s9+$0x7A60]  }
0xf1: {  	v13 =	vmax.f32 v13, $0.0e+00;
	v8 =	vadd.f32 v8, v18;
	v18 =	vld [tilespmem:s9+$0x7A70]  }
0xf2: {  	[tilespmem:s9+$0x7A00] =	vst v13;
	v6 =	vmax.f32 v6, $0.0e+00;
	v9 =	vadd.f32 v9, v19;
	v13 =	vld [tilespmem:s9+$0x7A80]  }
0xf3: {  	[tilespmem:s9+$0x7A10] =	vst v6;
	v6 =	vmax.f32 v8, $0.0e+00;
	v8 =	vadd.f32 v10, v20;
	v10 =	vld [tilespmem:s9+$0x7A90]  }
.Ltmp7:
0xf4: {  	[tilespmem:s9+$0x7A20] =	vst v6;
	v6 =	vmax.f32 v9, $0.0e+00;
	v9 =	vadd.f32 v7, v16;
	v7 =	vld [tilespmem:s9+$0x7AA0];
	(pc) =	sbr.rel @p0 .LBB2_8-.Ltmp7, $4  }
0xf5: {  	[tilespmem:s9+$0x7A30] =	vst v6;
	v8 =	vmax.f32 v8, $0.0e+00;
	v11 =	vadd.f32 v11, v17;
	v6 =	vld [tilespmem:s9+$0x7AB0]  }
0xf6: {  	[tilespmem:s9+$0x7A40] =	vst v8;
	v9 =	vmax.f32 v9, $0.0e+00;
	v16 =	vadd.f32 v12, v18;
	v8 =	vld [tilespmem:s9+$0x7AC0]  }
0xf7: {  	[tilespmem:s9+$0x7A50] =	vst v9;
	v11 =	vmax.f32 v11, $0.0e+00;
	v12 =	vadd.f32 v14, v13;
	v9 =	vld [tilespmem:s9+$0x7AD0]  }
0xf8: {  	s16 =	sadd.s32 $0x400, s16;
	[tilespmem:s9+$0x7A60] =	vst v11;
	v13 =	vmax.f32 v16, $0.0e+00;
	v11 =	vadd.f32 v15, v10;
	v10 =	vld [tilespmem:s9+$0x7AE0]  }
0xf9: {  	[tilespmem:s9+$0x7A70] =	vst v13;
	v12 =	vmax.f32 v12, $0.0e+00;
	v5 =	vadd.f32 v5, v7;
	v63 =	vld [tilespmem:s9+$0x7AF0]  }
0xfa: {  	[tilespmem:s9+$0x7A80] =	vst v12;
	v11 =	vmax.f32 v11, $0.0e+00;
	v4 =	vadd.f32 v4, v6  }
0xfb: {  	[tilespmem:s9+$0x7A90] =	vst v11;
	v5 =	vmax.f32 v5, $0.0e+00;
	v3 =	vadd.f32 v3, v8  }
0xfc: {  	[tilespmem:s9+$0x7AA0] =	vst v5;
	v4 =	vmax.f32 v4, $0.0e+00;
	v2 =	vadd.f32 v2, v9  }
0xfd: {  	[tilespmem:s9+$0x7AB0] =	vst v4;
	v3 =	vmax.f32 v3, $0.0e+00;
	v1 =	vadd.f32 v1, v10  }
0xfe: {  	[tilespmem:s9+$0x7AC0] =	vst v3;
	v2 =	vmax.f32 v2, $0.0e+00;
	v0 =	vadd.f32 v0, v63  }
0xff: {  	[tilespmem:s9+$0x7AD0] =	vst v2;
	v1 =	vmax.f32 v1, $0.0e+00  }
0x100: {  	[tilespmem:s9+$0x7AE0] =	vst v1;
	v0 =	vmax.f32 v0, $0.0e+00  }
.Ltmp8:
0x101: {  	[tilespmem:s9+$0x7AF0] =	vst v0;
	(pc) =	sbr.rel .LBB2_10-.Ltmp8, $4  }
0x102: {  	_ =	swait.ge [sflag:s11], $0x50  }
0x103: {  	[sflag:s11] =	ssyncset.done $0x0  }
0x104: {  	[sflag:s11] =	ssyncadd.s32 $0xFFFFFFB0  }
0x105: {  	[spmem:s2] =	stream.indirect.scatter.add.f32 [tilespmem:s29], [sflag:$0xA], $0x80, s26, s21, $0xb8;
	[tilespmem:$0x1DA80] =	vst v63  }
.LBB2_12:
0x106: {  	_ =	sfence.sel $0x180000  }
0x107: {  	[bflag:$0x0] =	sbarrier.arrive $0xFFFF  }
0x108: {  	_ =	strace $0x90000047  }
0x109: {  	s0 =	stileid.u32;
	[bflag:$0x2] =	sbarrier.arrive $0xFFFF  }
0x10a: {  	p0 =	sne.s32 s0, $0x0;
	s0 =	rddreg [dreg:$0x3]  }
0x10b: {  	s0 =	sadd.s32 @!p0 $0x100000, s0  }
0x10c: {  	[sflag:s0] =	ssyncadd.tile.s32 @!p0 $0x1;
	_ =	shalt  }
.Lfunc_end2:
_tile_overlayer_lowered:
.L_overlay_start_2:
0x10d: {  	(tag) =	ssettag $0x2  }
0x10e: {  	s0 =	rddreg [dreg:$0x0];
	s2 =	stileid.u32  }
0x10f: {  	s1 =	rddreg [dreg:$0x1];
	p0 =	sne.s32 s2, $0x0  }
0x110: {  	s3 =	rddreg [dreg:$0x2];
	[bflag:$0x3] =	sbarrier.arrive $0xFFFF;
	s2 =	simm.s32 @!p0 $0x1C0B  }
0x111: {  	[timem:s3], [sflag:s2] =	dma.local @!p0 [hbm:s0], s1  }
0x112: {  	s0 =	simm.s32 @!p0 $0xB  }
0x113: {  	_ =	swait.ge @!p0 [sflag:s0], s1  }
0x114: {  	s1 =	ssub.s32 @!p0 $0x0, s1;
	[sflag:s0] =	ssyncset.done @!p0 $0x0  }
0x115: {  	[sflag:s0] =	ssyncadd.s32 @!p0 s1  }
0x116: {  	[bflag:$0x3] =	sbarrier.arrive $0xFFFF  }
0x117: {  	_ =	shalt  }

// kernel: kernel.16.cloned.1.call-start
scs
__scs_entry_jumppad:
0x0: {  	(pc) =	sbr.rel $0x88, $3  }
0x1: {  	(tag) =	ssettag $0x0;
	lr =	simm.s32 $0x1  }
0x2: {  	[smem:$0x3F8A] =	sst lr;
	_ =	strace $0xD0000000  }
0x3: {  	_ = 	snop  }
0x4: {  	_ = 	snop  }
0x5: {  	_ = 	snop  }
0x6: {  	_ = 	snop  }
0x7: {  	_ = 	snop  }
__scs_overlays_trampoline_lowered:
0x8: {  	[smem:$0x3F99] =	sst s0  }
0x9: {  	[smem:$0x3F9A] =	sst s1  }
0xa: {  	[smem:$0x3F9B] =	sst s2  }
0xb: {  	[smem:$0x3F9C] =	sst s3  }
0xc: {  	[smem:$0x3F9D] =	sst s4  }
0xd: {  	[smem:$0x3F9E] =	sst s5  }
0xe: {  	[smem:$0x3F9F] =	sst s6  }
0xf: {  	[smem:$0x3FA0] =	sst s7  }
0x10: {  	[smem:$0x3FA1] =	sst s8  }
0x11: {  	[smem:$0x3FA2] =	sst s9;
	s0 =	simm.s32 @!p0 $0x0  }
0x12: {  	s1 =	sld [smem:$0x3F88];
	s0 =	simm.s32 @p0 $0x1  }
0x13: {  	[smem:$0x3FA3] =	sst s0;
	s0 =	simm.s32 @!p1 $0x0  }
0x14: {  	s2 =	sld [smem:$0x3F87];
	s0 =	simm.s32 @p1 $0x1  }
0x15: {  	[smem:$0x3FA4] =	sst s0;
	s0 =	simm.s32 @!p2 $0x0  }
0x16: {  	s3 =	sld [smem:$0x3FDB];
	s0 =	simm.s32 @p2 $0x1  }
0x17: {  	s4 =	simm.s32 $0x1BF5;
	[smem:$0x3FA6] =	sst s0  }
0x18: {  	s0 =	sld [smem:$0x3F89];
	_ =	swait.ge [sflag:s4], $0x0  }
0x19: {  	s7 =	sld [smem:$0x3F8A]  }
0x1a: {  	s8 =	sadd.s32 $0xFFFFE003, lr  }
0x1b: {  	s9 =	sadd.s32 $0xFFFFFEF7, lr;
	s5 =	simm.s32 $0xFFFFFFFF;
	p2 =	slt.u32 s8, $0xFFFFF086  }
0x1c: {  	p1 =	slt.u32 s9, $0xF7A;
	s5 =	simm.s32 @!p2 $0x0  }
0x1d: {  	s5 =	simm.s32 @p1 $0x1;
	p0 =	seq.s32 s7, s2  }
0x1e: {  	s7 =	smul.u32 @!p0 $0xF7A, s2;
	p2 =	seq.s32 @!p0 s5, $0x0  }
0x1f: {  	s9 =	smul.u32 $0xF7A, s1;
	s8 =	simm.s32 @!p0 $0x1BF5;
	p2 =	por !p2, p0  }
0x20: {  	[sflag:s8] =	ssyncset.s32 @!p0 $0xFFFFF086;
	s6 =	sadd.s32 @!p0 s3, s7;
	s7 =	simm.s32 @!p0 $0x108  }
0x21: {  	s3 =	sadd.s32 s3, s9;
	s6 =	sadd.s32 @!p0 $0x88, s6;
	s7 =	simm.s32 @p2 $0x1082  }
0x22: {  	[simem:s7], [sflag:s8] =	dma.local @!p0 [hbm:s6], $0xF7A  }
0x23: {  	s9 =	sor.u32 $0xD0000000, s2;
	s6 =	simm.s32 $0x108;
	_ =	swait.ge @!p0 [sflag:s8], $0x0  }
0x24: {  	s3 =	sadd.s32 $0x88, s3;
	s6 =	simm.s32 @!p1 $0x1082;
	[sflag:s4] =	ssyncset.s32 $0xFFFFF086  }
0x25: {  	[simem:s6], [sflag:s4] =	dma.local [hbm:s3], $0xF7A  }
0x26: {  	[smem:$0x3F8A] =	sst s1;
	(tag) =	ssettag s2;
	_ =	strace s9  }
0x27: {  	s1 =	sld [smem:$0x3F9A]  }
0x28: {  	s2 =	sld [smem:$0x3F9B]  }
0x29: {  	s4 =	sld [smem:$0x3F9D]  }
0x2a: {  	p0 =	seq.s32 s5, $0x0;
	s5 =	sld [smem:$0x3F9E]  }
0x2b: {  	s6 =	sld [smem:$0x3F9F]  }
0x2c: {  	s7 =	sld [smem:$0x3FA0]  }
0x2d: {  	s3 =	simm.s32 $0x108;
	s8 =	sld [smem:$0x3FA1]  }
0x2e: {  	s3 =	simm.s32 @!p0 $0x1082;
	s9 =	sld [smem:$0x3FA2]  }
0x2f: {  	lr =	sadd.s32 s0, s3;
	s0 =	sld [smem:$0x3F99]  }
0x30: {  	s3 =	sld [smem:$0x3F9C]  }
0x31: {  	[smem:$0x3FA5] =	sst s10  }
0x32: {  	s10 =	sld [smem:$0x3FA3];
	_ =	sdelay $0x3  }
0x33: {  	p0 =	seq.s32 s10, $0x1;
	s10 =	sld [smem:$0x3FA5];
	_ =	sdelay $0x3  }
0x34: {  	[smem:$0x3FA5] =	sst s10  }
0x35: {  	s10 =	sld [smem:$0x3FA4];
	_ =	sdelay $0x3  }
0x36: {  	p1 =	seq.s32 s10, $0x1;
	s10 =	sld [smem:$0x3FA5];
	_ =	sdelay $0x3  }
0x37: {  	[smem:$0x3FA5] =	sst s10  }
0x38: {  	s10 =	sld [smem:$0x3FA6]  }
0x39: {  	_ = 	snop;
	(pc) =	sbr.ind lr, $3  }
0x3a: {  	_ = 	snop  }
0x3b: {  	_ = 	snop  }
0x3c: {  	p2 =	seq.s32 s10, $0x1;
	s10 =	sld [smem:$0x3FA5]  }
0x3d: {  	_ =	shalt  }
0x3e: {  	_ =	shalt  }
0x3f: {  	_ =	shalt  }
0x40: {  	_ =	shalt  }
0x41: {  	_ =	shalt  }
0x42: {  	_ =	shalt  }
0x43: {  	_ =	shalt  }
0x44: {  	_ =	shalt  }
0x45: {  	_ =	shalt  }
0x46: {  	_ =	shalt  }
0x47: {  	_ =	shalt  }
0x48: {  	_ =	shalt  }
0x49: {  	_ =	shalt  }
0x4a: {  	_ =	shalt  }
0x4b: {  	_ =	shalt  }
0x4c: {  	_ =	shalt  }
0x4d: {  	_ =	shalt  }
0x4e: {  	_ =	shalt  }
0x4f: {  	_ =	shalt  }
0x50: {  	_ =	shalt  }
0x51: {  	_ =	shalt  }
0x52: {  	_ =	shalt  }
0x53: {  	_ =	shalt  }
0x54: {  	_ =	shalt  }
0x55: {  	_ =	shalt  }
0x56: {  	_ =	shalt  }
0x57: {  	_ =	shalt  }
0x58: {  	_ =	shalt  }
0x59: {  	_ =	shalt  }
0x5a: {  	_ =	shalt  }
0x5b: {  	_ =	shalt  }
0x5c: {  	_ =	shalt  }
0x5d: {  	_ =	shalt  }
0x5e: {  	_ =	shalt  }
0x5f: {  	_ =	shalt  }
0x60: {  	_ =	shalt  }
0x61: {  	_ =	shalt  }
0x62: {  	_ =	shalt  }
0x63: {  	_ =	shalt  }
0x64: {  	_ =	shalt  }
0x65: {  	_ =	shalt  }
0x66: {  	_ =	shalt  }
0x67: {  	_ =	shalt  }
0x68: {  	_ =	shalt  }
0x69: {  	_ =	shalt  }
0x6a: {  	_ =	shalt  }
0x6b: {  	_ =	shalt  }
0x6c: {  	_ =	shalt  }
0x6d: {  	_ =	shalt  }
0x6e: {  	_ =	shalt  }
0x6f: {  	_ =	shalt  }
0x70: {  	_ =	shalt  }
0x71: {  	_ =	shalt  }
0x72: {  	_ =	shalt  }
0x73: {  	_ =	shalt  }
0x74: {  	_ =	shalt  }
0x75: {  	_ =	shalt  }
0x76: {  	_ =	shalt  }
0x77: {  	_ =	shalt  }
0x78: {  	_ =	shalt  }
0x79: {  	_ =	shalt  }
0x7a: {  	_ =	shalt  }
0x7b: {  	_ =	shalt  }
0x7c: {  	_ =	shalt  }
0x7d: {  	_ =	shalt  }
0x7e: {  	_ =	shalt  }
0x7f: {  	_ =	shalt  }
0x80: {  	_ =	shalt  }
0x81: {  	_ =	shalt  }
0x82: {  	_ =	shalt  }
0x83: {  	_ =	shalt  }
0x84: {  	_ =	shalt  }
0x85: {  	_ =	shalt  }
0x86: {  	_ =	shalt  }
0x87: {  	_ =	shalt  }
.Lfunc_end0:
.L_simem_size_0:
called_computation.1_lowered:
.L_overlay_start_0:
0x88: {  	s2 =	sld [smem:$0x3FD9]  }
0x89: {  	s3 =	sld [smem:$0x3FFE];
	_ =	sdelay $0x1  }
0x8a: {  	s1 =	srdreg.scid  }
0x8b: {  	s0 =	sand.u32 $0x1, s1  }
0x8c: {  	s14 =	sshll.u32 s0, $0xA;
	s2 =	sadd.s32 s3, s2  }
0x8d: {  	s2 =	sadd.s32 s2, s14  }
0x8e: {  	[smem:$0x3FB1] =	sst s2  }
0x8f: {  	_ = 	snop  }
0x90: {  	s2 =	sld [smem:$0x3FD0];
	_ =	sdelay $0x2  }
0x91: {  	s15 =	simm.s32 $0xA;
	s4 =	simm.s32 $0x10  }
0x92: {  	[smem:s4], [sflag:s15] =	dma.local [hbm:s2], $0x1  }
0x93: {  	_ =	swait.eq [sflag:s15], $0x1  }
0x94: {  	[sflag:s15] =	ssyncset.done $0x0  }
0x95: {  	[sflag:s15] =	ssyncadd.s32 $0xFFFFFFFF  }
0x96: {  	s16 =	sld [smem:$0x10];
	(tm) =	ssettm $0x1  }
0x97: {  	s17 =	sld [smem:$0x3FFB];
	_ =	sdelay $0x3  }
0x98: {  	_ =	strace s17  }
0x99: {  	s3 =	sld [smem:$0x3FFC];
	_ =	sdelay $0x3  }
0x9a: {  	_ =	strace s3  }
0x9b: {  	s3 =	sld [smem:$0x3FFD];
	_ =	sdelay $0x3  }
0x9c: {  	_ =	strace s3  }
0x9d: {  	_ =	strace $0x8FFFFFFF  }
0x9e: {  	s18 =	sld [smem:$0x3FDB];
	_ =	sdelay $0x1  }
0x9f: {  	s19 =	simm.s32 $_scs_section_size  }
0xa0: {  	s5 =	simm.s32 $_size__tile_overlayer_lowered;
	s6 =	simm.s32 $_tile_overlayer_lowered  }
0xa1: {  	s22 =	simm.s32 $0x1BFF;
	s21 =	sshll.u32 s6, $0x1;
	s3 =	sadd.s32 s19, s18  }
0xa2: {  	s7 =	simm.s32 $0x0;
	s20 =	sshll.u32 s5, $0x1;
	s5 =	sadd.s32 s21, s3  }
0xa3: {  	[timem:s7], [sflag:s22] =	dma.local [hbm:s5], s20  }
0xa4: {  	_ =	swait.ge [sflag:s22], s20  }
0xa5: {  	s4 =	ssub.s32 $0x0, s20;
	[sflag:s22] =	ssyncset.done $0x0  }
0xa6: {  	[sflag:s22] =	ssyncadd.s32 s4;
	_ =	sdelay $0x1  }
0xa7: {  	s23 =	simm.s32 $0x1B8B  }
0xa8: {  	_ =	swait.ge [sflag:s23], $0x1  }
0xa9: {  	[sflag:s23] =	ssyncset.done $0x0  }
0xaa: {  	s25 =	simm.s32 $0x1B8E;
	s24 =	sld [smem:$0x3FFE];
	[sflag:s23] =	ssyncadd.s32 $0xFFFFFFFF  }
0xab: {  	s26 =	simm.s32 $execute0_lowered;
	[smem:$0x3FD2] =	sst s25  }
0xac: {  	s5 =	sshll.u32 s26, $0x1;
	_ =	strace $0x80000049;
	[dreg:$0x1] =	wrdreg $0xFFFFFFFF  }
0xad: {  	s28 =	simm.s32 $_size_execute0_lowered;
	s3 =	sadd.s32 s3, s5;
	[dreg:$0x0] =	wrdreg $0x0  }
0xae: {  	s5 =	sshll.u32 s28, $0x1;
	[dreg:$0x2] =	wrdreg s3  }
0xaf: {  	[dreg:$0x3] =	wrdreg s5  }
0xb0: {  	[dreg:$0x4] =	wrdreg $0xC0  }
0xb1: {  	_ =	task [dreg:s7], $0x5FFFF  }
0xb2: {  	[dreg:$0x1] =	wrdreg $0xFFFFFFFF  }
0xb3: {  	[dreg:$0x0] =	wrdreg $0x60  }
0xb4: {  	[dreg:$0x2] =	wrdreg s16  }
0xb5: {  	[dreg:$0x3] =	wrdreg s24  }
0xb6: {  	[dreg:$0x4] =	wrdreg $0xA2000  }
0xb7: {  	[dreg:$0x5] =	wrdreg $0x9  }
0xb8: {  	_ =	task.clear_ibuf [dreg:s7], $0x6FFFF;
	_ =	strace $0x90000049  }
0xb9: {  	s29 =	simm.s32 $0x9;
	_ =	strace $0x8000004B  }
0xba: {  	_ =	swait.ge [sflag:s29], $0x1  }
0xbb: {  	[sflag:s29] =	ssyncadd.s32 $0xFFFFFFFF  }
0xbc: {  	_ =	strace $0x9000004B  }
0xbd: {  	_ =	sfence  }
0xbe: {  	s30 =	sld [smem:$0x0];
	_ =	sdelay $0x2  }
0xbf: {  	s31 =	sshll.u32 s1, $0xD;
	s1 =	sshrl.u32 s1, $0x2  }
0xc0: {  	s3 =	sand.u32 $0x4000, s31;
	s1 =	sadd.s32 s1, s30  }
0xc1: {  	s0 =	sor.u32 s3, s0;
	s1 =	sshll.u32 s1, $0x11  }
0xc2: {  	s0 =	sor.u32 s1, s0  }
0xc3: {  	s0 =	sadd.s32 $0x8F2B, s0  }
0xc4: {  	[sflag:s0] =	ssyncadd.remote.s32 $0x1  }
0xc5: {  	_ =	sfence.sel $0xFFFF  }
0xc6: {  	[dreg:$0x0] =	wrdreg $0xFFFFFFFF;
	(pc) =	sbr.abs _section_cstart, $3  }
0xc7: {  	[dreg:$0x1] =	wrdreg $0xFFFFFFFF  }
0xc8: {  	_ =	task.clear_ibuf [dreg:s7], $0x2FFFF;
	_ =	strace $0x9FFFFFFF  }
0xc9: {  	(tm) =	ssettm $0x7FFFFFFF  }
tec
execute0_lowered:
.L_overlay_start_1:
0x0: {  	(tag) =	ssettag $0x1  }
0x1: {  	s1 =	rddreg [dreg:$0x0]  }
0x2: {  	s0 =	rddreg [dreg:$0x1]  }
0x3: {  	s2 =	rddreg [dreg:$0x2];
	s4 =	simm.s32 $0x0  }
0x4: {  	s13 =	stileid.u32;
	s3 =	srdreg.scid;
	s18 =	simm.s32 $0xB  }
0x5: {  	s28 =	simm.s32 $0x2A00;
	s29 =	simm.s32 $0x7A00;
	s30 =	simm.s32 $0x5  }
0x6: {  	s31 =	simm.s32 $0x7;
	[smem:$0x7FF] =	sst s4;
	s5 =	sadd.s32 $0xA56600, s0  }
0x7: {  	s8 =	smul.u32 $0x13800, s13;
	s3 =	sand.u32 $0x1, s3;
	s6 =	sadd.s32 $0x4F4C00, s0  }
0x8: {  	s7 =	sadd.s32 $0x4EAE00, s0;
	s12 =	smul.u32 $0x4E000, s13;
	s26 =	sshll.u32 s13, $0x6  }
0x9: {  	_ =	strace $0x8000004A;
	s9 =	smul.u32 $0x138800, s3;
	s11 =	sshll.u32 s3, $0x4  }
0xa: {  	s3 =	ssub.s32 $0x2, s3;
	s10 =	sshrl.u32 s8, $0x3;
	s19 =	sor.u32 s13, s11  }
0xb: {  	s21 =	sshrl.u32 s3, $0x1;
	s24 =	sshrl.u32 s12, $0x2;
	s12 =	simm.s32 $0x0  }
0xc: {  	s10 =	sadd.s32 s10, s0;
	s8 =	sadd.s32 s8, s9;
	s9 =	smul.u32 $0x27100, s19  }
0xd: {  	s3 =	ssub.s32 s3, s21;
	s21 =	simm.s32 $0x50;
	s20 =	sshrl.u32 s8, $0x3  }
0xe: {  	s8 =	smul.u32 $0x2710, s19;
	s10 =	sadd.s32 $0x9E0A00, s10;
	s25 =	smax.u32 s3, $0x1  }
0xf: {  	s19 =	simm.s32 $0x100;
	s3 =	simm.s32 $0x9;
	[dreg:$0x8] =	wrdreg s10  }
0x10: {  	s0 =	sadd.s32 s20, s0;
	s9 =	sadd.s32 s5, s9;
	[dreg:$0xb] =	wrdreg s25  }
0x11: {  	s25 =	simm.s32 $0x2;
	s20 =	simm.s32 $0x6;
	s10 =	simm.s32 $0x8  }
0x12: {  	s22 =	sshrl.u32 s8, $0x3;
	[dreg:$0x6] =	wrdreg s9;
	s9 =	sadd.s32 s24, s2  }
0x13: {  	s15 =	sadd.s32 $0xF0, s8;
	s0 =	sadd.s32 $0xA07C00, s0;
	[dreg:$0x9] =	wrdreg s9  }
.Ltmp0:
0x14: {  	s11 =	sadd.s32 s7, s22;
	[dreg:$0xa] =	wrdreg s0;
	(pc) =	sbr.rel .LBB2_1-.Ltmp0, $4  }
0x15: {  	s14 =	sadd.s32 s6, s22;
	s22 =	simm.s32 $0x5200;
	[dreg:$0x5] =	wrdreg s11  }
0x16: {  	s0 =	simm.s32 $0x3;
	[dreg:$0x4] =	wrdreg s14;
	s23 =	sadd.s32 $0xA, s14  }
0x17: {  	s14 =	sor.u32 $0x1C0B, s26;
	s26 =	simm.s32 $0x180;
	[dreg:$0x7] =	wrdreg s23  }
0x18: {  	s11 =	simm.s32 $0x4;
	s23 =	simm.s32 $0x80;
	[dreg:$0xc] =	wrdreg s14  }
.LBB2_11:
0x19: {  	_ =	swait.ge [sflag:s3], $0x2800  }
0x1a: {  	[sflag:s3] =	ssyncset.done $0x0  }
0x1b: {  	[sflag:s3] =	ssyncadd.s32 $0xFFFFD800  }
0x1c: {  	[bflag:$0x0] =	sbarrier.arrive $0xFFFF  }
0x1d: {  	s9 =	rddreg [dreg:$0xa]  }
0x1e: {  	s14 =	rddreg [dreg:$0xc]  }
0x1f: {  	s13 =	rddreg [dreg:$0xd]  }
0x20: {  	[hbm:s9], [sflag:s14] =	dma.local [spmem:s13], $0x2800  }
0x21: {  	_ =	swait.ge [sflag:s18], $0x2800  }
0x22: {  	s12 =	sadd.s32 $0x1, s12;
	s24 =	rddreg [dreg:$0xb]  }
0x23: {  	p0 =	sne.s32 s12, s24  }
.Ltmp1:
0x24: {  	_ = 	snop;
	(pc) =	sbr.rel @!p0 .LBB2_12-.Ltmp1, $3  }
0x25: {  	_ =	sdelay $0x1  }
0x26: {  	[sflag:s18] =	ssyncset.done $0x0  }
0x27: {  	[sflag:s18] =	ssyncadd.s32 $0xFFFFD800  }
.LBB2_1:
0x28: {  	s9 =	rddreg [dreg:$0x4]  }
0x29: {  	[tilespmem:s4], [sflag:$0xB] =	stream.linear.gather [hbm4b:s9+s4], $0x50, $0x38;
	[tilespmem:$0x1DA80] =	vst v63  }
0x2a: {  	_ =	swait.ge [sflag:s18], $0x50  }
0x2b: {  	[sflag:s18] =	ssyncset.done $0x0;
	s17 =	rddreg [dreg:$0x5]  }
0x2c: {  	s16 =	rddreg [dreg:$0x9];
	[sflag:s18] =	ssyncadd.s32 $0xFFFFFFB0  }
0x2d: {  	[tilespmem:s19], [sflag:$0x3] =	stream.linear.gather [hbm4b:s17+s4], $0x50, $0x38;
	[tilespmem:$0x1DA80] =	vst v63  }
0x2e: {  	s24 =	rddreg [dreg:$0x6];
	s17 =	sshrl.u32 s16, $0x3  }
0x2f: {  	s13 =	simm.s32 $0x200;
	[dreg:$0xd] =	wrdreg s17  }
0x30: {  	[tilespmem:s13], [sflag:$0x5] =	stream.linear.gather [hbm4b:s24+s4], $0x2800, $0x38;
	[tilespmem:$0x1DA80] =	vst v63  }
0x31: {  	s13 =	rddreg [dreg:$0x7]  }
0x32: {  	[tilespmem:s22], [sflag:$0x7] =	stream.indirect.gather [hbm4b:s1+s21], $0x80, s4, s21, $0xb8;
	[tilespmem:$0x1DA80] =	vst v63  }
0x33: {  	s24 =	rddreg [dreg:$0x8]  }
0x34: {  	[tilespmem:s23], [sflag:$0x2] =	stream.linear.gather [hbm4b:s13+s4], $0x50, $0x38;
	[tilespmem:$0x1DA80] =	vst v63  }
0x35: {  	[spmem:s17], [sflag:s14] =	dma.local [hbm:s24], $0x2800  }
.Ltmp2:
0x36: {  	_ =	swait.ge [sflag:s18], $0x2800;
	(pc) =	sbr.rel .LBB2_2-.Ltmp2, $4  }
0x37: {  	[sflag:s18] =	ssyncset.done $0x0  }
0x38: {  	[sflag:s18] =	ssyncadd.s32 $0xFFFFD800  }
0x39: {  	[bflag:$0x0] =	sbarrier.arrive $0xFFFF  }
0x3a: {  	s14 =	simm.s32 $0x0  }
.LBB2_10:
0x3b: {  	s14 =	sadd.s32 $0x1, s14  }
0x3c: {  	p0 =	sne.s32 s14, $0x3F  }
.Ltmp3:
0x3d: {  	_ = 	snop;
	(pc) =	sbr.rel @!p0 .LBB2_11-.Ltmp3, $1  }
0x3e: {  	_ =	sdelay $0x3  }
.LBB2_2:
0x3f: {  	s9 =	sshll.u32 s14, $0x1;
	p0 =	seq.s32 s14, $0x0  }
0x40: {  	s16 =	sor.u32 @!p0 $0x1, s9  }
0x41: {  	p1 =	sgt.u32 @!p0 s16, $0x7C  }
0x42: {  	p2 =	por p0, !p1  }
.Ltmp4:
0x43: {  	_ = 	snop;
	(pc) =	sbr.rel @!p2 .LBB2_4-.Ltmp4, $4  }
0x44: {  	s17 =	simm.s32 @!p0 $0xA  }
0x45: {  	_ =	swait.ge @!p0 [sflag:s17], $0x2800  }
0x46: {  	[sflag:s17] =	ssyncset.done @!p0 $0x0  }
0x47: {  	p1 =	por @!p0 $0x0, $0x0;
	[sflag:s17] =	ssyncadd.s32 @!p0 $0xFFFFD800  }
0x48: {  	s16 =	simm.s32 @p0 $0x1  }
0x49: {  	s16 =	smul.u32 $0x50, s16;
	_ =	sdelay $0x1  }
0x4a: {  	_ =	swait.ge [sflag:s25], $0x50;
	s16 =	sadd.s32 s8, s16  }
0x4b: {  	[sflag:s25] =	ssyncset.done $0x0;
	s17 =	sshrl.u32 s16, $0x3  }
0x4c: {  	[sflag:s25] =	ssyncadd.s32 $0xFFFFFFB0;
	s16 =	sshll.u32 s16, $0x4;
	s17 =	sadd.s32 s7, s17  }
0x4d: {  	[tilespmem:s26], [sflag:$0x4] =	stream.linear.gather [hbm4b:s17+s4], $0x50, $0x38;
	[tilespmem:$0x1DA80] =	vst v63  }
0x4e: {  	s16 =	sadd.s32 s5, s16  }
0x4f: {  	[tilespmem:s28], [sflag:$0x6] =	stream.linear.gather [hbm4b:s16+s4], $0x2800, $0x38;
	[tilespmem:$0x1DA80] =	vst v63  }
0x50: {  	p1 =	por $0x1, $0x1  }
0x51: {  	[tilespmem:s29], [sflag:$0x8] =	stream.indirect.gather [hbm4b:s1+s21], $0x80, s23, s21, $0xb8;
	[tilespmem:$0x1DA80] =	vst v63  }
.LBB2_4:
0x52: {  	_ =	swait.ge [sflag:s30], $0x2800;
	s9 =	sadd.s32 $0x2, s9;
	p0 =	seq.s32 s14, $0x3E  }
0x53: {  	[sflag:s30] =	ssyncset.done $0x0;
	s9 =	smul.u32 @!p0 $0x50, s9  }
0x54: {  	[sflag:s30] =	ssyncadd.s32 $0xFFFFD800  }
0x55: {  	_ =	swait.ge [sflag:s31], $0x2800;
	s16 =	sadd.s32 @!p0 s8, s9  }
0x56: {  	[sflag:s31] =	ssyncset.done $0x0;
	s17 =	sshrl.u32 @!p0 s16, $0x3  }
0x57: {  	s24 =	simm.s32 @!p0 $0x0;
	[sflag:s31] =	ssyncadd.s32 $0xFFFFD800;
	s9 =	sadd.s32 @!p0 s6, s17  }
0x58: {  	[tilespmem:s24], [sflag:$0x1] =	stream.linear.gather @!p0 [hbm4b:s9+s24], $0x50, $0x38;
	[tilespmem:$0x1DA80] =	vst v63  }
0x59: {  	s9 =	simm.s32 $0xF0  }
0x5a: {  	v6 =	vld [tilespmem:s9+$0x110]  }
0x5b: {  	v7 =	vld [tilespmem:s9+$0x120]  }
0x5c: {  	v8 =	vld [tilespmem:s9+$0x130]  }
0x5d: {  	v9 =	vld [tilespmem:s9+$0x140]  }
0x5e: {  	v10 =	vld [tilespmem:s9+$0x150]  }
0x5f: {  	v11 =	vld [tilespmem:s9+$0x160]  }
0x60: {  	v12 =	vld [tilespmem:s9+$0x170]  }
0x61: {  	v13 =	vld [tilespmem:s9+$0x180]  }
0x62: {  	v14 =	vld [tilespmem:s9+$0x190]  }
0x63: {  	v15 =	vld [tilespmem:s9+$0x1A0]  }
0x64: {  	v5 =	vld [tilespmem:s9+$0x1B0]  }
0x65: {  	v4 =	vld [tilespmem:s9+$0x1C0]  }
0x66: {  	v3 =	vld [tilespmem:s9+$0x1D0]  }
0x67: {  	v16 =	vld [tilespmem:s9+$0x5110]  }
0x68: {  	v17 =	vld [tilespmem:s9+$0x5120]  }
0x69: {  	v2 =	vld [tilespmem:s9+$0x1E0]  }
0x6a: {  	v18 =	vld [tilespmem:s9+$0x5130]  }
0x6b: {  	v19 =	vld [tilespmem:s9+$0x5140]  }
0x6c: {  	v1 =	vld [tilespmem:s9+$0x1F0];
	v6 =	vadd.f32 v6, v16  }
0x6d: {  	v20 =	vld [tilespmem:s9+$0x5150];
	v7 =	vadd.f32 v7, v17  }
0x6e: {  	v60 =	vld [tilespmem:s9+$0x5160];
	v6 =	vmax.f32 v6, $0.0e+00  }
0x6f: {  	v0 =	vld [tilespmem:s9+$0x200];
	v7 =	vmax.f32 v7, $0.0e+00;
	[tilespmem:s9+$0x5110] =	vst v6;
	v6 =	vadd.f32 v8, v18  }
0x70: {  	v21 =	vld [tilespmem:s9+$0x5170];
	[tilespmem:s9+$0x5120] =	vst v7;
	v7 =	vadd.f32 v9, v19  }
0x71: {  	v61 =	vld [tilespmem:s9+$0x5180];
	v6 =	vmax.f32 v6, $0.0e+00  }
0x72: {  	v62 =	vld [tilespmem:s9+$0x5190];
	v8 =	vmax.f32 v7, $0.0e+00;
	[tilespmem:s9+$0x5130] =	vst v6;
	v6 =	vadd.f32 v10, v20  }
0x73: {  	v63 =	vld [tilespmem:s9+$0x51A0];
	[tilespmem:s9+$0x5140] =	vst v8;
	v8 =	vadd.f32 v11, v60  }
0x74: {  	v7 =	vld [tilespmem:s9+$0x51B0];
	v9 =	vmax.f32 v6, $0.0e+00  }
0x75: {  	v6 =	vld [tilespmem:s9+$0x51C0];
	v10 =	vmax.f32 v8, $0.0e+00;
	[tilespmem:s9+$0x5150] =	vst v9;
	v9 =	vadd.f32 v12, v21  }
0x76: {  	v8 =	vld [tilespmem:s9+$0x51D0];
	[tilespmem:s9+$0x5160] =	vst v10;
	v10 =	vadd.f32 v13, v61  }
0x77: {  	v12 =	vadd.f32 v14, v62;
	v11 =	vmax.f32 v9, $0.0e+00;
	v9 =	vld [tilespmem:s9+$0x51E0]  }
0x78: {  	s24 =	simm.s32 $0x7C0;
	v13 =	vmax.f32 v10, $0.0e+00;
	v10 =	vld [tilespmem:s9+$0x51F0];
	[tilespmem:s9+$0x5170] =	vst v11;
	v11 =	vadd.f32 v15, v63  }
.LBB2_5:
0x79: {  	s13 =	sshra.s32 s24, $0x2;
	p2 =	sne.s32 s24, $0x9FC0;
	[tilespmem:s9+$0x5180] =	vst v13;
	v12 =	vmax.f32 v12, $0.0e+00;
	v5 =	vadd.f32 v5, v7;
	v7 =	vld [tilespmem:s9+$0x5200]  }
0x7a: {  	v13 =	vld [tilespmem:s13+$0x110];
	[tilespmem:s9+$0x5190] =	vst v12;
	v11 =	vmax.f32 v11, $0.0e+00;
	v4 =	vadd.f32 v4, v6  }
0x7b: {  	v6 =	vld [tilespmem:s13+$0x120];
	[tilespmem:s9+$0x51A0] =	vst v11;
	v5 =	vmax.f32 v5, $0.0e+00;
	v3 =	vadd.f32 v3, v8  }
0x7c: {  	v8 =	vld [tilespmem:s13+$0x130];
	[tilespmem:s9+$0x51B0] =	vst v5;
	v4 =	vmax.f32 v4, $0.0e+00;
	v2 =	vadd.f32 v2, v9  }
0x7d: {  	v9 =	vld [tilespmem:s13+$0x140];
	[tilespmem:s9+$0x51C0] =	vst v4;
	v3 =	vmax.f32 v3, $0.0e+00;
	v1 =	vadd.f32 v1, v10  }
0x7e: {  	v10 =	vld [tilespmem:s13+$0x150];
	[tilespmem:s9+$0x51D0] =	vst v3;
	v2 =	vmax.f32 v2, $0.0e+00;
	v0 =	vadd.f32 v0, v7  }
0x7f: {  	v7 =	vld [tilespmem:s13+$0x160];
	[tilespmem:s9+$0x51E0] =	vst v2;
	v1 =	vmax.f32 v1, $0.0e+00  }
0x80: {  	v11 =	vld [tilespmem:s13+$0x170];
	[tilespmem:s9+$0x51F0] =	vst v1;
	v0 =	vmax.f32 v0, $0.0e+00  }
0x81: {  	v12 =	vld [tilespmem:s13+$0x180];
	[tilespmem:s9+$0x5200] =	vst v0;
	s9 =	smov.u32 s13  }
0x82: {  	v14 =	vld [tilespmem:s9+$0x190]  }
0x83: {  	v15 =	vld [tilespmem:s9+$0x1A0]  }
0x84: {  	v5 =	vld [tilespmem:s9+$0x1B0]  }
0x85: {  	v4 =	vld [tilespmem:s9+$0x1C0]  }
0x86: {  	v3 =	vld [tilespmem:s9+$0x1D0]  }
0x87: {  	v2 =	vld [tilespmem:s9+$0x1E0]  }
0x88: {  	v1 =	vld [tilespmem:s9+$0x1F0]  }
0x89: {  	v0 =	vld [tilespmem:s9+$0x200]  }
0x8a: {  	v16 =	vld [tilespmem:s9+$0x5110]  }
0x8b: {  	v17 =	vld [tilespmem:s9+$0x5120]  }
0x8c: {  	v18 =	vld [tilespmem:s9+$0x5130]  }
0x8d: {  	v19 =	vld [tilespmem:s9+$0x5140]  }
0x8e: {  	v20 =	vld [tilespmem:s9+$0x5150]  }
0x8f: {  	v13 =	vadd.f32 v13, v16;
	v16 =	vld [tilespmem:s9+$0x5160]  }
0x90: {  	v6 =	vadd.f32 v6, v17;
	v17 =	vld [tilespmem:s9+$0x5170]  }
0x91: {  	v13 =	vmax.f32 v13, $0.0e+00;
	v8 =	vadd.f32 v8, v18;
	v18 =	vld [tilespmem:s9+$0x5180]  }
0x92: {  	[tilespmem:s9+$0x5110] =	vst v13;
	v6 =	vmax.f32 v6, $0.0e+00;
	v9 =	vadd.f32 v9, v19;
	v13 =	vld [tilespmem:s9+$0x5190]  }
0x93: {  	[tilespmem:s9+$0x5120] =	vst v6;
	v6 =	vmax.f32 v8, $0.0e+00;
	v8 =	vadd.f32 v10, v20;
	v10 =	vld [tilespmem:s9+$0x51A0]  }
.Ltmp5:
0x94: {  	[tilespmem:s9+$0x5130] =	vst v6;
	v6 =	vmax.f32 v9, $0.0e+00;
	v9 =	vadd.f32 v7, v16;
	v7 =	vld [tilespmem:s9+$0x51B0];
	(pc) =	sbr.rel @p2 .LBB2_5-.Ltmp5, $4  }
0x95: {  	[tilespmem:s9+$0x5140] =	vst v6;
	v8 =	vmax.f32 v8, $0.0e+00;
	v11 =	vadd.f32 v11, v17;
	v6 =	vld [tilespmem:s9+$0x51C0]  }
0x96: {  	[tilespmem:s9+$0x5150] =	vst v8;
	v9 =	vmax.f32 v9, $0.0e+00;
	v16 =	vadd.f32 v12, v18;
	v8 =	vld [tilespmem:s9+$0x51D0]  }
0x97: {  	[tilespmem:s9+$0x5160] =	vst v9;
	v11 =	vmax.f32 v11, $0.0e+00;
	v12 =	vadd.f32 v14, v13;
	v9 =	vld [tilespmem:s9+$0x51E0]  }
0x98: {  	s24 =	sadd.s32 $0x400, s24;
	[tilespmem:s9+$0x5170] =	vst v11;
	v13 =	vmax.f32 v16, $0.0e+00;
	v11 =	vadd.f32 v15, v10;
	v10 =	vld [tilespmem:s9+$0x51F0]  }
0x99: {  	[tilespmem:s9+$0x5180] =	vst v13;
	v12 =	vmax.f32 v12, $0.0e+00;
	v5 =	vadd.f32 v5, v7;
	v63 =	vld [tilespmem:s9+$0x5200]  }
0x9a: {  	[tilespmem:s9+$0x5190] =	vst v12;
	v11 =	vmax.f32 v11, $0.0e+00;
	v4 =	vadd.f32 v4, v6  }
0x9b: {  	[tilespmem:s9+$0x51A0] =	vst v11;
	v5 =	vmax.f32 v5, $0.0e+00;
	v3 =	vadd.f32 v3, v8  }
0x9c: {  	[tilespmem:s9+$0x51B0] =	vst v5;
	v4 =	vmax.f32 v4, $0.0e+00;
	v2 =	vadd.f32 v2, v9  }
0x9d: {  	[tilespmem:s9+$0x51C0] =	vst v4;
	v3 =	vmax.f32 v3, $0.0e+00;
	v1 =	vadd.f32 v1, v10  }
0x9e: {  	[tilespmem:s9+$0x51D0] =	vst v3;
	v2 =	vmax.f32 v2, $0.0e+00;
	v0 =	vadd.f32 v0, v63  }
0x9f: {  	[tilespmem:s9+$0x51E0] =	vst v2;
	v1 =	vmax.f32 v1, $0.0e+00  }
0xa0: {  	[tilespmem:s9+$0x51F0] =	vst v1;
	v0 =	vmax.f32 v0, $0.0e+00  }
.Ltmp6:
0xa1: {  	[tilespmem:s9+$0x5200] =	vst v0;
	(pc) =	sbr.rel @!p1 .LBB2_10-.Ltmp6, $4  }
0xa2: {  	_ =	swait.ge [sflag:s0], $0x50  }
0xa3: {  	[sflag:s0] =	ssyncset.done $0x0  }
0xa4: {  	[sflag:s0] =	ssyncadd.s32 $0xFFFFFFB0  }
0xa5: {  	[spmem:s2] =	stream.indirect.scatter.add.f32 [tilespmem:s22], [sflag:$0x9], $0x80, s19, s21, $0xb8;
	[tilespmem:$0x1DA80] =	vst v63  }
0xa6: {  	_ =	swait.ge [sflag:s3], $0x2800  }
0xa7: {  	[sflag:s3] =	ssyncset.done $0x0  }
0xa8: {  	s9 =	simm.s32 @!p0 $0x1;
	[sflag:s3] =	ssyncadd.s32 $0xFFFFD800  }
0xa9: {  	_ =	swait.ge @!p0 [sflag:s9], $0x50  }
0xaa: {  	s13 =	simm.s32 @!p0 $0x0;
	[sflag:s9] =	ssyncset.done @!p0 $0x0  }
0xab: {  	[sflag:s9] =	ssyncadd.s32 @!p0 $0xFFFFFFB0;
	s9 =	sadd.s32 @!p0 s7, s17;
	s17 =	simm.s32 @!p0 $0x100  }
0xac: {  	[tilespmem:s17], [sflag:$0x3] =	stream.linear.gather @!p0 [hbm4b:s9+s13], $0x50, $0x38;
	[tilespmem:$0x1DA80] =	vst v63  }
0xad: {  	s9 =	sshll.u32 @!p0 s16, $0x4  }
0xae: {  	s16 =	simm.s32 @!p0 $0x200;
	s9 =	sadd.s32 @!p0 s5, s9  }
0xaf: {  	[tilespmem:s16], [sflag:$0x5] =	stream.linear.gather @!p0 [hbm4b:s9+s13], $0x2800, $0x38;
	[tilespmem:$0x1DA80] =	vst v63  }
0xb0: {  	s9 =	simm.s32 @!p0 $0x50;
	s16 =	simm.s32 @!p0 $0x5200  }
0xb1: {  	[tilespmem:s16], [sflag:$0x7] =	stream.indirect.gather @!p0 [hbm4b:s1+s9], $0x80, s13, s9, $0xb8;
	[tilespmem:$0x1DA80] =	vst v63  }
0xb2: {  	p0 =	sgt.u32 s14, $0x3C;
	_ =	swait.ge [sflag:s20], $0x2800  }
0xb3: {  	s9 =	smul.u32 @!p0 $0xA0, s14;
	[sflag:s20] =	ssyncset.done $0x0  }
0xb4: {  	[sflag:s20] =	ssyncadd.s32 $0xFFFFD800  }
0xb5: {  	s9 =	sadd.s32 @!p0 s9, s15;
	_ =	swait.ge [sflag:s10], $0x2800  }
0xb6: {  	s13 =	simm.s32 @!p0 $0x0;
	s9 =	sshrl.u32 @!p0 s9, $0x3;
	[sflag:s10] =	ssyncset.done $0x0  }
0xb7: {  	s16 =	simm.s32 @!p0 $0x80;
	s9 =	sadd.s32 @!p0 s6, s9;
	[sflag:s10] =	ssyncadd.s32 $0xFFFFD800  }
0xb8: {  	[tilespmem:s16], [sflag:$0x2] =	stream.linear.gather @!p0 [hbm4b:s9+s13], $0x50, $0x38;
	[tilespmem:$0x1DA80] =	vst v63  }
0xb9: {  	s9 =	simm.s32 $0x0  }
0xba: {  	v6 =	vld [tilespmem:s9+$0x2A00]  }
0xbb: {  	v7 =	vld [tilespmem:s9+$0x2A10]  }
0xbc: {  	v8 =	vld [tilespmem:s9+$0x2A20]  }
0xbd: {  	v9 =	vld [tilespmem:s9+$0x2A30]  }
0xbe: {  	v10 =	vld [tilespmem:s9+$0x2A40]  }
0xbf: {  	v11 =	vld [tilespmem:s9+$0x2A50]  }
0xc0: {  	v12 =	vld [tilespmem:s9+$0x2A60]  }
0xc1: {  	v13 =	vld [tilespmem:s9+$0x2A70]  }
0xc2: {  	v14 =	vld [tilespmem:s9+$0x2A80]  }
0xc3: {  	v15 =	vld [tilespmem:s9+$0x2A90]  }
0xc4: {  	v5 =	vld [tilespmem:s9+$0x2AA0]  }
0xc5: {  	v4 =	vld [tilespmem:s9+$0x2AB0]  }
0xc6: {  	v3 =	vld [tilespmem:s9+$0x2AC0]  }
0xc7: {  	v16 =	vld [tilespmem:s9+$0x7A00]  }
0xc8: {  	v17 =	vld [tilespmem:s9+$0x7A10]  }
0xc9: {  	v2 =	vld [tilespmem:s9+$0x2AD0]  }
0xca: {  	v18 =	vld [tilespmem:s9+$0x7A20]  }
0xcb: {  	v19 =	vld [tilespmem:s9+$0x7A30]  }
0xcc: {  	v1 =	vld [tilespmem:s9+$0x2AE0];
	v6 =	vadd.f32 v6, v16  }
0xcd: {  	v20 =	vld [tilespmem:s9+$0x7A40];
	v7 =	vadd.f32 v7, v17  }
0xce: {  	v60 =	vld [tilespmem:s9+$0x7A50];
	v6 =	vmax.f32 v6, $0.0e+00  }
0xcf: {  	v0 =	vld [tilespmem:s9+$0x2AF0];
	v7 =	vmax.f32 v7, $0.0e+00;
	[tilespmem:s9+$0x7A00] =	vst v6;
	v6 =	vadd.f32 v8, v18  }
0xd0: {  	v21 =	vld [tilespmem:s9+$0x7A60];
	[tilespmem:s9+$0x7A10] =	vst v7;
	v7 =	vadd.f32 v9, v19  }
0xd1: {  	v61 =	vld [tilespmem:s9+$0x7A70];
	v6 =	vmax.f32 v6, $0.0e+00  }
0xd2: {  	v62 =	vld [tilespmem:s9+$0x7A80];
	v8 =	vmax.f32 v7, $0.0e+00;
	[tilespmem:s9+$0x7A20] =	vst v6;
	v6 =	vadd.f32 v10, v20  }
0xd3: {  	v63 =	vld [tilespmem:s9+$0x7A90];
	[tilespmem:s9+$0x7A30] =	vst v8;
	v8 =	vadd.f32 v11, v60  }
0xd4: {  	v7 =	vld [tilespmem:s9+$0x7AA0];
	v9 =	vmax.f32 v6, $0.0e+00  }
0xd5: {  	v6 =	vld [tilespmem:s9+$0x7AB0];
	v10 =	vmax.f32 v8, $0.0e+00;
	[tilespmem:s9+$0x7A40] =	vst v9;
	v9 =	vadd.f32 v12, v21  }
0xd6: {  	v8 =	vld [tilespmem:s9+$0x7AC0];
	[tilespmem:s9+$0x7A50] =	vst v10;
	v10 =	vadd.f32 v13, v61  }
0xd7: {  	v12 =	vadd.f32 v14, v62;
	v11 =	vmax.f32 v9, $0.0e+00;
	v9 =	vld [tilespmem:s9+$0x7AD0]  }
0xd8: {  	s16 =	simm.s32 $0x400;
	v13 =	vmax.f32 v10, $0.0e+00;
	v10 =	vld [tilespmem:s9+$0x7AE0];
	[tilespmem:s9+$0x7A60] =	vst v11;
	v11 =	vadd.f32 v15, v63  }
.LBB2_8:
0xd9: {  	s13 =	sshra.s32 s16, $0x2;
	p0 =	sne.s32 s16, $0x9C00;
	[tilespmem:s9+$0x7A70] =	vst v13;
	v12 =	vmax.f32 v12, $0.0e+00;
	v5 =	vadd.f32 v5, v7;
	v7 =	vld [tilespmem:s9+$0x7AF0]  }
0xda: {  	v13 =	vld [tilespmem:s13+$0x2A00];
	[tilespmem:s9+$0x7A80] =	vst v12;
	v11 =	vmax.f32 v11, $0.0e+00;
	v4 =	vadd.f32 v4, v6  }
0xdb: {  	v6 =	vld [tilespmem:s13+$0x2A10];
	[tilespmem:s9+$0x7A90] =	vst v11;
	v5 =	vmax.f32 v5, $0.0e+00;
	v3 =	vadd.f32 v3, v8  }
0xdc: {  	v8 =	vld [tilespmem:s13+$0x2A20];
	[tilespmem:s9+$0x7AA0] =	vst v5;
	v4 =	vmax.f32 v4, $0.0e+00;
	v2 =	vadd.f32 v2, v9  }
0xdd: {  	v9 =	vld [tilespmem:s13+$0x2A30];
	[tilespmem:s9+$0x7AB0] =	vst v4;
	v3 =	vmax.f32 v3, $0.0e+00;
	v1 =	vadd.f32 v1, v10  }
0xde: {  	v10 =	vld [tilespmem:s13+$0x2A40];
	[tilespmem:s9+$0x7AC0] =	vst v3;
	v2 =	vmax.f32 v2, $0.0e+00;
	v0 =	vadd.f32 v0, v7  }
0xdf: {  	v7 =	vld [tilespmem:s13+$0x2A50];
	[tilespmem:s9+$0x7AD0] =	vst v2;
	v1 =	vmax.f32 v1, $0.0e+00  }
0xe0: {  	v11 =	vld [tilespmem:s13+$0x2A60];
	[tilespmem:s9+$0x7AE0] =	vst v1;
	v0 =	vmax.f32 v0, $0.0e+00  }
0xe1: {  	v12 =	vld [tilespmem:s13+$0x2A70];
	[tilespmem:s9+$0x7AF0] =	vst v0;
	s9 =	smov.u32 s13  }
0xe2: {  	v14 =	vld [tilespmem:s9+$0x2A80]  }
0xe3: {  	v15 =	vld [tilespmem:s9+$0x2A90]  }
0xe4: {  	v5 =	vld [tilespmem:s9+$0x2AA0]  }
0xe5: {  	v4 =	vld [tilespmem:s9+$0x2AB0]  }
0xe6: {  	v3 =	vld [tilespmem:s9+$0x2AC0]  }
0xe7: {  	v2 =	vld [tilespmem:s9+$0x2AD0]  }
0xe8: {  	v1 =	vld [tilespmem:s9+$0x2AE0]  }
0xe9: {  	v0 =	vld [tilespmem:s9+$0x2AF0]  }
0xea: {  	v16 =	vld [tilespmem:s9+$0x7A00]  }
0xeb: {  	v17 =	vld [tilespmem:s9+$0x7A10]  }
0xec: {  	v18 =	vld [tilespmem:s9+$0x7A20]  }
0xed: {  	v19 =	vld [tilespmem:s9+$0x7A30]  }
0xee: {  	v20 =	vld [tilespmem:s9+$0x7A40]  }
0xef: {  	v13 =	vadd.f32 v13, v16;
	v16 =	vld [tilespmem:s9+$0x7A50]  }
0xf0: {  	v6 =	vadd.f32 v6, v17;
	v17 =	vld [tilespmem:s9+$0x7A60]  }
0xf1: {  	v13 =	vmax.f32 v13, $0.0e+00;
	v8 =	vadd.f32 v8, v18;
	v18 =	vld [tilespmem:s9+$0x7A70]  }
0xf2: {  	[tilespmem:s9+$0x7A00] =	vst v13;
	v6 =	vmax.f32 v6, $0.0e+00;
	v9 =	vadd.f32 v9, v19;
	v13 =	vld [tilespmem:s9+$0x7A80]  }
0xf3: {  	[tilespmem:s9+$0x7A10] =	vst v6;
	v6 =	vmax.f32 v8, $0.0e+00;
	v8 =	vadd.f32 v10, v20;
	v10 =	vld [tilespmem:s9+$0x7A90]  }
.Ltmp7:
0xf4: {  	[tilespmem:s9+$0x7A20] =	vst v6;
	v6 =	vmax.f32 v9, $0.0e+00;
	v9 =	vadd.f32 v7, v16;
	v7 =	vld [tilespmem:s9+$0x7AA0];
	(pc) =	sbr.rel @p0 .LBB2_8-.Ltmp7, $4  }
0xf5: {  	[tilespmem:s9+$0x7A30] =	vst v6;
	v8 =	vmax.f32 v8, $0.0e+00;
	v11 =	vadd.f32 v11, v17;
	v6 =	vld [tilespmem:s9+$0x7AB0]  }
0xf6: {  	[tilespmem:s9+$0x7A40] =	vst v8;
	v9 =	vmax.f32 v9, $0.0e+00;
	v16 =	vadd.f32 v12, v18;
	v8 =	vld [tilespmem:s9+$0x7AC0]  }
0xf7: {  	[tilespmem:s9+$0x7A50] =	vst v9;
	v11 =	vmax.f32 v11, $0.0e+00;
	v12 =	vadd.f32 v14, v13;
	v9 =	vld [tilespmem:s9+$0x7AD0]  }
0xf8: {  	s16 =	sadd.s32 $0x400, s16;
	[tilespmem:s9+$0x7A60] =	vst v11;
	v13 =	vmax.f32 v16, $0.0e+00;
	v11 =	vadd.f32 v15, v10;
	v10 =	vld [tilespmem:s9+$0x7AE0]  }
0xf9: {  	[tilespmem:s9+$0x7A70] =	vst v13;
	v12 =	vmax.f32 v12, $0.0e+00;
	v5 =	vadd.f32 v5, v7;
	v63 =	vld [tilespmem:s9+$0x7AF0]  }
0xfa: {  	[tilespmem:s9+$0x7A80] =	vst v12;
	v11 =	vmax.f32 v11, $0.0e+00;
	v4 =	vadd.f32 v4, v6  }
0xfb: {  	[tilespmem:s9+$0x7A90] =	vst v11;
	v5 =	vmax.f32 v5, $0.0e+00;
	v3 =	vadd.f32 v3, v8  }
0xfc: {  	[tilespmem:s9+$0x7AA0] =	vst v5;
	v4 =	vmax.f32 v4, $0.0e+00;
	v2 =	vadd.f32 v2, v9  }
0xfd: {  	[tilespmem:s9+$0x7AB0] =	vst v4;
	v3 =	vmax.f32 v3, $0.0e+00;
	v1 =	vadd.f32 v1, v10  }
0xfe: {  	[tilespmem:s9+$0x7AC0] =	vst v3;
	v2 =	vmax.f32 v2, $0.0e+00;
	v0 =	vadd.f32 v0, v63  }
0xff: {  	[tilespmem:s9+$0x7AD0] =	vst v2;
	v1 =	vmax.f32 v1, $0.0e+00  }
0x100: {  	[tilespmem:s9+$0x7AE0] =	vst v1;
	v0 =	vmax.f32 v0, $0.0e+00  }
.Ltmp8:
0x101: {  	[tilespmem:s9+$0x7AF0] =	vst v0;
	(pc) =	sbr.rel .LBB2_10-.Ltmp8, $4  }
0x102: {  	_ =	swait.ge [sflag:s11], $0x50  }
0x103: {  	[sflag:s11] =	ssyncset.done $0x0  }
0x104: {  	[sflag:s11] =	ssyncadd.s32 $0xFFFFFFB0  }
0x105: {  	[spmem:s2] =	stream.indirect.scatter.add.f32 [tilespmem:s29], [sflag:$0xA], $0x80, s26, s21, $0xb8;
	[tilespmem:$0x1DA80] =	vst v63  }
.LBB2_12:
0x106: {  	_ =	sfence.sel $0x180000  }
0x107: {  	[bflag:$0x0] =	sbarrier.arrive $0xFFFF  }
0x108: {  	_ =	strace $0x9000004A  }
0x109: {  	s0 =	stileid.u32;
	[bflag:$0x2] =	sbarrier.arrive $0xFFFF  }
0x10a: {  	p0 =	sne.s32 s0, $0x0;
	s0 =	rddreg [dreg:$0x3]  }
0x10b: {  	s0 =	sadd.s32 @!p0 $0x100000, s0  }
0x10c: {  	[sflag:s0] =	ssyncadd.tile.s32 @!p0 $0x1;
	_ =	shalt  }
.Lfunc_end2:
_tile_overlayer_lowered:
.L_overlay_start_2:
0x10d: {  	(tag) =	ssettag $0x2  }
0x10e: {  	s0 =	rddreg [dreg:$0x0];
	s2 =	stileid.u32  }
0x10f: {  	s1 =	rddreg [dreg:$0x1];
	p0 =	sne.s32 s2, $0x0  }
0x110: {  	s3 =	rddreg [dreg:$0x2];
	[bflag:$0x3] =	sbarrier.arrive $0xFFFF;
	s2 =	simm.s32 @!p0 $0x1C0B  }
0x111: {  	[timem:s3], [sflag:s2] =	dma.local @!p0 [hbm:s0], s1  }
0x112: {  	s0 =	simm.s32 @!p0 $0xB  }
0x113: {  	_ =	swait.ge @!p0 [sflag:s0], s1  }
0x114: {  	s1 =	ssub.s32 @!p0 $0x0, s1;
	[sflag:s0] =	ssyncset.done @!p0 $0x0  }
0x115: {  	[sflag:s0] =	ssyncadd.s32 @!p0 s1  }
0x116: {  	[bflag:$0x3] =	sbarrier.arrive $0xFFFF  }
0x117: {  	_ =	shalt  }

// kernel: kernel.19.cloned.1.call-start
scs
__scs_entry_jumppad:
0x0: {  	(pc) =	sbr.rel $0x88, $3  }
0x1: {  	(tag) =	ssettag $0x0;
	lr =	simm.s32 $0x1  }
0x2: {  	[smem:$0x3F8A] =	sst lr;
	_ =	strace $0xD0000000  }
0x3: {  	_ = 	snop  }
0x4: {  	_ = 	snop  }
0x5: {  	_ = 	snop  }
0x6: {  	_ = 	snop  }
0x7: {  	_ = 	snop  }
__scs_overlays_trampoline_lowered:
0x8: {  	[smem:$0x3F99] =	sst s0  }
0x9: {  	[smem:$0x3F9A] =	sst s1  }
0xa: {  	[smem:$0x3F9B] =	sst s2  }
0xb: {  	[smem:$0x3F9C] =	sst s3  }
0xc: {  	[smem:$0x3F9D] =	sst s4  }
0xd: {  	[smem:$0x3F9E] =	sst s5  }
0xe: {  	[smem:$0x3F9F] =	sst s6  }
0xf: {  	[smem:$0x3FA0] =	sst s7  }
0x10: {  	[smem:$0x3FA1] =	sst s8  }
0x11: {  	[smem:$0x3FA2] =	sst s9;
	s0 =	simm.s32 @!p0 $0x0  }
0x12: {  	s1 =	sld [smem:$0x3F88];
	s0 =	simm.s32 @p0 $0x1  }
0x13: {  	[smem:$0x3FA3] =	sst s0;
	s0 =	simm.s32 @!p1 $0x0  }
0x14: {  	s2 =	sld [smem:$0x3F87];
	s0 =	simm.s32 @p1 $0x1  }
0x15: {  	[smem:$0x3FA4] =	sst s0;
	s0 =	simm.s32 @!p2 $0x0  }
0x16: {  	s3 =	sld [smem:$0x3FDB];
	s0 =	simm.s32 @p2 $0x1  }
0x17: {  	s4 =	simm.s32 $0x1BF5;
	[smem:$0x3FA6] =	sst s0  }
0x18: {  	s0 =	sld [smem:$0x3F89];
	_ =	swait.ge [sflag:s4], $0x0  }
0x19: {  	s7 =	sld [smem:$0x3F8A]  }
0x1a: {  	s8 =	sadd.s32 $0xFFFFE003, lr  }
0x1b: {  	s9 =	sadd.s32 $0xFFFFFEF7, lr;
	s5 =	simm.s32 $0xFFFFFFFF;
	p2 =	slt.u32 s8, $0xFFFFF086  }
0x1c: {  	p1 =	slt.u32 s9, $0xF7A;
	s5 =	simm.s32 @!p2 $0x0  }
0x1d: {  	s5 =	simm.s32 @p1 $0x1;
	p0 =	seq.s32 s7, s2  }
0x1e: {  	s7 =	smul.u32 @!p0 $0xF7A, s2;
	p2 =	seq.s32 @!p0 s5, $0x0  }
0x1f: {  	s9 =	smul.u32 $0xF7A, s1;
	s8 =	simm.s32 @!p0 $0x1BF5;
	p2 =	por !p2, p0  }
0x20: {  	[sflag:s8] =	ssyncset.s32 @!p0 $0xFFFFF086;
	s6 =	sadd.s32 @!p0 s3, s7;
	s7 =	simm.s32 @!p0 $0x108  }
0x21: {  	s3 =	sadd.s32 s3, s9;
	s6 =	sadd.s32 @!p0 $0x88, s6;
	s7 =	simm.s32 @p2 $0x1082  }
0x22: {  	[simem:s7], [sflag:s8] =	dma.local @!p0 [hbm:s6], $0xF7A  }
0x23: {  	s9 =	sor.u32 $0xD0000000, s2;
	s6 =	simm.s32 $0x108;
	_ =	swait.ge @!p0 [sflag:s8], $0x0  }
0x24: {  	s3 =	sadd.s32 $0x88, s3;
	s6 =	simm.s32 @!p1 $0x1082;
	[sflag:s4] =	ssyncset.s32 $0xFFFFF086  }
0x25: {  	[simem:s6], [sflag:s4] =	dma.local [hbm:s3], $0xF7A  }
0x26: {  	[smem:$0x3F8A] =	sst s1;
	(tag) =	ssettag s2;
	_ =	strace s9  }
0x27: {  	s1 =	sld [smem:$0x3F9A]  }
0x28: {  	s2 =	sld [smem:$0x3F9B]  }
0x29: {  	s4 =	sld [smem:$0x3F9D]  }
0x2a: {  	p0 =	seq.s32 s5, $0x0;
	s5 =	sld [smem:$0x3F9E]  }
0x2b: {  	s6 =	sld [smem:$0x3F9F]  }
0x2c: {  	s7 =	sld [smem:$0x3FA0]  }
0x2d: {  	s3 =	simm.s32 $0x108;
	s8 =	sld [smem:$0x3FA1]  }
0x2e: {  	s3 =	simm.s32 @!p0 $0x1082;
	s9 =	sld [smem:$0x3FA2]  }
0x2f: {  	lr =	sadd.s32 s0, s3;
	s0 =	sld [smem:$0x3F99]  }
0x30: {  	s3 =	sld [smem:$0x3F9C]  }
0x31: {  	[smem:$0x3FA5] =	sst s10  }
0x32: {  	s10 =	sld [smem:$0x3FA3];
	_ =	sdelay $0x3  }
0x33: {  	p0 =	seq.s32 s10, $0x1;
	s10 =	sld [smem:$0x3FA5];
	_ =	sdelay $0x3  }
0x34: {  	[smem:$0x3FA5] =	sst s10  }
0x35: {  	s10 =	sld [smem:$0x3FA4];
	_ =	sdelay $0x3  }
0x36: {  	p1 =	seq.s32 s10, $0x1;
	s10 =	sld [smem:$0x3FA5];
	_ =	sdelay $0x3  }
0x37: {  	[smem:$0x3FA5] =	sst s10  }
0x38: {  	s10 =	sld [smem:$0x3FA6]  }
0x39: {  	_ = 	snop;
	(pc) =	sbr.ind lr, $3  }
0x3a: {  	_ = 	snop  }
0x3b: {  	_ = 	snop  }
0x3c: {  	p2 =	seq.s32 s10, $0x1;
	s10 =	sld [smem:$0x3FA5]  }
0x3d: {  	_ =	shalt  }
0x3e: {  	_ =	shalt  }
0x3f: {  	_ =	shalt  }
0x40: {  	_ =	shalt  }
0x41: {  	_ =	shalt  }
0x42: {  	_ =	shalt  }
0x43: {  	_ =	shalt  }
0x44: {  	_ =	shalt  }
0x45: {  	_ =	shalt  }
0x46: {  	_ =	shalt  }
0x47: {  	_ =	shalt  }
0x48: {  	_ =	shalt  }
0x49: {  	_ =	shalt  }
0x4a: {  	_ =	shalt  }
0x4b: {  	_ =	shalt  }
0x4c: {  	_ =	shalt  }
0x4d: {  	_ =	shalt  }
0x4e: {  	_ =	shalt  }
0x4f: {  	_ =	shalt  }
0x50: {  	_ =	shalt  }
0x51: {  	_ =	shalt  }
0x52: {  	_ =	shalt  }
0x53: {  	_ =	shalt  }
0x54: {  	_ =	shalt  }
0x55: {  	_ =	shalt  }
0x56: {  	_ =	shalt  }
0x57: {  	_ =	shalt  }
0x58: {  	_ =	shalt  }
0x59: {  	_ =	shalt  }
0x5a: {  	_ =	shalt  }
0x5b: {  	_ =	shalt  }
0x5c: {  	_ =	shalt  }
0x5d: {  	_ =	shalt  }
0x5e: {  	_ =	shalt  }
0x5f: {  	_ =	shalt  }
0x60: {  	_ =	shalt  }
0x61: {  	_ =	shalt  }
0x62: {  	_ =	shalt  }
0x63: {  	_ =	shalt  }
0x64: {  	_ =	shalt  }
0x65: {  	_ =	shalt  }
0x66: {  	_ =	shalt  }
0x67: {  	_ =	shalt  }
0x68: {  	_ =	shalt  }
0x69: {  	_ =	shalt  }
0x6a: {  	_ =	shalt  }
0x6b: {  	_ =	shalt  }
0x6c: {  	_ =	shalt  }
0x6d: {  	_ =	shalt  }
0x6e: {  	_ =	shalt  }
0x6f: {  	_ =	shalt  }
0x70: {  	_ =	shalt  }
0x71: {  	_ =	shalt  }
0x72: {  	_ =	shalt  }
0x73: {  	_ =	shalt  }
0x74: {  	_ =	shalt  }
0x75: {  	_ =	shalt  }
0x76: {  	_ =	shalt  }
0x77: {  	_ =	shalt  }
0x78: {  	_ =	shalt  }
0x79: {  	_ =	shalt  }
0x7a: {  	_ =	shalt  }
0x7b: {  	_ =	shalt  }
0x7c: {  	_ =	shalt  }
0x7d: {  	_ =	shalt  }
0x7e: {  	_ =	shalt  }
0x7f: {  	_ =	shalt  }
0x80: {  	_ =	shalt  }
0x81: {  	_ =	shalt  }
0x82: {  	_ =	shalt  }
0x83: {  	_ =	shalt  }
0x84: {  	_ =	shalt  }
0x85: {  	_ =	shalt  }
0x86: {  	_ =	shalt  }
0x87: {  	_ =	shalt  }
.Lfunc_end0:
.L_simem_size_0:
called_computation.2_lowered:
.L_overlay_start_0:
0x88: {  	s2 =	sld [smem:$0x3FD9]  }
0x89: {  	s3 =	sld [smem:$0x3FFE];
	_ =	sdelay $0x1  }
0x8a: {  	s1 =	srdreg.scid  }
0x8b: {  	s0 =	sand.u32 $0x1, s1  }
0x8c: {  	s14 =	sshll.u32 s0, $0xA;
	s2 =	sadd.s32 s3, s2  }
0x8d: {  	s2 =	sadd.s32 s2, s14  }
0x8e: {  	[smem:$0x3FB1] =	sst s2  }
0x8f: {  	_ = 	snop  }
0x90: {  	s2 =	sld [smem:$0x3FD0];
	_ =	sdelay $0x2  }
0x91: {  	s15 =	simm.s32 $0xA;
	s4 =	simm.s32 $0x10  }
0x92: {  	[smem:s4], [sflag:s15] =	dma.local [hbm:s2], $0x1  }
0x93: {  	_ =	swait.eq [sflag:s15], $0x1  }
0x94: {  	[sflag:s15] =	ssyncset.done $0x0  }
0x95: {  	[sflag:s15] =	ssyncadd.s32 $0xFFFFFFFF  }
0x96: {  	s16 =	sld [smem:$0x10];
	(tm) =	ssettm $0x1  }
0x97: {  	s17 =	sld [smem:$0x3FFB];
	_ =	sdelay $0x3  }
0x98: {  	_ =	strace s17  }
0x99: {  	s3 =	sld [smem:$0x3FFC];
	_ =	sdelay $0x3  }
0x9a: {  	_ =	strace s3  }
0x9b: {  	s3 =	sld [smem:$0x3FFD];
	_ =	sdelay $0x3  }
0x9c: {  	_ =	strace s3  }
0x9d: {  	_ =	strace $0x8FFFFFFF  }
0x9e: {  	s18 =	sld [smem:$0x3FDB];
	_ =	sdelay $0x1  }
0x9f: {  	s19 =	simm.s32 $_scs_section_size  }
0xa0: {  	s5 =	simm.s32 $_size__tile_overlayer_lowered;
	s6 =	simm.s32 $_tile_overlayer_lowered  }
0xa1: {  	s22 =	simm.s32 $0x1BFF;
	s21 =	sshll.u32 s6, $0x1;
	s3 =	sadd.s32 s19, s18  }
0xa2: {  	s7 =	simm.s32 $0x0;
	s20 =	sshll.u32 s5, $0x1;
	s5 =	sadd.s32 s21, s3  }
0xa3: {  	[timem:s7], [sflag:s22] =	dma.local [hbm:s5], s20  }
0xa4: {  	_ =	swait.ge [sflag:s22], s20  }
0xa5: {  	s4 =	ssub.s32 $0x0, s20;
	[sflag:s22] =	ssyncset.done $0x0  }
0xa6: {  	[sflag:s22] =	ssyncadd.s32 s4;
	_ =	sdelay $0x1  }
0xa7: {  	s23 =	simm.s32 $0x1B8B  }
0xa8: {  	_ =	swait.ge [sflag:s23], $0x1  }
0xa9: {  	[sflag:s23] =	ssyncset.done $0x0  }
0xaa: {  	s25 =	simm.s32 $0x1B8E;
	s24 =	sld [smem:$0x3FFE];
	[sflag:s23] =	ssyncadd.s32 $0xFFFFFFFF  }
0xab: {  	s26 =	simm.s32 $execute0_lowered;
	[smem:$0x3FD2] =	sst s25  }
0xac: {  	s5 =	sshll.u32 s26, $0x1;
	_ =	strace $0x8000004C;
	[dreg:$0x1] =	wrdreg $0xFFFFFFFF  }
0xad: {  	s28 =	simm.s32 $_size_execute0_lowered;
	s3 =	sadd.s32 s3, s5;
	[dreg:$0x0] =	wrdreg $0x0  }
0xae: {  	s5 =	sshll.u32 s28, $0x1;
	[dreg:$0x2] =	wrdreg s3  }
0xaf: {  	[dreg:$0x3] =	wrdreg s5  }
0xb0: {  	[dreg:$0x4] =	wrdreg $0xC0  }
0xb1: {  	_ =	task [dreg:s7], $0x5FFFF  }
0xb2: {  	[dreg:$0x1] =	wrdreg $0xFFFFFFFF  }
0xb3: {  	[dreg:$0x0] =	wrdreg $0x60  }
0xb4: {  	[dreg:$0x2] =	wrdreg s16  }
0xb5: {  	[dreg:$0x3] =	wrdreg s24  }
0xb6: {  	[dreg:$0x4] =	wrdreg $0xA2000  }
0xb7: {  	[dreg:$0x5] =	wrdreg $0x9  }
0xb8: {  	_ =	task.clear_ibuf [dreg:s7], $0x6FFFF;
	_ =	strace $0x9000004C  }
0xb9: {  	s29 =	simm.s32 $0x9;
	_ =	strace $0x8000004E  }
0xba: {  	_ =	swait.ge [sflag:s29], $0x1  }
0xbb: {  	[sflag:s29] =	ssyncadd.s32 $0xFFFFFFFF  }
0xbc: {  	_ =	strace $0x9000004E  }
0xbd: {  	_ =	sfence  }
0xbe: {  	s30 =	sld [smem:$0x0];
	_ =	sdelay $0x2  }
0xbf: {  	s31 =	sshll.u32 s1, $0xD;
	s1 =	sshrl.u32 s1, $0x2  }
0xc0: {  	s3 =	sand.u32 $0x4000, s31;
	s1 =	sadd.s32 s1, s30  }
0xc1: {  	s0 =	sor.u32 s3, s0;
	s1 =	sshll.u32 s1, $0x11  }
0xc2: {  	s0 =	sor.u32 s1, s0  }
0xc3: {  	s0 =	sadd.s32 $0x8F2B, s0  }
0xc4: {  	[sflag:s0] =	ssyncadd.remote.s32 $0x1  }
0xc5: {  	_ =	sfence.sel $0xFFFF  }
0xc6: {  	[dreg:$0x0] =	wrdreg $0xFFFFFFFF;
	(pc) =	sbr.abs _section_cstart, $3  }
0xc7: {  	[dreg:$0x1] =	wrdreg $0xFFFFFFFF  }
0xc8: {  	_ =	task.clear_ibuf [dreg:s7], $0x2FFFF;
	_ =	strace $0x9FFFFFFF  }
0xc9: {  	(tm) =	ssettm $0x7FFFFFFF  }
tec
execute0_lowered:
.L_overlay_start_1:
0x0: {  	(tag) =	ssettag $0x1  }
0x1: {  	s1 =	rddreg [dreg:$0x0]  }
0x2: {  	s0 =	rddreg [dreg:$0x1]  }
0x3: {  	s2 =	rddreg [dreg:$0x2];
	s4 =	simm.s32 $0x0  }
0x4: {  	s13 =	stileid.u32;
	s3 =	srdreg.scid;
	s18 =	simm.s32 $0xB  }
0x5: {  	s28 =	simm.s32 $0x2A00;
	s29 =	simm.s32 $0x7A00;
	s30 =	simm.s32 $0x5  }
0x6: {  	s31 =	simm.s32 $0x7;
	[smem:$0x7FF] =	sst s4;
	s5 =	sadd.s32 $0x4FEA00, s0  }
0x7: {  	s8 =	smul.u32 $0x13800, s13;
	s3 =	sand.u32 $0x1, s3;
	s6 =	sadd.s32 $0x4F4C00, s0  }
0x8: {  	s7 =	sadd.s32 $0x4EAE00, s0;
	s12 =	smul.u32 $0x4E000, s13;
	s26 =	sshll.u32 s13, $0x6  }
0x9: {  	_ =	strace $0x8000004D;
	s9 =	smul.u32 $0x138800, s3;
	s11 =	sshll.u32 s3, $0x4  }
0xa: {  	s3 =	ssub.s32 $0x2, s3;
	s10 =	sshrl.u32 s8, $0x3;
	s19 =	sor.u32 s13, s11  }
0xb: {  	s21 =	sshrl.u32 s3, $0x1;
	s24 =	sshrl.u32 s12, $0x2;
	s12 =	simm.s32 $0x0  }
0xc: {  	s10 =	sadd.s32 s10, s0;
	s8 =	sadd.s32 s8, s9;
	s9 =	smul.u32 $0x27100, s19  }
0xd: {  	s3 =	ssub.s32 s3, s21;
	s21 =	simm.s32 $0x50;
	s20 =	sshrl.u32 s8, $0x3  }
0xe: {  	s8 =	smul.u32 $0x2710, s19;
	s10 =	sadd.s32 $0x9E0A00, s10;
	s25 =	smax.u32 s3, $0x1  }
0xf: {  	s19 =	simm.s32 $0x100;
	s3 =	simm.s32 $0x9;
	[dreg:$0x8] =	wrdreg s10  }
0x10: {  	s0 =	sadd.s32 s20, s0;
	s9 =	sadd.s32 s5, s9;
	[dreg:$0xb] =	wrdreg s25  }
0x11: {  	s25 =	simm.s32 $0x2;
	s20 =	simm.s32 $0x6;
	s10 =	simm.s32 $0x8  }
0x12: {  	s22 =	sshrl.u32 s8, $0x3;
	[dreg:$0x6] =	wrdreg s9;
	s9 =	sadd.s32 s24, s2  }
0x13: {  	s15 =	sadd.s32 $0xF0, s8;
	s0 =	sadd.s32 $0xA07C00, s0;
	[dreg:$0x9] =	wrdreg s9  }
.Ltmp0:
0x14: {  	s11 =	sadd.s32 s7, s22;
	[dreg:$0xa] =	wrdreg s0;
	(pc) =	sbr.rel .LBB2_1-.Ltmp0, $4  }
0x15: {  	s14 =	sadd.s32 s6, s22;
	s22 =	simm.s32 $0x5200;
	[dreg:$0x5] =	wrdreg s11  }
0x16: {  	s0 =	simm.s32 $0x3;
	[dreg:$0x4] =	wrdreg s14;
	s23 =	sadd.s32 $0xA, s14  }
0x17: {  	s14 =	sor.u32 $0x1C0B, s26;
	s26 =	simm.s32 $0x180;
	[dreg:$0x7] =	wrdreg s23  }
0x18: {  	s11 =	simm.s32 $0x4;
	s23 =	simm.s32 $0x80;
	[dreg:$0xc] =	wrdreg s14  }
.LBB2_11:
0x19: {  	_ =	swait.ge [sflag:s3], $0x2800  }
0x1a: {  	[sflag:s3] =	ssyncset.done $0x0  }
0x1b: {  	[sflag:s3] =	ssyncadd.s32 $0xFFFFD800  }
0x1c: {  	[bflag:$0x0] =	sbarrier.arrive $0xFFFF  }
0x1d: {  	s9 =	rddreg [dreg:$0xa]  }
0x1e: {  	s14 =	rddreg [dreg:$0xc]  }
0x1f: {  	s13 =	rddreg [dreg:$0xd]  }
0x20: {  	[hbm:s9], [sflag:s14] =	dma.local [spmem:s13], $0x2800  }
0x21: {  	_ =	swait.ge [sflag:s18], $0x2800  }
0x22: {  	s12 =	sadd.s32 $0x1, s12;
	s24 =	rddreg [dreg:$0xb]  }
0x23: {  	p0 =	sne.s32 s12, s24  }
.Ltmp1:
0x24: {  	_ = 	snop;
	(pc) =	sbr.rel @!p0 .LBB2_12-.Ltmp1, $3  }
0x25: {  	_ =	sdelay $0x1  }
0x26: {  	[sflag:s18] =	ssyncset.done $0x0  }
0x27: {  	[sflag:s18] =	ssyncadd.s32 $0xFFFFD800  }
.LBB2_1:
0x28: {  	s9 =	rddreg [dreg:$0x4]  }
0x29: {  	[tilespmem:s4], [sflag:$0xB] =	stream.linear.gather [hbm4b:s9+s4], $0x50, $0x38;
	[tilespmem:$0x1DA80] =	vst v63  }
0x2a: {  	_ =	swait.ge [sflag:s18], $0x50  }
0x2b: {  	[sflag:s18] =	ssyncset.done $0x0;
	s17 =	rddreg [dreg:$0x5]  }
0x2c: {  	s16 =	rddreg [dreg:$0x9];
	[sflag:s18] =	ssyncadd.s32 $0xFFFFFFB0  }
0x2d: {  	[tilespmem:s19], [sflag:$0x3] =	stream.linear.gather [hbm4b:s17+s4], $0x50, $0x38;
	[tilespmem:$0x1DA80] =	vst v63  }
0x2e: {  	s24 =	rddreg [dreg:$0x6];
	s17 =	sshrl.u32 s16, $0x3  }
0x2f: {  	s13 =	simm.s32 $0x200;
	[dreg:$0xd] =	wrdreg s17  }
0x30: {  	[tilespmem:s13], [sflag:$0x5] =	stream.linear.gather [hbm4b:s24+s4], $0x2800, $0x38;
	[tilespmem:$0x1DA80] =	vst v63  }
0x31: {  	s13 =	rddreg [dreg:$0x7]  }
0x32: {  	[tilespmem:s22], [sflag:$0x7] =	stream.indirect.gather [hbm4b:s1+s21], $0x80, s4, s21, $0xb8;
	[tilespmem:$0x1DA80] =	vst v63  }
0x33: {  	s24 =	rddreg [dreg:$0x8]  }
0x34: {  	[tilespmem:s23], [sflag:$0x2] =	stream.linear.gather [hbm4b:s13+s4], $0x50, $0x38;
	[tilespmem:$0x1DA80] =	vst v63  }
0x35: {  	[spmem:s17], [sflag:s14] =	dma.local [hbm:s24], $0x2800  }
.Ltmp2:
0x36: {  	_ =	swait.ge [sflag:s18], $0x2800;
	(pc) =	sbr.rel .LBB2_2-.Ltmp2, $4  }
0x37: {  	[sflag:s18] =	ssyncset.done $0x0  }
0x38: {  	[sflag:s18] =	ssyncadd.s32 $0xFFFFD800  }
0x39: {  	[bflag:$0x0] =	sbarrier.arrive $0xFFFF  }
0x3a: {  	s14 =	simm.s32 $0x0  }
.LBB2_10:
0x3b: {  	s14 =	sadd.s32 $0x1, s14  }
0x3c: {  	p0 =	sne.s32 s14, $0x3F  }
.Ltmp3:
0x3d: {  	_ = 	snop;
	(pc) =	sbr.rel @!p0 .LBB2_11-.Ltmp3, $1  }
0x3e: {  	_ =	sdelay $0x3  }
.LBB2_2:
0x3f: {  	s9 =	sshll.u32 s14, $0x1;
	p0 =	seq.s32 s14, $0x0  }
0x40: {  	s16 =	sor.u32 @!p0 $0x1, s9  }
0x41: {  	p1 =	sgt.u32 @!p0 s16, $0x7C  }
0x42: {  	p2 =	por p0, !p1  }
.Ltmp4:
0x43: {  	_ = 	snop;
	(pc) =	sbr.rel @!p2 .LBB2_4-.Ltmp4, $4  }
0x44: {  	s17 =	simm.s32 @!p0 $0xA  }
0x45: {  	_ =	swait.ge @!p0 [sflag:s17], $0x2800  }
0x46: {  	[sflag:s17] =	ssyncset.done @!p0 $0x0  }
0x47: {  	p1 =	por @!p0 $0x0, $0x0;
	[sflag:s17] =	ssyncadd.s32 @!p0 $0xFFFFD800  }
0x48: {  	s16 =	simm.s32 @p0 $0x1  }
0x49: {  	s16 =	smul.u32 $0x50, s16;
	_ =	sdelay $0x1  }
0x4a: {  	_ =	swait.ge [sflag:s25], $0x50;
	s16 =	sadd.s32 s8, s16  }
0x4b: {  	[sflag:s25] =	ssyncset.done $0x0;
	s17 =	sshrl.u32 s16, $0x3  }
0x4c: {  	[sflag:s25] =	ssyncadd.s32 $0xFFFFFFB0;
	s16 =	sshll.u32 s16, $0x4;
	s17 =	sadd.s32 s7, s17  }
0x4d: {  	[tilespmem:s26], [sflag:$0x4] =	stream.linear.gather [hbm4b:s17+s4], $0x50, $0x38;
	[tilespmem:$0x1DA80] =	vst v63  }
0x4e: {  	s16 =	sadd.s32 s5, s16  }
0x4f: {  	[tilespmem:s28], [sflag:$0x6] =	stream.linear.gather [hbm4b:s16+s4], $0x2800, $0x38;
	[tilespmem:$0x1DA80] =	vst v63  }
0x50: {  	p1 =	por $0x1, $0x1  }
0x51: {  	[tilespmem:s29], [sflag:$0x8] =	stream.indirect.gather [hbm4b:s1+s21], $0x80, s23, s21, $0xb8;
	[tilespmem:$0x1DA80] =	vst v63  }
.LBB2_4:
0x52: {  	_ =	swait.ge [sflag:s30], $0x2800;
	s9 =	sadd.s32 $0x2, s9;
	p0 =	seq.s32 s14, $0x3E  }
0x53: {  	[sflag:s30] =	ssyncset.done $0x0;
	s9 =	smul.u32 @!p0 $0x50, s9  }
0x54: {  	[sflag:s30] =	ssyncadd.s32 $0xFFFFD800  }
0x55: {  	_ =	swait.ge [sflag:s31], $0x2800;
	s16 =	sadd.s32 @!p0 s8, s9  }
0x56: {  	[sflag:s31] =	ssyncset.done $0x0;
	s17 =	sshrl.u32 @!p0 s16, $0x3  }
0x57: {  	s24 =	simm.s32 @!p0 $0x0;
	[sflag:s31] =	ssyncadd.s32 $0xFFFFD800;
	s9 =	sadd.s32 @!p0 s6, s17  }
0x58: {  	[tilespmem:s24], [sflag:$0x1] =	stream.linear.gather @!p0 [hbm4b:s9+s24], $0x50, $0x38;
	[tilespmem:$0x1DA80] =	vst v63  }
0x59: {  	s9 =	simm.s32 $0xF0  }
0x5a: {  	v6 =	vld [tilespmem:s9+$0x110]  }
0x5b: {  	v7 =	vld [tilespmem:s9+$0x120]  }
0x5c: {  	v8 =	vld [tilespmem:s9+$0x130]  }
0x5d: {  	v9 =	vld [tilespmem:s9+$0x140]  }
0x5e: {  	v10 =	vld [tilespmem:s9+$0x150]  }
0x5f: {  	v11 =	vld [tilespmem:s9+$0x160]  }
0x60: {  	v12 =	vld [tilespmem:s9+$0x170]  }
0x61: {  	v13 =	vld [tilespmem:s9+$0x180]  }
0x62: {  	v14 =	vld [tilespmem:s9+$0x190]  }
0x63: {  	v15 =	vld [tilespmem:s9+$0x1A0]  }
0x64: {  	v5 =	vld [tilespmem:s9+$0x1B0]  }
0x65: {  	v4 =	vld [tilespmem:s9+$0x1C0]  }
0x66: {  	v3 =	vld [tilespmem:s9+$0x1D0]  }
0x67: {  	v16 =	vld [tilespmem:s9+$0x5110]  }
0x68: {  	v17 =	vld [tilespmem:s9+$0x5120]  }
0x69: {  	v2 =	vld [tilespmem:s9+$0x1E0]  }
0x6a: {  	v18 =	vld [tilespmem:s9+$0x5130]  }
0x6b: {  	v19 =	vld [tilespmem:s9+$0x5140]  }
0x6c: {  	v1 =	vld [tilespmem:s9+$0x1F0];
	v6 =	vadd.f32 v6, v16  }
0x6d: {  	v20 =	vld [tilespmem:s9+$0x5150];
	v7 =	vadd.f32 v7, v17  }
0x6e: {  	v60 =	vld [tilespmem:s9+$0x5160];
	v6 =	vmax.f32 v6, $0.0e+00  }
0x6f: {  	v0 =	vld [tilespmem:s9+$0x200];
	v7 =	vmax.f32 v7, $0.0e+00;
	[tilespmem:s9+$0x5110] =	vst v6;
	v6 =	vadd.f32 v8, v18  }
0x70: {  	v21 =	vld [tilespmem:s9+$0x5170];
	[tilespmem:s9+$0x5120] =	vst v7;
	v7 =	vadd.f32 v9, v19  }
0x71: {  	v61 =	vld [tilespmem:s9+$0x5180];
	v6 =	vmax.f32 v6, $0.0e+00  }
0x72: {  	v62 =	vld [tilespmem:s9+$0x5190];
	v8 =	vmax.f32 v7, $0.0e+00;
	[tilespmem:s9+$0x5130] =	vst v6;
	v6 =	vadd.f32 v10, v20  }
0x73: {  	v63 =	vld [tilespmem:s9+$0x51A0];
	[tilespmem:s9+$0x5140] =	vst v8;
	v8 =	vadd.f32 v11, v60  }
0x74: {  	v7 =	vld [tilespmem:s9+$0x51B0];
	v9 =	vmax.f32 v6, $0.0e+00  }
0x75: {  	v6 =	vld [tilespmem:s9+$0x51C0];
	v10 =	vmax.f32 v8, $0.0e+00;
	[tilespmem:s9+$0x5150] =	vst v9;
	v9 =	vadd.f32 v12, v21  }
0x76: {  	v8 =	vld [tilespmem:s9+$0x51D0];
	[tilespmem:s9+$0x5160] =	vst v10;
	v10 =	vadd.f32 v13, v61  }
0x77: {  	v12 =	vadd.f32 v14, v62;
	v11 =	vmax.f32 v9, $0.0e+00;
	v9 =	vld [tilespmem:s9+$0x51E0]  }
0x78: {  	s24 =	simm.s32 $0x7C0;
	v13 =	vmax.f32 v10, $0.0e+00;
	v10 =	vld [tilespmem:s9+$0x51F0];
	[tilespmem:s9+$0x5170] =	vst v11;
	v11 =	vadd.f32 v15, v63  }
.LBB2_5:
0x79: {  	s13 =	sshra.s32 s24, $0x2;
	p2 =	sne.s32 s24, $0x9FC0;
	[tilespmem:s9+$0x5180] =	vst v13;
	v12 =	vmax.f32 v12, $0.0e+00;
	v5 =	vadd.f32 v5, v7;
	v7 =	vld [tilespmem:s9+$0x5200]  }
0x7a: {  	v13 =	vld [tilespmem:s13+$0x110];
	[tilespmem:s9+$0x5190] =	vst v12;
	v11 =	vmax.f32 v11, $0.0e+00;
	v4 =	vadd.f32 v4, v6  }
0x7b: {  	v6 =	vld [tilespmem:s13+$0x120];
	[tilespmem:s9+$0x51A0] =	vst v11;
	v5 =	vmax.f32 v5, $0.0e+00;
	v3 =	vadd.f32 v3, v8  }
0x7c: {  	v8 =	vld [tilespmem:s13+$0x130];
	[tilespmem:s9+$0x51B0] =	vst v5;
	v4 =	vmax.f32 v4, $0.0e+00;
	v2 =	vadd.f32 v2, v9  }
0x7d: {  	v9 =	vld [tilespmem:s13+$0x140];
	[tilespmem:s9+$0x51C0] =	vst v4;
	v3 =	vmax.f32 v3, $0.0e+00;
	v1 =	vadd.f32 v1, v10  }
0x7e: {  	v10 =	vld [tilespmem:s13+$0x150];
	[tilespmem:s9+$0x51D0] =	vst v3;
	v2 =	vmax.f32 v2, $0.0e+00;
	v0 =	vadd.f32 v0, v7  }
0x7f: {  	v7 =	vld [tilespmem:s13+$0x160];
	[tilespmem:s9+$0x51E0] =	vst v2;
	v1 =	vmax.f32 v1, $0.0e+00  }
0x80: {  	v11 =	vld [tilespmem:s13+$0x170];
	[tilespmem:s9+$0x51F0] =	vst v1;
	v0 =	vmax.f32 v0, $0.0e+00  }
0x81: {  	v12 =	vld [tilespmem:s13+$0x180];
	[tilespmem:s9+$0x5200] =	vst v0;
	s9 =	smov.u32 s13  }
0x82: {  	v14 =	vld [tilespmem:s9+$0x190]  }
0x83: {  	v15 =	vld [tilespmem:s9+$0x1A0]  }
0x84: {  	v5 =	vld [tilespmem:s9+$0x1B0]  }
0x85: {  	v4 =	vld [tilespmem:s9+$0x1C0]  }
0x86: {  	v3 =	vld [tilespmem:s9+$0x1D0]  }
0x87: {  	v2 =	vld [tilespmem:s9+$0x1E0]  }
0x88: {  	v1 =	vld [tilespmem:s9+$0x1F0]  }
0x89: {  	v0 =	vld [tilespmem:s9+$0x200]  }
0x8a: {  	v16 =	vld [tilespmem:s9+$0x5110]  }
0x8b: {  	v17 =	vld [tilespmem:s9+$0x5120]  }
0x8c: {  	v18 =	vld [tilespmem:s9+$0x5130]  }
0x8d: {  	v19 =	vld [tilespmem:s9+$0x5140]  }
0x8e: {  	v20 =	vld [tilespmem:s9+$0x5150]  }
0x8f: {  	v13 =	vadd.f32 v13, v16;
	v16 =	vld [tilespmem:s9+$0x5160]  }
0x90: {  	v6 =	vadd.f32 v6, v17;
	v17 =	vld [tilespmem:s9+$0x5170]  }
0x91: {  	v13 =	vmax.f32 v13, $0.0e+00;
	v8 =	vadd.f32 v8, v18;
	v18 =	vld [tilespmem:s9+$0x5180]  }
0x92: {  	[tilespmem:s9+$0x5110] =	vst v13;
	v6 =	vmax.f32 v6, $0.0e+00;
	v9 =	vadd.f32 v9, v19;
	v13 =	vld [tilespmem:s9+$0x5190]  }
0x93: {  	[tilespmem:s9+$0x5120] =	vst v6;
	v6 =	vmax.f32 v8, $0.0e+00;
	v8 =	vadd.f32 v10, v20;
	v10 =	vld [tilespmem:s9+$0x51A0]  }
.Ltmp5:
0x94: {  	[tilespmem:s9+$0x5130] =	vst v6;
	v6 =	vmax.f32 v9, $0.0e+00;
	v9 =	vadd.f32 v7, v16;
	v7 =	vld [tilespmem:s9+$0x51B0];
	(pc) =	sbr.rel @p2 .LBB2_5-.Ltmp5, $4  }
0x95: {  	[tilespmem:s9+$0x5140] =	vst v6;
	v8 =	vmax.f32 v8, $0.0e+00;
	v11 =	vadd.f32 v11, v17;
	v6 =	vld [tilespmem:s9+$0x51C0]  }
0x96: {  	[tilespmem:s9+$0x5150] =	vst v8;
	v9 =	vmax.f32 v9, $0.0e+00;
	v16 =	vadd.f32 v12, v18;
	v8 =	vld [tilespmem:s9+$0x51D0]  }
0x97: {  	[tilespmem:s9+$0x5160] =	vst v9;
	v11 =	vmax.f32 v11, $0.0e+00;
	v12 =	vadd.f32 v14, v13;
	v9 =	vld [tilespmem:s9+$0x51E0]  }
0x98: {  	s24 =	sadd.s32 $0x400, s24;
	[tilespmem:s9+$0x5170] =	vst v11;
	v13 =	vmax.f32 v16, $0.0e+00;
	v11 =	vadd.f32 v15, v10;
	v10 =	vld [tilespmem:s9+$0x51F0]  }
0x99: {  	[tilespmem:s9+$0x5180] =	vst v13;
	v12 =	vmax.f32 v12, $0.0e+00;
	v5 =	vadd.f32 v5, v7;
	v63 =	vld [tilespmem:s9+$0x5200]  }
0x9a: {  	[tilespmem:s9+$0x5190] =	vst v12;
	v11 =	vmax.f32 v11, $0.0e+00;
	v4 =	vadd.f32 v4, v6  }
0x9b: {  	[tilespmem:s9+$0x51A0] =	vst v11;
	v5 =	vmax.f32 v5, $0.0e+00;
	v3 =	vadd.f32 v3, v8  }
0x9c: {  	[tilespmem:s9+$0x51B0] =	vst v5;
	v4 =	vmax.f32 v4, $0.0e+00;
	v2 =	vadd.f32 v2, v9  }
0x9d: {  	[tilespmem:s9+$0x51C0] =	vst v4;
	v3 =	vmax.f32 v3, $0.0e+00;
	v1 =	vadd.f32 v1, v10  }
0x9e: {  	[tilespmem:s9+$0x51D0] =	vst v3;
	v2 =	vmax.f32 v2, $0.0e+00;
	v0 =	vadd.f32 v0, v63  }
0x9f: {  	[tilespmem:s9+$0x51E0] =	vst v2;
	v1 =	vmax.f32 v1, $0.0e+00  }
0xa0: {  	[tilespmem:s9+$0x51F0] =	vst v1;
	v0 =	vmax.f32 v0, $0.0e+00  }
.Ltmp6:
0xa1: {  	[tilespmem:s9+$0x5200] =	vst v0;
	(pc) =	sbr.rel @!p1 .LBB2_10-.Ltmp6, $4  }
0xa2: {  	_ =	swait.ge [sflag:s0], $0x50  }
0xa3: {  	[sflag:s0] =	ssyncset.done $0x0  }
0xa4: {  	[sflag:s0] =	ssyncadd.s32 $0xFFFFFFB0  }
0xa5: {  	[spmem:s2] =	stream.indirect.scatter.add.f32 [tilespmem:s22], [sflag:$0x9], $0x80, s19, s21, $0xb8;
	[tilespmem:$0x1DA80] =	vst v63  }
0xa6: {  	_ =	swait.ge [sflag:s3], $0x2800  }
0xa7: {  	[sflag:s3] =	ssyncset.done $0x0  }
0xa8: {  	s9 =	simm.s32 @!p0 $0x1;
	[sflag:s3] =	ssyncadd.s32 $0xFFFFD800  }
0xa9: {  	_ =	swait.ge @!p0 [sflag:s9], $0x50  }
0xaa: {  	s13 =	simm.s32 @!p0 $0x0;
	[sflag:s9] =	ssyncset.done @!p0 $0x0  }
0xab: {  	[sflag:s9] =	ssyncadd.s32 @!p0 $0xFFFFFFB0;
	s9 =	sadd.s32 @!p0 s7, s17;
	s17 =	simm.s32 @!p0 $0x100  }
0xac: {  	[tilespmem:s17], [sflag:$0x3] =	stream.linear.gather @!p0 [hbm4b:s9+s13], $0x50, $0x38;
	[tilespmem:$0x1DA80] =	vst v63  }
0xad: {  	s9 =	sshll.u32 @!p0 s16, $0x4  }
0xae: {  	s16 =	simm.s32 @!p0 $0x200;
	s9 =	sadd.s32 @!p0 s5, s9  }
0xaf: {  	[tilespmem:s16], [sflag:$0x5] =	stream.linear.gather @!p0 [hbm4b:s9+s13], $0x2800, $0x38;
	[tilespmem:$0x1DA80] =	vst v63  }
0xb0: {  	s9 =	simm.s32 @!p0 $0x50;
	s16 =	simm.s32 @!p0 $0x5200  }
0xb1: {  	[tilespmem:s16], [sflag:$0x7] =	stream.indirect.gather @!p0 [hbm4b:s1+s9], $0x80, s13, s9, $0xb8;
	[tilespmem:$0x1DA80] =	vst v63  }
0xb2: {  	p0 =	sgt.u32 s14, $0x3C;
	_ =	swait.ge [sflag:s20], $0x2800  }
0xb3: {  	s9 =	smul.u32 @!p0 $0xA0, s14;
	[sflag:s20] =	ssyncset.done $0x0  }
0xb4: {  	[sflag:s20] =	ssyncadd.s32 $0xFFFFD800  }
0xb5: {  	s9 =	sadd.s32 @!p0 s9, s15;
	_ =	swait.ge [sflag:s10], $0x2800  }
0xb6: {  	s13 =	simm.s32 @!p0 $0x0;
	s9 =	sshrl.u32 @!p0 s9, $0x3;
	[sflag:s10] =	ssyncset.done $0x0  }
0xb7: {  	s16 =	simm.s32 @!p0 $0x80;
	s9 =	sadd.s32 @!p0 s6, s9;
	[sflag:s10] =	ssyncadd.s32 $0xFFFFD800  }
0xb8: {  	[tilespmem:s16], [sflag:$0x2] =	stream.linear.gather @!p0 [hbm4b:s9+s13], $0x50, $0x38;
	[tilespmem:$0x1DA80] =	vst v63  }
0xb9: {  	s9 =	simm.s32 $0x0  }
0xba: {  	v6 =	vld [tilespmem:s9+$0x2A00]  }
0xbb: {  	v7 =	vld [tilespmem:s9+$0x2A10]  }
0xbc: {  	v8 =	vld [tilespmem:s9+$0x2A20]  }
0xbd: {  	v9 =	vld [tilespmem:s9+$0x2A30]  }
0xbe: {  	v10 =	vld [tilespmem:s9+$0x2A40]  }
0xbf: {  	v11 =	vld [tilespmem:s9+$0x2A50]  }
0xc0: {  	v12 =	vld [tilespmem:s9+$0x2A60]  }
0xc1: {  	v13 =	vld [tilespmem:s9+$0x2A70]  }
0xc2: {  	v14 =	vld [tilespmem:s9+$0x2A80]  }
0xc3: {  	v15 =	vld [tilespmem:s9+$0x2A90]  }
0xc4: {  	v5 =	vld [tilespmem:s9+$0x2AA0]  }
0xc5: {  	v4 =	vld [tilespmem:s9+$0x2AB0]  }
0xc6: {  	v3 =	vld [tilespmem:s9+$0x2AC0]  }
0xc7: {  	v16 =	vld [tilespmem:s9+$0x7A00]  }
0xc8: {  	v17 =	vld [tilespmem:s9+$0x7A10]  }
0xc9: {  	v2 =	vld [tilespmem:s9+$0x2AD0]  }
0xca: {  	v18 =	vld [tilespmem:s9+$0x7A20]  }
0xcb: {  	v19 =	vld [tilespmem:s9+$0x7A30]  }
0xcc: {  	v1 =	vld [tilespmem:s9+$0x2AE0];
	v6 =	vadd.f32 v6, v16  }
0xcd: {  	v20 =	vld [tilespmem:s9+$0x7A40];
	v7 =	vadd.f32 v7, v17  }
0xce: {  	v60 =	vld [tilespmem:s9+$0x7A50];
	v6 =	vmax.f32 v6, $0.0e+00  }
0xcf: {  	v0 =	vld [tilespmem:s9+$0x2AF0];
	v7 =	vmax.f32 v7, $0.0e+00;
	[tilespmem:s9+$0x7A00] =	vst v6;
	v6 =	vadd.f32 v8, v18  }
0xd0: {  	v21 =	vld [tilespmem:s9+$0x7A60];
	[tilespmem:s9+$0x7A10] =	vst v7;
	v7 =	vadd.f32 v9, v19  }
0xd1: {  	v61 =	vld [tilespmem:s9+$0x7A70];
	v6 =	vmax.f32 v6, $0.0e+00  }
0xd2: {  	v62 =	vld [tilespmem:s9+$0x7A80];
	v8 =	vmax.f32 v7, $0.0e+00;
	[tilespmem:s9+$0x7A20] =	vst v6;
	v6 =	vadd.f32 v10, v20  }
0xd3: {  	v63 =	vld [tilespmem:s9+$0x7A90];
	[tilespmem:s9+$0x7A30] =	vst v8;
	v8 =	vadd.f32 v11, v60  }
0xd4: {  	v7 =	vld [tilespmem:s9+$0x7AA0];
	v9 =	vmax.f32 v6, $0.0e+00  }
0xd5: {  	v6 =	vld [tilespmem:s9+$0x7AB0];
	v10 =	vmax.f32 v8, $0.0e+00;
	[tilespmem:s9+$0x7A40] =	vst v9;
	v9 =	vadd.f32 v12, v21  }
0xd6: {  	v8 =	vld [tilespmem:s9+$0x7AC0];
	[tilespmem:s9+$0x7A50] =	vst v10;
	v10 =	vadd.f32 v13, v61  }
0xd7: {  	v12 =	vadd.f32 v14, v62;
	v11 =	vmax.f32 v9, $0.0e+00;
	v9 =	vld [tilespmem:s9+$0x7AD0]  }
0xd8: {  	s16 =	simm.s32 $0x400;
	v13 =	vmax.f32 v10, $0.0e+00;
	v10 =	vld [tilespmem:s9+$0x7AE0];
	[tilespmem:s9+$0x7A60] =	vst v11;
	v11 =	vadd.f32 v15, v63  }
.LBB2_8:
0xd9: {  	s13 =	sshra.s32 s16, $0x2;
	p0 =	sne.s32 s16, $0x9C00;
	[tilespmem:s9+$0x7A70] =	vst v13;
	v12 =	vmax.f32 v12, $0.0e+00;
	v5 =	vadd.f32 v5, v7;
	v7 =	vld [tilespmem:s9+$0x7AF0]  }
0xda: {  	v13 =	vld [tilespmem:s13+$0x2A00];
	[tilespmem:s9+$0x7A80] =	vst v12;
	v11 =	vmax.f32 v11, $0.0e+00;
	v4 =	vadd.f32 v4, v6  }
0xdb: {  	v6 =	vld [tilespmem:s13+$0x2A10];
	[tilespmem:s9+$0x7A90] =	vst v11;
	v5 =	vmax.f32 v5, $0.0e+00;
	v3 =	vadd.f32 v3, v8  }
0xdc: {  	v8 =	vld [tilespmem:s13+$0x2A20];
	[tilespmem:s9+$0x7AA0] =	vst v5;
	v4 =	vmax.f32 v4, $0.0e+00;
	v2 =	vadd.f32 v2, v9  }
0xdd: {  	v9 =	vld [tilespmem:s13+$0x2A30];
	[tilespmem:s9+$0x7AB0] =	vst v4;
	v3 =	vmax.f32 v3, $0.0e+00;
	v1 =	vadd.f32 v1, v10  }
0xde: {  	v10 =	vld [tilespmem:s13+$0x2A40];
	[tilespmem:s9+$0x7AC0] =	vst v3;
	v2 =	vmax.f32 v2, $0.0e+00;
	v0 =	vadd.f32 v0, v7  }
0xdf: {  	v7 =	vld [tilespmem:s13+$0x2A50];
	[tilespmem:s9+$0x7AD0] =	vst v2;
	v1 =	vmax.f32 v1, $0.0e+00  }
0xe0: {  	v11 =	vld [tilespmem:s13+$0x2A60];
	[tilespmem:s9+$0x7AE0] =	vst v1;
	v0 =	vmax.f32 v0, $0.0e+00  }
0xe1: {  	v12 =	vld [tilespmem:s13+$0x2A70];
	[tilespmem:s9+$0x7AF0] =	vst v0;
	s9 =	smov.u32 s13  }
0xe2: {  	v14 =	vld [tilespmem:s9+$0x2A80]  }
0xe3: {  	v15 =	vld [tilespmem:s9+$0x2A90]  }
0xe4: {  	v5 =	vld [tilespmem:s9+$0x2AA0]  }
0xe5: {  	v4 =	vld [tilespmem:s9+$0x2AB0]  }
0xe6: {  	v3 =	vld [tilespmem:s9+$0x2AC0]  }
0xe7: {  	v2 =	vld [tilespmem:s9+$0x2AD0]  }
0xe8: {  	v1 =	vld [tilespmem:s9+$0x2AE0]  }
0xe9: {  	v0 =	vld [tilespmem:s9+$0x2AF0]  }
0xea: {  	v16 =	vld [tilespmem:s9+$0x7A00]  }
0xeb: {  	v17 =	vld [tilespmem:s9+$0x7A10]  }
0xec: {  	v18 =	vld [tilespmem:s9+$0x7A20]  }
0xed: {  	v19 =	vld [tilespmem:s9+$0x7A30]  }
0xee: {  	v20 =	vld [tilespmem:s9+$0x7A40]  }
0xef: {  	v13 =	vadd.f32 v13, v16;
	v16 =	vld [tilespmem:s9+$0x7A50]  }
0xf0: {  	v6 =	vadd.f32 v6, v17;
	v17 =	vld [tilespmem:s9+$0x7A60]  }
0xf1: {  	v13 =	vmax.f32 v13, $0.0e+00;
	v8 =	vadd.f32 v8, v18;
	v18 =	vld [tilespmem:s9+$0x7A70]  }
0xf2: {  	[tilespmem:s9+$0x7A00] =	vst v13;
	v6 =	vmax.f32 v6, $0.0e+00;
	v9 =	vadd.f32 v9, v19;
	v13 =	vld [tilespmem:s9+$0x7A80]  }
0xf3: {  	[tilespmem:s9+$0x7A10] =	vst v6;
	v6 =	vmax.f32 v8, $0.0e+00;
	v8 =	vadd.f32 v10, v20;
	v10 =	vld [tilespmem:s9+$0x7A90]  }
.Ltmp7:
0xf4: {  	[tilespmem:s9+$0x7A20] =	vst v6;
	v6 =	vmax.f32 v9, $0.0e+00;
	v9 =	vadd.f32 v7, v16;
	v7 =	vld [tilespmem:s9+$0x7AA0];
	(pc) =	sbr.rel @p0 .LBB2_8-.Ltmp7, $4  }
0xf5: {  	[tilespmem:s9+$0x7A30] =	vst v6;
	v8 =	vmax.f32 v8, $0.0e+00;
	v11 =	vadd.f32 v11, v17;
	v6 =	vld [tilespmem:s9+$0x7AB0]  }
0xf6: {  	[tilespmem:s9+$0x7A40] =	vst v8;
	v9 =	vmax.f32 v9, $0.0e+00;
	v16 =	vadd.f32 v12, v18;
	v8 =	vld [tilespmem:s9+$0x7AC0]  }
0xf7: {  	[tilespmem:s9+$0x7A50] =	vst v9;
	v11 =	vmax.f32 v11, $0.0e+00;
	v12 =	vadd.f32 v14, v13;
	v9 =	vld [tilespmem:s9+$0x7AD0]  }
0xf8: {  	s16 =	sadd.s32 $0x400, s16;
	[tilespmem:s9+$0x7A60] =	vst v11;
	v13 =	vmax.f32 v16, $0.0e+00;
	v11 =	vadd.f32 v15, v10;
	v10 =	vld [tilespmem:s9+$0x7AE0]  }
0xf9: {  	[tilespmem:s9+$0x7A70] =	vst v13;
	v12 =	vmax.f32 v12, $0.0e+00;
	v5 =	vadd.f32 v5, v7;
	v63 =	vld [tilespmem:s9+$0x7AF0]  }
0xfa: {  	[tilespmem:s9+$0x7A80] =	vst v12;
	v11 =	vmax.f32 v11, $0.0e+00;
	v4 =	vadd.f32 v4, v6  }
0xfb: {  	[tilespmem:s9+$0x7A90] =	vst v11;
	v5 =	vmax.f32 v5, $0.0e+00;
	v3 =	vadd.f32 v3, v8  }
0xfc: {  	[tilespmem:s9+$0x7AA0] =	vst v5;
	v4 =	vmax.f32 v4, $0.0e+00;
	v2 =	vadd.f32 v2, v9  }
0xfd: {  	[tilespmem:s9+$0x7AB0] =	vst v4;
	v3 =	vmax.f32 v3, $0.0e+00;
	v1 =	vadd.f32 v1, v10  }
0xfe: {  	[tilespmem:s9+$0x7AC0] =	vst v3;
	v2 =	vmax.f32 v2, $0.0e+00;
	v0 =	vadd.f32 v0, v63  }
0xff: {  	[tilespmem:s9+$0x7AD0] =	vst v2;
	v1 =	vmax.f32 v1, $0.0e+00  }
0x100: {  	[tilespmem:s9+$0x7AE0] =	vst v1;
	v0 =	vmax.f32 v0, $0.0e+00  }
.Ltmp8:
0x101: {  	[tilespmem:s9+$0x7AF0] =	vst v0;
	(pc) =	sbr.rel .LBB2_10-.Ltmp8, $4  }
0x102: {  	_ =	swait.ge [sflag:s11], $0x50  }
0x103: {  	[sflag:s11] =	ssyncset.done $0x0  }
0x104: {  	[sflag:s11] =	ssyncadd.s32 $0xFFFFFFB0  }
0x105: {  	[spmem:s2] =	stream.indirect.scatter.add.f32 [tilespmem:s29], [sflag:$0xA], $0x80, s26, s21, $0xb8;
	[tilespmem:$0x1DA80] =	vst v63  }
.LBB2_12:
0x106: {  	_ =	sfence.sel $0x180000  }
0x107: {  	[bflag:$0x0] =	sbarrier.arrive $0xFFFF  }
0x108: {  	_ =	strace $0x9000004D  }
0x109: {  	s0 =	stileid.u32;
	[bflag:$0x2] =	sbarrier.arrive $0xFFFF  }
0x10a: {  	p0 =	sne.s32 s0, $0x0;
	s0 =	rddreg [dreg:$0x3]  }
0x10b: {  	s0 =	sadd.s32 @!p0 $0x100000, s0  }
0x10c: {  	[sflag:s0] =	ssyncadd.tile.s32 @!p0 $0x1;
	_ =	shalt  }
.Lfunc_end2:
_tile_overlayer_lowered:
.L_overlay_start_2:
0x10d: {  	(tag) =	ssettag $0x2  }
0x10e: {  	s0 =	rddreg [dreg:$0x0];
	s2 =	stileid.u32  }
0x10f: {  	s1 =	rddreg [dreg:$0x1];
	p0 =	sne.s32 s2, $0x0  }
0x110: {  	s3 =	rddreg [dreg:$0x2];
	[bflag:$0x3] =	sbarrier.arrive $0xFFFF;
	s2 =	simm.s32 @!p0 $0x1C0B  }
0x111: {  	[timem:s3], [sflag:s2] =	dma.local @!p0 [hbm:s0], s1  }
0x112: {  	s0 =	simm.s32 @!p0 $0xB  }
0x113: {  	_ =	swait.ge @!p0 [sflag:s0], s1  }
0x114: {  	s1 =	ssub.s32 @!p0 $0x0, s1;
	[sflag:s0] =	ssyncset.done @!p0 $0x0  }
0x115: {  	[sflag:s0] =	ssyncadd.s32 @!p0 s1  }
0x116: {  	[bflag:$0x3] =	sbarrier.arrive $0xFFFF  }
0x117: {  	_ =	shalt  }

</sc_bundles>
